<compile_context>
chip_gen: v7x
topology: tpu7x:2x2x1
jax: 0.10.2.dev20260603
libtpu: 0.0.44.dev20260713+nightly
codegen_flags: <defaults>
</compile_context>

<pallas_src>
import functools

import jax
import jax.numpy as jnp
from jax import lax
from jax.experimental import pallas as pl
from jax.experimental.pallas import tpu as pltpu
from jax.experimental.pallas import tpu_sc as plsc

N = 10000
E = 320000
D_IN = 128
D_H = 256
HALF = 128
NC, NS, L = 2, 16, 16
CH = 64
NBUF = 4
IDXBLK = 64
DEGW = 8
NPAD = 10112
EPAD = 327680
ZSTRIPE = NPAD // NS
EDGES_PER_TILE = EPAD // NS
CHUNKS_AGG = EDGES_PER_TILE // CH
EDGES_PER_WORKER = EPAD // (NS * NC)
CHUNKS_DEG = EDGES_PER_WORKER // CH
RB = 2000
GRID = N // RB


def _sc_mesh():
    return plsc.VectorSubcoreMesh(
        core_axis_name="c", subcore_axis_name="s", num_cores=NC, num_subcores=NS
    )


@functools.partial(
    pl.kernel,
    out_type=jax.ShapeDtypeStruct((NC * NPAD, HALF), jnp.float32),
    mesh=_sc_mesh(),
    scratch_types=[
        pltpu.VMEM((CHUNKS_DEG, CH), jnp.int32),
        pltpu.VMEM((CH, HALF), jnp.float32),
        pltpu.VMEM_SHARED((NPAD, HALF), jnp.float32),
        pltpu.SemaphoreType.DMA,
    ],
)
def _deg_kernel(dst_hbm, ones_hbm, zeros_hbm, out_hbm, didx_v, ones_v, acc_sh, sem):
    cid = lax.axis_index("c")
    sid = lax.axis_index("s")
    pltpu.sync_copy(
        zeros_hbm.at[pl.ds(sid * ZSTRIPE, ZSTRIPE)],
        acc_sh.at[pl.ds(sid * ZSTRIPE, ZSTRIPE)],
    )
    pltpu.sync_copy(ones_hbm, ones_v)
    wid = sid * NC + cid
    pltpu.sync_copy(dst_hbm.at[pl.ds(wid * CHUNKS_DEG, CHUNKS_DEG)], didx_v)
    plsc.subcore_barrier()

    def body(k, carry):
        @pl.when(k >= DEGW)
        def _():
            pltpu.make_async_copy(ones_v, acc_sh.at[didx_v.at[0]], sem).wait()

        pltpu.async_copy(ones_v, acc_sh.at[didx_v.at[k]], sem, add=True)
        return carry

    lax.fori_loop(0, CHUNKS_DEG, body, 0)

    def drain(k, carry):
        pltpu.make_async_copy(ones_v, acc_sh.at[didx_v.at[0]], sem).wait()
        return carry

    lax.fori_loop(0, DEGW, drain, 0)
    plsc.subcore_barrier()
    pltpu.sync_copy(
        acc_sh.at[pl.ds(sid * ZSTRIPE, ZSTRIPE)],
        out_hbm.at[pl.ds(cid * NPAD + sid * ZSTRIPE, ZSTRIPE)],
    )


def _agg_pipeline(table_hbm, gidx_hbm, dst_hbm, out_half_hbm, sid,
                  gidx_v, didx_v, rows_v, acc_sh, gsems, ssems):
    base = sid * CHUNKS_AGG

    def block(blk, carry):
        pltpu.sync_copy(gidx_hbm.at[pl.ds(base + blk * IDXBLK, IDXBLK)], gidx_v)
        pltpu.sync_copy(dst_hbm.at[pl.ds(base + blk * IDXBLK, IDXBLK)], didx_v)

        def group(g, c):
            for b in range(NBUF):
                k = g * NBUF + b

                @pl.when(g > 0)
                def _(b=b, k=k):
                    pltpu.make_async_copy(
                        rows_v.at[b], acc_sh.at[didx_v.at[k - NBUF]], ssems[b]
                    ).wait()

                pltpu.async_copy(table_hbm.at[gidx_v.at[k]], rows_v.at[b],
                                 gsems[b])
            for b in range(NBUF):
                k = g * NBUF + b
                pltpu.make_async_copy(
                    table_hbm.at[gidx_v.at[k]], rows_v.at[b], gsems[b]).wait()
                pltpu.async_copy(
                    rows_v.at[b], acc_sh.at[didx_v.at[k]], ssems[b], add=True)
            return c

        lax.fori_loop(0, IDXBLK // NBUF, group, 0)
        for b in range(NBUF):
            pltpu.make_async_copy(
                rows_v.at[b], acc_sh.at[didx_v.at[b]], ssems[b]).wait()
        return carry

    lax.fori_loop(0, CHUNKS_AGG // IDXBLK, block, 0)
    plsc.subcore_barrier()
    pltpu.sync_copy(
        acc_sh.at[pl.ds(sid * ZSTRIPE, ZSTRIPE)],
        out_half_hbm.at[pl.ds(sid * ZSTRIPE, ZSTRIPE)],
    )


@functools.partial(
    pl.kernel,
    out_type=[
        jax.ShapeDtypeStruct((NPAD, HALF), jnp.float32),
        jax.ShapeDtypeStruct((NPAD, HALF), jnp.float32),
    ],
    mesh=_sc_mesh(),
    scratch_types=[
        pltpu.VMEM((IDXBLK, CH), jnp.int32),
        pltpu.VMEM((IDXBLK, CH), jnp.int32),
        pltpu.VMEM((NBUF, CH, HALF), jnp.float32),
        pltpu.VMEM_SHARED((NPAD, HALF), jnp.float32),
        [pltpu.SemaphoreType.DMA] * NBUF,
        [pltpu.SemaphoreType.DMA] * NBUF,
    ],
)
def _agg_kernel(ylo_hbm, yhi_hbm, gidx_hbm, dst_hbm, zeros_hbm,
                outlo_hbm, outhi_hbm,
                gidx_v, didx_v, rows_v, acc_sh, gsems, ssems):
    cid = lax.axis_index("c")
    sid = lax.axis_index("s")
    pltpu.sync_copy(
        zeros_hbm.at[pl.ds(sid * ZSTRIPE, ZSTRIPE)],
        acc_sh.at[pl.ds(sid * ZSTRIPE, ZSTRIPE)],
    )
    plsc.subcore_barrier()

    @pl.when(cid == 0)
    def _():
        _agg_pipeline(ylo_hbm, gidx_hbm, dst_hbm, outlo_hbm, sid,
                      gidx_v, didx_v, rows_v, acc_sh, gsems, ssems)

    @pl.when(cid == 1)
    def _():
        _agg_pipeline(yhi_hbm, gidx_hbm, dst_hbm, outhi_hbm, sid,
                      gidx_v, didx_v, rows_v, acc_sh, gsems, ssems)


def _xw_body(x_ref, w_ref, xw_ref):
    xw_ref[...] = jnp.dot(x_ref[...], w_ref[...],
                          preferred_element_type=jnp.float32)


def _xw_first(x, W1):
    return pl.pallas_call(
        _xw_body,
        grid=(GRID,),
        in_specs=[
            pl.BlockSpec((RB, D_IN), lambda i: (i, 0)),
            pl.BlockSpec((D_IN, D_H), lambda i: (0, 0)),
        ],
        out_specs=pl.BlockSpec((RB, D_H), lambda i: (i, 0)),
        out_shape=jax.ShapeDtypeStruct((N, D_H), jnp.float32),
    )(x, W1)


def _scale_body(xw_ref, degp_ref, ylo_ref, yhi_ref, dinv_ref):
    deg = degp_ref[0][:, 0:1] + degp_ref[1][:, 0:1] + 1.0
    dinv = lax.rsqrt(deg)
    y = xw_ref[...] * dinv
    ylo_ref[...] = y[:, :HALF]
    yhi_ref[...] = y[:, HALF:]
    dinv_ref[...] = dinv


def _first_layer(xw, degp):
    return pl.pallas_call(
        _scale_body,
        grid=(GRID,),
        in_specs=[
            pl.BlockSpec((RB, D_H), lambda i: (i, 0)),
            pl.BlockSpec((2, RB, HALF), lambda i: (0, i, 0)),
        ],
        out_specs=[
            pl.BlockSpec((RB, HALF), lambda i: (i, 0)),
            pl.BlockSpec((RB, HALF), lambda i: (i, 0)),
            pl.BlockSpec((RB, 1), lambda i: (i, 0)),
        ],
        out_shape=[
            jax.ShapeDtypeStruct((N, HALF), jnp.float32),
            jax.ShapeDtypeStruct((N, HALF), jnp.float32),
            jax.ShapeDtypeStruct((N, 1), jnp.float32),
        ],
    )(xw, degp)


def _mid_body(alo_ref, ahi_ref, ylo_ref, yhi_ref, dinv_ref, w_ref, b_ref,
              olo_ref, ohi_ref):
    dinv = dinv_ref[...]
    agg = jnp.concatenate([alo_ref[...] + ylo_ref[...],
                           ahi_ref[...] + yhi_ref[...]], axis=1)
    h = jnp.maximum(agg * dinv + b_ref[...], 0.0)
    y = jnp.dot(h, w_ref[...], preferred_element_type=jnp.float32) * dinv
    olo_ref[...] = y[:, :HALF]
    ohi_ref[...] = y[:, HALF:]


def _mid_layer(alo, ahi, ylo, yhi, dinv, W, b):
    return pl.pallas_call(
        _mid_body,
        grid=(GRID,),
        in_specs=[
            pl.BlockSpec((RB, HALF), lambda i: (i, 0)),
            pl.BlockSpec((RB, HALF), lambda i: (i, 0)),
            pl.BlockSpec((RB, HALF), lambda i: (i, 0)),
            pl.BlockSpec((RB, HALF), lambda i: (i, 0)),
            pl.BlockSpec((RB, 1), lambda i: (i, 0)),
            pl.BlockSpec((D_H, D_H), lambda i: (0, 0)),
            pl.BlockSpec((1, D_H), lambda i: (0, 0)),
        ],
        out_specs=[
            pl.BlockSpec((RB, HALF), lambda i: (i, 0)),
            pl.BlockSpec((RB, HALF), lambda i: (i, 0)),
        ],
        out_shape=[
            jax.ShapeDtypeStruct((N, HALF), jnp.float32),
            jax.ShapeDtypeStruct((N, HALF), jnp.float32),
        ],
    )(alo, ahi, ylo, yhi, dinv, W, b.reshape(1, D_H))


def _head_body(alo_ref, ahi_ref, ylo_ref, yhi_ref, dinv_ref, b3_ref,
               fc1w_ref, fc1b_ref, fc2w_ref, fc2b_ref, out_ref):
    dinv = dinv_ref[...]
    agg = jnp.concatenate([alo_ref[...] + ylo_ref[...],
                           ahi_ref[...] + yhi_ref[...]], axis=1)
    h = jnp.maximum(agg * dinv + b3_ref[...], 0.0)
    z = jnp.maximum(
        jnp.dot(h, fc1w_ref[...], preferred_element_type=jnp.float32)
        + fc1b_ref[...], 0.0)
    out_ref[...] = (
        jnp.dot(z, fc2w_ref[...], preferred_element_type=jnp.float32)
        + fc2b_ref[...])


def _head(alo, ahi, ylo, yhi, dinv, b3, fc1_w, fc1_b, fc2_w, fc2_b):
    return pl.pallas_call(
        _head_body,
        grid=(GRID,),
        in_specs=[
            pl.BlockSpec((RB, HALF), lambda i: (i, 0)),
            pl.BlockSpec((RB, HALF), lambda i: (i, 0)),
            pl.BlockSpec((RB, HALF), lambda i: (i, 0)),
            pl.BlockSpec((RB, HALF), lambda i: (i, 0)),
            pl.BlockSpec((RB, 1), lambda i: (i, 0)),
            pl.BlockSpec((1, D_H), lambda i: (0, 0)),
            pl.BlockSpec((D_H, D_H // 2), lambda i: (0, 0)),
            pl.BlockSpec((1, D_H // 2), lambda i: (0, 0)),
            pl.BlockSpec((D_H // 2, 1), lambda i: (0, 0)),
            pl.BlockSpec((1, 1), lambda i: (0, 0)),
        ],
        out_specs=pl.BlockSpec((RB, 1), lambda i: (i, 0)),
        out_shape=jax.ShapeDtypeStruct((N, 1), jnp.float32),
    )(alo, ahi, ylo, yhi, dinv, b3.reshape(1, D_H), fc1_w,
      fc1_b.reshape(1, D_H // 2), fc2_w, fc2_b.reshape(1, 1))


def kernel(x, edge_index, W1, b1, W2, b2, W3, b3, fc1_w, fc1_b, fc2_w, fc2_b):
    src = edge_index[0].astype(jnp.int32)
    dst = edge_index[1].astype(jnp.int32)
    npad = EPAD - E
    pad_idx = jnp.arange(npad, dtype=jnp.int32)
    src_p = jnp.concatenate([src, pad_idx % N])
    dst_p = jnp.concatenate([dst, N + (pad_idx % L)])
    gidx = src_p.reshape(EPAD // CH, CH)
    dst2d = dst_p.reshape(EPAD // CH, CH)

    ones_deg = jnp.ones((CH, HALF), jnp.float32)
    zeros_agg = jnp.zeros((NPAD, HALF), jnp.float32)

    degp = _deg_kernel(dst2d, ones_deg, zeros_agg)
    degp = degp.reshape(NC, NPAD, HALF)

    xw1 = _xw_first(x, W1)
    y1lo, y1hi, dinv = _first_layer(xw1, degp)
    a1lo, a1hi = _agg_kernel(y1lo, y1hi, gidx, dst2d, zeros_agg)
    y2lo, y2hi = _mid_layer(a1lo, a1hi, y1lo, y1hi, dinv, W2, b1)
    a2lo, a2hi = _agg_kernel(y2lo, y2hi, gidx, dst2d, zeros_agg)
    y3lo, y3hi = _mid_layer(a2lo, a2hi, y2lo, y2hi, dinv, W3, b2)
    a3lo, a3hi = _agg_kernel(y3lo, y3hi, gidx, dst2d, zeros_agg)
    out = _head(a3lo, a3hi, y3lo, y3hi, dinv, b3,
                fc1_w, fc1_b, fc2_w, fc2_b)
    return out

# --- scband reference (transcript-rebuilt; emitter-appended) ---
"""Pipeline reference for scband-svugraph-model-36352603193725 (READ-ONLY COPY).

The authoritative reference and input builder live on the scoring server;
editing this copy changes nothing except your own understanding.
"""

import jax, jax.numpy as jnp
import numpy as np

N_NODES = 10000
N_EDGES = 320000
D_IN = 128
D_H = 256
D_OUT = 1


def _gcn_conv(x, edge_index, W, b):
    # Faithful to torch_geometric GCNConv: add self-loops, symmetric normalization,
    # linear transform, scatter-add aggregation, then bias.
    N = x.shape[0]
    loop = jnp.arange(N, dtype=edge_index.dtype)
    src = jnp.concatenate([edge_index[0], loop])
    dst = jnp.concatenate([edge_index[1], loop])
    deg = jnp.zeros((N,), x.dtype).at[dst].add(1.0)
    deg_inv_sqrt = jnp.where(deg > 0, 1.0 / jnp.sqrt(deg), 0.0)
    norm = deg_inv_sqrt[src] * deg_inv_sqrt[dst]
    xw = x @ W
    msg = xw[src] * norm[:, None]
    out = jnp.zeros((N, W.shape[1]), x.dtype).at[dst].add(msg)
    return out + b


def setup_inputs(seed: int = 0) -> dict:
    key = jax.random.key(seed)
    ks = jax.random.split(key, 12)
    x = jax.random.normal(ks[0], (N_NODES, D_IN), dtype=jnp.float32)
    edge_index = jax.random.randint(ks[1], (2, N_EDGES), 0, N_NODES, dtype=jnp.int32)
    W1 = jax.random.normal(ks[2], (D_IN, D_H), dtype=jnp.float32) * (1.0 / np.sqrt(D_IN))
    b1 = jnp.zeros((D_H,), dtype=jnp.float32)
    W2 = jax.random.normal(ks[3], (D_H, D_H), dtype=jnp.float32) * (1.0 / np.sqrt(D_H))
    b2 = jnp.zeros((D_H,), dtype=jnp.float32)
    W3 = jax.random.normal(ks[4], (D_H, D_H), dtype=jnp.float32) * (1.0 / np.sqrt(D_H))
    b3 = jnp.zeros((D_H,), dtype=jnp.float32)
    fc1_w = jax.random.normal(ks[5], (D_H, D_H // 2), dtype=jnp.float32) * (1.0 / np.sqrt(D_H))
    fc1_b = jnp.zeros((D_H // 2,), dtype=jnp.float32)
    fc2_w = jax.random.normal(ks[6], (D_H // 2, D_OUT), dtype=jnp.float32) * (1.0 / np.sqrt(D_H // 2))
    fc2_b = jnp.zeros((D_OUT,), dtype=jnp.float32)
    return {"x": x, "edge_index": edge_index, "W1": W1, "b1": b1, "W2": W2, "b2": b2,
            "W3": W3, "b3": b3, "fc1_w": fc1_w, "fc1_b": fc1_b, "fc2_w": fc2_w, "fc2_b": fc2_b}


def reference(x, edge_index, W1, b1, W2, b2, W3, b3, fc1_w, fc1_b, fc2_w, fc2_b):
    # eval mode: dropout is identity; batch=None so no global pooling
    h = jax.nn.relu(_gcn_conv(x, edge_index, W1, b1))
    h = jax.nn.relu(_gcn_conv(h, edge_index, W2, b2))
    h = jax.nn.relu(_gcn_conv(h, edge_index, W3, b3))
    h = jax.nn.relu(h @ fc1_w + fc1_b)
    out = h @ fc2_w + fc2_b
    return out

if __name__ == "__main__":
    import jax
    _d = setup_inputs()
    print(jax.jit(kernel)(*tuple(_d.values())))

</pallas_src>

<mosaic_0001>
#map = affine_map<(d0, d1) -> (0, 0)>
module attributes {stable_mosaic.version = 14 : i64} {
  func.func @_agg_kernel(%arg0: i32, %arg1: i32, %arg2: memref<10000x128xf32, #tpu.memory_space<hbm>>, %arg3: memref<10000x128xf32, #tpu.memory_space<hbm>>, %arg4: memref<5120x64xi32, #tpu.memory_space<hbm>>, %arg5: memref<5120x64xi32, #tpu.memory_space<hbm>>, %arg6: memref<10112x128xf32, #tpu.memory_space<hbm>>, %arg7: memref<10112x128xf32, #tpu.memory_space<hbm>>, %arg8: memref<10112x128xf32, #tpu.memory_space<hbm>>, %arg9: memref<64x64xi32, #tpu.memory_space<vmem>>, %arg10: memref<64x64xi32, #tpu.memory_space<vmem>>, %arg11: memref<4x64x128xf32, #tpu.memory_space<vmem>>, %arg12: memref<10112x128xf32, #tpu.memory_space<vmem_shared>>, %arg13: memref<!tpu.dma_semaphore, #tpu.memory_space<semaphore_mem>>, %arg14: memref<!tpu.dma_semaphore, #tpu.memory_space<semaphore_mem>>, %arg15: memref<!tpu.dma_semaphore, #tpu.memory_space<semaphore_mem>>, %arg16: memref<!tpu.dma_semaphore, #tpu.memory_space<semaphore_mem>>, %arg17: memref<!tpu.dma_semaphore, #tpu.memory_space<semaphore_mem>>, %arg18: memref<!tpu.dma_semaphore, #tpu.memory_space<semaphore_mem>>, %arg19: memref<!tpu.dma_semaphore, #tpu.memory_space<semaphore_mem>>, %arg20: memref<!tpu.dma_semaphore, #tpu.memory_space<semaphore_mem>>) attributes {dimension_semantics = [#tpu.dimension_semantics<core_parallel>, #tpu.dimension_semantics<subcore_parallel>], iteration_bounds = array<i64: 2, 16>, scalar_prefetch = 0 : i64, scratch_operands = 12 : i64, tpu.core_type = #tpu.core_type<sc_vector_subcore>, window_params = [{transform_indices = #map}, {transform_indices = #map}, {transform_indices = #map}, {transform_indices = #map}, {transform_indices = #map}, {transform_indices = #map}, {transform_indices = #map}]} {
    %mul3A = arith.constant 632 : i32
    %mul3A_0 = arith.muli %arg1, %mul3A : i32
    %mul3A_1 = arith.constant 632 : i32
    %mul3A_2 = arith.muli %arg1, %mul3A_1 : i32
    "tpu.region"() ({
      %run_scoped3A = tpu.sem_alloc : memref<!tpu.dma_semaphore, #tpu.memory_space<semaphore_mem>>
      %dma_start3A = arith.constant 0 : i32
      %dma_start3A_10 = tpu.memref_slice %arg12[%mul3A_2, %dma_start3A] : memref<10112x128xf32, #tpu.memory_space<vmem_shared>> -> memref<632x128xf32, #tpu.memory_space<vmem_shared>>
      %dma_start3A_11 = arith.constant 0 : i32
      %dma_start3A_12 = tpu.memref_slice %arg6[%mul3A_0, %dma_start3A_11] : memref<10112x128xf32, #tpu.memory_space<hbm>> -> memref<632x128xf32, #tpu.memory_space<hbm>>
      tpu.enqueue_dma source(%dma_start3A_12 : memref<632x128xf32, #tpu.memory_space<hbm>>) target(%dma_start3A_10 : memref<632x128xf32, #tpu.memory_space<vmem_shared>>) target_semaphore(%run_scoped3A : memref<!tpu.dma_semaphore, #tpu.memory_space<semaphore_mem>>)
      %dma_wait3A = arith.constant 0 : i32
      %dma_wait3A_13 = tpu.memref_slice %arg12[%mul3A_2, %dma_wait3A] : memref<10112x128xf32, #tpu.memory_space<vmem_shared>> -> memref<632x128xf32, #tpu.memory_space<vmem_shared>>
      %dma_wait3A_14 = arith.constant 0 : i32
      %dma_wait3A_15 = tpu.memref_slice %arg6[%mul3A_0, %dma_wait3A_14] : memref<10112x128xf32, #tpu.memory_space<hbm>> -> memref<632x128xf32, #tpu.memory_space<hbm>>
      tpu.wait_dma2 semaphore(%run_scoped3A : memref<!tpu.dma_semaphore, #tpu.memory_space<semaphore_mem>>) src(%dma_wait3A_15 : memref<632x128xf32, #tpu.memory_space<hbm>>) dst(%dma_wait3A_13 : memref<632x128xf32, #tpu.memory_space<vmem_shared>>)
      tpu.yield
    }) : () -> ()
    %barrier3A = arith.constant 0 : index
    tpu.barrier barrier_id(%barrier3A)
    %eq3A = arith.constant 0 : i32
    %eq3A_3 = arith.cmpi eq, %arg0, %eq3A : i32
    %convert_element_type3A = arith.extui %eq3A_3 : i1 to i32
    %cond3A = arith.constant 0 : i32
    %cond3A_4 = arith.cmpi ne, %convert_element_type3A, %cond3A : i32
    scf.if %cond3A_4 {
      %mul3A_10 = arith.constant 320 : i32
      %mul3A_11 = arith.muli %arg1, %mul3A_10 : i32
      %scan3A = arith.constant 0 : i32
      %scan3A_12 = arith.constant 0 : i32
      %scan3A_13 = arith.constant 5 : i32
      %scan3A_14 = arith.addi %scan3A_12, %scan3A_13 : i32
      %scan3A_15 = arith.constant 1 : i32
      scf.for %scan3A_22 = %scan3A_12 to %scan3A_14 step %scan3A_15  : i32 {
        %mul3A_23 = arith.constant 64 : i32
        %mul3A_24 = arith.muli %scan3A_22, %mul3A_23 : i32
        %add3A = arith.addi %mul3A_11, %mul3A_24 : i32
        "tpu.region"() ({
          %run_scoped3A = tpu.sem_alloc : memref<!tpu.dma_semaphore, #tpu.memory_space<semaphore_mem>>
          %dma_start3A = arith.constant 0 : i32
          %dma_start3A_81 = tpu.memref_slice %arg4[%add3A, %dma_start3A] : memref<5120x64xi32, #tpu.memory_space<hbm>> -> memref<64x64xi32, #tpu.memory_space<hbm>>
          %dma_start3A_82 = arith.constant 0 : i32
          %dma_start3A_83 = tpu.memref_slice %arg4[%add3A, %dma_start3A_82] : memref<5120x64xi32, #tpu.memory_space<hbm>> -> memref<64x64xi32, #tpu.memory_space<hbm>>
          tpu.enqueue_dma source(%dma_start3A_83 : memref<64x64xi32, #tpu.memory_space<hbm>>) target(%arg9 : memref<64x64xi32, #tpu.memory_space<vmem>>) target_semaphore(%run_scoped3A : memref<!tpu.dma_semaphore, #tpu.memory_space<semaphore_mem>>)
          %dma_wait3A_84 = arith.constant 0 : i32
          %dma_wait3A_85 = tpu.memref_slice %arg4[%add3A, %dma_wait3A_84] : memref<5120x64xi32, #tpu.memory_space<hbm>> -> memref<64x64xi32, #tpu.memory_space<hbm>>
          %dma_wait3A_86 = arith.constant 0 : i32
          %dma_wait3A_87 = tpu.memref_slice %arg4[%add3A, %dma_wait3A_86] : memref<5120x64xi32, #tpu.memory_space<hbm>> -> memref<64x64xi32, #tpu.memory_space<hbm>>
          tpu.wait_dma2 semaphore(%run_scoped3A : memref<!tpu.dma_semaphore, #tpu.memory_space<semaphore_mem>>) src(%dma_wait3A_87 : memref<64x64xi32, #tpu.memory_space<hbm>>) dst(%arg9 : memref<64x64xi32, #tpu.memory_space<vmem>>)
          tpu.yield
        }) : () -> ()
        %mul3A_25 = arith.constant 64 : i32
        %mul3A_26 = arith.muli %scan3A_22, %mul3A_25 : i32
        %add3A_27 = arith.addi %mul3A_11, %mul3A_26 : i32
        "tpu.region"() ({
          %run_scoped3A = tpu.sem_alloc : memref<!tpu.dma_semaphore, #tpu.memory_space<semaphore_mem>>
          %dma_start3A = arith.constant 0 : i32
          %dma_start3A_81 = tpu.memref_slice %arg5[%add3A_27, %dma_start3A] : memref<5120x64xi32, #tpu.memory_space<hbm>> -> memref<64x64xi32, #tpu.memory_space<hbm>>
          %dma_start3A_82 = arith.constant 0 : i32
          %dma_start3A_83 = tpu.memref_slice %arg5[%add3A_27, %dma_start3A_82] : memref<5120x64xi32, #tpu.memory_space<hbm>> -> memref<64x64xi32, #tpu.memory_space<hbm>>
          tpu.enqueue_dma source(%dma_start3A_83 : memref<64x64xi32, #tpu.memory_space<hbm>>) target(%arg10 : memref<64x64xi32, #tpu.memory_space<vmem>>) target_semaphore(%run_scoped3A : memref<!tpu.dma_semaphore, #tpu.memory_space<semaphore_mem>>)
          %dma_wait3A_84 = arith.constant 0 : i32
          %dma_wait3A_85 = tpu.memref_slice %arg5[%add3A_27, %dma_wait3A_84] : memref<5120x64xi32, #tpu.memory_space<hbm>> -> memref<64x64xi32, #tpu.memory_space<hbm>>
          %dma_wait3A_86 = arith.constant 0 : i32
          %dma_wait3A_87 = tpu.memref_slice %arg5[%add3A_27, %dma_wait3A_86] : memref<5120x64xi32, #tpu.memory_space<hbm>> -> memref<64x64xi32, #tpu.memory_space<hbm>>
          tpu.wait_dma2 semaphore(%run_scoped3A : memref<!tpu.dma_semaphore, #tpu.memory_space<semaphore_mem>>) src(%dma_wait3A_87 : memref<64x64xi32, #tpu.memory_space<hbm>>) dst(%arg10 : memref<64x64xi32, #tpu.memory_space<vmem>>)
          tpu.yield
        }) : () -> ()
        %scan3A_28 = arith.constant 0 : i32
        %scan3A_29 = arith.constant 0 : i32
        %scan3A_30 = arith.constant 16 : i32
        %scan3A_31 = arith.addi %scan3A_29, %scan3A_30 : i32
        %scan3A_32 = arith.constant 1 : i32
        scf.for %scan3A_81 = %scan3A_29 to %scan3A_31 step %scan3A_32  : i32 {
          %mul3A_82 = arith.constant 4 : i32
          %mul3A_83 = arith.muli %scan3A_81, %mul3A_82 : i32
          %add3A_84 = arith.constant 0 : i32
          %add3A_85 = arith.addi %mul3A_83, %add3A_84 : i32
          %gt3A = arith.constant 0 : i32
          %gt3A_86 = arith.cmpi sgt, %scan3A_81, %gt3A : i32
          %convert_element_type3A_87 = arith.extui %gt3A_86 : i1 to i32
          %cond3A_88 = arith.constant 0 : i32
          %cond3A_89 = arith.cmpi ne, %convert_element_type3A_87, %cond3A_88 : i32
          scf.if %cond3A_89 {
            %sub3A = arith.constant 4 : i32
            %sub3A_264 = arith.subi %add3A_85, %sub3A : i32
            %dma_wait3A_265 = arith.constant 0 : i32
            %dma_wait3A_266 = arith.constant 0 : i32
            %dma_wait3A_267 = arith.constant 0 : i32
            %dma_wait3A_268 = tpu.memref_slice %arg11[%dma_wait3A_265, %dma_wait3A_266, %dma_wait3A_267] : memref<4x64x128xf32, #tpu.memory_space<vmem>> -> memref<1x64x128xf32, #tpu.memory_space<vmem>>
            %dma_wait3A_269 = tpu.memref_squeeze %dma_wait3A_268 : memref<1x64x128xf32, #tpu.memory_space<vmem>> -> memref<64x128xf32, #tpu.memory_space<vmem>>
            %dma_wait3A_270 = arith.constant 0 : i32
            %dma_wait3A_271 = tpu.memref_slice %arg10[%sub3A_264, %dma_wait3A_270] : memref<64x64xi32, #tpu.memory_space<vmem>> -> memref<1x64xi32, #tpu.memory_space<vmem>>
            %dma_wait3A_272 = tpu.memref_squeeze %dma_wait3A_271 : memref<1x64xi32, #tpu.memory_space<vmem>> -> memref<64xi32, #tpu.memory_space<vmem>>
            %dma_wait3A_273 = arith.constant 0 : i32
            %dma_wait3A_274 = arith.constant 0 : i32
            %dma_wait3A_275 = tpu.memref_slice %arg12[%dma_wait3A_273, %dma_wait3A_274] : memref<10112x128xf32, #tpu.memory_space<vmem_shared>> -> memref<10112x128xf32, #tpu.memory_space<vmem_shared>>
            tpu.wait_indirect_dma semaphore(%arg17 : memref<!tpu.dma_semaphore, #tpu.memory_space<semaphore_mem>>) src(%dma_wait3A_269 : memref<64x128xf32, #tpu.memory_space<vmem>>) dst(%dma_wait3A_275 : memref<10112x128xf32, #tpu.memory_space<vmem_shared>>)
          } else {
          }
          %dma_start3A = arith.constant 0 : i32
          %dma_start3A_90 = arith.constant 0 : i32
          %dma_start3A_91 = arith.constant 0 : i32
          %dma_start3A_92 = tpu.memref_slice %arg11[%dma_start3A, %dma_start3A_90, %dma_start3A_91] : memref<4x64x128xf32, #tpu.memory_space<vmem>> -> memref<1x64x128xf32, #tpu.memory_space<vmem>>
          %dma_start3A_93 = tpu.memref_squeeze %dma_start3A_92 : memref<1x64x128xf32, #tpu.memory_space<vmem>> -> memref<64x128xf32, #tpu.memory_space<vmem>>
          %dma_start3A_94 = arith.constant 0 : i32
          %dma_start3A_95 = tpu.memref_slice %arg9[%add3A_85, %dma_start3A_94] : memref<64x64xi32, #tpu.memory_space<vmem>> -> memref<1x64xi32, #tpu.memory_space<vmem>>
          %dma_start3A_96 = tpu.memref_squeeze %dma_start3A_95 : memref<1x64xi32, #tpu.memory_space<vmem>> -> memref<64xi32, #tpu.memory_space<vmem>>
          %dma_start3A_97 = arith.constant 0 : i32
          %dma_start3A_98 = arith.constant 0 : i32
          %dma_start3A_99 = tpu.memref_slice %arg2[%dma_start3A_97, %dma_start3A_98] : memref<10000x128xf32, #tpu.memory_space<hbm>> -> memref<10000x128xf32, #tpu.memory_space<hbm>>
          tpu.enqueue_indirect_dma source(%dma_start3A_99 : memref<10000x128xf32, #tpu.memory_space<hbm>>) target(%dma_start3A_93 : memref<64x128xf32, #tpu.memory_space<vmem>>) offsets(%dma_start3A_96 : memref<64xi32, #tpu.memory_space<vmem>>) semaphore(%arg13 : memref<!tpu.dma_semaphore, #tpu.memory_space<semaphore_mem>>)
          %mul3A_100 = arith.constant 4 : i32
          %mul3A_101 = arith.muli %scan3A_81, %mul3A_100 : i32
          %add3A_102 = arith.constant 1 : i32
          %add3A_103 = arith.addi %mul3A_101, %add3A_102 : i32
          %gt3A_104 = arith.constant 0 : i32
          %gt3A_105 = arith.cmpi sgt, %scan3A_81, %gt3A_104 : i32
          %convert_element_type3A_106 = arith.extui %gt3A_105 : i1 to i32
          %cond3A_107 = arith.constant 0 : i32
          %cond3A_108 = arith.cmpi ne, %convert_element_type3A_106, %cond3A_107 : i32
          scf.if %cond3A_108 {
            %sub3A = arith.constant 4 : i32
            %sub3A_264 = arith.subi %add3A_103, %sub3A : i32
            %dma_wait3A_265 = arith.constant 1 : i32
            %dma_wait3A_266 = arith.constant 0 : i32
            %dma_wait3A_267 = arith.constant 0 : i32
            %dma_wait3A_268 = tpu.memref_slice %arg11[%dma_wait3A_265, %dma_wait3A_266, %dma_wait3A_267] : memref<4x64x128xf32, #tpu.memory_space<vmem>> -> memref<1x64x128xf32, #tpu.memory_space<vmem>>
            %dma_wait3A_269 = tpu.memref_squeeze %dma_wait3A_268 : memref<1x64x128xf32, #tpu.memory_space<vmem>> -> memref<64x128xf32, #tpu.memory_space<vmem>>
            %dma_wait3A_270 = arith.constant 0 : i32
            %dma_wait3A_271 = tpu.memref_slice %arg10[%sub3A_264, %dma_wait3A_270] : memref<64x64xi32, #tpu.memory_space<vmem>> -> memref<1x64xi32, #tpu.memory_space<vmem>>
            %dma_wait3A_272 = tpu.memref_squeeze %dma_wait3A_271 : memref<1x64xi32, #tpu.memory_space<vmem>> -> memref<64xi32, #tpu.memory_space<vmem>>
            %dma_wait3A_273 = arith.constant 0 : i32
            %dma_wait3A_274 = arith.constant 0 : i32
            %dma_wait3A_275 = tpu.memref_slice %arg12[%dma_wait3A_273, %dma_wait3A_274] : memref<10112x128xf32, #tpu.memory_space<vmem_shared>> -> memref<10112x128xf32, #tpu.memory_space<vmem_shared>>
            tpu.wait_indirect_dma semaphore(%arg18 : memref<!tpu.dma_semaphore, #tpu.memory_space<semaphore_mem>>) src(%dma_wait3A_269 : memref<64x128xf32, #tpu.memory_space<vmem>>) dst(%dma_wait3A_275 : memref<10112x128xf32, #tpu.memory_space<vmem_shared>>)
          } else {
          }
          %dma_start3A_109 = arith.constant 1 : i32
          %dma_start3A_110 = arith.constant 0 : i32
          %dma_start3A_111 = arith.constant 0 : i32
          %dma_start3A_112 = tpu.memref_slice %arg11[%dma_start3A_109, %dma_start3A_110, %dma_start3A_111] : memref<4x64x128xf32, #tpu.memory_space<vmem>> -> memref<1x64x128xf32, #tpu.memory_space<vmem>>
          %dma_start3A_113 = tpu.memref_squeeze %dma_start3A_112 : memref<1x64x128xf32, #tpu.memory_space<vmem>> -> memref<64x128xf32, #tpu.memory_space<vmem>>
          %dma_start3A_114 = arith.constant 0 : i32
          %dma_start3A_115 = tpu.memref_slice %arg9[%add3A_103, %dma_start3A_114] : memref<64x64xi32, #tpu.memory_space<vmem>> -> memref<1x64xi32, #tpu.memory_space<vmem>>
          %dma_start3A_116 = tpu.memref_squeeze %dma_start3A_115 : memref<1x64xi32, #tpu.memory_space<vmem>> -> memref<64xi32, #tpu.memory_space<vmem>>
          %dma_start3A_117 = arith.constant 0 : i32
          %dma_start3A_118 = arith.constant 0 : i32
          %dma_start3A_119 = tpu.memref_slice %arg2[%dma_start3A_117, %dma_start3A_118] : memref<10000x128xf32, #tpu.memory_space<hbm>> -> memref<10000x128xf32, #tpu.memory_space<hbm>>
          tpu.enqueue_indirect_dma source(%dma_start3A_119 : memref<10000x128xf32, #tpu.memory_space<hbm>>) target(%dma_start3A_113 : memref<64x128xf32, #tpu.memory_space<vmem>>) offsets(%dma_start3A_116 : memref<64xi32, #tpu.memory_space<vmem>>) semaphore(%arg14 : memref<!tpu.dma_semaphore, #tpu.memory_space<semaphore_mem>>)
          %mul3A_120 = arith.constant 4 : i32
          %mul3A_121 = arith.muli %scan3A_81, %mul3A_120 : i32
          %add3A_122 = arith.constant 2 : i32
          %add3A_123 = arith.addi %mul3A_121, %add3A_122 : i32
          %gt3A_124 = arith.constant 0 : i32
          %gt3A_125 = arith.cmpi sgt, %scan3A_81, %gt3A_124 : i32
          %convert_element_type3A_126 = arith.extui %gt3A_125 : i1 to i32
          %cond3A_127 = arith.constant 0 : i32
          %cond3A_128 = arith.cmpi ne, %convert_element_type3A_126, %cond3A_127 : i32
          scf.if %cond3A_128 {
            %sub3A = arith.constant 4 : i32
            %sub3A_264 = arith.subi %add3A_123, %sub3A : i32
            %dma_wait3A_265 = arith.constant 2 : i32
            %dma_wait3A_266 = arith.constant 0 : i32
            %dma_wait3A_267 = arith.constant 0 : i32
            %dma_wait3A_268 = tpu.memref_slice %arg11[%dma_wait3A_265, %dma_wait3A_266, %dma_wait3A_267] : memref<4x64x128xf32, #tpu.memory_space<vmem>> -> memref<1x64x128xf32, #tpu.memory_space<vmem>>
            %dma_wait3A_269 = tpu.memref_squeeze %dma_wait3A_268 : memref<1x64x128xf32, #tpu.memory_space<vmem>> -> memref<64x128xf32, #tpu.memory_space<vmem>>
            %dma_wait3A_270 = arith.constant 0 : i32
            %dma_wait3A_271 = tpu.memref_slice %arg10[%sub3A_264, %dma_wait3A_270] : memref<64x64xi32, #tpu.memory_space<vmem>> -> memref<1x64xi32, #tpu.memory_space<vmem>>
            %dma_wait3A_272 = tpu.memref_squeeze %dma_wait3A_271 : memref<1x64xi32, #tpu.memory_space<vmem>> -> memref<64xi32, #tpu.memory_space<vmem>>
            %dma_wait3A_273 = arith.constant 0 : i32
            %dma_wait3A_274 = arith.constant 0 : i32
            %dma_wait3A_275 = tpu.memref_slice %arg12[%dma_wait3A_273, %dma_wait3A_274] : memref<10112x128xf32, #tpu.memory_space<vmem_shared>> -> memref<10112x128xf32, #tpu.memory_space<vmem_shared>>
            tpu.wait_indirect_dma semaphore(%arg19 : memref<!tpu.dma_semaphore, #tpu.memory_space<semaphore_mem>>) src(%dma_wait3A_269 : memref<64x128xf32, #tpu.memory_space<vmem>>) dst(%dma_wait3A_275 : memref<10112x128xf32, #tpu.memory_space<vmem_shared>>)
          } else {
          }
          %dma_start3A_129 = arith.constant 2 : i32
          %dma_start3A_130 = arith.constant 0 : i32
          %dma_start3A_131 = arith.constant 0 : i32
          %dma_start3A_132 = tpu.memref_slice %arg11[%dma_start3A_129, %dma_start3A_130, %dma_start3A_131] : memref<4x64x128xf32, #tpu.memory_space<vmem>> -> memref<1x64x128xf32, #tpu.memory_space<vmem>>
          %dma_start3A_133 = tpu.memref_squeeze %dma_start3A_132 : memref<1x64x128xf32, #tpu.memory_space<vmem>> -> memref<64x128xf32, #tpu.memory_space<vmem>>
          %dma_start3A_134 = arith.constant 0 : i32
          %dma_start3A_135 = tpu.memref_slice %arg9[%add3A_123, %dma_start3A_134] : memref<64x64xi32, #tpu.memory_space<vmem>> -> memref<1x64xi32, #tpu.memory_space<vmem>>
          %dma_start3A_136 = tpu.memref_squeeze %dma_start3A_135 : memref<1x64xi32, #tpu.memory_space<vmem>> -> memref<64xi32, #tpu.memory_space<vmem>>
          %dma_start3A_137 = arith.constant 0 : i32
          %dma_start3A_138 = arith.constant 0 : i32
          %dma_start3A_139 = tpu.memref_slice %arg2[%dma_start3A_137, %dma_start3A_138] : memref<10000x128xf32, #tpu.memory_space<hbm>> -> memref<10000x128xf32, #tpu.memory_space<hbm>>
          tpu.enqueue_indirect_dma source(%dma_start3A_139 : memref<10000x128xf32, #tpu.memory_space<hbm>>) target(%dma_start3A_133 : memref<64x128xf32, #tpu.memory_space<vmem>>) offsets(%dma_start3A_136 : memref<64xi32, #tpu.memory_space<vmem>>) semaphore(%arg15 : memref<!tpu.dma_semaphore, #tpu.memory_space<semaphore_mem>>)
          %mul3A_140 = arith.constant 4 : i32
          %mul3A_141 = arith.muli %scan3A_81, %mul3A_140 : i32
          %add3A_142 = arith.constant 3 : i32
          %add3A_143 = arith.addi %mul3A_141, %add3A_142 : i32
          %gt3A_144 = arith.constant 0 : i32
          %gt3A_145 = arith.cmpi sgt, %scan3A_81, %gt3A_144 : i32
          %convert_element_type3A_146 = arith.extui %gt3A_145 : i1 to i32
          %cond3A_147 = arith.constant 0 : i32
          %cond3A_148 = arith.cmpi ne, %convert_element_type3A_146, %cond3A_147 : i32
          scf.if %cond3A_148 {
            %sub3A = arith.constant 4 : i32
            %sub3A_264 = arith.subi %add3A_143, %sub3A : i32
            %dma_wait3A_265 = arith.constant 3 : i32
            %dma_wait3A_266 = arith.constant 0 : i32
            %dma_wait3A_267 = arith.constant 0 : i32
            %dma_wait3A_268 = tpu.memref_slice %arg11[%dma_wait3A_265, %dma_wait3A_266, %dma_wait3A_267] : memref<4x64x128xf32, #tpu.memory_space<vmem>> -> memref<1x64x128xf32, #tpu.memory_space<vmem>>
            %dma_wait3A_269 = tpu.memref_squeeze %dma_wait3A_268 : memref<1x64x128xf32, #tpu.memory_space<vmem>> -> memref<64x128xf32, #tpu.memory_space<vmem>>
            %dma_wait3A_270 = arith.constant 0 : i32
            %dma_wait3A_271 = tpu.memref_slice %arg10[%sub3A_264, %dma_wait3A_270] : memref<64x64xi32, #tpu.memory_space<vmem>> -> memref<1x64xi32, #tpu.memory_space<vmem>>
            %dma_wait3A_272 = tpu.memref_squeeze %dma_wait3A_271 : memref<1x64xi32, #tpu.memory_space<vmem>> -> memref<64xi32, #tpu.memory_space<vmem>>
            %dma_wait3A_273 = arith.constant 0 : i32
            %dma_wait3A_274 = arith.constant 0 : i32
            %dma_wait3A_275 = tpu.memref_slice %arg12[%dma_wait3A_273, %dma_wait3A_274] : memref<10112x128xf32, #tpu.memory_space<vmem_shared>> -> memref<10112x128xf32, #tpu.memory_space<vmem_shared>>
            tpu.wait_indirect_dma semaphore(%arg20 : memref<!tpu.dma_semaphore, #tpu.memory_space<semaphore_mem>>) src(%dma_wait3A_269 : memref<64x128xf32, #tpu.memory_space<vmem>>) dst(%dma_wait3A_275 : memref<10112x128xf32, #tpu.memory_space<vmem_shared>>)
          } else {
          }
          %dma_start3A_149 = arith.constant 3 : i32
          %dma_start3A_150 = arith.constant 0 : i32
          %dma_start3A_151 = arith.constant 0 : i32
          %dma_start3A_152 = tpu.memref_slice %arg11[%dma_start3A_149, %dma_start3A_150, %dma_start3A_151] : memref<4x64x128xf32, #tpu.memory_space<vmem>> -> memref<1x64x128xf32, #tpu.memory_space<vmem>>
          %dma_start3A_153 = tpu.memref_squeeze %dma_start3A_152 : memref<1x64x128xf32, #tpu.memory_space<vmem>> -> memref<64x128xf32, #tpu.memory_space<vmem>>
          %dma_start3A_154 = arith.constant 0 : i32
          %dma_start3A_155 = tpu.memref_slice %arg9[%add3A_143, %dma_start3A_154] : memref<64x64xi32, #tpu.memory_space<vmem>> -> memref<1x64xi32, #tpu.memory_space<vmem>>
          %dma_start3A_156 = tpu.memref_squeeze %dma_start3A_155 : memref<1x64xi32, #tpu.memory_space<vmem>> -> memref<64xi32, #tpu.memory_space<vmem>>
          %dma_start3A_157 = arith.constant 0 : i32
          %dma_start3A_158 = arith.constant 0 : i32
          %dma_start3A_159 = tpu.memref_slice %arg2[%dma_start3A_157, %dma_start3A_158] : memref<10000x128xf32, #tpu.memory_space<hbm>> -> memref<10000x128xf32, #tpu.memory_space<hbm>>
          tpu.enqueue_indirect_dma source(%dma_start3A_159 : memref<10000x128xf32, #tpu.memory_space<hbm>>) target(%dma_start3A_153 : memref<64x128xf32, #tpu.memory_space<vmem>>) offsets(%dma_start3A_156 : memref<64xi32, #tpu.memory_space<vmem>>) semaphore(%arg16 : memref<!tpu.dma_semaphore, #tpu.memory_space<semaphore_mem>>)
          %mul3A_160 = arith.constant 4 : i32
          %mul3A_161 = arith.muli %scan3A_81, %mul3A_160 : i32
          %add3A_162 = arith.constant 0 : i32
          %add3A_163 = arith.addi %mul3A_161, %add3A_162 : i32
          %dma_wait3A_164 = arith.constant 0 : i32
          %dma_wait3A_165 = arith.constant 0 : i32
          %dma_wait3A_166 = arith.constant 0 : i32
          %dma_wait3A_167 = tpu.memref_slice %arg11[%dma_wait3A_164, %dma_wait3A_165, %dma_wait3A_166] : memref<4x64x128xf32, #tpu.memory_space<vmem>> -> memref<1x64x128xf32, #tpu.memory_space<vmem>>
          %dma_wait3A_168 = tpu.memref_squeeze %dma_wait3A_167 : memref<1x64x128xf32, #tpu.memory_space<vmem>> -> memref<64x128xf32, #tpu.memory_space<vmem>>
          %dma_wait3A_169 = arith.constant 0 : i32
          %dma_wait3A_170 = tpu.memref_slice %arg9[%add3A_163, %dma_wait3A_169] : memref<64x64xi32, #tpu.memory_space<vmem>> -> memref<1x64xi32, #tpu.memory_space<vmem>>
          %dma_wait3A_171 = tpu.memref_squeeze %dma_wait3A_170 : memref<1x64xi32, #tpu.memory_space<vmem>> -> memref<64xi32, #tpu.memory_space<vmem>>
          %dma_wait3A_172 = arith.constant 0 : i32
          %dma_wait3A_173 = arith.constant 0 : i32
          %dma_wait3A_174 = tpu.memref_slice %arg2[%dma_wait3A_172, %dma_wait3A_173] : memref<10000x128xf32, #tpu.memory_space<hbm>> -> memref<10000x128xf32, #tpu.memory_space<hbm>>
          tpu.wait_indirect_dma semaphore(%arg13 : memref<!tpu.dma_semaphore, #tpu.memory_space<semaphore_mem>>) src(%dma_wait3A_174 : memref<10000x128xf32, #tpu.memory_space<hbm>>) dst(%dma_wait3A_168 : memref<64x128xf32, #tpu.memory_space<vmem>>)
          %dma_start3A_175 = arith.constant 0 : i32
          %dma_start3A_176 = arith.constant 0 : i32
          %dma_start3A_177 = arith.constant 0 : i32
          %dma_start3A_178 = tpu.memref_slice %arg11[%dma_start3A_175, %dma_start3A_176, %dma_start3A_177] : memref<4x64x128xf32, #tpu.memory_space<vmem>> -> memref<1x64x128xf32, #tpu.memory_space<vmem>>
          %dma_start3A_179 = tpu.memref_squeeze %dma_start3A_178 : memref<1x64x128xf32, #tpu.memory_space<vmem>> -> memref<64x128xf32, #tpu.memory_space<vmem>>
          %dma_start3A_180 = arith.constant 0 : i32
          %dma_start3A_181 = tpu.memref_slice %arg10[%add3A_163, %dma_start3A_180] : memref<64x64xi32, #tpu.memory_space<vmem>> -> memref<1x64xi32, #tpu.memory_space<vmem>>
          %dma_start3A_182 = tpu.memref_squeeze %dma_start3A_181 : memref<1x64xi32, #tpu.memory_space<vmem>> -> memref<64xi32, #tpu.memory_space<vmem>>
          %dma_start3A_183 = arith.constant 0 : i32
          %dma_start3A_184 = arith.constant 0 : i32
          %dma_start3A_185 = tpu.memref_slice %arg12[%dma_start3A_183, %dma_start3A_184] : memref<10112x128xf32, #tpu.memory_space<vmem_shared>> -> memref<10112x128xf32, #tpu.memory_space<vmem_shared>>
          tpu.enqueue_indirect_dma source(%dma_start3A_179 : memref<64x128xf32, #tpu.memory_space<vmem>>) target(%dma_start3A_185 : memref<10112x128xf32, #tpu.memory_space<vmem_shared>>) offsets(%dma_start3A_182 : memref<64xi32, #tpu.memory_space<vmem>>) semaphore(%arg17 : memref<!tpu.dma_semaphore, #tpu.memory_space<semaphore_mem>>) {add = true}
          %mul3A_186 = arith.constant 4 : i32
          %mul3A_187 = arith.muli %scan3A_81, %mul3A_186 : i32
          %add3A_188 = arith.constant 1 : i32
          %add3A_189 = arith.addi %mul3A_187, %add3A_188 : i32
          %dma_wait3A_190 = arith.constant 1 : i32
          %dma_wait3A_191 = arith.constant 0 : i32
          %dma_wait3A_192 = arith.constant 0 : i32
          %dma_wait3A_193 = tpu.memref_slice %arg11[%dma_wait3A_190, %dma_wait3A_191, %dma_wait3A_192] : memref<4x64x128xf32, #tpu.memory_space<vmem>> -> memref<1x64x128xf32, #tpu.memory_space<vmem>>
          %dma_wait3A_194 = tpu.memref_squeeze %dma_wait3A_193 : memref<1x64x128xf32, #tpu.memory_space<vmem>> -> memref<64x128xf32, #tpu.memory_space<vmem>>
          %dma_wait3A_195 = arith.constant 0 : i32
          %dma_wait3A_196 = tpu.memref_slice %arg9[%add3A_189, %dma_wait3A_195] : memref<64x64xi32, #tpu.memory_space<vmem>> -> memref<1x64xi32, #tpu.memory_space<vmem>>
          %dma_wait3A_197 = tpu.memref_squeeze %dma_wait3A_196 : memref<1x64xi32, #tpu.memory_space<vmem>> -> memref<64xi32, #tpu.memory_space<vmem>>
          %dma_wait3A_198 = arith.constant 0 : i32
          %dma_wait3A_199 = arith.constant 0 : i32
          %dma_wait3A_200 = tpu.memref_slice %arg2[%dma_wait3A_198, %dma_wait3A_199] : memref<10000x128xf32, #tpu.memory_space<hbm>> -> memref<10000x128xf32, #tpu.memory_space<hbm>>
          tpu.wait_indirect_dma semaphore(%arg14 : memref<!tpu.dma_semaphore, #tpu.memory_space<semaphore_mem>>) src(%dma_wait3A_200 : memref<10000x128xf32, #tpu.memory_space<hbm>>) dst(%dma_wait3A_194 : memref<64x128xf32, #tpu.memory_space<vmem>>)
          %dma_start3A_201 = arith.constant 1 : i32
          %dma_start3A_202 = arith.constant 0 : i32
          %dma_start3A_203 = arith.constant 0 : i32
          %dma_start3A_204 = tpu.memref_slice %arg11[%dma_start3A_201, %dma_start3A_202, %dma_start3A_203] : memref<4x64x128xf32, #tpu.memory_space<vmem>> -> memref<1x64x128xf32, #tpu.memory_space<vmem>>
          %dma_start3A_205 = tpu.memref_squeeze %dma_start3A_204 : memref<1x64x128xf32, #tpu.memory_space<vmem>> -> memref<64x128xf32, #tpu.memory_space<vmem>>
          %dma_start3A_206 = arith.constant 0 : i32
          %dma_start3A_207 = tpu.memref_slice %arg10[%add3A_189, %dma_start3A_206] : memref<64x64xi32, #tpu.memory_space<vmem>> -> memref<1x64xi32, #tpu.memory_space<vmem>>
          %dma_start3A_208 = tpu.memref_squeeze %dma_start3A_207 : memref<1x64xi32, #tpu.memory_space<vmem>> -> memref<64xi32, #tpu.memory_space<vmem>>
          %dma_start3A_209 = arith.constant 0 : i32
          %dma_start3A_210 = arith.constant 0 : i32
          %dma_start3A_211 = tpu.memref_slice %arg12[%dma_start3A_209, %dma_start3A_210] : memref<10112x128xf32, #tpu.memory_space<vmem_shared>> -> memref<10112x128xf32, #tpu.memory_space<vmem_shared>>
          tpu.enqueue_indirect_dma source(%dma_start3A_205 : memref<64x128xf32, #tpu.memory_space<vmem>>) target(%dma_start3A_211 : memref<10112x128xf32, #tpu.memory_space<vmem_shared>>) offsets(%dma_start3A_208 : memref<64xi32, #tpu.memory_space<vmem>>) semaphore(%arg18 : memref<!tpu.dma_semaphore, #tpu.memory_space<semaphore_mem>>) {add = true}
          %mul3A_212 = arith.constant 4 : i32
          %mul3A_213 = arith.muli %scan3A_81, %mul3A_212 : i32
          %add3A_214 = arith.constant 2 : i32
          %add3A_215 = arith.addi %mul3A_213, %add3A_214 : i32
          %dma_wait3A_216 = arith.constant 2 : i32
          %dma_wait3A_217 = arith.constant 0 : i32
          %dma_wait3A_218 = arith.constant 0 : i32
          %dma_wait3A_219 = tpu.memref_slice %arg11[%dma_wait3A_216, %dma_wait3A_217, %dma_wait3A_218] : memref<4x64x128xf32, #tpu.memory_space<vmem>> -> memref<1x64x128xf32, #tpu.memory_space<vmem>>
          %dma_wait3A_220 = tpu.memref_squeeze %dma_wait3A_219 : memref<1x64x128xf32, #tpu.memory_space<vmem>> -> memref<64x128xf32, #tpu.memory_space<vmem>>
          %dma_wait3A_221 = arith.constant 0 : i32
          %dma_wait3A_222 = tpu.memref_slice %arg9[%add3A_215, %dma_wait3A_221] : memref<64x64xi32, #tpu.memory_space<vmem>> -> memref<1x64xi32, #tpu.memory_space<vmem>>
          %dma_wait3A_223 = tpu.memref_squeeze %dma_wait3A_222 : memref<1x64xi32, #tpu.memory_space<vmem>> -> memref<64xi32, #tpu.memory_space<vmem>>
          %dma_wait3A_224 = arith.constant 0 : i32
          %dma_wait3A_225 = arith.constant 0 : i32
          %dma_wait3A_226 = tpu.memref_slice %arg2[%dma_wait3A_224, %dma_wait3A_225] : memref<10000x128xf32, #tpu.memory_space<hbm>> -> memref<10000x128xf32, #tpu.memory_space<hbm>>
          tpu.wait_indirect_dma semaphore(%arg15 : memref<!tpu.dma_semaphore, #tpu.memory_space<semaphore_mem>>) src(%dma_wait3A_226 : memref<10000x128xf32, #tpu.memory_space<hbm>>) dst(%dma_wait3A_220 : memref<64x128xf32, #tpu.memory_space<vmem>>)
          %dma_start3A_227 = arith.constant 2 : i32
          %dma_start3A_228 = arith.constant 0 : i32
          %dma_start3A_229 = arith.constant 0 : i32
          %dma_start3A_230 = tpu.memref_slice %arg11[%dma_start3A_227, %dma_start3A_228, %dma_start3A_229] : memref<4x64x128xf32, #tpu.memory_space<vmem>> -> memref<1x64x128xf32, #tpu.memory_space<vmem>>
          %dma_start3A_231 = tpu.memref_squeeze %dma_start3A_230 : memref<1x64x128xf32, #tpu.memory_space<vmem>> -> memref<64x128xf32, #tpu.memory_space<vmem>>
          %dma_start3A_232 = arith.constant 0 : i32
          %dma_start3A_233 = tpu.memref_slice %arg10[%add3A_215, %dma_start3A_232] : memref<64x64xi32, #tpu.memory_space<vmem>> -> memref<1x64xi32, #tpu.memory_space<vmem>>
          %dma_start3A_234 = tpu.memref_squeeze %dma_start3A_233 : memref<1x64xi32, #tpu.memory_space<vmem>> -> memref<64xi32, #tpu.memory_space<vmem>>
          %dma_start3A_235 = arith.constant 0 : i32
          %dma_start3A_236 = arith.constant 0 : i32
          %dma_start3A_237 = tpu.memref_slice %arg12[%dma_start3A_235, %dma_start3A_236] : memref<10112x128xf32, #tpu.memory_space<vmem_shared>> -> memref<10112x128xf32, #tpu.memory_space<vmem_shared>>
          tpu.enqueue_indirect_dma source(%dma_start3A_231 : memref<64x128xf32, #tpu.memory_space<vmem>>) target(%dma_start3A_237 : memref<10112x128xf32, #tpu.memory_space<vmem_shared>>) offsets(%dma_start3A_234 : memref<64xi32, #tpu.memory_space<vmem>>) semaphore(%arg19 : memref<!tpu.dma_semaphore, #tpu.memory_space<semaphore_mem>>) {add = true}
          %mul3A_238 = arith.constant 4 : i32
          %mul3A_239 = arith.muli %scan3A_81, %mul3A_238 : i32
          %add3A_240 = arith.constant 3 : i32
          %add3A_241 = arith.addi %mul3A_239, %add3A_240 : i32
          %dma_wait3A_242 = arith.constant 3 : i32
          %dma_wait3A_243 = arith.constant 0 : i32
          %dma_wait3A_244 = arith.constant 0 : i32
          %dma_wait3A_245 = tpu.memref_slice %arg11[%dma_wait3A_242, %dma_wait3A_243, %dma_wait3A_244] : memref<4x64x128xf32, #tpu.memory_space<vmem>> -> memref<1x64x128xf32, #tpu.memory_space<vmem>>
          %dma_wait3A_246 = tpu.memref_squeeze %dma_wait3A_245 : memref<1x64x128xf32, #tpu.memory_space<vmem>> -> memref<64x128xf32, #tpu.memory_space<vmem>>
          %dma_wait3A_247 = arith.constant 0 : i32
          %dma_wait3A_248 = tpu.memref_slice %arg9[%add3A_241, %dma_wait3A_247] : memref<64x64xi32, #tpu.memory_space<vmem>> -> memref<1x64xi32, #tpu.memory_space<vmem>>
          %dma_wait3A_249 = tpu.memref_squeeze %dma_wait3A_248 : memref<1x64xi32, #tpu.memory_space<vmem>> -> memref<64xi32, #tpu.memory_space<vmem>>
          %dma_wait3A_250 = arith.constant 0 : i32
          %dma_wait3A_251 = arith.constant 0 : i32
          %dma_wait3A_252 = tpu.memref_slice %arg2[%dma_wait3A_250, %dma_wait3A_251] : memref<10000x128xf32, #tpu.memory_space<hbm>> -> memref<10000x128xf32, #tpu.memory_space<hbm>>
          tpu.wait_indirect_dma semaphore(%arg16 : memref<!tpu.dma_semaphore, #tpu.memory_space<semaphore_mem>>) src(%dma_wait3A_252 : memref<10000x128xf32, #tpu.memory_space<hbm>>) dst(%dma_wait3A_246 : memref<64x128xf32, #tpu.memory_space<vmem>>)
          %dma_start3A_253 = arith.constant 3 : i32
          %dma_start3A_254 = arith.constant 0 : i32
          %dma_start3A_255 = arith.constant 0 : i32
          %dma_start3A_256 = tpu.memref_slice %arg11[%dma_start3A_253, %dma_start3A_254, %dma_start3A_255] : memref<4x64x128xf32, #tpu.memory_space<vmem>> -> memref<1x64x128xf32, #tpu.memory_space<vmem>>
          %dma_start3A_257 = tpu.memref_squeeze %dma_start3A_256 : memref<1x64x128xf32, #tpu.memory_space<vmem>> -> memref<64x128xf32, #tpu.memory_space<vmem>>
          %dma_start3A_258 = arith.constant 0 : i32
          %dma_start3A_259 = tpu.memref_slice %arg10[%add3A_241, %dma_start3A_258] : memref<64x64xi32, #tpu.memory_space<vmem>> -> memref<1x64xi32, #tpu.memory_space<vmem>>
          %dma_start3A_260 = tpu.memref_squeeze %dma_start3A_259 : memref<1x64xi32, #tpu.memory_space<vmem>> -> memref<64xi32, #tpu.memory_space<vmem>>
          %dma_start3A_261 = arith.constant 0 : i32
          %dma_start3A_262 = arith.constant 0 : i32
          %dma_start3A_263 = tpu.memref_slice %arg12[%dma_start3A_261, %dma_start3A_262] : memref<10112x128xf32, #tpu.memory_space<vmem_shared>> -> memref<10112x128xf32, #tpu.memory_space<vmem_shared>>
          tpu.enqueue_indirect_dma source(%dma_start3A_257 : memref<64x128xf32, #tpu.memory_space<vmem>>) target(%dma_start3A_263 : memref<10112x128xf32, #tpu.memory_space<vmem_shared>>) offsets(%dma_start3A_260 : memref<64xi32, #tpu.memory_space<vmem>>) semaphore(%arg20 : memref<!tpu.dma_semaphore, #tpu.memory_space<semaphore_mem>>) {add = true}
        }
        %scan3A_33 = arith.constant 16 : i32
        %dma_wait3A = arith.constant 0 : i32
        %dma_wait3A_34 = arith.constant 0 : i32
        %dma_wait3A_35 = arith.constant 0 : i32
        %dma_wait3A_36 = arith.constant 0 : i32
        %dma_wait3A_37 = tpu.memref_slice %arg11[%dma_wait3A, %dma_wait3A_35, %dma_wait3A_36] : memref<4x64x128xf32, #tpu.memory_space<vmem>> -> memref<1x64x128xf32, #tpu.memory_space<vmem>>
        %dma_wait3A_38 = tpu.memref_squeeze %dma_wait3A_37 : memref<1x64x128xf32, #tpu.memory_space<vmem>> -> memref<64x128xf32, #tpu.memory_space<vmem>>
        %dma_wait3A_39 = arith.constant 0 : i32
        %dma_wait3A_40 = tpu.memref_slice %arg10[%dma_wait3A_34, %dma_wait3A_39] : memref<64x64xi32, #tpu.memory_space<vmem>> -> memref<1x64xi32, #tpu.memory_space<vmem>>
        %dma_wait3A_41 = tpu.memref_squeeze %dma_wait3A_40 : memref<1x64xi32, #tpu.memory_space<vmem>> -> memref<64xi32, #tpu.memory_space<vmem>>
        %dma_wait3A_42 = arith.constant 0 : i32
        %dma_wait3A_43 = arith.constant 0 : i32
        %dma_wait3A_44 = tpu.memref_slice %arg12[%dma_wait3A_42, %dma_wait3A_43] : memref<10112x128xf32, #tpu.memory_space<vmem_shared>> -> memref<10112x128xf32, #tpu.memory_space<vmem_shared>>
        tpu.wait_indirect_dma semaphore(%arg17 : memref<!tpu.dma_semaphore, #tpu.memory_space<semaphore_mem>>) src(%dma_wait3A_38 : memref<64x128xf32, #tpu.memory_space<vmem>>) dst(%dma_wait3A_44 : memref<10112x128xf32, #tpu.memory_space<vmem_shared>>)
        %dma_wait3A_45 = arith.constant 1 : i32
        %dma_wait3A_46 = arith.constant 1 : i32
        %dma_wait3A_47 = arith.constant 0 : i32
        %dma_wait3A_48 = arith.constant 0 : i32
        %dma_wait3A_49 = tpu.memref_slice %arg11[%dma_wait3A_45, %dma_wait3A_47, %dma_wait3A_48] : memref<4x64x128xf32, #tpu.memory_space<vmem>> -> memref<1x64x128xf32, #tpu.memory_space<vmem>>
        %dma_wait3A_50 = tpu.memref_squeeze %dma_wait3A_49 : memref<1x64x128xf32, #tpu.memory_space<vmem>> -> memref<64x128xf32, #tpu.memory_space<vmem>>
        %dma_wait3A_51 = arith.constant 0 : i32
        %dma_wait3A_52 = tpu.memref_slice %arg10[%dma_wait3A_46, %dma_wait3A_51] : memref<64x64xi32, #tpu.memory_space<vmem>> -> memref<1x64xi32, #tpu.memory_space<vmem>>
        %dma_wait3A_53 = tpu.memref_squeeze %dma_wait3A_52 : memref<1x64xi32, #tpu.memory_space<vmem>> -> memref<64xi32, #tpu.memory_space<vmem>>
        %dma_wait3A_54 = arith.constant 0 : i32
        %dma_wait3A_55 = arith.constant 0 : i32
        %dma_wait3A_56 = tpu.memref_slice %arg12[%dma_wait3A_54, %dma_wait3A_55] : memref<10112x128xf32, #tpu.memory_space<vmem_shared>> -> memref<10112x128xf32, #tpu.memory_space<vmem_shared>>
        tpu.wait_indirect_dma semaphore(%arg18 : memref<!tpu.dma_semaphore, #tpu.memory_space<semaphore_mem>>) src(%dma_wait3A_50 : memref<64x128xf32, #tpu.memory_space<vmem>>) dst(%dma_wait3A_56 : memref<10112x128xf32, #tpu.memory_space<vmem_shared>>)
        %dma_wait3A_57 = arith.constant 2 : i32
        %dma_wait3A_58 = arith.constant 2 : i32
        %dma_wait3A_59 = arith.constant 0 : i32
        %dma_wait3A_60 = arith.constant 0 : i32
        %dma_wait3A_61 = tpu.memref_slice %arg11[%dma_wait3A_57, %dma_wait3A_59, %dma_wait3A_60] : memref<4x64x128xf32, #tpu.memory_space<vmem>> -> memref<1x64x128xf32, #tpu.memory_space<vmem>>
        %dma_wait3A_62 = tpu.memref_squeeze %dma_wait3A_61 : memref<1x64x128xf32, #tpu.memory_space<vmem>> -> memref<64x128xf32, #tpu.memory_space<vmem>>
        %dma_wait3A_63 = arith.constant 0 : i32
        %dma_wait3A_64 = tpu.memref_slice %arg10[%dma_wait3A_58, %dma_wait3A_63] : memref<64x64xi32, #tpu.memory_space<vmem>> -> memref<1x64xi32, #tpu.memory_space<vmem>>
        %dma_wait3A_65 = tpu.memref_squeeze %dma_wait3A_64 : memref<1x64xi32, #tpu.memory_space<vmem>> -> memref<64xi32, #tpu.memory_space<vmem>>
        %dma_wait3A_66 = arith.constant 0 : i32
        %dma_wait3A_67 = arith.constant 0 : i32
        %dma_wait3A_68 = tpu.memref_slice %arg12[%dma_wait3A_66, %dma_wait3A_67] : memref<10112x128xf32, #tpu.memory_space<vmem_shared>> -> memref<10112x128xf32, #tpu.memory_space<vmem_shared>>
        tpu.wait_indirect_dma semaphore(%arg19 : memref<!tpu.dma_semaphore, #tpu.memory_space<semaphore_mem>>) src(%dma_wait3A_62 : memref<64x128xf32, #tpu.memory_space<vmem>>) dst(%dma_wait3A_68 : memref<10112x128xf32, #tpu.memory_space<vmem_shared>>)
        %dma_wait3A_69 = arith.constant 3 : i32
        %dma_wait3A_70 = arith.constant 3 : i32
        %dma_wait3A_71 = arith.constant 0 : i32
        %dma_wait3A_72 = arith.constant 0 : i32
        %dma_wait3A_73 = tpu.memref_slice %arg11[%dma_wait3A_69, %dma_wait3A_71, %dma_wait3A_72] : memref<4x64x128xf32, #tpu.memory_space<vmem>> -> memref<1x64x128xf32, #tpu.memory_space<vmem>>
        %dma_wait3A_74 = tpu.memref_squeeze %dma_wait3A_73 : memref<1x64x128xf32, #tpu.memory_space<vmem>> -> memref<64x128xf32, #tpu.memory_space<vmem>>
        %dma_wait3A_75 = arith.constant 0 : i32
        %dma_wait3A_76 = tpu.memref_slice %arg10[%dma_wait3A_70, %dma_wait3A_75] : memref<64x64xi32, #tpu.memory_space<vmem>> -> memref<1x64xi32, #tpu.memory_space<vmem>>
        %dma_wait3A_77 = tpu.memref_squeeze %dma_wait3A_76 : memref<1x64xi32, #tpu.memory_space<vmem>> -> memref<64xi32, #tpu.memory_space<vmem>>
        %dma_wait3A_78 = arith.constant 0 : i32
        %dma_wait3A_79 = arith.constant 0 : i32
        %dma_wait3A_80 = tpu.memref_slice %arg12[%dma_wait3A_78, %dma_wait3A_79] : memref<10112x128xf32, #tpu.memory_space<vmem_shared>> -> memref<10112x128xf32, #tpu.memory_space<vmem_shared>>
        tpu.wait_indirect_dma semaphore(%arg20 : memref<!tpu.dma_semaphore, #tpu.memory_space<semaphore_mem>>) src(%dma_wait3A_74 : memref<64x128xf32, #tpu.memory_space<vmem>>) dst(%dma_wait3A_80 : memref<10112x128xf32, #tpu.memory_space<vmem_shared>>)
      }
      %scan3A_16 = arith.constant 5 : i32
      %barrier3A_17 = arith.constant 0 : index
      tpu.barrier barrier_id(%barrier3A_17)
      %mul3A_18 = arith.constant 632 : i32
      %mul3A_19 = arith.muli %arg1, %mul3A_18 : i32
      %mul3A_20 = arith.constant 632 : i32
      %mul3A_21 = arith.muli %arg1, %mul3A_20 : i32
      "tpu.region"() ({
        %run_scoped3A = tpu.sem_alloc : memref<!tpu.dma_semaphore, #tpu.memory_space<semaphore_mem>>
        %dma_start3A = arith.constant 0 : i32
        %dma_start3A_22 = tpu.memref_slice %arg7[%mul3A_21, %dma_start3A] : memref<10112x128xf32, #tpu.memory_space<hbm>> -> memref<632x128xf32, #tpu.memory_space<hbm>>
        %dma_start3A_23 = arith.constant 0 : i32
        %dma_start3A_24 = tpu.memref_slice %arg12[%mul3A_19, %dma_start3A_23] : memref<10112x128xf32, #tpu.memory_space<vmem_shared>> -> memref<632x128xf32, #tpu.memory_space<vmem_shared>>
        tpu.enqueue_dma source(%dma_start3A_24 : memref<632x128xf32, #tpu.memory_space<vmem_shared>>) target(%dma_start3A_22 : memref<632x128xf32, #tpu.memory_space<hbm>>) target_semaphore(%run_scoped3A : memref<!tpu.dma_semaphore, #tpu.memory_space<semaphore_mem>>)
        %dma_wait3A = arith.constant 0 : i32
        %dma_wait3A_25 = tpu.memref_slice %arg7[%mul3A_21, %dma_wait3A] : memref<10112x128xf32, #tpu.memory_space<hbm>> -> memref<632x128xf32, #tpu.memory_space<hbm>>
        %dma_wait3A_26 = arith.constant 0 : i32
        %dma_wait3A_27 = tpu.memref_slice %arg12[%mul3A_19, %dma_wait3A_26] : memref<10112x128xf32, #tpu.memory_space<vmem_shared>> -> memref<632x128xf32, #tpu.memory_space<vmem_shared>>
        tpu.wait_dma2 semaphore(%run_scoped3A : memref<!tpu.dma_semaphore, #tpu.memory_space<semaphore_mem>>) src(%dma_wait3A_27 : memref<632x128xf32, #tpu.memory_space<vmem_shared>>) dst(%dma_wait3A_25 : memref<632x128xf32, #tpu.memory_space<hbm>>)
        tpu.yield
      }) : () -> ()
    } else {
    }
    %eq3A_5 = arith.constant 1 : i32
    %eq3A_6 = arith.cmpi eq, %arg0, %eq3A_5 : i32
    %convert_element_type3A_7 = arith.extui %eq3A_6 : i1 to i32
    %cond3A_8 = arith.constant 0 : i32
    %cond3A_9 = arith.cmpi ne, %convert_element_type3A_7, %cond3A_8 : i32
    scf.if %cond3A_9 {
      %mul3A_10 = arith.constant 320 : i32
      %mul3A_11 = arith.muli %arg1, %mul3A_10 : i32
      %scan3A = arith.constant 0 : i32
      %scan3A_12 = arith.constant 0 : i32
      %scan3A_13 = arith.constant 5 : i32
      %scan3A_14 = arith.addi %scan3A_12, %scan3A_13 : i32
      %scan3A_15 = arith.constant 1 : i32
      scf.for %scan3A_22 = %scan3A_12 to %scan3A_14 step %scan3A_15  : i32 {
        %mul3A_23 = arith.constant 64 : i32
        %mul3A_24 = arith.muli %scan3A_22, %mul3A_23 : i32
        %add3A = arith.addi %mul3A_11, %mul3A_24 : i32
        "tpu.region"() ({
          %run_scoped3A = tpu.sem_alloc : memref<!tpu.dma_semaphore, #tpu.memory_space<semaphore_mem>>
          %dma_start3A = arith.constant 0 : i32
          %dma_start3A_81 = tpu.memref_slice %arg4[%add3A, %dma_start3A] : memref<5120x64xi32, #tpu.memory_space<hbm>> -> memref<64x64xi32, #tpu.memory_space<hbm>>
          %dma_start3A_82 = arith.constant 0 : i32
          %dma_start3A_83 = tpu.memref_slice %arg4[%add3A, %dma_start3A_82] : memref<5120x64xi32, #tpu.memory_space<hbm>> -> memref<64x64xi32, #tpu.memory_space<hbm>>
          tpu.enqueue_dma source(%dma_start3A_83 : memref<64x64xi32, #tpu.memory_space<hbm>>) target(%arg9 : memref<64x64xi32, #tpu.memory_space<vmem>>) target_semaphore(%run_scoped3A : memref<!tpu.dma_semaphore, #tpu.memory_space<semaphore_mem>>)
          %dma_wait3A_84 = arith.constant 0 : i32
          %dma_wait3A_85 = tpu.memref_slice %arg4[%add3A, %dma_wait3A_84] : memref<5120x64xi32, #tpu.memory_space<hbm>> -> memref<64x64xi32, #tpu.memory_space<hbm>>
          %dma_wait3A_86 = arith.constant 0 : i32
          %dma_wait3A_87 = tpu.memref_slice %arg4[%add3A, %dma_wait3A_86] : memref<5120x64xi32, #tpu.memory_space<hbm>> -> memref<64x64xi32, #tpu.memory_space<hbm>>
          tpu.wait_dma2 semaphore(%run_scoped3A : memref<!tpu.dma_semaphore, #tpu.memory_space<semaphore_mem>>) src(%dma_wait3A_87 : memref<64x64xi32, #tpu.memory_space<hbm>>) dst(%arg9 : memref<64x64xi32, #tpu.memory_space<vmem>>)
          tpu.yield
        }) : () -> ()
        %mul3A_25 = arith.constant 64 : i32
        %mul3A_26 = arith.muli %scan3A_22, %mul3A_25 : i32
        %add3A_27 = arith.addi %mul3A_11, %mul3A_26 : i32
        "tpu.region"() ({
          %run_scoped3A = tpu.sem_alloc : memref<!tpu.dma_semaphore, #tpu.memory_space<semaphore_mem>>
          %dma_start3A = arith.constant 0 : i32
          %dma_start3A_81 = tpu.memref_slice %arg5[%add3A_27, %dma_start3A] : memref<5120x64xi32, #tpu.memory_space<hbm>> -> memref<64x64xi32, #tpu.memory_space<hbm>>
          %dma_start3A_82 = arith.constant 0 : i32
          %dma_start3A_83 = tpu.memref_slice %arg5[%add3A_27, %dma_start3A_82] : memref<5120x64xi32, #tpu.memory_space<hbm>> -> memref<64x64xi32, #tpu.memory_space<hbm>>
          tpu.enqueue_dma source(%dma_start3A_83 : memref<64x64xi32, #tpu.memory_space<hbm>>) target(%arg10 : memref<64x64xi32, #tpu.memory_space<vmem>>) target_semaphore(%run_scoped3A : memref<!tpu.dma_semaphore, #tpu.memory_space<semaphore_mem>>)
          %dma_wait3A_84 = arith.constant 0 : i32
          %dma_wait3A_85 = tpu.memref_slice %arg5[%add3A_27, %dma_wait3A_84] : memref<5120x64xi32, #tpu.memory_space<hbm>> -> memref<64x64xi32, #tpu.memory_space<hbm>>
          %dma_wait3A_86 = arith.constant 0 : i32
          %dma_wait3A_87 = tpu.memref_slice %arg5[%add3A_27, %dma_wait3A_86] : memref<5120x64xi32, #tpu.memory_space<hbm>> -> memref<64x64xi32, #tpu.memory_space<hbm>>
          tpu.wait_dma2 semaphore(%run_scoped3A : memref<!tpu.dma_semaphore, #tpu.memory_space<semaphore_mem>>) src(%dma_wait3A_87 : memref<64x64xi32, #tpu.memory_space<hbm>>) dst(%arg10 : memref<64x64xi32, #tpu.memory_space<vmem>>)
          tpu.yield
        }) : () -> ()
        %scan3A_28 = arith.constant 0 : i32
        %scan3A_29 = arith.constant 0 : i32
        %scan3A_30 = arith.constant 16 : i32
        %scan3A_31 = arith.addi %scan3A_29, %scan3A_30 : i32
        %scan3A_32 = arith.constant 1 : i32
        scf.for %scan3A_81 = %scan3A_29 to %scan3A_31 step %scan3A_32  : i32 {
          %mul3A_82 = arith.constant 4 : i32
          %mul3A_83 = arith.muli %scan3A_81, %mul3A_82 : i32
          %add3A_84 = arith.constant 0 : i32
          %add3A_85 = arith.addi %mul3A_83, %add3A_84 : i32
          %gt3A = arith.constant 0 : i32
          %gt3A_86 = arith.cmpi sgt, %scan3A_81, %gt3A : i32
          %convert_element_type3A_87 = arith.extui %gt3A_86 : i1 to i32
          %cond3A_88 = arith.constant 0 : i32
          %cond3A_89 = arith.cmpi ne, %convert_element_type3A_87, %cond3A_88 : i32
          scf.if %cond3A_89 {
            %sub3A = arith.constant 4 : i32
            %sub3A_264 = arith.subi %add3A_85, %sub3A : i32
            %dma_wait3A_265 = arith.constant 0 : i32
            %dma_wait3A_266 = arith.constant 0 : i32
            %dma_wait3A_267 = arith.constant 0 : i32
            %dma_wait3A_268 = tpu.memref_slice %arg11[%dma_wait3A_265, %dma_wait3A_266, %dma_wait3A_267] : memref<4x64x128xf32, #tpu.memory_space<vmem>> -> memref<1x64x128xf32, #tpu.memory_space<vmem>>
            %dma_wait3A_269 = tpu.memref_squeeze %dma_wait3A_268 : memref<1x64x128xf32, #tpu.memory_space<vmem>> -> memref<64x128xf32, #tpu.memory_space<vmem>>
            %dma_wait3A_270 = arith.constant 0 : i32
            %dma_wait3A_271 = tpu.memref_slice %arg10[%sub3A_264, %dma_wait3A_270] : memref<64x64xi32, #tpu.memory_space<vmem>> -> memref<1x64xi32, #tpu.memory_space<vmem>>
            %dma_wait3A_272 = tpu.memref_squeeze %dma_wait3A_271 : memref<1x64xi32, #tpu.memory_space<vmem>> -> memref<64xi32, #tpu.memory_space<vmem>>
            %dma_wait3A_273 = arith.constant 0 : i32
            %dma_wait3A_274 = arith.constant 0 : i32
            %dma_wait3A_275 = tpu.memref_slice %arg12[%dma_wait3A_273, %dma_wait3A_274] : memref<10112x128xf32, #tpu.memory_space<vmem_shared>> -> memref<10112x128xf32, #tpu.memory_space<vmem_shared>>
            tpu.wait_indirect_dma semaphore(%arg17 : memref<!tpu.dma_semaphore, #tpu.memory_space<semaphore_mem>>) src(%dma_wait3A_269 : memref<64x128xf32, #tpu.memory_space<vmem>>) dst(%dma_wait3A_275 : memref<10112x128xf32, #tpu.memory_space<vmem_shared>>)
          } else {
          }
          %dma_start3A = arith.constant 0 : i32
          %dma_start3A_90 = arith.constant 0 : i32
          %dma_start3A_91 = arith.constant 0 : i32
          %dma_start3A_92 = tpu.memref_slice %arg11[%dma_start3A, %dma_start3A_90, %dma_start3A_91] : memref<4x64x128xf32, #tpu.memory_space<vmem>> -> memref<1x64x128xf32, #tpu.memory_space<vmem>>
          %dma_start3A_93 = tpu.memref_squeeze %dma_start3A_92 : memref<1x64x128xf32, #tpu.memory_space<vmem>> -> memref<64x128xf32, #tpu.memory_space<vmem>>
          %dma_start3A_94 = arith.constant 0 : i32
          %dma_start3A_95 = tpu.memref_slice %arg9[%add3A_85, %dma_start3A_94] : memref<64x64xi32, #tpu.memory_space<vmem>> -> memref<1x64xi32, #tpu.memory_space<vmem>>
          %dma_start3A_96 = tpu.memref_squeeze %dma_start3A_95 : memref<1x64xi32, #tpu.memory_space<vmem>> -> memref<64xi32, #tpu.memory_space<vmem>>
          %dma_start3A_97 = arith.constant 0 : i32
          %dma_start3A_98 = arith.constant 0 : i32
          %dma_start3A_99 = tpu.memref_slice %arg3[%dma_start3A_97, %dma_start3A_98] : memref<10000x128xf32, #tpu.memory_space<hbm>> -> memref<10000x128xf32, #tpu.memory_space<hbm>>
          tpu.enqueue_indirect_dma source(%dma_start3A_99 : memref<10000x128xf32, #tpu.memory_space<hbm>>) target(%dma_start3A_93 : memref<64x128xf32, #tpu.memory_space<vmem>>) offsets(%dma_start3A_96 : memref<64xi32, #tpu.memory_space<vmem>>) semaphore(%arg13 : memref<!tpu.dma_semaphore, #tpu.memory_space<semaphore_mem>>)
          %mul3A_100 = arith.constant 4 : i32
          %mul3A_101 = arith.muli %scan3A_81, %mul3A_100 : i32
          %add3A_102 = arith.constant 1 : i32
          %add3A_103 = arith.addi %mul3A_101, %add3A_102 : i32
          %gt3A_104 = arith.constant 0 : i32
          %gt3A_105 = arith.cmpi sgt, %scan3A_81, %gt3A_104 : i32
          %convert_element_type3A_106 = arith.extui %gt3A_105 : i1 to i32
          %cond3A_107 = arith.constant 0 : i32
          %cond3A_108 = arith.cmpi ne, %convert_element_type3A_106, %cond3A_107 : i32
          scf.if %cond3A_108 {
            %sub3A = arith.constant 4 : i32
            %sub3A_264 = arith.subi %add3A_103, %sub3A : i32
            %dma_wait3A_265 = arith.constant 1 : i32
            %dma_wait3A_266 = arith.constant 0 : i32
            %dma_wait3A_267 = arith.constant 0 : i32
            %dma_wait3A_268 = tpu.memref_slice %arg11[%dma_wait3A_265, %dma_wait3A_266, %dma_wait3A_267] : memref<4x64x128xf32, #tpu.memory_space<vmem>> -> memref<1x64x128xf32, #tpu.memory_space<vmem>>
            %dma_wait3A_269 = tpu.memref_squeeze %dma_wait3A_268 : memref<1x64x128xf32, #tpu.memory_space<vmem>> -> memref<64x128xf32, #tpu.memory_space<vmem>>
            %dma_wait3A_270 = arith.constant 0 : i32
            %dma_wait3A_271 = tpu.memref_slice %arg10[%sub3A_264, %dma_wait3A_270] : memref<64x64xi32, #tpu.memory_space<vmem>> -> memref<1x64xi32, #tpu.memory_space<vmem>>
            %dma_wait3A_272 = tpu.memref_squeeze %dma_wait3A_271 : memref<1x64xi32, #tpu.memory_space<vmem>> -> memref<64xi32, #tpu.memory_space<vmem>>
            %dma_wait3A_273 = arith.constant 0 : i32
            %dma_wait3A_274 = arith.constant 0 : i32
            %dma_wait3A_275 = tpu.memref_slice %arg12[%dma_wait3A_273, %dma_wait3A_274] : memref<10112x128xf32, #tpu.memory_space<vmem_shared>> -> memref<10112x128xf32, #tpu.memory_space<vmem_shared>>
            tpu.wait_indirect_dma semaphore(%arg18 : memref<!tpu.dma_semaphore, #tpu.memory_space<semaphore_mem>>) src(%dma_wait3A_269 : memref<64x128xf32, #tpu.memory_space<vmem>>) dst(%dma_wait3A_275 : memref<10112x128xf32, #tpu.memory_space<vmem_shared>>)
          } else {
          }
          %dma_start3A_109 = arith.constant 1 : i32
          %dma_start3A_110 = arith.constant 0 : i32
          %dma_start3A_111 = arith.constant 0 : i32
          %dma_start3A_112 = tpu.memref_slice %arg11[%dma_start3A_109, %dma_start3A_110, %dma_start3A_111] : memref<4x64x128xf32, #tpu.memory_space<vmem>> -> memref<1x64x128xf32, #tpu.memory_space<vmem>>
          %dma_start3A_113 = tpu.memref_squeeze %dma_start3A_112 : memref<1x64x128xf32, #tpu.memory_space<vmem>> -> memref<64x128xf32, #tpu.memory_space<vmem>>
          %dma_start3A_114 = arith.constant 0 : i32
          %dma_start3A_115 = tpu.memref_slice %arg9[%add3A_103, %dma_start3A_114] : memref<64x64xi32, #tpu.memory_space<vmem>> -> memref<1x64xi32, #tpu.memory_space<vmem>>
          %dma_start3A_116 = tpu.memref_squeeze %dma_start3A_115 : memref<1x64xi32, #tpu.memory_space<vmem>> -> memref<64xi32, #tpu.memory_space<vmem>>
          %dma_start3A_117 = arith.constant 0 : i32
          %dma_start3A_118 = arith.constant 0 : i32
          %dma_start3A_119 = tpu.memref_slice %arg3[%dma_start3A_117, %dma_start3A_118] : memref<10000x128xf32, #tpu.memory_space<hbm>> -> memref<10000x128xf32, #tpu.memory_space<hbm>>
          tpu.enqueue_indirect_dma source(%dma_start3A_119 : memref<10000x128xf32, #tpu.memory_space<hbm>>) target(%dma_start3A_113 : memref<64x128xf32, #tpu.memory_space<vmem>>) offsets(%dma_start3A_116 : memref<64xi32, #tpu.memory_space<vmem>>) semaphore(%arg14 : memref<!tpu.dma_semaphore, #tpu.memory_space<semaphore_mem>>)
          %mul3A_120 = arith.constant 4 : i32
          %mul3A_121 = arith.muli %scan3A_81, %mul3A_120 : i32
          %add3A_122 = arith.constant 2 : i32
          %add3A_123 = arith.addi %mul3A_121, %add3A_122 : i32
          %gt3A_124 = arith.constant 0 : i32
          %gt3A_125 = arith.cmpi sgt, %scan3A_81, %gt3A_124 : i32
          %convert_element_type3A_126 = arith.extui %gt3A_125 : i1 to i32
          %cond3A_127 = arith.constant 0 : i32
          %cond3A_128 = arith.cmpi ne, %convert_element_type3A_126, %cond3A_127 : i32
          scf.if %cond3A_128 {
            %sub3A = arith.constant 4 : i32
            %sub3A_264 = arith.subi %add3A_123, %sub3A : i32
            %dma_wait3A_265 = arith.constant 2 : i32
            %dma_wait3A_266 = arith.constant 0 : i32
            %dma_wait3A_267 = arith.constant 0 : i32
            %dma_wait3A_268 = tpu.memref_slice %arg11[%dma_wait3A_265, %dma_wait3A_266, %dma_wait3A_267] : memref<4x64x128xf32, #tpu.memory_space<vmem>> -> memref<1x64x128xf32, #tpu.memory_space<vmem>>
            %dma_wait3A_269 = tpu.memref_squeeze %dma_wait3A_268 : memref<1x64x128xf32, #tpu.memory_space<vmem>> -> memref<64x128xf32, #tpu.memory_space<vmem>>
            %dma_wait3A_270 = arith.constant 0 : i32
            %dma_wait3A_271 = tpu.memref_slice %arg10[%sub3A_264, %dma_wait3A_270] : memref<64x64xi32, #tpu.memory_space<vmem>> -> memref<1x64xi32, #tpu.memory_space<vmem>>
            %dma_wait3A_272 = tpu.memref_squeeze %dma_wait3A_271 : memref<1x64xi32, #tpu.memory_space<vmem>> -> memref<64xi32, #tpu.memory_space<vmem>>
            %dma_wait3A_273 = arith.constant 0 : i32
            %dma_wait3A_274 = arith.constant 0 : i32
            %dma_wait3A_275 = tpu.memref_slice %arg12[%dma_wait3A_273, %dma_wait3A_274] : memref<10112x128xf32, #tpu.memory_space<vmem_shared>> -> memref<10112x128xf32, #tpu.memory_space<vmem_shared>>
            tpu.wait_indirect_dma semaphore(%arg19 : memref<!tpu.dma_semaphore, #tpu.memory_space<semaphore_mem>>) src(%dma_wait3A_269 : memref<64x128xf32, #tpu.memory_space<vmem>>) dst(%dma_wait3A_275 : memref<10112x128xf32, #tpu.memory_space<vmem_shared>>)
          } else {
          }
          %dma_start3A_129 = arith.constant 2 : i32
          %dma_start3A_130 = arith.constant 0 : i32
          %dma_start3A_131 = arith.constant 0 : i32
          %dma_start3A_132 = tpu.memref_slice %arg11[%dma_start3A_129, %dma_start3A_130, %dma_start3A_131] : memref<4x64x128xf32, #tpu.memory_space<vmem>> -> memref<1x64x128xf32, #tpu.memory_space<vmem>>
          %dma_start3A_133 = tpu.memref_squeeze %dma_start3A_132 : memref<1x64x128xf32, #tpu.memory_space<vmem>> -> memref<64x128xf32, #tpu.memory_space<vmem>>
          %dma_start3A_134 = arith.constant 0 : i32
          %dma_start3A_135 = tpu.memref_slice %arg9[%add3A_123, %dma_start3A_134] : memref<64x64xi32, #tpu.memory_space<vmem>> -> memref<1x64xi32, #tpu.memory_space<vmem>>
          %dma_start3A_136 = tpu.memref_squeeze %dma_start3A_135 : memref<1x64xi32, #tpu.memory_space<vmem>> -> memref<64xi32, #tpu.memory_space<vmem>>
          %dma_start3A_137 = arith.constant 0 : i32
          %dma_start3A_138 = arith.constant 0 : i32
          %dma_start3A_139 = tpu.memref_slice %arg3[%dma_start3A_137, %dma_start3A_138] : memref<10000x128xf32, #tpu.memory_space<hbm>> -> memref<10000x128xf32, #tpu.memory_space<hbm>>
          tpu.enqueue_indirect_dma source(%dma_start3A_139 : memref<10000x128xf32, #tpu.memory_space<hbm>>) target(%dma_start3A_133 : memref<64x128xf32, #tpu.memory_space<vmem>>) offsets(%dma_start3A_136 : memref<64xi32, #tpu.memory_space<vmem>>) semaphore(%arg15 : memref<!tpu.dma_semaphore, #tpu.memory_space<semaphore_mem>>)
          %mul3A_140 = arith.constant 4 : i32
          %mul3A_141 = arith.muli %scan3A_81, %mul3A_140 : i32
          %add3A_142 = arith.constant 3 : i32
          %add3A_143 = arith.addi %mul3A_141, %add3A_142 : i32
          %gt3A_144 = arith.constant 0 : i32
          %gt3A_145 = arith.cmpi sgt, %scan3A_81, %gt3A_144 : i32
          %convert_element_type3A_146 = arith.extui %gt3A_145 : i1 to i32
          %cond3A_147 = arith.constant 0 : i32
          %cond3A_148 = arith.cmpi ne, %convert_element_type3A_146, %cond3A_147 : i32
          scf.if %cond3A_148 {
            %sub3A = arith.constant 4 : i32
            %sub3A_264 = arith.subi %add3A_143, %sub3A : i32
            %dma_wait3A_265 = arith.constant 3 : i32
            %dma_wait3A_266 = arith.constant 0 : i32
            %dma_wait3A_267 = arith.constant 0 : i32
            %dma_wait3A_268 = tpu.memref_slice %arg11[%dma_wait3A_265, %dma_wait3A_266, %dma_wait3A_267] : memref<4x64x128xf32, #tpu.memory_space<vmem>> -> memref<1x64x128xf32, #tpu.memory_space<vmem>>
            %dma_wait3A_269 = tpu.memref_squeeze %dma_wait3A_268 : memref<1x64x128xf32, #tpu.memory_space<vmem>> -> memref<64x128xf32, #tpu.memory_space<vmem>>
            %dma_wait3A_270 = arith.constant 0 : i32
            %dma_wait3A_271 = tpu.memref_slice %arg10[%sub3A_264, %dma_wait3A_270] : memref<64x64xi32, #tpu.memory_space<vmem>> -> memref<1x64xi32, #tpu.memory_space<vmem>>
            %dma_wait3A_272 = tpu.memref_squeeze %dma_wait3A_271 : memref<1x64xi32, #tpu.memory_space<vmem>> -> memref<64xi32, #tpu.memory_space<vmem>>
            %dma_wait3A_273 = arith.constant 0 : i32
            %dma_wait3A_274 = arith.constant 0 : i32
            %dma_wait3A_275 = tpu.memref_slice %arg12[%dma_wait3A_273, %dma_wait3A_274] : memref<10112x128xf32, #tpu.memory_space<vmem_shared>> -> memref<10112x128xf32, #tpu.memory_space<vmem_shared>>
            tpu.wait_indirect_dma semaphore(%arg20 : memref<!tpu.dma_semaphore, #tpu.memory_space<semaphore_mem>>) src(%dma_wait3A_269 : memref<64x128xf32, #tpu.memory_space<vmem>>) dst(%dma_wait3A_275 : memref<10112x128xf32, #tpu.memory_space<vmem_shared>>)
          } else {
          }
          %dma_start3A_149 = arith.constant 3 : i32
          %dma_start3A_150 = arith.constant 0 : i32
          %dma_start3A_151 = arith.constant 0 : i32
          %dma_start3A_152 = tpu.memref_slice %arg11[%dma_start3A_149, %dma_start3A_150, %dma_start3A_151] : memref<4x64x128xf32, #tpu.memory_space<vmem>> -> memref<1x64x128xf32, #tpu.memory_space<vmem>>
          %dma_start3A_153 = tpu.memref_squeeze %dma_start3A_152 : memref<1x64x128xf32, #tpu.memory_space<vmem>> -> memref<64x128xf32, #tpu.memory_space<vmem>>
          %dma_start3A_154 = arith.constant 0 : i32
          %dma_start3A_155 = tpu.memref_slice %arg9[%add3A_143, %dma_start3A_154] : memref<64x64xi32, #tpu.memory_space<vmem>> -> memref<1x64xi32, #tpu.memory_space<vmem>>
          %dma_start3A_156 = tpu.memref_squeeze %dma_start3A_155 : memref<1x64xi32, #tpu.memory_space<vmem>> -> memref<64xi32, #tpu.memory_space<vmem>>
          %dma_start3A_157 = arith.constant 0 : i32
          %dma_start3A_158 = arith.constant 0 : i32
          %dma_start3A_159 = tpu.memref_slice %arg3[%dma_start3A_157, %dma_start3A_158] : memref<10000x128xf32, #tpu.memory_space<hbm>> -> memref<10000x128xf32, #tpu.memory_space<hbm>>
          tpu.enqueue_indirect_dma source(%dma_start3A_159 : memref<10000x128xf32, #tpu.memory_space<hbm>>) target(%dma_start3A_153 : memref<64x128xf32, #tpu.memory_space<vmem>>) offsets(%dma_start3A_156 : memref<64xi32, #tpu.memory_space<vmem>>) semaphore(%arg16 : memref<!tpu.dma_semaphore, #tpu.memory_space<semaphore_mem>>)
          %mul3A_160 = arith.constant 4 : i32
          %mul3A_161 = arith.muli %scan3A_81, %mul3A_160 : i32
          %add3A_162 = arith.constant 0 : i32
          %add3A_163 = arith.addi %mul3A_161, %add3A_162 : i32
          %dma_wait3A_164 = arith.constant 0 : i32
          %dma_wait3A_165 = arith.constant 0 : i32
          %dma_wait3A_166 = arith.constant 0 : i32
          %dma_wait3A_167 = tpu.memref_slice %arg11[%dma_wait3A_164, %dma_wait3A_165, %dma_wait3A_166] : memref<4x64x128xf32, #tpu.memory_space<vmem>> -> memref<1x64x128xf32, #tpu.memory_space<vmem>>
          %dma_wait3A_168 = tpu.memref_squeeze %dma_wait3A_167 : memref<1x64x128xf32, #tpu.memory_space<vmem>> -> memref<64x128xf32, #tpu.memory_space<vmem>>
          %dma_wait3A_169 = arith.constant 0 : i32
          %dma_wait3A_170 = tpu.memref_slice %arg9[%add3A_163, %dma_wait3A_169] : memref<64x64xi32, #tpu.memory_space<vmem>> -> memref<1x64xi32, #tpu.memory_space<vmem>>
          %dma_wait3A_171 = tpu.memref_squeeze %dma_wait3A_170 : memref<1x64xi32, #tpu.memory_space<vmem>> -> memref<64xi32, #tpu.memory_space<vmem>>
          %dma_wait3A_172 = arith.constant 0 : i32
          %dma_wait3A_173 = arith.constant 0 : i32
          %dma_wait3A_174 = tpu.memref_slice %arg3[%dma_wait3A_172, %dma_wait3A_173] : memref<10000x128xf32, #tpu.memory_space<hbm>> -> memref<10000x128xf32, #tpu.memory_space<hbm>>
          tpu.wait_indirect_dma semaphore(%arg13 : memref<!tpu.dma_semaphore, #tpu.memory_space<semaphore_mem>>) src(%dma_wait3A_174 : memref<10000x128xf32, #tpu.memory_space<hbm>>) dst(%dma_wait3A_168 : memref<64x128xf32, #tpu.memory_space<vmem>>)
          %dma_start3A_175 = arith.constant 0 : i32
          %dma_start3A_176 = arith.constant 0 : i32
          %dma_start3A_177 = arith.constant 0 : i32
          %dma_start3A_178 = tpu.memref_slice %arg11[%dma_start3A_175, %dma_start3A_176, %dma_start3A_177] : memref<4x64x128xf32, #tpu.memory_space<vmem>> -> memref<1x64x128xf32, #tpu.memory_space<vmem>>
          %dma_start3A_179 = tpu.memref_squeeze %dma_start3A_178 : memref<1x64x128xf32, #tpu.memory_space<vmem>> -> memref<64x128xf32, #tpu.memory_space<vmem>>
          %dma_start3A_180 = arith.constant 0 : i32
          %dma_start3A_181 = tpu.memref_slice %arg10[%add3A_163, %dma_start3A_180] : memref<64x64xi32, #tpu.memory_space<vmem>> -> memref<1x64xi32, #tpu.memory_space<vmem>>
          %dma_start3A_182 = tpu.memref_squeeze %dma_start3A_181 : memref<1x64xi32, #tpu.memory_space<vmem>> -> memref<64xi32, #tpu.memory_space<vmem>>
          %dma_start3A_183 = arith.constant 0 : i32
          %dma_start3A_184 = arith.constant 0 : i32
          %dma_start3A_185 = tpu.memref_slice %arg12[%dma_start3A_183, %dma_start3A_184] : memref<10112x128xf32, #tpu.memory_space<vmem_shared>> -> memref<10112x128xf32, #tpu.memory_space<vmem_shared>>
          tpu.enqueue_indirect_dma source(%dma_start3A_179 : memref<64x128xf32, #tpu.memory_space<vmem>>) target(%dma_start3A_185 : memref<10112x128xf32, #tpu.memory_space<vmem_shared>>) offsets(%dma_start3A_182 : memref<64xi32, #tpu.memory_space<vmem>>) semaphore(%arg17 : memref<!tpu.dma_semaphore, #tpu.memory_space<semaphore_mem>>) {add = true}
          %mul3A_186 = arith.constant 4 : i32
          %mul3A_187 = arith.muli %scan3A_81, %mul3A_186 : i32
          %add3A_188 = arith.constant 1 : i32
          %add3A_189 = arith.addi %mul3A_187, %add3A_188 : i32
          %dma_wait3A_190 = arith.constant 1 : i32
          %dma_wait3A_191 = arith.constant 0 : i32
          %dma_wait3A_192 = arith.constant 0 : i32
          %dma_wait3A_193 = tpu.memref_slice %arg11[%dma_wait3A_190, %dma_wait3A_191, %dma_wait3A_192] : memref<4x64x128xf32, #tpu.memory_space<vmem>> -> memref<1x64x128xf32, #tpu.memory_space<vmem>>
          %dma_wait3A_194 = tpu.memref_squeeze %dma_wait3A_193 : memref<1x64x128xf32, #tpu.memory_space<vmem>> -> memref<64x128xf32, #tpu.memory_space<vmem>>
          %dma_wait3A_195 = arith.constant 0 : i32
          %dma_wait3A_196 = tpu.memref_slice %arg9[%add3A_189, %dma_wait3A_195] : memref<64x64xi32, #tpu.memory_space<vmem>> -> memref<1x64xi32, #tpu.memory_space<vmem>>
          %dma_wait3A_197 = tpu.memref_squeeze %dma_wait3A_196 : memref<1x64xi32, #tpu.memory_space<vmem>> -> memref<64xi32, #tpu.memory_space<vmem>>
          %dma_wait3A_198 = arith.constant 0 : i32
          %dma_wait3A_199 = arith.constant 0 : i32
          %dma_wait3A_200 = tpu.memref_slice %arg3[%dma_wait3A_198, %dma_wait3A_199] : memref<10000x128xf32, #tpu.memory_space<hbm>> -> memref<10000x128xf32, #tpu.memory_space<hbm>>
          tpu.wait_indirect_dma semaphore(%arg14 : memref<!tpu.dma_semaphore, #tpu.memory_space<semaphore_mem>>) src(%dma_wait3A_200 : memref<10000x128xf32, #tpu.memory_space<hbm>>) dst(%dma_wait3A_194 : memref<64x128xf32, #tpu.memory_space<vmem>>)
          %dma_start3A_201 = arith.constant 1 : i32
          %dma_start3A_202 = arith.constant 0 : i32
          %dma_start3A_203 = arith.constant 0 : i32
          %dma_start3A_204 = tpu.memref_slice %arg11[%dma_start3A_201, %dma_start3A_202, %dma_start3A_203] : memref<4x64x128xf32, #tpu.memory_space<vmem>> -> memref<1x64x128xf32, #tpu.memory_space<vmem>>
          %dma_start3A_205 = tpu.memref_squeeze %dma_start3A_204 : memref<1x64x128xf32, #tpu.memory_space<vmem>> -> memref<64x128xf32, #tpu.memory_space<vmem>>
          %dma_start3A_206 = arith.constant 0 : i32
          %dma_start3A_207 = tpu.memref_slice %arg10[%add3A_189, %dma_start3A_206] : memref<64x64xi32, #tpu.memory_space<vmem>> -> memref<1x64xi32, #tpu.memory_space<vmem>>
          %dma_start3A_208 = tpu.memref_squeeze %dma_start3A_207 : memref<1x64xi32, #tpu.memory_space<vmem>> -> memref<64xi32, #tpu.memory_space<vmem>>
          %dma_start3A_209 = arith.constant 0 : i32
          %dma_start3A_210 = arith.constant 0 : i32
          %dma_start3A_211 = tpu.memref_slice %arg12[%dma_start3A_209, %dma_start3A_210] : memref<10112x128xf32, #tpu.memory_space<vmem_shared>> -> memref<10112x128xf32, #tpu.memory_space<vmem_shared>>
          tpu.enqueue_indirect_dma source(%dma_start3A_205 : memref<64x128xf32, #tpu.memory_space<vmem>>) target(%dma_start3A_211 : memref<10112x128xf32, #tpu.memory_space<vmem_shared>>) offsets(%dma_start3A_208 : memref<64xi32, #tpu.memory_space<vmem>>) semaphore(%arg18 : memref<!tpu.dma_semaphore, #tpu.memory_space<semaphore_mem>>) {add = true}
          %mul3A_212 = arith.constant 4 : i32
          %mul3A_213 = arith.muli %scan3A_81, %mul3A_212 : i32
          %add3A_214 = arith.constant 2 : i32
          %add3A_215 = arith.addi %mul3A_213, %add3A_214 : i32
          %dma_wait3A_216 = arith.constant 2 : i32
          %dma_wait3A_217 = arith.constant 0 : i32
          %dma_wait3A_218 = arith.constant 0 : i32
          %dma_wait3A_219 = tpu.memref_slice %arg11[%dma_wait3A_216, %dma_wait3A_217, %dma_wait3A_218] : memref<4x64x128xf32, #tpu.memory_space<vmem>> -> memref<1x64x128xf32, #tpu.memory_space<vmem>>
          %dma_wait3A_220 = tpu.memref_squeeze %dma_wait3A_219 : memref<1x64x128xf32, #tpu.memory_space<vmem>> -> memref<64x128xf32, #tpu.memory_space<vmem>>
          %dma_wait3A_221 = arith.constant 0 : i32
          %dma_wait3A_222 = tpu.memref_slice %arg9[%add3A_215, %dma_wait3A_221] : memref<64x64xi32, #tpu.memory_space<vmem>> -> memref<1x64xi32, #tpu.memory_space<vmem>>
          %dma_wait3A_223 = tpu.memref_squeeze %dma_wait3A_222 : memref<1x64xi32, #tpu.memory_space<vmem>> -> memref<64xi32, #tpu.memory_space<vmem>>
          %dma_wait3A_224 = arith.constant 0 : i32
          %dma_wait3A_225 = arith.constant 0 : i32
          %dma_wait3A_226 = tpu.memref_slice %arg3[%dma_wait3A_224, %dma_wait3A_225] : memref<10000x128xf32, #tpu.memory_space<hbm>> -> memref<10000x128xf32, #tpu.memory_space<hbm>>
          tpu.wait_indirect_dma semaphore(%arg15 : memref<!tpu.dma_semaphore, #tpu.memory_space<semaphore_mem>>) src(%dma_wait3A_226 : memref<10000x128xf32, #tpu.memory_space<hbm>>) dst(%dma_wait3A_220 : memref<64x128xf32, #tpu.memory_space<vmem>>)
          %dma_start3A_227 = arith.constant 2 : i32
          %dma_start3A_228 = arith.constant 0 : i32
          %dma_start3A_229 = arith.constant 0 : i32
          %dma_start3A_230 = tpu.memref_slice %arg11[%dma_start3A_227, %dma_start3A_228, %dma_start3A_229] : memref<4x64x128xf32, #tpu.memory_space<vmem>> -> memref<1x64x128xf32, #tpu.memory_space<vmem>>
          %dma_start3A_231 = tpu.memref_squeeze %dma_start3A_230 : memref<1x64x128xf32, #tpu.memory_space<vmem>> -> memref<64x128xf32, #tpu.memory_space<vmem>>
          %dma_start3A_232 = arith.constant 0 : i32
          %dma_start3A_233 = tpu.memref_slice %arg10[%add3A_215, %dma_start3A_232] : memref<64x64xi32, #tpu.memory_space<vmem>> -> memref<1x64xi32, #tpu.memory_space<vmem>>
          %dma_start3A_234 = tpu.memref_squeeze %dma_start3A_233 : memref<1x64xi32, #tpu.memory_space<vmem>> -> memref<64xi32, #tpu.memory_space<vmem>>
          %dma_start3A_235 = arith.constant 0 : i32
          %dma_start3A_236 = arith.constant 0 : i32
          %dma_start3A_237 = tpu.memref_slice %arg12[%dma_start3A_235, %dma_start3A_236] : memref<10112x128xf32, #tpu.memory_space<vmem_shared>> -> memref<10112x128xf32, #tpu.memory_space<vmem_shared>>
          tpu.enqueue_indirect_dma source(%dma_start3A_231 : memref<64x128xf32, #tpu.memory_space<vmem>>) target(%dma_start3A_237 : memref<10112x128xf32, #tpu.memory_space<vmem_shared>>) offsets(%dma_start3A_234 : memref<64xi32, #tpu.memory_space<vmem>>) semaphore(%arg19 : memref<!tpu.dma_semaphore, #tpu.memory_space<semaphore_mem>>) {add = true}
          %mul3A_238 = arith.constant 4 : i32
          %mul3A_239 = arith.muli %scan3A_81, %mul3A_238 : i32
          %add3A_240 = arith.constant 3 : i32
          %add3A_241 = arith.addi %mul3A_239, %add3A_240 : i32
          %dma_wait3A_242 = arith.constant 3 : i32
          %dma_wait3A_243 = arith.constant 0 : i32
          %dma_wait3A_244 = arith.constant 0 : i32
          %dma_wait3A_245 = tpu.memref_slice %arg11[%dma_wait3A_242, %dma_wait3A_243, %dma_wait3A_244] : memref<4x64x128xf32, #tpu.memory_space<vmem>> -> memref<1x64x128xf32, #tpu.memory_space<vmem>>
          %dma_wait3A_246 = tpu.memref_squeeze %dma_wait3A_245 : memref<1x64x128xf32, #tpu.memory_space<vmem>> -> memref<64x128xf32, #tpu.memory_space<vmem>>
          %dma_wait3A_247 = arith.constant 0 : i32
          %dma_wait3A_248 = tpu.memref_slice %arg9[%add3A_241, %dma_wait3A_247] : memref<64x64xi32, #tpu.memory_space<vmem>> -> memref<1x64xi32, #tpu.memory_space<vmem>>
          %dma_wait3A_249 = tpu.memref_squeeze %dma_wait3A_248 : memref<1x64xi32, #tpu.memory_space<vmem>> -> memref<64xi32, #tpu.memory_space<vmem>>
          %dma_wait3A_250 = arith.constant 0 : i32
          %dma_wait3A_251 = arith.constant 0 : i32
          %dma_wait3A_252 = tpu.memref_slice %arg3[%dma_wait3A_250, %dma_wait3A_251] : memref<10000x128xf32, #tpu.memory_space<hbm>> -> memref<10000x128xf32, #tpu.memory_space<hbm>>
          tpu.wait_indirect_dma semaphore(%arg16 : memref<!tpu.dma_semaphore, #tpu.memory_space<semaphore_mem>>) src(%dma_wait3A_252 : memref<10000x128xf32, #tpu.memory_space<hbm>>) dst(%dma_wait3A_246 : memref<64x128xf32, #tpu.memory_space<vmem>>)
          %dma_start3A_253 = arith.constant 3 : i32
          %dma_start3A_254 = arith.constant 0 : i32
          %dma_start3A_255 = arith.constant 0 : i32
          %dma_start3A_256 = tpu.memref_slice %arg11[%dma_start3A_253, %dma_start3A_254, %dma_start3A_255] : memref<4x64x128xf32, #tpu.memory_space<vmem>> -> memref<1x64x128xf32, #tpu.memory_space<vmem>>
          %dma_start3A_257 = tpu.memref_squeeze %dma_start3A_256 : memref<1x64x128xf32, #tpu.memory_space<vmem>> -> memref<64x128xf32, #tpu.memory_space<vmem>>
          %dma_start3A_258 = arith.constant 0 : i32
          %dma_start3A_259 = tpu.memref_slice %arg10[%add3A_241, %dma_start3A_258] : memref<64x64xi32, #tpu.memory_space<vmem>> -> memref<1x64xi32, #tpu.memory_space<vmem>>
          %dma_start3A_260 = tpu.memref_squeeze %dma_start3A_259 : memref<1x64xi32, #tpu.memory_space<vmem>> -> memref<64xi32, #tpu.memory_space<vmem>>
          %dma_start3A_261 = arith.constant 0 : i32
          %dma_start3A_262 = arith.constant 0 : i32
          %dma_start3A_263 = tpu.memref_slice %arg12[%dma_start3A_261, %dma_start3A_262] : memref<10112x128xf32, #tpu.memory_space<vmem_shared>> -> memref<10112x128xf32, #tpu.memory_space<vmem_shared>>
          tpu.enqueue_indirect_dma source(%dma_start3A_257 : memref<64x128xf32, #tpu.memory_space<vmem>>) target(%dma_start3A_263 : memref<10112x128xf32, #tpu.memory_space<vmem_shared>>) offsets(%dma_start3A_260 : memref<64xi32, #tpu.memory_space<vmem>>) semaphore(%arg20 : memref<!tpu.dma_semaphore, #tpu.memory_space<semaphore_mem>>) {add = true}
        }
        %scan3A_33 = arith.constant 16 : i32
        %dma_wait3A = arith.constant 0 : i32
        %dma_wait3A_34 = arith.constant 0 : i32
        %dma_wait3A_35 = arith.constant 0 : i32
        %dma_wait3A_36 = arith.constant 0 : i32
        %dma_wait3A_37 = tpu.memref_slice %arg11[%dma_wait3A, %dma_wait3A_35, %dma_wait3A_36] : memref<4x64x128xf32, #tpu.memory_space<vmem>> -> memref<1x64x128xf32, #tpu.memory_space<vmem>>
        %dma_wait3A_38 = tpu.memref_squeeze %dma_wait3A_37 : memref<1x64x128xf32, #tpu.memory_space<vmem>> -> memref<64x128xf32, #tpu.memory_space<vmem>>
        %dma_wait3A_39 = arith.constant 0 : i32
        %dma_wait3A_40 = tpu.memref_slice %arg10[%dma_wait3A_34, %dma_wait3A_39] : memref<64x64xi32, #tpu.memory_space<vmem>> -> memref<1x64xi32, #tpu.memory_space<vmem>>
        %dma_wait3A_41 = tpu.memref_squeeze %dma_wait3A_40 : memref<1x64xi32, #tpu.memory_space<vmem>> -> memref<64xi32, #tpu.memory_space<vmem>>
        %dma_wait3A_42 = arith.constant 0 : i32
        %dma_wait3A_43 = arith.constant 0 : i32
        %dma_wait3A_44 = tpu.memref_slice %arg12[%dma_wait3A_42, %dma_wait3A_43] : memref<10112x128xf32, #tpu.memory_space<vmem_shared>> -> memref<10112x128xf32, #tpu.memory_space<vmem_shared>>
        tpu.wait_indirect_dma semaphore(%arg17 : memref<!tpu.dma_semaphore, #tpu.memory_space<semaphore_mem>>) src(%dma_wait3A_38 : memref<64x128xf32, #tpu.memory_space<vmem>>) dst(%dma_wait3A_44 : memref<10112x128xf32, #tpu.memory_space<vmem_shared>>)
        %dma_wait3A_45 = arith.constant 1 : i32
        %dma_wait3A_46 = arith.constant 1 : i32
        %dma_wait3A_47 = arith.constant 0 : i32
        %dma_wait3A_48 = arith.constant 0 : i32
        %dma_wait3A_49 = tpu.memref_slice %arg11[%dma_wait3A_45, %dma_wait3A_47, %dma_wait3A_48] : memref<4x64x128xf32, #tpu.memory_space<vmem>> -> memref<1x64x128xf32, #tpu.memory_space<vmem>>
        %dma_wait3A_50 = tpu.memref_squeeze %dma_wait3A_49 : memref<1x64x128xf32, #tpu.memory_space<vmem>> -> memref<64x128xf32, #tpu.memory_space<vmem>>
        %dma_wait3A_51 = arith.constant 0 : i32
        %dma_wait3A_52 = tpu.memref_slice %arg10[%dma_wait3A_46, %dma_wait3A_51] : memref<64x64xi32, #tpu.memory_space<vmem>> -> memref<1x64xi32, #tpu.memory_space<vmem>>
        %dma_wait3A_53 = tpu.memref_squeeze %dma_wait3A_52 : memref<1x64xi32, #tpu.memory_space<vmem>> -> memref<64xi32, #tpu.memory_space<vmem>>
        %dma_wait3A_54 = arith.constant 0 : i32
        %dma_wait3A_55 = arith.constant 0 : i32
        %dma_wait3A_56 = tpu.memref_slice %arg12[%dma_wait3A_54, %dma_wait3A_55] : memref<10112x128xf32, #tpu.memory_space<vmem_shared>> -> memref<10112x128xf32, #tpu.memory_space<vmem_shared>>
        tpu.wait_indirect_dma semaphore(%arg18 : memref<!tpu.dma_semaphore, #tpu.memory_space<semaphore_mem>>) src(%dma_wait3A_50 : memref<64x128xf32, #tpu.memory_space<vmem>>) dst(%dma_wait3A_56 : memref<10112x128xf32, #tpu.memory_space<vmem_shared>>)
        %dma_wait3A_57 = arith.constant 2 : i32
        %dma_wait3A_58 = arith.constant 2 : i32
        %dma_wait3A_59 = arith.constant 0 : i32
        %dma_wait3A_60 = arith.constant 0 : i32
        %dma_wait3A_61 = tpu.memref_slice %arg11[%dma_wait3A_57, %dma_wait3A_59, %dma_wait3A_60] : memref<4x64x128xf32, #tpu.memory_space<vmem>> -> memref<1x64x128xf32, #tpu.memory_space<vmem>>
        %dma_wait3A_62 = tpu.memref_squeeze %dma_wait3A_61 : memref<1x64x128xf32, #tpu.memory_space<vmem>> -> memref<64x128xf32, #tpu.memory_space<vmem>>
        %dma_wait3A_63 = arith.constant 0 : i32
        %dma_wait3A_64 = tpu.memref_slice %arg10[%dma_wait3A_58, %dma_wait3A_63] : memref<64x64xi32, #tpu.memory_space<vmem>> -> memref<1x64xi32, #tpu.memory_space<vmem>>
        %dma_wait3A_65 = tpu.memref_squeeze %dma_wait3A_64 : memref<1x64xi32, #tpu.memory_space<vmem>> -> memref<64xi32, #tpu.memory_space<vmem>>
        %dma_wait3A_66 = arith.constant 0 : i32
        %dma_wait3A_67 = arith.constant 0 : i32
        %dma_wait3A_68 = tpu.memref_slice %arg12[%dma_wait3A_66, %dma_wait3A_67] : memref<10112x128xf32, #tpu.memory_space<vmem_shared>> -> memref<10112x128xf32, #tpu.memory_space<vmem_shared>>
        tpu.wait_indirect_dma semaphore(%arg19 : memref<!tpu.dma_semaphore, #tpu.memory_space<semaphore_mem>>) src(%dma_wait3A_62 : memref<64x128xf32, #tpu.memory_space<vmem>>) dst(%dma_wait3A_68 : memref<10112x128xf32, #tpu.memory_space<vmem_shared>>)
        %dma_wait3A_69 = arith.constant 3 : i32
        %dma_wait3A_70 = arith.constant 3 : i32
        %dma_wait3A_71 = arith.constant 0 : i32
        %dma_wait3A_72 = arith.constant 0 : i32
        %dma_wait3A_73 = tpu.memref_slice %arg11[%dma_wait3A_69, %dma_wait3A_71, %dma_wait3A_72] : memref<4x64x128xf32, #tpu.memory_space<vmem>> -> memref<1x64x128xf32, #tpu.memory_space<vmem>>
        %dma_wait3A_74 = tpu.memref_squeeze %dma_wait3A_73 : memref<1x64x128xf32, #tpu.memory_space<vmem>> -> memref<64x128xf32, #tpu.memory_space<vmem>>
        %dma_wait3A_75 = arith.constant 0 : i32
        %dma_wait3A_76 = tpu.memref_slice %arg10[%dma_wait3A_70, %dma_wait3A_75] : memref<64x64xi32, #tpu.memory_space<vmem>> -> memref<1x64xi32, #tpu.memory_space<vmem>>
        %dma_wait3A_77 = tpu.memref_squeeze %dma_wait3A_76 : memref<1x64xi32, #tpu.memory_space<vmem>> -> memref<64xi32, #tpu.memory_space<vmem>>
        %dma_wait3A_78 = arith.constant 0 : i32
        %dma_wait3A_79 = arith.constant 0 : i32
        %dma_wait3A_80 = tpu.memref_slice %arg12[%dma_wait3A_78, %dma_wait3A_79] : memref<10112x128xf32, #tpu.memory_space<vmem_shared>> -> memref<10112x128xf32, #tpu.memory_space<vmem_shared>>
        tpu.wait_indirect_dma semaphore(%arg20 : memref<!tpu.dma_semaphore, #tpu.memory_space<semaphore_mem>>) src(%dma_wait3A_74 : memref<64x128xf32, #tpu.memory_space<vmem>>) dst(%dma_wait3A_80 : memref<10112x128xf32, #tpu.memory_space<vmem_shared>>)
      }
      %scan3A_16 = arith.constant 5 : i32
      %barrier3A_17 = arith.constant 0 : index
      tpu.barrier barrier_id(%barrier3A_17)
      %mul3A_18 = arith.constant 632 : i32
      %mul3A_19 = arith.muli %arg1, %mul3A_18 : i32
      %mul3A_20 = arith.constant 632 : i32
      %mul3A_21 = arith.muli %arg1, %mul3A_20 : i32
      "tpu.region"() ({
        %run_scoped3A = tpu.sem_alloc : memref<!tpu.dma_semaphore, #tpu.memory_space<semaphore_mem>>
        %dma_start3A = arith.constant 0 : i32
        %dma_start3A_22 = tpu.memref_slice %arg8[%mul3A_21, %dma_start3A] : memref<10112x128xf32, #tpu.memory_space<hbm>> -> memref<632x128xf32, #tpu.memory_space<hbm>>
        %dma_start3A_23 = arith.constant 0 : i32
        %dma_start3A_24 = tpu.memref_slice %arg12[%mul3A_19, %dma_start3A_23] : memref<10112x128xf32, #tpu.memory_space<vmem_shared>> -> memref<632x128xf32, #tpu.memory_space<vmem_shared>>
        tpu.enqueue_dma source(%dma_start3A_24 : memref<632x128xf32, #tpu.memory_space<vmem_shared>>) target(%dma_start3A_22 : memref<632x128xf32, #tpu.memory_space<hbm>>) target_semaphore(%run_scoped3A : memref<!tpu.dma_semaphore, #tpu.memory_space<semaphore_mem>>)
        %dma_wait3A = arith.constant 0 : i32
        %dma_wait3A_25 = tpu.memref_slice %arg8[%mul3A_21, %dma_wait3A] : memref<10112x128xf32, #tpu.memory_space<hbm>> -> memref<632x128xf32, #tpu.memory_space<hbm>>
        %dma_wait3A_26 = arith.constant 0 : i32
        %dma_wait3A_27 = tpu.memref_slice %arg12[%mul3A_19, %dma_wait3A_26] : memref<10112x128xf32, #tpu.memory_space<vmem_shared>> -> memref<632x128xf32, #tpu.memory_space<vmem_shared>>
        tpu.wait_dma2 semaphore(%run_scoped3A : memref<!tpu.dma_semaphore, #tpu.memory_space<semaphore_mem>>) src(%dma_wait3A_27 : memref<632x128xf32, #tpu.memory_space<vmem_shared>>) dst(%dma_wait3A_25 : memref<632x128xf32, #tpu.memory_space<hbm>>)
        tpu.yield
      }) : () -> ()
    } else {
    }
    return
  }
}

#map = affine_map<(d0, d1) -> (0, 0)>
module attributes {stable_mosaic.version = 14 : i64} {
  func.func @_agg_kernel(%arg0: i32, %arg1: i32, %arg2: memref<10000x128xf32, #tpu.memory_space<hbm>>, %arg3: memref<10000x128xf32, #tpu.memory_space<hbm>>, %arg4: memref<5120x64xi32, #tpu.memory_space<hbm>>, %arg5: memref<5120x64xi32, #tpu.memory_space<hbm>>, %arg6: memref<10112x128xf32, #tpu.memory_space<hbm>>, %arg7: memref<10112x128xf32, #tpu.memory_space<hbm>>, %arg8: memref<10112x128xf32, #tpu.memory_space<hbm>>, %arg9: memref<64x64xi32, #tpu.memory_space<vmem>>, %arg10: memref<64x64xi32, #tpu.memory_space<vmem>>, %arg11: memref<4x64x128xf32, #tpu.memory_space<vmem>>, %arg12: memref<10112x128xf32, #tpu.memory_space<vmem_shared>>, %arg13: memref<!tpu.dma_semaphore, #tpu.memory_space<semaphore_mem>>, %arg14: memref<!tpu.dma_semaphore, #tpu.memory_space<semaphore_mem>>, %arg15: memref<!tpu.dma_semaphore, #tpu.memory_space<semaphore_mem>>, %arg16: memref<!tpu.dma_semaphore, #tpu.memory_space<semaphore_mem>>, %arg17: memref<!tpu.dma_semaphore, #tpu.memory_space<semaphore_mem>>, %arg18: memref<!tpu.dma_semaphore, #tpu.memory_space<semaphore_mem>>, %arg19: memref<!tpu.dma_semaphore, #tpu.memory_space<semaphore_mem>>, %arg20: memref<!tpu.dma_semaphore, #tpu.memory_space<semaphore_mem>>) attributes {dimension_semantics = [#tpu.dimension_semantics<core_parallel>, #tpu.dimension_semantics<subcore_parallel>], iteration_bounds = array<i64: 2, 16>, scalar_prefetch = 0 : i64, scratch_operands = 12 : i64, tpu.core_type = #tpu.core_type<sc_vector_subcore>, window_params = [{transform_indices = #map}, {transform_indices = #map}, {transform_indices = #map}, {transform_indices = #map}, {transform_indices = #map}, {transform_indices = #map}, {transform_indices = #map}]} {
    %mul3A = arith.constant 632 : i32
    %mul3A_0 = arith.muli %arg1, %mul3A : i32
    %mul3A_1 = arith.constant 632 : i32
    %mul3A_2 = arith.muli %arg1, %mul3A_1 : i32
    "tpu.region"() ({
      %run_scoped3A = tpu.sem_alloc : memref<!tpu.dma_semaphore, #tpu.memory_space<semaphore_mem>>
      %dma_start3A = arith.constant 0 : i32
      %dma_start3A_10 = tpu.memref_slice %arg12[%mul3A_2, %dma_start3A] : memref<10112x128xf32, #tpu.memory_space<vmem_shared>> -> memref<632x128xf32, #tpu.memory_space<vmem_shared>>
      %dma_start3A_11 = arith.constant 0 : i32
      %dma_start3A_12 = tpu.memref_slice %arg6[%mul3A_0, %dma_start3A_11] : memref<10112x128xf32, #tpu.memory_space<hbm>> -> memref<632x128xf32, #tpu.memory_space<hbm>>
      tpu.enqueue_dma source(%dma_start3A_12 : memref<632x128xf32, #tpu.memory_space<hbm>>) target(%dma_start3A_10 : memref<632x128xf32, #tpu.memory_space<vmem_shared>>) target_semaphore(%run_scoped3A : memref<!tpu.dma_semaphore, #tpu.memory_space<semaphore_mem>>)
      %dma_wait3A = arith.constant 0 : i32
      %dma_wait3A_13 = tpu.memref_slice %arg12[%mul3A_2, %dma_wait3A] : memref<10112x128xf32, #tpu.memory_space<vmem_shared>> -> memref<632x128xf32, #tpu.memory_space<vmem_shared>>
      %dma_wait3A_14 = arith.constant 0 : i32
      %dma_wait3A_15 = tpu.memref_slice %arg6[%mul3A_0, %dma_wait3A_14] : memref<10112x128xf32, #tpu.memory_space<hbm>> -> memref<632x128xf32, #tpu.memory_space<hbm>>
      tpu.wait_dma2 semaphore(%run_scoped3A : memref<!tpu.dma_semaphore, #tpu.memory_space<semaphore_mem>>) src(%dma_wait3A_15 : memref<632x128xf32, #tpu.memory_space<hbm>>) dst(%dma_wait3A_13 : memref<632x128xf32, #tpu.memory_space<vmem_shared>>)
      tpu.yield
    }) : () -> ()
    %barrier3A = arith.constant 0 : index
    tpu.barrier barrier_id(%barrier3A)
    %eq3A = arith.constant 0 : i32
    %eq3A_3 = arith.cmpi eq, %arg0, %eq3A : i32
    %convert_element_type3A = arith.extui %eq3A_3 : i1 to i32
    %cond3A = arith.constant 0 : i32
    %cond3A_4 = arith.cmpi ne, %convert_element_type3A, %cond3A : i32
    scf.if %cond3A_4 {
      %mul3A_10 = arith.constant 320 : i32
      %mul3A_11 = arith.muli %arg1, %mul3A_10 : i32
      %scan3A = arith.constant 0 : i32
      %scan3A_12 = arith.constant 0 : i32
      %scan3A_13 = arith.constant 5 : i32
      %scan3A_14 = arith.addi %scan3A_12, %scan3A_13 : i32
      %scan3A_15 = arith.constant 1 : i32
      scf.for %scan3A_22 = %scan3A_12 to %scan3A_14 step %scan3A_15  : i32 {
        %mul3A_23 = arith.constant 64 : i32
        %mul3A_24 = arith.muli %scan3A_22, %mul3A_23 : i32
        %add3A = arith.addi %mul3A_11, %mul3A_24 : i32
        "tpu.region"() ({
          %run_scoped3A = tpu.sem_alloc : memref<!tpu.dma_semaphore, #tpu.memory_space<semaphore_mem>>
          %dma_start3A = arith.constant 0 : i32
          %dma_start3A_81 = tpu.memref_slice %arg4[%add3A, %dma_start3A] : memref<5120x64xi32, #tpu.memory_space<hbm>> -> memref<64x64xi32, #tpu.memory_space<hbm>>
          %dma_start3A_82 = arith.constant 0 : i32
          %dma_start3A_83 = tpu.memref_slice %arg4[%add3A, %dma_start3A_82] : memref<5120x64xi32, #tpu.memory_space<hbm>> -> memref<64x64xi32, #tpu.memory_space<hbm>>
          tpu.enqueue_dma source(%dma_start3A_83 : memref<64x64xi32, #tpu.memory_space<hbm>>) target(%arg9 : memref<64x64xi32, #tpu.memory_space<vmem>>) target_semaphore(%run_scoped3A : memref<!tpu.dma_semaphore, #tpu.memory_space<semaphore_mem>>)
          %dma_wait3A_84 = arith.constant 0 : i32
          %dma_wait3A_85 = tpu.memref_slice %arg4[%add3A, %dma_wait3A_84] : memref<5120x64xi32, #tpu.memory_space<hbm>> -> memref<64x64xi32, #tpu.memory_space<hbm>>
          %dma_wait3A_86 = arith.constant 0 : i32
          %dma_wait3A_87 = tpu.memref_slice %arg4[%add3A, %dma_wait3A_86] : memref<5120x64xi32, #tpu.memory_space<hbm>> -> memref<64x64xi32, #tpu.memory_space<hbm>>
          tpu.wait_dma2 semaphore(%run_scoped3A : memref<!tpu.dma_semaphore, #tpu.memory_space<semaphore_mem>>) src(%dma_wait3A_87 : memref<64x64xi32, #tpu.memory_space<hbm>>) dst(%arg9 : memref<64x64xi32, #tpu.memory_space<vmem>>)
          tpu.yield
        }) : () -> ()
        %mul3A_25 = arith.constant 64 : i32
        %mul3A_26 = arith.muli %scan3A_22, %mul3A_25 : i32
        %add3A_27 = arith.addi %mul3A_11, %mul3A_26 : i32
        "tpu.region"() ({
          %run_scoped3A = tpu.sem_alloc : memref<!tpu.dma_semaphore, #tpu.memory_space<semaphore_mem>>
          %dma_start3A = arith.constant 0 : i32
          %dma_start3A_81 = tpu.memref_slice %arg5[%add3A_27, %dma_start3A] : memref<5120x64xi32, #tpu.memory_space<hbm>> -> memref<64x64xi32, #tpu.memory_space<hbm>>
          %dma_start3A_82 = arith.constant 0 : i32
          %dma_start3A_83 = tpu.memref_slice %arg5[%add3A_27, %dma_start3A_82] : memref<5120x64xi32, #tpu.memory_space<hbm>> -> memref<64x64xi32, #tpu.memory_space<hbm>>
          tpu.enqueue_dma source(%dma_start3A_83 : memref<64x64xi32, #tpu.memory_space<hbm>>) target(%arg10 : memref<64x64xi32, #tpu.memory_space<vmem>>) target_semaphore(%run_scoped3A : memref<!tpu.dma_semaphore, #tpu.memory_space<semaphore_mem>>)
          %dma_wait3A_84 = arith.constant 0 : i32
          %dma_wait3A_85 = tpu.memref_slice %arg5[%add3A_27, %dma_wait3A_84] : memref<5120x64xi32, #tpu.memory_space<hbm>> -> memref<64x64xi32, #tpu.memory_space<hbm>>
          %dma_wait3A_86 = arith.constant 0 : i32
          %dma_wait3A_87 = tpu.memref_slice %arg5[%add3A_27, %dma_wait3A_86] : memref<5120x64xi32, #tpu.memory_space<hbm>> -> memref<64x64xi32, #tpu.memory_space<hbm>>
          tpu.wait_dma2 semaphore(%run_scoped3A : memref<!tpu.dma_semaphore, #tpu.memory_space<semaphore_mem>>) src(%dma_wait3A_87 : memref<64x64xi32, #tpu.memory_space<hbm>>) dst(%arg10 : memref<64x64xi32, #tpu.memory_space<vmem>>)
          tpu.yield
        }) : () -> ()
        %scan3A_28 = arith.constant 0 : i32
        %scan3A_29 = arith.constant 0 : i32
        %scan3A_30 = arith.constant 16 : i32
        %scan3A_31 = arith.addi %scan3A_29, %scan3A_30 : i32
        %scan3A_32 = arith.constant 1 : i32
        scf.for %scan3A_81 = %scan3A_29 to %scan3A_31 step %scan3A_32  : i32 {
          %mul3A_82 = arith.constant 4 : i32
          %mul3A_83 = arith.muli %scan3A_81, %mul3A_82 : i32
          %add3A_84 = arith.constant 0 : i32
          %add3A_85 = arith.addi %mul3A_83, %add3A_84 : i32
          %gt3A = arith.constant 0 : i32
          %gt3A_86 = arith.cmpi sgt, %scan3A_81, %gt3A : i32
          %convert_element_type3A_87 = arith.extui %gt3A_86 : i1 to i32
          %cond3A_88 = arith.constant 0 : i32
          %cond3A_89 = arith.cmpi ne, %convert_element_type3A_87, %cond3A_88 : i32
          scf.if %cond3A_89 {
            %sub3A = arith.constant 4 : i32
            %sub3A_264 = arith.subi %add3A_85, %sub3A : i32
            %dma_wait3A_265 = arith.constant 0 : i32
            %dma_wait3A_266 = arith.constant 0 : i32
            %dma_wait3A_267 = arith.constant 0 : i32
            %dma_wait3A_268 = tpu.memref_slice %arg11[%dma_wait3A_265, %dma_wait3A_266, %dma_wait3A_267] : memref<4x64x128xf32, #tpu.memory_space<vmem>> -> memref<1x64x128xf32, #tpu.memory_space<vmem>>
            %dma_wait3A_269 = tpu.memref_squeeze %dma_wait3A_268 : memref<1x64x128xf32, #tpu.memory_space<vmem>> -> memref<64x128xf32, #tpu.memory_space<vmem>>
            %dma_wait3A_270 = arith.constant 0 : i32
            %dma_wait3A_271 = tpu.memref_slice %arg10[%sub3A_264, %dma_wait3A_270] : memref<64x64xi32, #tpu.memory_space<vmem>> -> memref<1x64xi32, #tpu.memory_space<vmem>>
            %dma_wait3A_272 = tpu.memref_squeeze %dma_wait3A_271 : memref<1x64xi32, #tpu.memory_space<vmem>> -> memref<64xi32, #tpu.memory_space<vmem>>
            %dma_wait3A_273 = arith.constant 0 : i32
            %dma_wait3A_274 = arith.constant 0 : i32
            %dma_wait3A_275 = tpu.memref_slice %arg12[%dma_wait3A_273, %dma_wait3A_274] : memref<10112x128xf32, #tpu.memory_space<vmem_shared>> -> memref<10112x128xf32, #tpu.memory_space<vmem_shared>>
            tpu.wait_indirect_dma semaphore(%arg17 : memref<!tpu.dma_semaphore, #tpu.memory_space<semaphore_mem>>) src(%dma_wait3A_269 : memref<64x128xf32, #tpu.memory_space<vmem>>) dst(%dma_wait3A_275 : memref<10112x128xf32, #tpu.memory_space<vmem_shared>>)
          } else {
          }
          %dma_start3A = arith.constant 0 : i32
          %dma_start3A_90 = arith.constant 0 : i32
          %dma_start3A_91 = arith.constant 0 : i32
          %dma_start3A_92 = tpu.memref_slice %arg11[%dma_start3A, %dma_start3A_90, %dma_start3A_91] : memref<4x64x128xf32, #tpu.memory_space<vmem>> -> memref<1x64x128xf32, #tpu.memory_space<vmem>>
          %dma_start3A_93 = tpu.memref_squeeze %dma_start3A_92 : memref<1x64x128xf32, #tpu.memory_space<vmem>> -> memref<64x128xf32, #tpu.memory_space<vmem>>
          %dma_start3A_94 = arith.constant 0 : i32
          %dma_start3A_95 = tpu.memref_slice %arg9[%add3A_85, %dma_start3A_94] : memref<64x64xi32, #tpu.memory_space<vmem>> -> memref<1x64xi32, #tpu.memory_space<vmem>>
          %dma_start3A_96 = tpu.memref_squeeze %dma_start3A_95 : memref<1x64xi32, #tpu.memory_space<vmem>> -> memref<64xi32, #tpu.memory_space<vmem>>
          %dma_start3A_97 = arith.constant 0 : i32
          %dma_start3A_98 = arith.constant 0 : i32
          %dma_start3A_99 = tpu.memref_slice %arg2[%dma_start3A_97, %dma_start3A_98] : memref<10000x128xf32, #tpu.memory_space<hbm>> -> memref<10000x128xf32, #tpu.memory_space<hbm>>
          tpu.enqueue_indirect_dma source(%dma_start3A_99 : memref<10000x128xf32, #tpu.memory_space<hbm>>) target(%dma_start3A_93 : memref<64x128xf32, #tpu.memory_space<vmem>>) offsets(%dma_start3A_96 : memref<64xi32, #tpu.memory_space<vmem>>) semaphore(%arg13 : memref<!tpu.dma_semaphore, #tpu.memory_space<semaphore_mem>>)
          %mul3A_100 = arith.constant 4 : i32
          %mul3A_101 = arith.muli %scan3A_81, %mul3A_100 : i32
          %add3A_102 = arith.constant 1 : i32
          %add3A_103 = arith.addi %mul3A_101, %add3A_102 : i32
          %gt3A_104 = arith.constant 0 : i32
          %gt3A_105 = arith.cmpi sgt, %scan3A_81, %gt3A_104 : i32
          %convert_element_type3A_106 = arith.extui %gt3A_105 : i1 to i32
          %cond3A_107 = arith.constant 0 : i32
          %cond3A_108 = arith.cmpi ne, %convert_element_type3A_106, %cond3A_107 : i32
          scf.if %cond3A_108 {
            %sub3A = arith.constant 4 : i32
            %sub3A_264 = arith.subi %add3A_103, %sub3A : i32
            %dma_wait3A_265 = arith.constant 1 : i32
            %dma_wait3A_266 = arith.constant 0 : i32
            %dma_wait3A_267 = arith.constant 0 : i32
            %dma_wait3A_268 = tpu.memref_slice %arg11[%dma_wait3A_265, %dma_wait3A_266, %dma_wait3A_267] : memref<4x64x128xf32, #tpu.memory_space<vmem>> -> memref<1x64x128xf32, #tpu.memory_space<vmem>>
            %dma_wait3A_269 = tpu.memref_squeeze %dma_wait3A_268 : memref<1x64x128xf32, #tpu.memory_space<vmem>> -> memref<64x128xf32, #tpu.memory_space<vmem>>
            %dma_wait3A_270 = arith.constant 0 : i32
            %dma_wait3A_271 = tpu.memref_slice %arg10[%sub3A_264, %dma_wait3A_270] : memref<64x64xi32, #tpu.memory_space<vmem>> -> memref<1x64xi32, #tpu.memory_space<vmem>>
            %dma_wait3A_272 = tpu.memref_squeeze %dma_wait3A_271 : memref<1x64xi32, #tpu.memory_space<vmem>> -> memref<64xi32, #tpu.memory_space<vmem>>
            %dma_wait3A_273 = arith.constant 0 : i32
            %dma_wait3A_274 = arith.constant 0 : i32
            %dma_wait3A_275 = tpu.memref_slice %arg12[%dma_wait3A_273, %dma_wait3A_274] : memref<10112x128xf32, #tpu.memory_space<vmem_shared>> -> memref<10112x128xf32, #tpu.memory_space<vmem_shared>>
            tpu.wait_indirect_dma semaphore(%arg18 : memref<!tpu.dma_semaphore, #tpu.memory_space<semaphore_mem>>) src(%dma_wait3A_269 : memref<64x128xf32, #tpu.memory_space<vmem>>) dst(%dma_wait3A_275 : memref<10112x128xf32, #tpu.memory_space<vmem_shared>>)
          } else {
          }
          %dma_start3A_109 = arith.constant 1 : i32
          %dma_start3A_110 = arith.constant 0 : i32
          %dma_start3A_111 = arith.constant 0 : i32
          %dma_start3A_112 = tpu.memref_slice %arg11[%dma_start3A_109, %dma_start3A_110, %dma_start3A_111] : memref<4x64x128xf32, #tpu.memory_space<vmem>> -> memref<1x64x128xf32, #tpu.memory_space<vmem>>
          %dma_start3A_113 = tpu.memref_squeeze %dma_start3A_112 : memref<1x64x128xf32, #tpu.memory_space<vmem>> -> memref<64x128xf32, #tpu.memory_space<vmem>>
          %dma_start3A_114 = arith.constant 0 : i32
          %dma_start3A_115 = tpu.memref_slice %arg9[%add3A_103, %dma_start3A_114] : memref<64x64xi32, #tpu.memory_space<vmem>> -> memref<1x64xi32, #tpu.memory_space<vmem>>
          %dma_start3A_116 = tpu.memref_squeeze %dma_start3A_115 : memref<1x64xi32, #tpu.memory_space<vmem>> -> memref<64xi32, #tpu.memory_space<vmem>>
          %dma_start3A_117 = arith.constant 0 : i32
          %dma_start3A_118 = arith.constant 0 : i32
          %dma_start3A_119 = tpu.memref_slice %arg2[%dma_start3A_117, %dma_start3A_118] : memref<10000x128xf32, #tpu.memory_space<hbm>> -> memref<10000x128xf32, #tpu.memory_space<hbm>>
          tpu.enqueue_indirect_dma source(%dma_start3A_119 : memref<10000x128xf32, #tpu.memory_space<hbm>>) target(%dma_start3A_113 : memref<64x128xf32, #tpu.memory_space<vmem>>) offsets(%dma_start3A_116 : memref<64xi32, #tpu.memory_space<vmem>>) semaphore(%arg14 : memref<!tpu.dma_semaphore, #tpu.memory_space<semaphore_mem>>)
          %mul3A_120 = arith.constant 4 : i32
          %mul3A_121 = arith.muli %scan3A_81, %mul3A_120 : i32
          %add3A_122 = arith.constant 2 : i32
          %add3A_123 = arith.addi %mul3A_121, %add3A_122 : i32
          %gt3A_124 = arith.constant 0 : i32
          %gt3A_125 = arith.cmpi sgt, %scan3A_81, %gt3A_124 : i32
          %convert_element_type3A_126 = arith.extui %gt3A_125 : i1 to i32
          %cond3A_127 = arith.constant 0 : i32
          %cond3A_128 = arith.cmpi ne, %convert_element_type3A_126, %cond3A_127 : i32
          scf.if %cond3A_128 {
            %sub3A = arith.constant 4 : i32
            %sub3A_264 = arith.subi %add3A_123, %sub3A : i32
            %dma_wait3A_265 = arith.constant 2 : i32
            %dma_wait3A_266 = arith.constant 0 : i32
            %dma_wait3A_267 = arith.constant 0 : i32
            %dma_wait3A_268 = tpu.memref_slice %arg11[%dma_wait3A_265, %dma_wait3A_266, %dma_wait3A_267] : memref<4x64x128xf32, #tpu.memory_space<vmem>> -> memref<1x64x128xf32, #tpu.memory_space<vmem>>
            %dma_wait3A_269 = tpu.memref_squeeze %dma_wait3A_268 : memref<1x64x128xf32, #tpu.memory_space<vmem>> -> memref<64x128xf32, #tpu.memory_space<vmem>>
            %dma_wait3A_270 = arith.constant 0 : i32
            %dma_wait3A_271 = tpu.memref_slice %arg10[%sub3A_264, %dma_wait3A_270] : memref<64x64xi32, #tpu.memory_space<vmem>> -> memref<1x64xi32, #tpu.memory_space<vmem>>
            %dma_wait3A_272 = tpu.memref_squeeze %dma_wait3A_271 : memref<1x64xi32, #tpu.memory_space<vmem>> -> memref<64xi32, #tpu.memory_space<vmem>>
            %dma_wait3A_273 = arith.constant 0 : i32
            %dma_wait3A_274 = arith.constant 0 : i32
            %dma_wait3A_275 = tpu.memref_slice %arg12[%dma_wait3A_273, %dma_wait3A_274] : memref<10112x128xf32, #tpu.memory_space<vmem_shared>> -> memref<10112x128xf32, #tpu.memory_space<vmem_shared>>
            tpu.wait_indirect_dma semaphore(%arg19 : memref<!tpu.dma_semaphore, #tpu.memory_space<semaphore_mem>>) src(%dma_wait3A_269 : memref<64x128xf32, #tpu.memory_space<vmem>>) dst(%dma_wait3A_275 : memref<10112x128xf32, #tpu.memory_space<vmem_shared>>)
          } else {
          }
          %dma_start3A_129 = arith.constant 2 : i32
          %dma_start3A_130 = arith.constant 0 : i32
          %dma_start3A_131 = arith.constant 0 : i32
          %dma_start3A_132 = tpu.memref_slice %arg11[%dma_start3A_129, %dma_start3A_130, %dma_start3A_131] : memref<4x64x128xf32, #tpu.memory_space<vmem>> -> memref<1x64x128xf32, #tpu.memory_space<vmem>>
          %dma_start3A_133 = tpu.memref_squeeze %dma_start3A_132 : memref<1x64x128xf32, #tpu.memory_space<vmem>> -> memref<64x128xf32, #tpu.memory_space<vmem>>
          %dma_start3A_134 = arith.constant 0 : i32
          %dma_start3A_135 = tpu.memref_slice %arg9[%add3A_123, %dma_start3A_134] : memref<64x64xi32, #tpu.memory_space<vmem>> -> memref<1x64xi32, #tpu.memory_space<vmem>>
          %dma_start3A_136 = tpu.memref_squeeze %dma_start3A_135 : memref<1x64xi32, #tpu.memory_space<vmem>> -> memref<64xi32, #tpu.memory_space<vmem>>
          %dma_start3A_137 = arith.constant 0 : i32
          %dma_start3A_138 = arith.constant 0 : i32
          %dma_start3A_139 = tpu.memref_slice %arg2[%dma_start3A_137, %dma_start3A_138] : memref<10000x128xf32, #tpu.memory_space<hbm>> -> memref<10000x128xf32, #tpu.memory_space<hbm>>
          tpu.enqueue_indirect_dma source(%dma_start3A_139 : memref<10000x128xf32, #tpu.memory_space<hbm>>) target(%dma_start3A_133 : memref<64x128xf32, #tpu.memory_space<vmem>>) offsets(%dma_start3A_136 : memref<64xi32, #tpu.memory_space<vmem>>) semaphore(%arg15 : memref<!tpu.dma_semaphore, #tpu.memory_space<semaphore_mem>>)
          %mul3A_140 = arith.constant 4 : i32
          %mul3A_141 = arith.muli %scan3A_81, %mul3A_140 : i32
          %add3A_142 = arith.constant 3 : i32
          %add3A_143 = arith.addi %mul3A_141, %add3A_142 : i32
          %gt3A_144 = arith.constant 0 : i32
          %gt3A_145 = arith.cmpi sgt, %scan3A_81, %gt3A_144 : i32
          %convert_element_type3A_146 = arith.extui %gt3A_145 : i1 to i32
          %cond3A_147 = arith.constant 0 : i32
          %cond3A_148 = arith.cmpi ne, %convert_element_type3A_146, %cond3A_147 : i32
          scf.if %cond3A_148 {
            %sub3A = arith.constant 4 : i32
            %sub3A_264 = arith.subi %add3A_143, %sub3A : i32
            %dma_wait3A_265 = arith.constant 3 : i32
            %dma_wait3A_266 = arith.constant 0 : i32
            %dma_wait3A_267 = arith.constant 0 : i32
            %dma_wait3A_268 = tpu.memref_slice %arg11[%dma_wait3A_265, %dma_wait3A_266, %dma_wait3A_267] : memref<4x64x128xf32, #tpu.memory_space<vmem>> -> memref<1x64x128xf32, #tpu.memory_space<vmem>>
            %dma_wait3A_269 = tpu.memref_squeeze %dma_wait3A_268 : memref<1x64x128xf32, #tpu.memory_space<vmem>> -> memref<64x128xf32, #tpu.memory_space<vmem>>
            %dma_wait3A_270 = arith.constant 0 : i32
            %dma_wait3A_271 = tpu.memref_slice %arg10[%sub3A_264, %dma_wait3A_270] : memref<64x64xi32, #tpu.memory_space<vmem>> -> memref<1x64xi32, #tpu.memory_space<vmem>>
            %dma_wait3A_272 = tpu.memref_squeeze %dma_wait3A_271 : memref<1x64xi32, #tpu.memory_space<vmem>> -> memref<64xi32, #tpu.memory_space<vmem>>
            %dma_wait3A_273 = arith.constant 0 : i32
            %dma_wait3A_274 = arith.constant 0 : i32
            %dma_wait3A_275 = tpu.memref_slice %arg12[%dma_wait3A_273, %dma_wait3A_274] : memref<10112x128xf32, #tpu.memory_space<vmem_shared>> -> memref<10112x128xf32, #tpu.memory_space<vmem_shared>>
            tpu.wait_indirect_dma semaphore(%arg20 : memref<!tpu.dma_semaphore, #tpu.memory_space<semaphore_mem>>) src(%dma_wait3A_269 : memref<64x128xf32, #tpu.memory_space<vmem>>) dst(%dma_wait3A_275 : memref<10112x128xf32, #tpu.memory_space<vmem_shared>>)
          } else {
          }
          %dma_start3A_149 = arith.constant 3 : i32
          %dma_start3A_150 = arith.constant 0 : i32
          %dma_start3A_151 = arith.constant 0 : i32
          %dma_start3A_152 = tpu.memref_slice %arg11[%dma_start3A_149, %dma_start3A_150, %dma_start3A_151] : memref<4x64x128xf32, #tpu.memory_space<vmem>> -> memref<1x64x128xf32, #tpu.memory_space<vmem>>
          %dma_start3A_153 = tpu.memref_squeeze %dma_start3A_152 : memref<1x64x128xf32, #tpu.memory_space<vmem>> -> memref<64x128xf32, #tpu.memory_space<vmem>>
          %dma_start3A_154 = arith.constant 0 : i32
          %dma_start3A_155 = tpu.memref_slice %arg9[%add3A_143, %dma_start3A_154] : memref<64x64xi32, #tpu.memory_space<vmem>> -> memref<1x64xi32, #tpu.memory_space<vmem>>
          %dma_start3A_156 = tpu.memref_squeeze %dma_start3A_155 : memref<1x64xi32, #tpu.memory_space<vmem>> -> memref<64xi32, #tpu.memory_space<vmem>>
          %dma_start3A_157 = arith.constant 0 : i32
          %dma_start3A_158 = arith.constant 0 : i32
          %dma_start3A_159 = tpu.memref_slice %arg2[%dma_start3A_157, %dma_start3A_158] : memref<10000x128xf32, #tpu.memory_space<hbm>> -> memref<10000x128xf32, #tpu.memory_space<hbm>>
          tpu.enqueue_indirect_dma source(%dma_start3A_159 : memref<10000x128xf32, #tpu.memory_space<hbm>>) target(%dma_start3A_153 : memref<64x128xf32, #tpu.memory_space<vmem>>) offsets(%dma_start3A_156 : memref<64xi32, #tpu.memory_space<vmem>>) semaphore(%arg16 : memref<!tpu.dma_semaphore, #tpu.memory_space<semaphore_mem>>)
          %mul3A_160 = arith.constant 4 : i32
          %mul3A_161 = arith.muli %scan3A_81, %mul3A_160 : i32
          %add3A_162 = arith.constant 0 : i32
          %add3A_163 = arith.addi %mul3A_161, %add3A_162 : i32
          %dma_wait3A_164 = arith.constant 0 : i32
          %dma_wait3A_165 = arith.constant 0 : i32
          %dma_wait3A_166 = arith.constant 0 : i32
          %dma_wait3A_167 = tpu.memref_slice %arg11[%dma_wait3A_164, %dma_wait3A_165, %dma_wait3A_166] : memref<4x64x128xf32, #tpu.memory_space<vmem>> -> memref<1x64x128xf32, #tpu.memory_space<vmem>>
          %dma_wait3A_168 = tpu.memref_squeeze %dma_wait3A_167 : memref<1x64x128xf32, #tpu.memory_space<vmem>> -> memref<64x128xf32, #tpu.memory_space<vmem>>
          %dma_wait3A_169 = arith.constant 0 : i32
          %dma_wait3A_170 = tpu.memref_slice %arg9[%add3A_163, %dma_wait3A_169] : memref<64x64xi32, #tpu.memory_space<vmem>> -> memref<1x64xi32, #tpu.memory_space<vmem>>
          %dma_wait3A_171 = tpu.memref_squeeze %dma_wait3A_170 : memref<1x64xi32, #tpu.memory_space<vmem>> -> memref<64xi32, #tpu.memory_space<vmem>>
          %dma_wait3A_172 = arith.constant 0 : i32
          %dma_wait3A_173 = arith.constant 0 : i32
          %dma_wait3A_174 = tpu.memref_slice %arg2[%dma_wait3A_172, %dma_wait3A_173] : memref<10000x128xf32, #tpu.memory_space<hbm>> -> memref<10000x128xf32, #tpu.memory_space<hbm>>
          tpu.wait_indirect_dma semaphore(%arg13 : memref<!tpu.dma_semaphore, #tpu.memory_space<semaphore_mem>>) src(%dma_wait3A_174 : memref<10000x128xf32, #tpu.memory_space<hbm>>) dst(%dma_wait3A_168 : memref<64x128xf32, #tpu.memory_space<vmem>>)
          %dma_start3A_175 = arith.constant 0 : i32
          %dma_start3A_176 = arith.constant 0 : i32
          %dma_start3A_177 = arith.constant 0 : i32
          %dma_start3A_178 = tpu.memref_slice %arg11[%dma_start3A_175, %dma_start3A_176, %dma_start3A_177] : memref<4x64x128xf32, #tpu.memory_space<vmem>> -> memref<1x64x128xf32, #tpu.memory_space<vmem>>
          %dma_start3A_179 = tpu.memref_squeeze %dma_start3A_178 : memref<1x64x128xf32, #tpu.memory_space<vmem>> -> memref<64x128xf32, #tpu.memory_space<vmem>>
          %dma_start3A_180 = arith.constant 0 : i32
          %dma_start3A_181 = tpu.memref_slice %arg10[%add3A_163, %dma_start3A_180] : memref<64x64xi32, #tpu.memory_space<vmem>> -> memref<1x64xi32, #tpu.memory_space<vmem>>
          %dma_start3A_182 = tpu.memref_squeeze %dma_start3A_181 : memref<1x64xi32, #tpu.memory_space<vmem>> -> memref<64xi32, #tpu.memory_space<vmem>>
          %dma_start3A_183 = arith.constant 0 : i32
          %dma_start3A_184 = arith.constant 0 : i32
          %dma_start3A_185 = tpu.memref_slice %arg12[%dma_start3A_183, %dma_start3A_184] : memref<10112x128xf32, #tpu.memory_space<vmem_shared>> -> memref<10112x128xf32, #tpu.memory_space<vmem_shared>>
          tpu.enqueue_indirect_dma source(%dma_start3A_179 : memref<64x128xf32, #tpu.memory_space<vmem>>) target(%dma_start3A_185 : memref<10112x128xf32, #tpu.memory_space<vmem_shared>>) offsets(%dma_start3A_182 : memref<64xi32, #tpu.memory_space<vmem>>) semaphore(%arg17 : memref<!tpu.dma_semaphore, #tpu.memory_space<semaphore_mem>>) {add = true}
          %mul3A_186 = arith.constant 4 : i32
          %mul3A_187 = arith.muli %scan3A_81, %mul3A_186 : i32
          %add3A_188 = arith.constant 1 : i32
          %add3A_189 = arith.addi %mul3A_187, %add3A_188 : i32
          %dma_wait3A_190 = arith.constant 1 : i32
          %dma_wait3A_191 = arith.constant 0 : i32
          %dma_wait3A_192 = arith.constant 0 : i32
          %dma_wait3A_193 = tpu.memref_slice %arg11[%dma_wait3A_190, %dma_wait3A_191, %dma_wait3A_192] : memref<4x64x128xf32, #tpu.memory_space<vmem>> -> memref<1x64x128xf32, #tpu.memory_space<vmem>>
          %dma_wait3A_194 = tpu.memref_squeeze %dma_wait3A_193 : memref<1x64x128xf32, #tpu.memory_space<vmem>> -> memref<64x128xf32, #tpu.memory_space<vmem>>
          %dma_wait3A_195 = arith.constant 0 : i32
          %dma_wait3A_196 = tpu.memref_slice %arg9[%add3A_189, %dma_wait3A_195] : memref<64x64xi32, #tpu.memory_space<vmem>> -> memref<1x64xi32, #tpu.memory_space<vmem>>
          %dma_wait3A_197 = tpu.memref_squeeze %dma_wait3A_196 : memref<1x64xi32, #tpu.memory_space<vmem>> -> memref<64xi32, #tpu.memory_space<vmem>>
          %dma_wait3A_198 = arith.constant 0 : i32
          %dma_wait3A_199 = arith.constant 0 : i32
          %dma_wait3A_200 = tpu.memref_slice %arg2[%dma_wait3A_198, %dma_wait3A_199] : memref<10000x128xf32, #tpu.memory_space<hbm>> -> memref<10000x128xf32, #tpu.memory_space<hbm>>
          tpu.wait_indirect_dma semaphore(%arg14 : memref<!tpu.dma_semaphore, #tpu.memory_space<semaphore_mem>>) src(%dma_wait3A_200 : memref<10000x128xf32, #tpu.memory_space<hbm>>) dst(%dma_wait3A_194 : memref<64x128xf32, #tpu.memory_space<vmem>>)
          %dma_start3A_201 = arith.constant 1 : i32
          %dma_start3A_202 = arith.constant 0 : i32
          %dma_start3A_203 = arith.constant 0 : i32
          %dma_start3A_204 = tpu.memref_slice %arg11[%dma_start3A_201, %dma_start3A_202, %dma_start3A_203] : memref<4x64x128xf32, #tpu.memory_space<vmem>> -> memref<1x64x128xf32, #tpu.memory_space<vmem>>
          %dma_start3A_205 = tpu.memref_squeeze %dma_start3A_204 : memref<1x64x128xf32, #tpu.memory_space<vmem>> -> memref<64x128xf32, #tpu.memory_space<vmem>>
          %dma_start3A_206 = arith.constant 0 : i32
          %dma_start3A_207 = tpu.memref_slice %arg10[%add3A_189, %dma_start3A_206] : memref<64x64xi32, #tpu.memory_space<vmem>> -> memref<1x64xi32, #tpu.memory_space<vmem>>
          %dma_start3A_208 = tpu.memref_squeeze %dma_start3A_207 : memref<1x64xi32, #tpu.memory_space<vmem>> -> memref<64xi32, #tpu.memory_space<vmem>>
          %dma_start3A_209 = arith.constant 0 : i32
          %dma_start3A_210 = arith.constant 0 : i32
          %dma_start3A_211 = tpu.memref_slice %arg12[%dma_start3A_209, %dma_start3A_210] : memref<10112x128xf32, #tpu.memory_space<vmem_shared>> -> memref<10112x128xf32, #tpu.memory_space<vmem_shared>>
          tpu.enqueue_indirect_dma source(%dma_start3A_205 : memref<64x128xf32, #tpu.memory_space<vmem>>) target(%dma_start3A_211 : memref<10112x128xf32, #tpu.memory_space<vmem_shared>>) offsets(%dma_start3A_208 : memref<64xi32, #tpu.memory_space<vmem>>) semaphore(%arg18 : memref<!tpu.dma_semaphore, #tpu.memory_space<semaphore_mem>>) {add = true}
          %mul3A_212 = arith.constant 4 : i32
          %mul3A_213 = arith.muli %scan3A_81, %mul3A_212 : i32
          %add3A_214 = arith.constant 2 : i32
          %add3A_215 = arith.addi %mul3A_213, %add3A_214 : i32
          %dma_wait3A_216 = arith.constant 2 : i32
          %dma_wait3A_217 = arith.constant 0 : i32
          %dma_wait3A_218 = arith.constant 0 : i32
          %dma_wait3A_219 = tpu.memref_slice %arg11[%dma_wait3A_216, %dma_wait3A_217, %dma_wait3A_218] : memref<4x64x128xf32, #tpu.memory_space<vmem>> -> memref<1x64x128xf32, #tpu.memory_space<vmem>>
          %dma_wait3A_220 = tpu.memref_squeeze %dma_wait3A_219 : memref<1x64x128xf32, #tpu.memory_space<vmem>> -> memref<64x128xf32, #tpu.memory_space<vmem>>
          %dma_wait3A_221 = arith.constant 0 : i32
          %dma_wait3A_222 = tpu.memref_slice %arg9[%add3A_215, %dma_wait3A_221] : memref<64x64xi32, #tpu.memory_space<vmem>> -> memref<1x64xi32, #tpu.memory_space<vmem>>
          %dma_wait3A_223 = tpu.memref_squeeze %dma_wait3A_222 : memref<1x64xi32, #tpu.memory_space<vmem>> -> memref<64xi32, #tpu.memory_space<vmem>>
          %dma_wait3A_224 = arith.constant 0 : i32
          %dma_wait3A_225 = arith.constant 0 : i32
          %dma_wait3A_226 = tpu.memref_slice %arg2[%dma_wait3A_224, %dma_wait3A_225] : memref<10000x128xf32, #tpu.memory_space<hbm>> -> memref<10000x128xf32, #tpu.memory_space<hbm>>
          tpu.wait_indirect_dma semaphore(%arg15 : memref<!tpu.dma_semaphore, #tpu.memory_space<semaphore_mem>>) src(%dma_wait3A_226 : memref<10000x128xf32, #tpu.memory_space<hbm>>) dst(%dma_wait3A_220 : memref<64x128xf32, #tpu.memory_space<vmem>>)
          %dma_start3A_227 = arith.constant 2 : i32
          %dma_start3A_228 = arith.constant 0 : i32
          %dma_start3A_229 = arith.constant 0 : i32
          %dma_start3A_230 = tpu.memref_slice %arg11[%dma_start3A_227, %dma_start3A_228, %dma_start3A_229] : memref<4x64x128xf32, #tpu.memory_space<vmem>> -> memref<1x64x128xf32, #tpu.memory_space<vmem>>
          %dma_start3A_231 = tpu.memref_squeeze %dma_start3A_230 : memref<1x64x128xf32, #tpu.memory_space<vmem>> -> memref<64x128xf32, #tpu.memory_space<vmem>>
          %dma_start3A_232 = arith.constant 0 : i32
          %dma_start3A_233 = tpu.memref_slice %arg10[%add3A_215, %dma_start3A_232] : memref<64x64xi32, #tpu.memory_space<vmem>> -> memref<1x64xi32, #tpu.memory_space<vmem>>
          %dma_start3A_234 = tpu.memref_squeeze %dma_start3A_233 : memref<1x64xi32, #tpu.memory_space<vmem>> -> memref<64xi32, #tpu.memory_space<vmem>>
          %dma_start3A_235 = arith.constant 0 : i32
          %dma_start3A_236 = arith.constant 0 : i32
          %dma_start3A_237 = tpu.memref_slice %arg12[%dma_start3A_235, %dma_start3A_236] : memref<10112x128xf32, #tpu.memory_space<vmem_shared>> -> memref<10112x128xf32, #tpu.memory_space<vmem_shared>>
          tpu.enqueue_indirect_dma source(%dma_start3A_231 : memref<64x128xf32, #tpu.memory_space<vmem>>) target(%dma_start3A_237 : memref<10112x128xf32, #tpu.memory_space<vmem_shared>>) offsets(%dma_start3A_234 : memref<64xi32, #tpu.memory_space<vmem>>) semaphore(%arg19 : memref<!tpu.dma_semaphore, #tpu.memory_space<semaphore_mem>>) {add = true}
          %mul3A_238 = arith.constant 4 : i32
          %mul3A_239 = arith.muli %scan3A_81, %mul3A_238 : i32
          %add3A_240 = arith.constant 3 : i32
          %add3A_241 = arith.addi %mul3A_239, %add3A_240 : i32
          %dma_wait3A_242 = arith.constant 3 : i32
          %dma_wait3A_243 = arith.constant 0 : i32
          %dma_wait3A_244 = arith.constant 0 : i32
          %dma_wait3A_245 = tpu.memref_slice %arg11[%dma_wait3A_242, %dma_wait3A_243, %dma_wait3A_244] : memref<4x64x128xf32, #tpu.memory_space<vmem>> -> memref<1x64x128xf32, #tpu.memory_space<vmem>>
          %dma_wait3A_246 = tpu.memref_squeeze %dma_wait3A_245 : memref<1x64x128xf32, #tpu.memory_space<vmem>> -> memref<64x128xf32, #tpu.memory_space<vmem>>
          %dma_wait3A_247 = arith.constant 0 : i32
          %dma_wait3A_248 = tpu.memref_slice %arg9[%add3A_241, %dma_wait3A_247] : memref<64x64xi32, #tpu.memory_space<vmem>> -> memref<1x64xi32, #tpu.memory_space<vmem>>
          %dma_wait3A_249 = tpu.memref_squeeze %dma_wait3A_248 : memref<1x64xi32, #tpu.memory_space<vmem>> -> memref<64xi32, #tpu.memory_space<vmem>>
          %dma_wait3A_250 = arith.constant 0 : i32
          %dma_wait3A_251 = arith.constant 0 : i32
          %dma_wait3A_252 = tpu.memref_slice %arg2[%dma_wait3A_250, %dma_wait3A_251] : memref<10000x128xf32, #tpu.memory_space<hbm>> -> memref<10000x128xf32, #tpu.memory_space<hbm>>
          tpu.wait_indirect_dma semaphore(%arg16 : memref<!tpu.dma_semaphore, #tpu.memory_space<semaphore_mem>>) src(%dma_wait3A_252 : memref<10000x128xf32, #tpu.memory_space<hbm>>) dst(%dma_wait3A_246 : memref<64x128xf32, #tpu.memory_space<vmem>>)
          %dma_start3A_253 = arith.constant 3 : i32
          %dma_start3A_254 = arith.constant 0 : i32
          %dma_start3A_255 = arith.constant 0 : i32
          %dma_start3A_256 = tpu.memref_slice %arg11[%dma_start3A_253, %dma_start3A_254, %dma_start3A_255] : memref<4x64x128xf32, #tpu.memory_space<vmem>> -> memref<1x64x128xf32, #tpu.memory_space<vmem>>
          %dma_start3A_257 = tpu.memref_squeeze %dma_start3A_256 : memref<1x64x128xf32, #tpu.memory_space<vmem>> -> memref<64x128xf32, #tpu.memory_space<vmem>>
          %dma_start3A_258 = arith.constant 0 : i32
          %dma_start3A_259 = tpu.memref_slice %arg10[%add3A_241, %dma_start3A_258] : memref<64x64xi32, #tpu.memory_space<vmem>> -> memref<1x64xi32, #tpu.memory_space<vmem>>
          %dma_start3A_260 = tpu.memref_squeeze %dma_start3A_259 : memref<1x64xi32, #tpu.memory_space<vmem>> -> memref<64xi32, #tpu.memory_space<vmem>>
          %dma_start3A_261 = arith.constant 0 : i32
          %dma_start3A_262 = arith.constant 0 : i32
          %dma_start3A_263 = tpu.memref_slice %arg12[%dma_start3A_261, %dma_start3A_262] : memref<10112x128xf32, #tpu.memory_space<vmem_shared>> -> memref<10112x128xf32, #tpu.memory_space<vmem_shared>>
          tpu.enqueue_indirect_dma source(%dma_start3A_257 : memref<64x128xf32, #tpu.memory_space<vmem>>) target(%dma_start3A_263 : memref<10112x128xf32, #tpu.memory_space<vmem_shared>>) offsets(%dma_start3A_260 : memref<64xi32, #tpu.memory_space<vmem>>) semaphore(%arg20 : memref<!tpu.dma_semaphore, #tpu.memory_space<semaphore_mem>>) {add = true}
        }
        %scan3A_33 = arith.constant 16 : i32
        %dma_wait3A = arith.constant 0 : i32
        %dma_wait3A_34 = arith.constant 0 : i32
        %dma_wait3A_35 = arith.constant 0 : i32
        %dma_wait3A_36 = arith.constant 0 : i32
        %dma_wait3A_37 = tpu.memref_slice %arg11[%dma_wait3A, %dma_wait3A_35, %dma_wait3A_36] : memref<4x64x128xf32, #tpu.memory_space<vmem>> -> memref<1x64x128xf32, #tpu.memory_space<vmem>>
        %dma_wait3A_38 = tpu.memref_squeeze %dma_wait3A_37 : memref<1x64x128xf32, #tpu.memory_space<vmem>> -> memref<64x128xf32, #tpu.memory_space<vmem>>
        %dma_wait3A_39 = arith.constant 0 : i32
        %dma_wait3A_40 = tpu.memref_slice %arg10[%dma_wait3A_34, %dma_wait3A_39] : memref<64x64xi32, #tpu.memory_space<vmem>> -> memref<1x64xi32, #tpu.memory_space<vmem>>
        %dma_wait3A_41 = tpu.memref_squeeze %dma_wait3A_40 : memref<1x64xi32, #tpu.memory_space<vmem>> -> memref<64xi32, #tpu.memory_space<vmem>>
        %dma_wait3A_42 = arith.constant 0 : i32
        %dma_wait3A_43 = arith.constant 0 : i32
        %dma_wait3A_44 = tpu.memref_slice %arg12[%dma_wait3A_42, %dma_wait3A_43] : memref<10112x128xf32, #tpu.memory_space<vmem_shared>> -> memref<10112x128xf32, #tpu.memory_space<vmem_shared>>
        tpu.wait_indirect_dma semaphore(%arg17 : memref<!tpu.dma_semaphore, #tpu.memory_space<semaphore_mem>>) src(%dma_wait3A_38 : memref<64x128xf32, #tpu.memory_space<vmem>>) dst(%dma_wait3A_44 : memref<10112x128xf32, #tpu.memory_space<vmem_shared>>)
        %dma_wait3A_45 = arith.constant 1 : i32
        %dma_wait3A_46 = arith.constant 1 : i32
        %dma_wait3A_47 = arith.constant 0 : i32
        %dma_wait3A_48 = arith.constant 0 : i32
        %dma_wait3A_49 = tpu.memref_slice %arg11[%dma_wait3A_45, %dma_wait3A_47, %dma_wait3A_48] : memref<4x64x128xf32, #tpu.memory_space<vmem>> -> memref<1x64x128xf32, #tpu.memory_space<vmem>>
        %dma_wait3A_50 = tpu.memref_squeeze %dma_wait3A_49 : memref<1x64x128xf32, #tpu.memory_space<vmem>> -> memref<64x128xf32, #tpu.memory_space<vmem>>
        %dma_wait3A_51 = arith.constant 0 : i32
        %dma_wait3A_52 = tpu.memref_slice %arg10[%dma_wait3A_46, %dma_wait3A_51] : memref<64x64xi32, #tpu.memory_space<vmem>> -> memref<1x64xi32, #tpu.memory_space<vmem>>
        %dma_wait3A_53 = tpu.memref_squeeze %dma_wait3A_52 : memref<1x64xi32, #tpu.memory_space<vmem>> -> memref<64xi32, #tpu.memory_space<vmem>>
        %dma_wait3A_54 = arith.constant 0 : i32
        %dma_wait3A_55 = arith.constant 0 : i32
        %dma_wait3A_56 = tpu.memref_slice %arg12[%dma_wait3A_54, %dma_wait3A_55] : memref<10112x128xf32, #tpu.memory_space<vmem_shared>> -> memref<10112x128xf32, #tpu.memory_space<vmem_shared>>
        tpu.wait_indirect_dma semaphore(%arg18 : memref<!tpu.dma_semaphore, #tpu.memory_space<semaphore_mem>>) src(%dma_wait3A_50 : memref<64x128xf32, #tpu.memory_space<vmem>>) dst(%dma_wait3A_56 : memref<10112x128xf32, #tpu.memory_space<vmem_shared>>)
        %dma_wait3A_57 = arith.constant 2 : i32
        %dma_wait3A_58 = arith.constant 2 : i32
        %dma_wait3A_59 = arith.constant 0 : i32
        %dma_wait3A_60 = arith.constant 0 : i32
        %dma_wait3A_61 = tpu.memref_slice %arg11[%dma_wait3A_57, %dma_wait3A_59, %dma_wait3A_60] : memref<4x64x128xf32, #tpu.memory_space<vmem>> -> memref<1x64x128xf32, #tpu.memory_space<vmem>>
        %dma_wait3A_62 = tpu.memref_squeeze %dma_wait3A_61 : memref<1x64x128xf32, #tpu.memory_space<vmem>> -> memref<64x128xf32, #tpu.memory_space<vmem>>
        %dma_wait3A_63 = arith.constant 0 : i32
        %dma_wait3A_64 = tpu.memref_slice %arg10[%dma_wait3A_58, %dma_wait3A_63] : memref<64x64xi32, #tpu.memory_space<vmem>> -> memref<1x64xi32, #tpu.memory_space<vmem>>
        %dma_wait3A_65 = tpu.memref_squeeze %dma_wait3A_64 : memref<1x64xi32, #tpu.memory_space<vmem>> -> memref<64xi32, #tpu.memory_space<vmem>>
        %dma_wait3A_66 = arith.constant 0 : i32
        %dma_wait3A_67 = arith.constant 0 : i32
        %dma_wait3A_68 = tpu.memref_slice %arg12[%dma_wait3A_66, %dma_wait3A_67] : memref<10112x128xf32, #tpu.memory_space<vmem_shared>> -> memref<10112x128xf32, #tpu.memory_space<vmem_shared>>
        tpu.wait_indirect_dma semaphore(%arg19 : memref<!tpu.dma_semaphore, #tpu.memory_space<semaphore_mem>>) src(%dma_wait3A_62 : memref<64x128xf32, #tpu.memory_space<vmem>>) dst(%dma_wait3A_68 : memref<10112x128xf32, #tpu.memory_space<vmem_shared>>)
        %dma_wait3A_69 = arith.constant 3 : i32
        %dma_wait3A_70 = arith.constant 3 : i32
        %dma_wait3A_71 = arith.constant 0 : i32
        %dma_wait3A_72 = arith.constant 0 : i32
        %dma_wait3A_73 = tpu.memref_slice %arg11[%dma_wait3A_69, %dma_wait3A_71, %dma_wait3A_72] : memref<4x64x128xf32, #tpu.memory_space<vmem>> -> memref<1x64x128xf32, #tpu.memory_space<vmem>>
        %dma_wait3A_74 = tpu.memref_squeeze %dma_wait3A_73 : memref<1x64x128xf32, #tpu.memory_space<vmem>> -> memref<64x128xf32, #tpu.memory_space<vmem>>
        %dma_wait3A_75 = arith.constant 0 : i32
        %dma_wait3A_76 = tpu.memref_slice %arg10[%dma_wait3A_70, %dma_wait3A_75] : memref<64x64xi32, #tpu.memory_space<vmem>> -> memref<1x64xi32, #tpu.memory_space<vmem>>
        %dma_wait3A_77 = tpu.memref_squeeze %dma_wait3A_76 : memref<1x64xi32, #tpu.memory_space<vmem>> -> memref<64xi32, #tpu.memory_space<vmem>>
        %dma_wait3A_78 = arith.constant 0 : i32
        %dma_wait3A_79 = arith.constant 0 : i32
        %dma_wait3A_80 = tpu.memref_slice %arg12[%dma_wait3A_78, %dma_wait3A_79] : memref<10112x128xf32, #tpu.memory_space<vmem_shared>> -> memref<10112x128xf32, #tpu.memory_space<vmem_shared>>
        tpu.wait_indirect_dma semaphore(%arg20 : memref<!tpu.dma_semaphore, #tpu.memory_space<semaphore_mem>>) src(%dma_wait3A_74 : memref<64x128xf32, #tpu.memory_space<vmem>>) dst(%dma_wait3A_80 : memref<10112x128xf32, #tpu.memory_space<vmem_shared>>)
      }
      %scan3A_16 = arith.constant 5 : i32
      %barrier3A_17 = arith.constant 0 : index
      tpu.barrier barrier_id(%barrier3A_17)
      %mul3A_18 = arith.constant 632 : i32
      %mul3A_19 = arith.muli %arg1, %mul3A_18 : i32
      %mul3A_20 = arith.constant 632 : i32
      %mul3A_21 = arith.muli %arg1, %mul3A_20 : i32
      "tpu.region"() ({
        %run_scoped3A = tpu.sem_alloc : memref<!tpu.dma_semaphore, #tpu.memory_space<semaphore_mem>>
        %dma_start3A = arith.constant 0 : i32
        %dma_start3A_22 = tpu.memref_slice %arg7[%mul3A_21, %dma_start3A] : memref<10112x128xf32, #tpu.memory_space<hbm>> -> memref<632x128xf32, #tpu.memory_space<hbm>>
        %dma_start3A_23 = arith.constant 0 : i32
        %dma_start3A_24 = tpu.memref_slice %arg12[%mul3A_19, %dma_start3A_23] : memref<10112x128xf32, #tpu.memory_space<vmem_shared>> -> memref<632x128xf32, #tpu.memory_space<vmem_shared>>
        tpu.enqueue_dma source(%dma_start3A_24 : memref<632x128xf32, #tpu.memory_space<vmem_shared>>) target(%dma_start3A_22 : memref<632x128xf32, #tpu.memory_space<hbm>>) target_semaphore(%run_scoped3A : memref<!tpu.dma_semaphore, #tpu.memory_space<semaphore_mem>>)
        %dma_wait3A = arith.constant 0 : i32
        %dma_wait3A_25 = tpu.memref_slice %arg7[%mul3A_21, %dma_wait3A] : memref<10112x128xf32, #tpu.memory_space<hbm>> -> memref<632x128xf32, #tpu.memory_space<hbm>>
        %dma_wait3A_26 = arith.constant 0 : i32
        %dma_wait3A_27 = tpu.memref_slice %arg12[%mul3A_19, %dma_wait3A_26] : memref<10112x128xf32, #tpu.memory_space<vmem_shared>> -> memref<632x128xf32, #tpu.memory_space<vmem_shared>>
        tpu.wait_dma2 semaphore(%run_scoped3A : memref<!tpu.dma_semaphore, #tpu.memory_space<semaphore_mem>>) src(%dma_wait3A_27 : memref<632x128xf32, #tpu.memory_space<vmem_shared>>) dst(%dma_wait3A_25 : memref<632x128xf32, #tpu.memory_space<hbm>>)
        tpu.yield
      }) : () -> ()
    } else {
    }
    %eq3A_5 = arith.constant 1 : i32
    %eq3A_6 = arith.cmpi eq, %arg0, %eq3A_5 : i32
    %convert_element_type3A_7 = arith.extui %eq3A_6 : i1 to i32
    %cond3A_8 = arith.constant 0 : i32
    %cond3A_9 = arith.cmpi ne, %convert_element_type3A_7, %cond3A_8 : i32
    scf.if %cond3A_9 {
      %mul3A_10 = arith.constant 320 : i32
      %mul3A_11 = arith.muli %arg1, %mul3A_10 : i32
      %scan3A = arith.constant 0 : i32
      %scan3A_12 = arith.constant 0 : i32
      %scan3A_13 = arith.constant 5 : i32
      %scan3A_14 = arith.addi %scan3A_12, %scan3A_13 : i32
      %scan3A_15 = arith.constant 1 : i32
      scf.for %scan3A_22 = %scan3A_12 to %scan3A_14 step %scan3A_15  : i32 {
        %mul3A_23 = arith.constant 64 : i32
        %mul3A_24 = arith.muli %scan3A_22, %mul3A_23 : i32
        %add3A = arith.addi %mul3A_11, %mul3A_24 : i32
        "tpu.region"() ({
          %run_scoped3A = tpu.sem_alloc : memref<!tpu.dma_semaphore, #tpu.memory_space<semaphore_mem>>
          %dma_start3A = arith.constant 0 : i32
          %dma_start3A_81 = tpu.memref_slice %arg4[%add3A, %dma_start3A] : memref<5120x64xi32, #tpu.memory_space<hbm>> -> memref<64x64xi32, #tpu.memory_space<hbm>>
          %dma_start3A_82 = arith.constant 0 : i32
          %dma_start3A_83 = tpu.memref_slice %arg4[%add3A, %dma_start3A_82] : memref<5120x64xi32, #tpu.memory_space<hbm>> -> memref<64x64xi32, #tpu.memory_space<hbm>>
          tpu.enqueue_dma source(%dma_start3A_83 : memref<64x64xi32, #tpu.memory_space<hbm>>) target(%arg9 : memref<64x64xi32, #tpu.memory_space<vmem>>) target_semaphore(%run_scoped3A : memref<!tpu.dma_semaphore, #tpu.memory_space<semaphore_mem>>)
          %dma_wait3A_84 = arith.constant 0 : i32
          %dma_wait3A_85 = tpu.memref_slice %arg4[%add3A, %dma_wait3A_84] : memref<5120x64xi32, #tpu.memory_space<hbm>> -> memref<64x64xi32, #tpu.memory_space<hbm>>
          %dma_wait3A_86 = arith.constant 0 : i32
          %dma_wait3A_87 = tpu.memref_slice %arg4[%add3A, %dma_wait3A_86] : memref<5120x64xi32, #tpu.memory_space<hbm>> -> memref<64x64xi32, #tpu.memory_space<hbm>>
          tpu.wait_dma2 semaphore(%run_scoped3A : memref<!tpu.dma_semaphore, #tpu.memory_space<semaphore_mem>>) src(%dma_wait3A_87 : memref<64x64xi32, #tpu.memory_space<hbm>>) dst(%arg9 : memref<64x64xi32, #tpu.memory_space<vmem>>)
          tpu.yield
        }) : () -> ()
        %mul3A_25 = arith.constant 64 : i32
        %mul3A_26 = arith.muli %scan3A_22, %mul3A_25 : i32
        %add3A_27 = arith.addi %mul3A_11, %mul3A_26 : i32
        "tpu.region"() ({
          %run_scoped3A = tpu.sem_alloc : memref<!tpu.dma_semaphore, #tpu.memory_space<semaphore_mem>>
          %dma_start3A = arith.constant 0 : i32
          %dma_start3A_81 = tpu.memref_slice %arg5[%add3A_27, %dma_start3A] : memref<5120x64xi32, #tpu.memory_space<hbm>> -> memref<64x64xi32, #tpu.memory_space<hbm>>
          %dma_start3A_82 = arith.constant 0 : i32
          %dma_start3A_83 = tpu.memref_slice %arg5[%add3A_27, %dma_start3A_82] : memref<5120x64xi32, #tpu.memory_space<hbm>> -> memref<64x64xi32, #tpu.memory_space<hbm>>
          tpu.enqueue_dma source(%dma_start3A_83 : memref<64x64xi32, #tpu.memory_space<hbm>>) target(%arg10 : memref<64x64xi32, #tpu.memory_space<vmem>>) target_semaphore(%run_scoped3A : memref<!tpu.dma_semaphore, #tpu.memory_space<semaphore_mem>>)
          %dma_wait3A_84 = arith.constant 0 : i32
          %dma_wait3A_85 = tpu.memref_slice %arg5[%add3A_27, %dma_wait3A_84] : memref<5120x64xi32, #tpu.memory_space<hbm>> -> memref<64x64xi32, #tpu.memory_space<hbm>>
          %dma_wait3A_86 = arith.constant 0 : i32
          %dma_wait3A_87 = tpu.memref_slice %arg5[%add3A_27, %dma_wait3A_86] : memref<5120x64xi32, #tpu.memory_space<hbm>> -> memref<64x64xi32, #tpu.memory_space<hbm>>
          tpu.wait_dma2 semaphore(%run_scoped3A : memref<!tpu.dma_semaphore, #tpu.memory_space<semaphore_mem>>) src(%dma_wait3A_87 : memref<64x64xi32, #tpu.memory_space<hbm>>) dst(%arg10 : memref<64x64xi32, #tpu.memory_space<vmem>>)
          tpu.yield
        }) : () -> ()
        %scan3A_28 = arith.constant 0 : i32
        %scan3A_29 = arith.constant 0 : i32
        %scan3A_30 = arith.constant 16 : i32
        %scan3A_31 = arith.addi %scan3A_29, %scan3A_30 : i32
        %scan3A_32 = arith.constant 1 : i32
        scf.for %scan3A_81 = %scan3A_29 to %scan3A_31 step %scan3A_32  : i32 {
          %mul3A_82 = arith.constant 4 : i32
          %mul3A_83 = arith.muli %scan3A_81, %mul3A_82 : i32
          %add3A_84 = arith.constant 0 : i32
          %add3A_85 = arith.addi %mul3A_83, %add3A_84 : i32
          %gt3A = arith.constant 0 : i32
          %gt3A_86 = arith.cmpi sgt, %scan3A_81, %gt3A : i32
          %convert_element_type3A_87 = arith.extui %gt3A_86 : i1 to i32
          %cond3A_88 = arith.constant 0 : i32
          %cond3A_89 = arith.cmpi ne, %convert_element_type3A_87, %cond3A_88 : i32
          scf.if %cond3A_89 {
            %sub3A = arith.constant 4 : i32
            %sub3A_264 = arith.subi %add3A_85, %sub3A : i32
            %dma_wait3A_265 = arith.constant 0 : i32
            %dma_wait3A_266 = arith.constant 0 : i32
            %dma_wait3A_267 = arith.constant 0 : i32
            %dma_wait3A_268 = tpu.memref_slice %arg11[%dma_wait3A_265, %dma_wait3A_266, %dma_wait3A_267] : memref<4x64x128xf32, #tpu.memory_space<vmem>> -> memref<1x64x128xf32, #tpu.memory_space<vmem>>
            %dma_wait3A_269 = tpu.memref_squeeze %dma_wait3A_268 : memref<1x64x128xf32, #tpu.memory_space<vmem>> -> memref<64x128xf32, #tpu.memory_space<vmem>>
            %dma_wait3A_270 = arith.constant 0 : i32
            %dma_wait3A_271 = tpu.memref_slice %arg10[%sub3A_264, %dma_wait3A_270] : memref<64x64xi32, #tpu.memory_space<vmem>> -> memref<1x64xi32, #tpu.memory_space<vmem>>
            %dma_wait3A_272 = tpu.memref_squeeze %dma_wait3A_271 : memref<1x64xi32, #tpu.memory_space<vmem>> -> memref<64xi32, #tpu.memory_space<vmem>>
            %dma_wait3A_273 = arith.constant 0 : i32
            %dma_wait3A_274 = arith.constant 0 : i32
            %dma_wait3A_275 = tpu.memref_slice %arg12[%dma_wait3A_273, %dma_wait3A_274] : memref<10112x128xf32, #tpu.memory_space<vmem_shared>> -> memref<10112x128xf32, #tpu.memory_space<vmem_shared>>
            tpu.wait_indirect_dma semaphore(%arg17 : memref<!tpu.dma_semaphore, #tpu.memory_space<semaphore_mem>>) src(%dma_wait3A_269 : memref<64x128xf32, #tpu.memory_space<vmem>>) dst(%dma_wait3A_275 : memref<10112x128xf32, #tpu.memory_space<vmem_shared>>)
          } else {
          }
          %dma_start3A = arith.constant 0 : i32
          %dma_start3A_90 = arith.constant 0 : i32
          %dma_start3A_91 = arith.constant 0 : i32
          %dma_start3A_92 = tpu.memref_slice %arg11[%dma_start3A, %dma_start3A_90, %dma_start3A_91] : memref<4x64x128xf32, #tpu.memory_space<vmem>> -> memref<1x64x128xf32, #tpu.memory_space<vmem>>
          %dma_start3A_93 = tpu.memref_squeeze %dma_start3A_92 : memref<1x64x128xf32, #tpu.memory_space<vmem>> -> memref<64x128xf32, #tpu.memory_space<vmem>>
          %dma_start3A_94 = arith.constant 0 : i32
          %dma_start3A_95 = tpu.memref_slice %arg9[%add3A_85, %dma_start3A_94] : memref<64x64xi32, #tpu.memory_space<vmem>> -> memref<1x64xi32, #tpu.memory_space<vmem>>
          %dma_start3A_96 = tpu.memref_squeeze %dma_start3A_95 : memref<1x64xi32, #tpu.memory_space<vmem>> -> memref<64xi32, #tpu.memory_space<vmem>>
          %dma_start3A_97 = arith.constant 0 : i32
          %dma_start3A_98 = arith.constant 0 : i32
          %dma_start3A_99 = tpu.memref_slice %arg3[%dma_start3A_97, %dma_start3A_98] : memref<10000x128xf32, #tpu.memory_space<hbm>> -> memref<10000x128xf32, #tpu.memory_space<hbm>>
          tpu.enqueue_indirect_dma source(%dma_start3A_99 : memref<10000x128xf32, #tpu.memory_space<hbm>>) target(%dma_start3A_93 : memref<64x128xf32, #tpu.memory_space<vmem>>) offsets(%dma_start3A_96 : memref<64xi32, #tpu.memory_space<vmem>>) semaphore(%arg13 : memref<!tpu.dma_semaphore, #tpu.memory_space<semaphore_mem>>)
          %mul3A_100 = arith.constant 4 : i32
          %mul3A_101 = arith.muli %scan3A_81, %mul3A_100 : i32
          %add3A_102 = arith.constant 1 : i32
          %add3A_103 = arith.addi %mul3A_101, %add3A_102 : i32
          %gt3A_104 = arith.constant 0 : i32
          %gt3A_105 = arith.cmpi sgt, %scan3A_81, %gt3A_104 : i32
          %convert_element_type3A_106 = arith.extui %gt3A_105 : i1 to i32
          %cond3A_107 = arith.constant 0 : i32
          %cond3A_108 = arith.cmpi ne, %convert_element_type3A_106, %cond3A_107 : i32
          scf.if %cond3A_108 {
            %sub3A = arith.constant 4 : i32
            %sub3A_264 = arith.subi %add3A_103, %sub3A : i32
            %dma_wait3A_265 = arith.constant 1 : i32
            %dma_wait3A_266 = arith.constant 0 : i32
            %dma_wait3A_267 = arith.constant 0 : i32
            %dma_wait3A_268 = tpu.memref_slice %arg11[%dma_wait3A_265, %dma_wait3A_266, %dma_wait3A_267] : memref<4x64x128xf32, #tpu.memory_space<vmem>> -> memref<1x64x128xf32, #tpu.memory_space<vmem>>
            %dma_wait3A_269 = tpu.memref_squeeze %dma_wait3A_268 : memref<1x64x128xf32, #tpu.memory_space<vmem>> -> memref<64x128xf32, #tpu.memory_space<vmem>>
            %dma_wait3A_270 = arith.constant 0 : i32
            %dma_wait3A_271 = tpu.memref_slice %arg10[%sub3A_264, %dma_wait3A_270] : memref<64x64xi32, #tpu.memory_space<vmem>> -> memref<1x64xi32, #tpu.memory_space<vmem>>
            %dma_wait3A_272 = tpu.memref_squeeze %dma_wait3A_271 : memref<1x64xi32, #tpu.memory_space<vmem>> -> memref<64xi32, #tpu.memory_space<vmem>>
            %dma_wait3A_273 = arith.constant 0 : i32
            %dma_wait3A_274 = arith.constant 0 : i32
            %dma_wait3A_275 = tpu.memref_slice %arg12[%dma_wait3A_273, %dma_wait3A_274] : memref<10112x128xf32, #tpu.memory_space<vmem_shared>> -> memref<10112x128xf32, #tpu.memory_space<vmem_shared>>
            tpu.wait_indirect_dma semaphore(%arg18 : memref<!tpu.dma_semaphore, #tpu.memory_space<semaphore_mem>>) src(%dma_wait3A_269 : memref<64x128xf32, #tpu.memory_space<vmem>>) dst(%dma_wait3A_275 : memref<10112x128xf32, #tpu.memory_space<vmem_shared>>)
          } else {
          }
          %dma_start3A_109 = arith.constant 1 : i32
          %dma_start3A_110 = arith.constant 0 : i32
          %dma_start3A_111 = arith.constant 0 : i32
          %dma_start3A_112 = tpu.memref_slice %arg11[%dma_start3A_109, %dma_start3A_110, %dma_start3A_111] : memref<4x64x128xf32, #tpu.memory_space<vmem>> -> memref<1x64x128xf32, #tpu.memory_space<vmem>>
          %dma_start3A_113 = tpu.memref_squeeze %dma_start3A_112 : memref<1x64x128xf32, #tpu.memory_space<vmem>> -> memref<64x128xf32, #tpu.memory_space<vmem>>
          %dma_start3A_114 = arith.constant 0 : i32
          %dma_start3A_115 = tpu.memref_slice %arg9[%add3A_103, %dma_start3A_114] : memref<64x64xi32, #tpu.memory_space<vmem>> -> memref<1x64xi32, #tpu.memory_space<vmem>>
          %dma_start3A_116 = tpu.memref_squeeze %dma_start3A_115 : memref<1x64xi32, #tpu.memory_space<vmem>> -> memref<64xi32, #tpu.memory_space<vmem>>
          %dma_start3A_117 = arith.constant 0 : i32
          %dma_start3A_118 = arith.constant 0 : i32
          %dma_start3A_119 = tpu.memref_slice %arg3[%dma_start3A_117, %dma_start3A_118] : memref<10000x128xf32, #tpu.memory_space<hbm>> -> memref<10000x128xf32, #tpu.memory_space<hbm>>
          tpu.enqueue_indirect_dma source(%dma_start3A_119 : memref<10000x128xf32, #tpu.memory_space<hbm>>) target(%dma_start3A_113 : memref<64x128xf32, #tpu.memory_space<vmem>>) offsets(%dma_start3A_116 : memref<64xi32, #tpu.memory_space<vmem>>) semaphore(%arg14 : memref<!tpu.dma_semaphore, #tpu.memory_space<semaphore_mem>>)
          %mul3A_120 = arith.constant 4 : i32
          %mul3A_121 = arith.muli %scan3A_81, %mul3A_120 : i32
          %add3A_122 = arith.constant 2 : i32
          %add3A_123 = arith.addi %mul3A_121, %add3A_122 : i32
          %gt3A_124 = arith.constant 0 : i32
          %gt3A_125 = arith.cmpi sgt, %scan3A_81, %gt3A_124 : i32
          %convert_element_type3A_126 = arith.extui %gt3A_125 : i1 to i32
          %cond3A_127 = arith.constant 0 : i32
          %cond3A_128 = arith.cmpi ne, %convert_element_type3A_126, %cond3A_127 : i32
          scf.if %cond3A_128 {
            %sub3A = arith.constant 4 : i32
            %sub3A_264 = arith.subi %add3A_123, %sub3A : i32
            %dma_wait3A_265 = arith.constant 2 : i32
            %dma_wait3A_266 = arith.constant 0 : i32
            %dma_wait3A_267 = arith.constant 0 : i32
            %dma_wait3A_268 = tpu.memref_slice %arg11[%dma_wait3A_265, %dma_wait3A_266, %dma_wait3A_267] : memref<4x64x128xf32, #tpu.memory_space<vmem>> -> memref<1x64x128xf32, #tpu.memory_space<vmem>>
            %dma_wait3A_269 = tpu.memref_squeeze %dma_wait3A_268 : memref<1x64x128xf32, #tpu.memory_space<vmem>> -> memref<64x128xf32, #tpu.memory_space<vmem>>
            %dma_wait3A_270 = arith.constant 0 : i32
            %dma_wait3A_271 = tpu.memref_slice %arg10[%sub3A_264, %dma_wait3A_270] : memref<64x64xi32, #tpu.memory_space<vmem>> -> memref<1x64xi32, #tpu.memory_space<vmem>>
            %dma_wait3A_272 = tpu.memref_squeeze %dma_wait3A_271 : memref<1x64xi32, #tpu.memory_space<vmem>> -> memref<64xi32, #tpu.memory_space<vmem>>
            %dma_wait3A_273 = arith.constant 0 : i32
            %dma_wait3A_274 = arith.constant 0 : i32
            %dma_wait3A_275 = tpu.memref_slice %arg12[%dma_wait3A_273, %dma_wait3A_274] : memref<10112x128xf32, #tpu.memory_space<vmem_shared>> -> memref<10112x128xf32, #tpu.memory_space<vmem_shared>>
            tpu.wait_indirect_dma semaphore(%arg19 : memref<!tpu.dma_semaphore, #tpu.memory_space<semaphore_mem>>) src(%dma_wait3A_269 : memref<64x128xf32, #tpu.memory_space<vmem>>) dst(%dma_wait3A_275 : memref<10112x128xf32, #tpu.memory_space<vmem_shared>>)
          } else {
          }
          %dma_start3A_129 = arith.constant 2 : i32
          %dma_start3A_130 = arith.constant 0 : i32
          %dma_start3A_131 = arith.constant 0 : i32
          %dma_start3A_132 = tpu.memref_slice %arg11[%dma_start3A_129, %dma_start3A_130, %dma_start3A_131] : memref<4x64x128xf32, #tpu.memory_space<vmem>> -> memref<1x64x128xf32, #tpu.memory_space<vmem>>
          %dma_start3A_133 = tpu.memref_squeeze %dma_start3A_132 : memref<1x64x128xf32, #tpu.memory_space<vmem>> -> memref<64x128xf32, #tpu.memory_space<vmem>>
          %dma_start3A_134 = arith.constant 0 : i32
          %dma_start3A_135 = tpu.memref_slice %arg9[%add3A_123, %dma_start3A_134] : memref<64x64xi32, #tpu.memory_space<vmem>> -> memref<1x64xi32, #tpu.memory_space<vmem>>
          %dma_start3A_136 = tpu.memref_squeeze %dma_start3A_135 : memref<1x64xi32, #tpu.memory_space<vmem>> -> memref<64xi32, #tpu.memory_space<vmem>>
          %dma_start3A_137 = arith.constant 0 : i32
          %dma_start3A_138 = arith.constant 0 : i32
          %dma_start3A_139 = tpu.memref_slice %arg3[%dma_start3A_137, %dma_start3A_138] : memref<10000x128xf32, #tpu.memory_space<hbm>> -> memref<10000x128xf32, #tpu.memory_space<hbm>>
          tpu.enqueue_indirect_dma source(%dma_start3A_139 : memref<10000x128xf32, #tpu.memory_space<hbm>>) target(%dma_start3A_133 : memref<64x128xf32, #tpu.memory_space<vmem>>) offsets(%dma_start3A_136 : memref<64xi32, #tpu.memory_space<vmem>>) semaphore(%arg15 : memref<!tpu.dma_semaphore, #tpu.memory_space<semaphore_mem>>)
          %mul3A_140 = arith.constant 4 : i32
          %mul3A_141 = arith.muli %scan3A_81, %mul3A_140 : i32
          %add3A_142 = arith.constant 3 : i32
          %add3A_143 = arith.addi %mul3A_141, %add3A_142 : i32
          %gt3A_144 = arith.constant 0 : i32
          %gt3A_145 = arith.cmpi sgt, %scan3A_81, %gt3A_144 : i32
          %convert_element_type3A_146 = arith.extui %gt3A_145 : i1 to i32
          %cond3A_147 = arith.constant 0 : i32
          %cond3A_148 = arith.cmpi ne, %convert_element_type3A_146, %cond3A_147 : i32
          scf.if %cond3A_148 {
            %sub3A = arith.constant 4 : i32
            %sub3A_264 = arith.subi %add3A_143, %sub3A : i32
            %dma_wait3A_265 = arith.constant 3 : i32
            %dma_wait3A_266 = arith.constant 0 : i32
            %dma_wait3A_267 = arith.constant 0 : i32
            %dma_wait3A_268 = tpu.memref_slice %arg11[%dma_wait3A_265, %dma_wait3A_266, %dma_wait3A_267] : memref<4x64x128xf32, #tpu.memory_space<vmem>> -> memref<1x64x128xf32, #tpu.memory_space<vmem>>
            %dma_wait3A_269 = tpu.memref_squeeze %dma_wait3A_268 : memref<1x64x128xf32, #tpu.memory_space<vmem>> -> memref<64x128xf32, #tpu.memory_space<vmem>>
            %dma_wait3A_270 = arith.constant 0 : i32
            %dma_wait3A_271 = tpu.memref_slice %arg10[%sub3A_264, %dma_wait3A_270] : memref<64x64xi32, #tpu.memory_space<vmem>> -> memref<1x64xi32, #tpu.memory_space<vmem>>
            %dma_wait3A_272 = tpu.memref_squeeze %dma_wait3A_271 : memref<1x64xi32, #tpu.memory_space<vmem>> -> memref<64xi32, #tpu.memory_space<vmem>>
            %dma_wait3A_273 = arith.constant 0 : i32
            %dma_wait3A_274 = arith.constant 0 : i32
            %dma_wait3A_275 = tpu.memref_slice %arg12[%dma_wait3A_273, %dma_wait3A_274] : memref<10112x128xf32, #tpu.memory_space<vmem_shared>> -> memref<10112x128xf32, #tpu.memory_space<vmem_shared>>
            tpu.wait_indirect_dma semaphore(%arg20 : memref<!tpu.dma_semaphore, #tpu.memory_space<semaphore_mem>>) src(%dma_wait3A_269 : memref<64x128xf32, #tpu.memory_space<vmem>>) dst(%dma_wait3A_275 : memref<10112x128xf32, #tpu.memory_space<vmem_shared>>)
          } else {
          }
          %dma_start3A_149 = arith.constant 3 : i32
          %dma_start3A_150 = arith.constant 0 : i32
          %dma_start3A_151 = arith.constant 0 : i32
          %dma_start3A_152 = tpu.memref_slice %arg11[%dma_start3A_149, %dma_start3A_150, %dma_start3A_151] : memref<4x64x128xf32, #tpu.memory_space<vmem>> -> memref<1x64x128xf32, #tpu.memory_space<vmem>>
          %dma_start3A_153 = tpu.memref_squeeze %dma_start3A_152 : memref<1x64x128xf32, #tpu.memory_space<vmem>> -> memref<64x128xf32, #tpu.memory_space<vmem>>
          %dma_start3A_154 = arith.constant 0 : i32
          %dma_start3A_155 = tpu.memref_slice %arg9[%add3A_143, %dma_start3A_154] : memref<64x64xi32, #tpu.memory_space<vmem>> -> memref<1x64xi32, #tpu.memory_space<vmem>>
          %dma_start3A_156 = tpu.memref_squeeze %dma_start3A_155 : memref<1x64xi32, #tpu.memory_space<vmem>> -> memref<64xi32, #tpu.memory_space<vmem>>
          %dma_start3A_157 = arith.constant 0 : i32
          %dma_start3A_158 = arith.constant 0 : i32
          %dma_start3A_159 = tpu.memref_slice %arg3[%dma_start3A_157, %dma_start3A_158] : memref<10000x128xf32, #tpu.memory_space<hbm>> -> memref<10000x128xf32, #tpu.memory_space<hbm>>
          tpu.enqueue_indirect_dma source(%dma_start3A_159 : memref<10000x128xf32, #tpu.memory_space<hbm>>) target(%dma_start3A_153 : memref<64x128xf32, #tpu.memory_space<vmem>>) offsets(%dma_start3A_156 : memref<64xi32, #tpu.memory_space<vmem>>) semaphore(%arg16 : memref<!tpu.dma_semaphore, #tpu.memory_space<semaphore_mem>>)
          %mul3A_160 = arith.constant 4 : i32
          %mul3A_161 = arith.muli %scan3A_81, %mul3A_160 : i32
          %add3A_162 = arith.constant 0 : i32
          %add3A_163 = arith.addi %mul3A_161, %add3A_162 : i32
          %dma_wait3A_164 = arith.constant 0 : i32
          %dma_wait3A_165 = arith.constant 0 : i32
          %dma_wait3A_166 = arith.constant 0 : i32
          %dma_wait3A_167 = tpu.memref_slice %arg11[%dma_wait3A_164, %dma_wait3A_165, %dma_wait3A_166] : memref<4x64x128xf32, #tpu.memory_space<vmem>> -> memref<1x64x128xf32, #tpu.memory_space<vmem>>
          %dma_wait3A_168 = tpu.memref_squeeze %dma_wait3A_167 : memref<1x64x128xf32, #tpu.memory_space<vmem>> -> memref<64x128xf32, #tpu.memory_space<vmem>>
          %dma_wait3A_169 = arith.constant 0 : i32
          %dma_wait3A_170 = tpu.memref_slice %arg9[%add3A_163, %dma_wait3A_169] : memref<64x64xi32, #tpu.memory_space<vmem>> -> memref<1x64xi32, #tpu.memory_space<vmem>>
          %dma_wait3A_171 = tpu.memref_squeeze %dma_wait3A_170 : memref<1x64xi32, #tpu.memory_space<vmem>> -> memref<64xi32, #tpu.memory_space<vmem>>
          %dma_wait3A_172 = arith.constant 0 : i32
          %dma_wait3A_173 = arith.constant 0 : i32
          %dma_wait3A_174 = tpu.memref_slice %arg3[%dma_wait3A_172, %dma_wait3A_173] : memref<10000x128xf32, #tpu.memory_space<hbm>> -> memref<10000x128xf32, #tpu.memory_space<hbm>>
          tpu.wait_indirect_dma semaphore(%arg13 : memref<!tpu.dma_semaphore, #tpu.memory_space<semaphore_mem>>) src(%dma_wait3A_174 : memref<10000x128xf32, #tpu.memory_space<hbm>>) dst(%dma_wait3A_168 : memref<64x128xf32, #tpu.memory_space<vmem>>)
          %dma_start3A_175 = arith.constant 0 : i32
          %dma_start3A_176 = arith.constant 0 : i32
          %dma_start3A_177 = arith.constant 0 : i32
          %dma_start3A_178 = tpu.memref_slice %arg11[%dma_start3A_175, %dma_start3A_176, %dma_start3A_177] : memref<4x64x128xf32, #tpu.memory_space<vmem>> -> memref<1x64x128xf32, #tpu.memory_space<vmem>>
          %dma_start3A_179 = tpu.memref_squeeze %dma_start3A_178 : memref<1x64x128xf32, #tpu.memory_space<vmem>> -> memref<64x128xf32, #tpu.memory_space<vmem>>
          %dma_start3A_180 = arith.constant 0 : i32
          %dma_start3A_181 = tpu.memref_slice %arg10[%add3A_163, %dma_start3A_180] : memref<64x64xi32, #tpu.memory_space<vmem>> -> memref<1x64xi32, #tpu.memory_space<vmem>>
          %dma_start3A_182 = tpu.memref_squeeze %dma_start3A_181 : memref<1x64xi32, #tpu.memory_space<vmem>> -> memref<64xi32, #tpu.memory_space<vmem>>
          %dma_start3A_183 = arith.constant 0 : i32
          %dma_start3A_184 = arith.constant 0 : i32
          %dma_start3A_185 = tpu.memref_slice %arg12[%dma_start3A_183, %dma_start3A_184] : memref<10112x128xf32, #tpu.memory_space<vmem_shared>> -> memref<10112x128xf32, #tpu.memory_space<vmem_shared>>
          tpu.enqueue_indirect_dma source(%dma_start3A_179 : memref<64x128xf32, #tpu.memory_space<vmem>>) target(%dma_start3A_185 : memref<10112x128xf32, #tpu.memory_space<vmem_shared>>) offsets(%dma_start3A_182 : memref<64xi32, #tpu.memory_space<vmem>>) semaphore(%arg17 : memref<!tpu.dma_semaphore, #tpu.memory_space<semaphore_mem>>) {add = true}
          %mul3A_186 = arith.constant 4 : i32
          %mul3A_187 = arith.muli %scan3A_81, %mul3A_186 : i32
          %add3A_188 = arith.constant 1 : i32
          %add3A_189 = arith.addi %mul3A_187, %add3A_188 : i32
          %dma_wait3A_190 = arith.constant 1 : i32
          %dma_wait3A_191 = arith.constant 0 : i32
          %dma_wait3A_192 = arith.constant 0 : i32
          %dma_wait3A_193 = tpu.memref_slice %arg11[%dma_wait3A_190, %dma_wait3A_191, %dma_wait3A_192] : memref<4x64x128xf32, #tpu.memory_space<vmem>> -> memref<1x64x128xf32, #tpu.memory_space<vmem>>
          %dma_wait3A_194 = tpu.memref_squeeze %dma_wait3A_193 : memref<1x64x128xf32, #tpu.memory_space<vmem>> -> memref<64x128xf32, #tpu.memory_space<vmem>>
          %dma_wait3A_195 = arith.constant 0 : i32
          %dma_wait3A_196 = tpu.memref_slice %arg9[%add3A_189, %dma_wait3A_195] : memref<64x64xi32, #tpu.memory_space<vmem>> -> memref<1x64xi32, #tpu.memory_space<vmem>>
          %dma_wait3A_197 = tpu.memref_squeeze %dma_wait3A_196 : memref<1x64xi32, #tpu.memory_space<vmem>> -> memref<64xi32, #tpu.memory_space<vmem>>
          %dma_wait3A_198 = arith.constant 0 : i32
          %dma_wait3A_199 = arith.constant 0 : i32
          %dma_wait3A_200 = tpu.memref_slice %arg3[%dma_wait3A_198, %dma_wait3A_199] : memref<10000x128xf32, #tpu.memory_space<hbm>> -> memref<10000x128xf32, #tpu.memory_space<hbm>>
          tpu.wait_indirect_dma semaphore(%arg14 : memref<!tpu.dma_semaphore, #tpu.memory_space<semaphore_mem>>) src(%dma_wait3A_200 : memref<10000x128xf32, #tpu.memory_space<hbm>>) dst(%dma_wait3A_194 : memref<64x128xf32, #tpu.memory_space<vmem>>)
          %dma_start3A_201 = arith.constant 1 : i32
          %dma_start3A_202 = arith.constant 0 : i32
          %dma_start3A_203 = arith.constant 0 : i32
          %dma_start3A_204 = tpu.memref_slice %arg11[%dma_start3A_201, %dma_start3A_202, %dma_start3A_203] : memref<4x64x128xf32, #tpu.memory_space<vmem>> -> memref<1x64x128xf32, #tpu.memory_space<vmem>>
          %dma_start3A_205 = tpu.memref_squeeze %dma_start3A_204 : memref<1x64x128xf32, #tpu.memory_space<vmem>> -> memref<64x128xf32, #tpu.memory_space<vmem>>
          %dma_start3A_206 = arith.constant 0 : i32
          %dma_start3A_207 = tpu.memref_slice %arg10[%add3A_189, %dma_start3A_206] : memref<64x64xi32, #tpu.memory_space<vmem>> -> memref<1x64xi32, #tpu.memory_space<vmem>>
          %dma_start3A_208 = tpu.memref_squeeze %dma_start3A_207 : memref<1x64xi32, #tpu.memory_space<vmem>> -> memref<64xi32, #tpu.memory_space<vmem>>
          %dma_start3A_209 = arith.constant 0 : i32
          %dma_start3A_210 = arith.constant 0 : i32
          %dma_start3A_211 = tpu.memref_slice %arg12[%dma_start3A_209, %dma_start3A_210] : memref<10112x128xf32, #tpu.memory_space<vmem_shared>> -> memref<10112x128xf32, #tpu.memory_space<vmem_shared>>
          tpu.enqueue_indirect_dma source(%dma_start3A_205 : memref<64x128xf32, #tpu.memory_space<vmem>>) target(%dma_start3A_211 : memref<10112x128xf32, #tpu.memory_space<vmem_shared>>) offsets(%dma_start3A_208 : memref<64xi32, #tpu.memory_space<vmem>>) semaphore(%arg18 : memref<!tpu.dma_semaphore, #tpu.memory_space<semaphore_mem>>) {add = true}
          %mul3A_212 = arith.constant 4 : i32
          %mul3A_213 = arith.muli %scan3A_81, %mul3A_212 : i32
          %add3A_214 = arith.constant 2 : i32
          %add3A_215 = arith.addi %mul3A_213, %add3A_214 : i32
          %dma_wait3A_216 = arith.constant 2 : i32
          %dma_wait3A_217 = arith.constant 0 : i32
          %dma_wait3A_218 = arith.constant 0 : i32
          %dma_wait3A_219 = tpu.memref_slice %arg11[%dma_wait3A_216, %dma_wait3A_217, %dma_wait3A_218] : memref<4x64x128xf32, #tpu.memory_space<vmem>> -> memref<1x64x128xf32, #tpu.memory_space<vmem>>
          %dma_wait3A_220 = tpu.memref_squeeze %dma_wait3A_219 : memref<1x64x128xf32, #tpu.memory_space<vmem>> -> memref<64x128xf32, #tpu.memory_space<vmem>>
          %dma_wait3A_221 = arith.constant 0 : i32
          %dma_wait3A_222 = tpu.memref_slice %arg9[%add3A_215, %dma_wait3A_221] : memref<64x64xi32, #tpu.memory_space<vmem>> -> memref<1x64xi32, #tpu.memory_space<vmem>>
          %dma_wait3A_223 = tpu.memref_squeeze %dma_wait3A_222 : memref<1x64xi32, #tpu.memory_space<vmem>> -> memref<64xi32, #tpu.memory_space<vmem>>
          %dma_wait3A_224 = arith.constant 0 : i32
          %dma_wait3A_225 = arith.constant 0 : i32
          %dma_wait3A_226 = tpu.memref_slice %arg3[%dma_wait3A_224, %dma_wait3A_225] : memref<10000x128xf32, #tpu.memory_space<hbm>> -> memref<10000x128xf32, #tpu.memory_space<hbm>>
          tpu.wait_indirect_dma semaphore(%arg15 : memref<!tpu.dma_semaphore, #tpu.memory_space<semaphore_mem>>) src(%dma_wait3A_226 : memref<10000x128xf32, #tpu.memory_space<hbm>>) dst(%dma_wait3A_220 : memref<64x128xf32, #tpu.memory_space<vmem>>)
          %dma_start3A_227 = arith.constant 2 : i32
          %dma_start3A_228 = arith.constant 0 : i32
          %dma_start3A_229 = arith.constant 0 : i32
          %dma_start3A_230 = tpu.memref_slice %arg11[%dma_start3A_227, %dma_start3A_228, %dma_start3A_229] : memref<4x64x128xf32, #tpu.memory_space<vmem>> -> memref<1x64x128xf32, #tpu.memory_space<vmem>>
          %dma_start3A_231 = tpu.memref_squeeze %dma_start3A_230 : memref<1x64x128xf32, #tpu.memory_space<vmem>> -> memref<64x128xf32, #tpu.memory_space<vmem>>
          %dma_start3A_232 = arith.constant 0 : i32
          %dma_start3A_233 = tpu.memref_slice %arg10[%add3A_215, %dma_start3A_232] : memref<64x64xi32, #tpu.memory_space<vmem>> -> memref<1x64xi32, #tpu.memory_space<vmem>>
          %dma_start3A_234 = tpu.memref_squeeze %dma_start3A_233 : memref<1x64xi32, #tpu.memory_space<vmem>> -> memref<64xi32, #tpu.memory_space<vmem>>
          %dma_start3A_235 = arith.constant 0 : i32
          %dma_start3A_236 = arith.constant 0 : i32
          %dma_start3A_237 = tpu.memref_slice %arg12[%dma_start3A_235, %dma_start3A_236] : memref<10112x128xf32, #tpu.memory_space<vmem_shared>> -> memref<10112x128xf32, #tpu.memory_space<vmem_shared>>
          tpu.enqueue_indirect_dma source(%dma_start3A_231 : memref<64x128xf32, #tpu.memory_space<vmem>>) target(%dma_start3A_237 : memref<10112x128xf32, #tpu.memory_space<vmem_shared>>) offsets(%dma_start3A_234 : memref<64xi32, #tpu.memory_space<vmem>>) semaphore(%arg19 : memref<!tpu.dma_semaphore, #tpu.memory_space<semaphore_mem>>) {add = true}
          %mul3A_238 = arith.constant 4 : i32
          %mul3A_239 = arith.muli %scan3A_81, %mul3A_238 : i32
          %add3A_240 = arith.constant 3 : i32
          %add3A_241 = arith.addi %mul3A_239, %add3A_240 : i32
          %dma_wait3A_242 = arith.constant 3 : i32
          %dma_wait3A_243 = arith.constant 0 : i32
          %dma_wait3A_244 = arith.constant 0 : i32
          %dma_wait3A_245 = tpu.memref_slice %arg11[%dma_wait3A_242, %dma_wait3A_243, %dma_wait3A_244] : memref<4x64x128xf32, #tpu.memory_space<vmem>> -> memref<1x64x128xf32, #tpu.memory_space<vmem>>
          %dma_wait3A_246 = tpu.memref_squeeze %dma_wait3A_245 : memref<1x64x128xf32, #tpu.memory_space<vmem>> -> memref<64x128xf32, #tpu.memory_space<vmem>>
          %dma_wait3A_247 = arith.constant 0 : i32
          %dma_wait3A_248 = tpu.memref_slice %arg9[%add3A_241, %dma_wait3A_247] : memref<64x64xi32, #tpu.memory_space<vmem>> -> memref<1x64xi32, #tpu.memory_space<vmem>>
          %dma_wait3A_249 = tpu.memref_squeeze %dma_wait3A_248 : memref<1x64xi32, #tpu.memory_space<vmem>> -> memref<64xi32, #tpu.memory_space<vmem>>
          %dma_wait3A_250 = arith.constant 0 : i32
          %dma_wait3A_251 = arith.constant 0 : i32
          %dma_wait3A_252 = tpu.memref_slice %arg3[%dma_wait3A_250, %dma_wait3A_251] : memref<10000x128xf32, #tpu.memory_space<hbm>> -> memref<10000x128xf32, #tpu.memory_space<hbm>>
          tpu.wait_indirect_dma semaphore(%arg16 : memref<!tpu.dma_semaphore, #tpu.memory_space<semaphore_mem>>) src(%dma_wait3A_252 : memref<10000x128xf32, #tpu.memory_space<hbm>>) dst(%dma_wait3A_246 : memref<64x128xf32, #tpu.memory_space<vmem>>)
          %dma_start3A_253 = arith.constant 3 : i32
          %dma_start3A_254 = arith.constant 0 : i32
          %dma_start3A_255 = arith.constant 0 : i32
          %dma_start3A_256 = tpu.memref_slice %arg11[%dma_start3A_253, %dma_start3A_254, %dma_start3A_255] : memref<4x64x128xf32, #tpu.memory_space<vmem>> -> memref<1x64x128xf32, #tpu.memory_space<vmem>>
          %dma_start3A_257 = tpu.memref_squeeze %dma_start3A_256 : memref<1x64x128xf32, #tpu.memory_space<vmem>> -> memref<64x128xf32, #tpu.memory_space<vmem>>
          %dma_start3A_258 = arith.constant 0 : i32
          %dma_start3A_259 = tpu.memref_slice %arg10[%add3A_241, %dma_start3A_258] : memref<64x64xi32, #tpu.memory_space<vmem>> -> memref<1x64xi32, #tpu.memory_space<vmem>>
          %dma_start3A_260 = tpu.memref_squeeze %dma_start3A_259 : memref<1x64xi32, #tpu.memory_space<vmem>> -> memref<64xi32, #tpu.memory_space<vmem>>
          %dma_start3A_261 = arith.constant 0 : i32
          %dma_start3A_262 = arith.constant 0 : i32
          %dma_start3A_263 = tpu.memref_slice %arg12[%dma_start3A_261, %dma_start3A_262] : memref<10112x128xf32, #tpu.memory_space<vmem_shared>> -> memref<10112x128xf32, #tpu.memory_space<vmem_shared>>
          tpu.enqueue_indirect_dma source(%dma_start3A_257 : memref<64x128xf32, #tpu.memory_space<vmem>>) target(%dma_start3A_263 : memref<10112x128xf32, #tpu.memory_space<vmem_shared>>) offsets(%dma_start3A_260 : memref<64xi32, #tpu.memory_space<vmem>>) semaphore(%arg20 : memref<!tpu.dma_semaphore, #tpu.memory_space<semaphore_mem>>) {add = true}
        }
        %scan3A_33 = arith.constant 16 : i32
        %dma_wait3A = arith.constant 0 : i32
        %dma_wait3A_34 = arith.constant 0 : i32
        %dma_wait3A_35 = arith.constant 0 : i32
        %dma_wait3A_36 = arith.constant 0 : i32
        %dma_wait3A_37 = tpu.memref_slice %arg11[%dma_wait3A, %dma_wait3A_35, %dma_wait3A_36] : memref<4x64x128xf32, #tpu.memory_space<vmem>> -> memref<1x64x128xf32, #tpu.memory_space<vmem>>
        %dma_wait3A_38 = tpu.memref_squeeze %dma_wait3A_37 : memref<1x64x128xf32, #tpu.memory_space<vmem>> -> memref<64x128xf32, #tpu.memory_space<vmem>>
        %dma_wait3A_39 = arith.constant 0 : i32
        %dma_wait3A_40 = tpu.memref_slice %arg10[%dma_wait3A_34, %dma_wait3A_39] : memref<64x64xi32, #tpu.memory_space<vmem>> -> memref<1x64xi32, #tpu.memory_space<vmem>>
        %dma_wait3A_41 = tpu.memref_squeeze %dma_wait3A_40 : memref<1x64xi32, #tpu.memory_space<vmem>> -> memref<64xi32, #tpu.memory_space<vmem>>
        %dma_wait3A_42 = arith.constant 0 : i32
        %dma_wait3A_43 = arith.constant 0 : i32
        %dma_wait3A_44 = tpu.memref_slice %arg12[%dma_wait3A_42, %dma_wait3A_43] : memref<10112x128xf32, #tpu.memory_space<vmem_shared>> -> memref<10112x128xf32, #tpu.memory_space<vmem_shared>>
        tpu.wait_indirect_dma semaphore(%arg17 : memref<!tpu.dma_semaphore, #tpu.memory_space<semaphore_mem>>) src(%dma_wait3A_38 : memref<64x128xf32, #tpu.memory_space<vmem>>) dst(%dma_wait3A_44 : memref<10112x128xf32, #tpu.memory_space<vmem_shared>>)
        %dma_wait3A_45 = arith.constant 1 : i32
        %dma_wait3A_46 = arith.constant 1 : i32
        %dma_wait3A_47 = arith.constant 0 : i32
        %dma_wait3A_48 = arith.constant 0 : i32
        %dma_wait3A_49 = tpu.memref_slice %arg11[%dma_wait3A_45, %dma_wait3A_47, %dma_wait3A_48] : memref<4x64x128xf32, #tpu.memory_space<vmem>> -> memref<1x64x128xf32, #tpu.memory_space<vmem>>
        %dma_wait3A_50 = tpu.memref_squeeze %dma_wait3A_49 : memref<1x64x128xf32, #tpu.memory_space<vmem>> -> memref<64x128xf32, #tpu.memory_space<vmem>>
        %dma_wait3A_51 = arith.constant 0 : i32
        %dma_wait3A_52 = tpu.memref_slice %arg10[%dma_wait3A_46, %dma_wait3A_51] : memref<64x64xi32, #tpu.memory_space<vmem>> -> memref<1x64xi32, #tpu.memory_space<vmem>>
        %dma_wait3A_53 = tpu.memref_squeeze %dma_wait3A_52 : memref<1x64xi32, #tpu.memory_space<vmem>> -> memref<64xi32, #tpu.memory_space<vmem>>
        %dma_wait3A_54 = arith.constant 0 : i32
        %dma_wait3A_55 = arith.constant 0 : i32
        %dma_wait3A_56 = tpu.memref_slice %arg12[%dma_wait3A_54, %dma_wait3A_55] : memref<10112x128xf32, #tpu.memory_space<vmem_shared>> -> memref<10112x128xf32, #tpu.memory_space<vmem_shared>>
        tpu.wait_indirect_dma semaphore(%arg18 : memref<!tpu.dma_semaphore, #tpu.memory_space<semaphore_mem>>) src(%dma_wait3A_50 : memref<64x128xf32, #tpu.memory_space<vmem>>) dst(%dma_wait3A_56 : memref<10112x128xf32, #tpu.memory_space<vmem_shared>>)
        %dma_wait3A_57 = arith.constant 2 : i32
        %dma_wait3A_58 = arith.constant 2 : i32
        %dma_wait3A_59 = arith.constant 0 : i32
        %dma_wait3A_60 = arith.constant 0 : i32
        %dma_wait3A_61 = tpu.memref_slice %arg11[%dma_wait3A_57, %dma_wait3A_59, %dma_wait3A_60] : memref<4x64x128xf32, #tpu.memory_space<vmem>> -> memref<1x64x128xf32, #tpu.memory_space<vmem>>
        %dma_wait3A_62 = tpu.memref_squeeze %dma_wait3A_61 : memref<1x64x128xf32, #tpu.memory_space<vmem>> -> memref<64x128xf32, #tpu.memory_space<vmem>>
        %dma_wait3A_63 = arith.constant 0 : i32
        %dma_wait3A_64 = tpu.memref_slice %arg10[%dma_wait3A_58, %dma_wait3A_63] : memref<64x64xi32, #tpu.memory_space<vmem>> -> memref<1x64xi32, #tpu.memory_space<vmem>>
        %dma_wait3A_65 = tpu.memref_squeeze %dma_wait3A_64 : memref<1x64xi32, #tpu.memory_space<vmem>> -> memref<64xi32, #tpu.memory_space<vmem>>
        %dma_wait3A_66 = arith.constant 0 : i32
        %dma_wait3A_67 = arith.constant 0 : i32
        %dma_wait3A_68 = tpu.memref_slice %arg12[%dma_wait3A_66, %dma_wait3A_67] : memref<10112x128xf32, #tpu.memory_space<vmem_shared>> -> memref<10112x128xf32, #tpu.memory_space<vmem_shared>>
        tpu.wait_indirect_dma semaphore(%arg19 : memref<!tpu.dma_semaphore, #tpu.memory_space<semaphore_mem>>) src(%dma_wait3A_62 : memref<64x128xf32, #tpu.memory_space<vmem>>) dst(%dma_wait3A_68 : memref<10112x128xf32, #tpu.memory_space<vmem_shared>>)
        %dma_wait3A_69 = arith.constant 3 : i32
        %dma_wait3A_70 = arith.constant 3 : i32
        %dma_wait3A_71 = arith.constant 0 : i32
        %dma_wait3A_72 = arith.constant 0 : i32
        %dma_wait3A_73 = tpu.memref_slice %arg11[%dma_wait3A_69, %dma_wait3A_71, %dma_wait3A_72] : memref<4x64x128xf32, #tpu.memory_space<vmem>> -> memref<1x64x128xf32, #tpu.memory_space<vmem>>
        %dma_wait3A_74 = tpu.memref_squeeze %dma_wait3A_73 : memref<1x64x128xf32, #tpu.memory_space<vmem>> -> memref<64x128xf32, #tpu.memory_space<vmem>>
        %dma_wait3A_75 = arith.constant 0 : i32
        %dma_wait3A_76 = tpu.memref_slice %arg10[%dma_wait3A_70, %dma_wait3A_75] : memref<64x64xi32, #tpu.memory_space<vmem>> -> memref<1x64xi32, #tpu.memory_space<vmem>>
        %dma_wait3A_77 = tpu.memref_squeeze %dma_wait3A_76 : memref<1x64xi32, #tpu.memory_space<vmem>> -> memref<64xi32, #tpu.memory_space<vmem>>
        %dma_wait3A_78 = arith.constant 0 : i32
        %dma_wait3A_79 = arith.constant 0 : i32
        %dma_wait3A_80 = tpu.memref_slice %arg12[%dma_wait3A_78, %dma_wait3A_79] : memref<10112x128xf32, #tpu.memory_space<vmem_shared>> -> memref<10112x128xf32, #tpu.memory_space<vmem_shared>>
        tpu.wait_indirect_dma semaphore(%arg20 : memref<!tpu.dma_semaphore, #tpu.memory_space<semaphore_mem>>) src(%dma_wait3A_74 : memref<64x128xf32, #tpu.memory_space<vmem>>) dst(%dma_wait3A_80 : memref<10112x128xf32, #tpu.memory_space<vmem_shared>>)
      }
      %scan3A_16 = arith.constant 5 : i32
      %barrier3A_17 = arith.constant 0 : index
      tpu.barrier barrier_id(%barrier3A_17)
      %mul3A_18 = arith.constant 632 : i32
      %mul3A_19 = arith.muli %arg1, %mul3A_18 : i32
      %mul3A_20 = arith.constant 632 : i32
      %mul3A_21 = arith.muli %arg1, %mul3A_20 : i32
      "tpu.region"() ({
        %run_scoped3A = tpu.sem_alloc : memref<!tpu.dma_semaphore, #tpu.memory_space<semaphore_mem>>
        %dma_start3A = arith.constant 0 : i32
        %dma_start3A_22 = tpu.memref_slice %arg8[%mul3A_21, %dma_start3A] : memref<10112x128xf32, #tpu.memory_space<hbm>> -> memref<632x128xf32, #tpu.memory_space<hbm>>
        %dma_start3A_23 = arith.constant 0 : i32
        %dma_start3A_24 = tpu.memref_slice %arg12[%mul3A_19, %dma_start3A_23] : memref<10112x128xf32, #tpu.memory_space<vmem_shared>> -> memref<632x128xf32, #tpu.memory_space<vmem_shared>>
        tpu.enqueue_dma source(%dma_start3A_24 : memref<632x128xf32, #tpu.memory_space<vmem_shared>>) target(%dma_start3A_22 : memref<632x128xf32, #tpu.memory_space<hbm>>) target_semaphore(%run_scoped3A : memref<!tpu.dma_semaphore, #tpu.memory_space<semaphore_mem>>)
        %dma_wait3A = arith.constant 0 : i32
        %dma_wait3A_25 = tpu.memref_slice %arg8[%mul3A_21, %dma_wait3A] : memref<10112x128xf32, #tpu.memory_space<hbm>> -> memref<632x128xf32, #tpu.memory_space<hbm>>
        %dma_wait3A_26 = arith.constant 0 : i32
        %dma_wait3A_27 = tpu.memref_slice %arg12[%mul3A_19, %dma_wait3A_26] : memref<10112x128xf32, #tpu.memory_space<vmem_shared>> -> memref<632x128xf32, #tpu.memory_space<vmem_shared>>
        tpu.wait_dma2 semaphore(%run_scoped3A : memref<!tpu.dma_semaphore, #tpu.memory_space<semaphore_mem>>) src(%dma_wait3A_27 : memref<632x128xf32, #tpu.memory_space<vmem_shared>>) dst(%dma_wait3A_25 : memref<632x128xf32, #tpu.memory_space<hbm>>)
        tpu.yield
      }) : () -> ()
    } else {
    }
    return
  }
}

#map = affine_map<(d0, d1) -> (0, 0)>
module attributes {stable_mosaic.version = 14 : i64} {
  func.func @_deg_kernel(%arg0: i32, %arg1: i32, %arg2: memref<5120x64xi32, #tpu.memory_space<hbm>>, %arg3: memref<64x128xf32, #tpu.memory_space<hbm>>, %arg4: memref<10112x128xf32, #tpu.memory_space<hbm>>, %arg5: memref<20224x128xf32, #tpu.memory_space<hbm>>, %arg6: memref<160x64xi32, #tpu.memory_space<vmem>>, %arg7: memref<64x128xf32, #tpu.memory_space<vmem>>, %arg8: memref<10112x128xf32, #tpu.memory_space<vmem_shared>>, %arg9: memref<!tpu.dma_semaphore, #tpu.memory_space<semaphore_mem>>) attributes {dimension_semantics = [#tpu.dimension_semantics<core_parallel>, #tpu.dimension_semantics<subcore_parallel>], iteration_bounds = array<i64: 2, 16>, scalar_prefetch = 0 : i64, scratch_operands = 4 : i64, tpu.core_type = #tpu.core_type<sc_vector_subcore>, window_params = [{transform_indices = #map}, {transform_indices = #map}, {transform_indices = #map}, {transform_indices = #map}]} {
    %mul3A = arith.constant 632 : i32
    %mul3A_0 = arith.muli %arg1, %mul3A : i32
    %mul3A_1 = arith.constant 632 : i32
    %mul3A_2 = arith.muli %arg1, %mul3A_1 : i32
    "tpu.region"() ({
      %run_scoped3A = tpu.sem_alloc : memref<!tpu.dma_semaphore, #tpu.memory_space<semaphore_mem>>
      %dma_start3A = arith.constant 0 : i32
      %dma_start3A_26 = tpu.memref_slice %arg8[%mul3A_2, %dma_start3A] : memref<10112x128xf32, #tpu.memory_space<vmem_shared>> -> memref<632x128xf32, #tpu.memory_space<vmem_shared>>
      %dma_start3A_27 = arith.constant 0 : i32
      %dma_start3A_28 = tpu.memref_slice %arg4[%mul3A_0, %dma_start3A_27] : memref<10112x128xf32, #tpu.memory_space<hbm>> -> memref<632x128xf32, #tpu.memory_space<hbm>>
      tpu.enqueue_dma source(%dma_start3A_28 : memref<632x128xf32, #tpu.memory_space<hbm>>) target(%dma_start3A_26 : memref<632x128xf32, #tpu.memory_space<vmem_shared>>) target_semaphore(%run_scoped3A : memref<!tpu.dma_semaphore, #tpu.memory_space<semaphore_mem>>)
      %dma_wait3A = arith.constant 0 : i32
      %dma_wait3A_29 = tpu.memref_slice %arg8[%mul3A_2, %dma_wait3A] : memref<10112x128xf32, #tpu.memory_space<vmem_shared>> -> memref<632x128xf32, #tpu.memory_space<vmem_shared>>
      %dma_wait3A_30 = arith.constant 0 : i32
      %dma_wait3A_31 = tpu.memref_slice %arg4[%mul3A_0, %dma_wait3A_30] : memref<10112x128xf32, #tpu.memory_space<hbm>> -> memref<632x128xf32, #tpu.memory_space<hbm>>
      tpu.wait_dma2 semaphore(%run_scoped3A : memref<!tpu.dma_semaphore, #tpu.memory_space<semaphore_mem>>) src(%dma_wait3A_31 : memref<632x128xf32, #tpu.memory_space<hbm>>) dst(%dma_wait3A_29 : memref<632x128xf32, #tpu.memory_space<vmem_shared>>)
      tpu.yield
    }) : () -> ()
    "tpu.region"() ({
      %run_scoped3A = tpu.sem_alloc : memref<!tpu.dma_semaphore, #tpu.memory_space<semaphore_mem>>
      tpu.enqueue_dma source(%arg3 : memref<64x128xf32, #tpu.memory_space<hbm>>) target(%arg7 : memref<64x128xf32, #tpu.memory_space<vmem>>) target_semaphore(%run_scoped3A : memref<!tpu.dma_semaphore, #tpu.memory_space<semaphore_mem>>)
      tpu.wait_dma2 semaphore(%run_scoped3A : memref<!tpu.dma_semaphore, #tpu.memory_space<semaphore_mem>>) src(%arg3 : memref<64x128xf32, #tpu.memory_space<hbm>>) dst(%arg7 : memref<64x128xf32, #tpu.memory_space<vmem>>)
      tpu.yield
    }) : () -> ()
    %mul3A_3 = arith.constant 2 : i32
    %mul3A_4 = arith.muli %arg1, %mul3A_3 : i32
    %add3A = arith.addi %mul3A_4, %arg0 : i32
    %mul3A_5 = arith.constant 160 : i32
    %mul3A_6 = arith.muli %add3A, %mul3A_5 : i32
    "tpu.region"() ({
      %run_scoped3A = tpu.sem_alloc : memref<!tpu.dma_semaphore, #tpu.memory_space<semaphore_mem>>
      %dma_start3A = arith.constant 0 : i32
      %dma_start3A_26 = tpu.memref_slice %arg2[%mul3A_6, %dma_start3A] : memref<5120x64xi32, #tpu.memory_space<hbm>> -> memref<160x64xi32, #tpu.memory_space<hbm>>
      %dma_start3A_27 = arith.constant 0 : i32
      %dma_start3A_28 = tpu.memref_slice %arg2[%mul3A_6, %dma_start3A_27] : memref<5120x64xi32, #tpu.memory_space<hbm>> -> memref<160x64xi32, #tpu.memory_space<hbm>>
      tpu.enqueue_dma source(%dma_start3A_28 : memref<160x64xi32, #tpu.memory_space<hbm>>) target(%arg6 : memref<160x64xi32, #tpu.memory_space<vmem>>) target_semaphore(%run_scoped3A : memref<!tpu.dma_semaphore, #tpu.memory_space<semaphore_mem>>)
      %dma_wait3A = arith.constant 0 : i32
      %dma_wait3A_29 = tpu.memref_slice %arg2[%mul3A_6, %dma_wait3A] : memref<5120x64xi32, #tpu.memory_space<hbm>> -> memref<160x64xi32, #tpu.memory_space<hbm>>
      %dma_wait3A_30 = arith.constant 0 : i32
      %dma_wait3A_31 = tpu.memref_slice %arg2[%mul3A_6, %dma_wait3A_30] : memref<5120x64xi32, #tpu.memory_space<hbm>> -> memref<160x64xi32, #tpu.memory_space<hbm>>
      tpu.wait_dma2 semaphore(%run_scoped3A : memref<!tpu.dma_semaphore, #tpu.memory_space<semaphore_mem>>) src(%dma_wait3A_31 : memref<160x64xi32, #tpu.memory_space<hbm>>) dst(%arg6 : memref<160x64xi32, #tpu.memory_space<vmem>>)
      tpu.yield
    }) : () -> ()
    %barrier3A = arith.constant 0 : index
    tpu.barrier barrier_id(%barrier3A)
    %scan3A = arith.constant 0 : i32
    %scan3A_7 = arith.constant 0 : i32
    %scan3A_8 = arith.constant 160 : i32
    %scan3A_9 = arith.addi %scan3A_7, %scan3A_8 : i32
    %scan3A_10 = arith.constant 1 : i32
    scf.for %scan3A_26 = %scan3A_7 to %scan3A_9 step %scan3A_10  : i32 {
      %ge3A = arith.constant 8 : i32
      %ge3A_27 = arith.cmpi sge, %scan3A_26, %ge3A : i32
      %convert_element_type3A = arith.extui %ge3A_27 : i1 to i32
      %cond3A = arith.constant 0 : i32
      %cond3A_28 = arith.cmpi ne, %convert_element_type3A, %cond3A : i32
      scf.if %cond3A_28 {
        %dma_wait3A = arith.constant 0 : i32
        %dma_wait3A_34 = arith.constant 0 : i32
        %dma_wait3A_35 = tpu.memref_slice %arg6[%dma_wait3A, %dma_wait3A_34] : memref<160x64xi32, #tpu.memory_space<vmem>> -> memref<1x64xi32, #tpu.memory_space<vmem>>
        %dma_wait3A_36 = tpu.memref_squeeze %dma_wait3A_35 : memref<1x64xi32, #tpu.memory_space<vmem>> -> memref<64xi32, #tpu.memory_space<vmem>>
        %dma_wait3A_37 = arith.constant 0 : i32
        %dma_wait3A_38 = arith.constant 0 : i32
        %dma_wait3A_39 = tpu.memref_slice %arg8[%dma_wait3A_37, %dma_wait3A_38] : memref<10112x128xf32, #tpu.memory_space<vmem_shared>> -> memref<10112x128xf32, #tpu.memory_space<vmem_shared>>
        tpu.wait_indirect_dma semaphore(%arg9 : memref<!tpu.dma_semaphore, #tpu.memory_space<semaphore_mem>>) src(%arg7 : memref<64x128xf32, #tpu.memory_space<vmem>>) dst(%dma_wait3A_39 : memref<10112x128xf32, #tpu.memory_space<vmem_shared>>)
      } else {
      }
      %dma_start3A = arith.constant 0 : i32
      %dma_start3A_29 = tpu.memref_slice %arg6[%scan3A_26, %dma_start3A] : memref<160x64xi32, #tpu.memory_space<vmem>> -> memref<1x64xi32, #tpu.memory_space<vmem>>
      %dma_start3A_30 = tpu.memref_squeeze %dma_start3A_29 : memref<1x64xi32, #tpu.memory_space<vmem>> -> memref<64xi32, #tpu.memory_space<vmem>>
      %dma_start3A_31 = arith.constant 0 : i32
      %dma_start3A_32 = arith.constant 0 : i32
      %dma_start3A_33 = tpu.memref_slice %arg8[%dma_start3A_31, %dma_start3A_32] : memref<10112x128xf32, #tpu.memory_space<vmem_shared>> -> memref<10112x128xf32, #tpu.memory_space<vmem_shared>>
      tpu.enqueue_indirect_dma source(%arg7 : memref<64x128xf32, #tpu.memory_space<vmem>>) target(%dma_start3A_33 : memref<10112x128xf32, #tpu.memory_space<vmem_shared>>) offsets(%dma_start3A_30 : memref<64xi32, #tpu.memory_space<vmem>>) semaphore(%arg9 : memref<!tpu.dma_semaphore, #tpu.memory_space<semaphore_mem>>) {add = true}
    }
    %scan3A_11 = arith.constant 160 : i32
    %scan3A_12 = arith.constant 0 : i32
    %scan3A_13 = arith.constant 0 : i32
    %scan3A_14 = arith.constant 8 : i32
    %scan3A_15 = arith.addi %scan3A_13, %scan3A_14 : i32
    %scan3A_16 = arith.constant 1 : i32
    scf.for %scan3A_26 = %scan3A_13 to %scan3A_15 step %scan3A_16  : i32 {
      %dma_wait3A = arith.constant 0 : i32
      %dma_wait3A_27 = arith.constant 0 : i32
      %dma_wait3A_28 = tpu.memref_slice %arg6[%dma_wait3A, %dma_wait3A_27] : memref<160x64xi32, #tpu.memory_space<vmem>> -> memref<1x64xi32, #tpu.memory_space<vmem>>
      %dma_wait3A_29 = tpu.memref_squeeze %dma_wait3A_28 : memref<1x64xi32, #tpu.memory_space<vmem>> -> memref<64xi32, #tpu.memory_space<vmem>>
      %dma_wait3A_30 = arith.constant 0 : i32
      %dma_wait3A_31 = arith.constant 0 : i32
      %dma_wait3A_32 = tpu.memref_slice %arg8[%dma_wait3A_30, %dma_wait3A_31] : memref<10112x128xf32, #tpu.memory_space<vmem_shared>> -> memref<10112x128xf32, #tpu.memory_space<vmem_shared>>
      tpu.wait_indirect_dma semaphore(%arg9 : memref<!tpu.dma_semaphore, #tpu.memory_space<semaphore_mem>>) src(%arg7 : memref<64x128xf32, #tpu.memory_space<vmem>>) dst(%dma_wait3A_32 : memref<10112x128xf32, #tpu.memory_space<vmem_shared>>)
    }
    %scan3A_17 = arith.constant 8 : i32
    %barrier3A_18 = arith.constant 0 : index
    tpu.barrier barrier_id(%barrier3A_18)
    %mul3A_19 = arith.constant 632 : i32
    %mul3A_20 = arith.muli %arg1, %mul3A_19 : i32
    %mul3A_21 = arith.constant 10112 : i32
    %mul3A_22 = arith.muli %arg0, %mul3A_21 : i32
    %mul3A_23 = arith.constant 632 : i32
    %mul3A_24 = arith.muli %arg1, %mul3A_23 : i32
    %add3A_25 = arith.addi %mul3A_22, %mul3A_24 : i32
    "tpu.region"() ({
      %run_scoped3A = tpu.sem_alloc : memref<!tpu.dma_semaphore, #tpu.memory_space<semaphore_mem>>
      %dma_start3A = arith.constant 0 : i32
      %dma_start3A_26 = tpu.memref_slice %arg5[%add3A_25, %dma_start3A] : memref<20224x128xf32, #tpu.memory_space<hbm>> -> memref<632x128xf32, #tpu.memory_space<hbm>>
      %dma_start3A_27 = arith.constant 0 : i32
      %dma_start3A_28 = tpu.memref_slice %arg8[%mul3A_20, %dma_start3A_27] : memref<10112x128xf32, #tpu.memory_space<vmem_shared>> -> memref<632x128xf32, #tpu.memory_space<vmem_shared>>
      tpu.enqueue_dma source(%dma_start3A_28 : memref<632x128xf32, #tpu.memory_space<vmem_shared>>) target(%dma_start3A_26 : memref<632x128xf32, #tpu.memory_space<hbm>>) target_semaphore(%run_scoped3A : memref<!tpu.dma_semaphore, #tpu.memory_space<semaphore_mem>>)
      %dma_wait3A = arith.constant 0 : i32
      %dma_wait3A_29 = tpu.memref_slice %arg5[%add3A_25, %dma_wait3A] : memref<20224x128xf32, #tpu.memory_space<hbm>> -> memref<632x128xf32, #tpu.memory_space<hbm>>
      %dma_wait3A_30 = arith.constant 0 : i32
      %dma_wait3A_31 = tpu.memref_slice %arg8[%mul3A_20, %dma_wait3A_30] : memref<10112x128xf32, #tpu.memory_space<vmem_shared>> -> memref<632x128xf32, #tpu.memory_space<vmem_shared>>
      tpu.wait_dma2 semaphore(%run_scoped3A : memref<!tpu.dma_semaphore, #tpu.memory_space<semaphore_mem>>) src(%dma_wait3A_31 : memref<632x128xf32, #tpu.memory_space<vmem_shared>>) dst(%dma_wait3A_29 : memref<632x128xf32, #tpu.memory_space<hbm>>)
      tpu.yield
    }) : () -> ()
    return
  }
}

#map = affine_map<(d0, d1) -> (0, 0)>
module attributes {stable_mosaic.version = 14 : i64} {
  func.func @_agg_kernel(%arg0: i32, %arg1: i32, %arg2: memref<10000x128xf32, #tpu.memory_space<hbm>>, %arg3: memref<10000x128xf32, #tpu.memory_space<hbm>>, %arg4: memref<5120x64xi32, #tpu.memory_space<hbm>>, %arg5: memref<5120x64xi32, #tpu.memory_space<hbm>>, %arg6: memref<10112x128xf32, #tpu.memory_space<hbm>>, %arg7: memref<10112x128xf32, #tpu.memory_space<hbm>>, %arg8: memref<10112x128xf32, #tpu.memory_space<hbm>>, %arg9: memref<64x64xi32, #tpu.memory_space<vmem>>, %arg10: memref<64x64xi32, #tpu.memory_space<vmem>>, %arg11: memref<4x64x128xf32, #tpu.memory_space<vmem>>, %arg12: memref<10112x128xf32, #tpu.memory_space<vmem_shared>>, %arg13: memref<!tpu.dma_semaphore, #tpu.memory_space<semaphore_mem>>, %arg14: memref<!tpu.dma_semaphore, #tpu.memory_space<semaphore_mem>>, %arg15: memref<!tpu.dma_semaphore, #tpu.memory_space<semaphore_mem>>, %arg16: memref<!tpu.dma_semaphore, #tpu.memory_space<semaphore_mem>>, %arg17: memref<!tpu.dma_semaphore, #tpu.memory_space<semaphore_mem>>, %arg18: memref<!tpu.dma_semaphore, #tpu.memory_space<semaphore_mem>>, %arg19: memref<!tpu.dma_semaphore, #tpu.memory_space<semaphore_mem>>, %arg20: memref<!tpu.dma_semaphore, #tpu.memory_space<semaphore_mem>>) attributes {dimension_semantics = [#tpu.dimension_semantics<core_parallel>, #tpu.dimension_semantics<subcore_parallel>], iteration_bounds = array<i64: 2, 16>, scalar_prefetch = 0 : i64, scratch_operands = 12 : i64, tpu.core_type = #tpu.core_type<sc_vector_subcore>, window_params = [{transform_indices = #map}, {transform_indices = #map}, {transform_indices = #map}, {transform_indices = #map}, {transform_indices = #map}, {transform_indices = #map}, {transform_indices = #map}]} {
    %mul3A = arith.constant 632 : i32
    %mul3A_0 = arith.muli %arg1, %mul3A : i32
    %mul3A_1 = arith.constant 632 : i32
    %mul3A_2 = arith.muli %arg1, %mul3A_1 : i32
    "tpu.region"() ({
      %run_scoped3A = tpu.sem_alloc : memref<!tpu.dma_semaphore, #tpu.memory_space<semaphore_mem>>
      %dma_start3A = arith.constant 0 : i32
      %dma_start3A_10 = tpu.memref_slice %arg12[%mul3A_2, %dma_start3A] : memref<10112x128xf32, #tpu.memory_space<vmem_shared>> -> memref<632x128xf32, #tpu.memory_space<vmem_shared>>
      %dma_start3A_11 = arith.constant 0 : i32
      %dma_start3A_12 = tpu.memref_slice %arg6[%mul3A_0, %dma_start3A_11] : memref<10112x128xf32, #tpu.memory_space<hbm>> -> memref<632x128xf32, #tpu.memory_space<hbm>>
      tpu.enqueue_dma source(%dma_start3A_12 : memref<632x128xf32, #tpu.memory_space<hbm>>) target(%dma_start3A_10 : memref<632x128xf32, #tpu.memory_space<vmem_shared>>) target_semaphore(%run_scoped3A : memref<!tpu.dma_semaphore, #tpu.memory_space<semaphore_mem>>)
      %dma_wait3A = arith.constant 0 : i32
      %dma_wait3A_13 = tpu.memref_slice %arg12[%mul3A_2, %dma_wait3A] : memref<10112x128xf32, #tpu.memory_space<vmem_shared>> -> memref<632x128xf32, #tpu.memory_space<vmem_shared>>
      %dma_wait3A_14 = arith.constant 0 : i32
      %dma_wait3A_15 = tpu.memref_slice %arg6[%mul3A_0, %dma_wait3A_14] : memref<10112x128xf32, #tpu.memory_space<hbm>> -> memref<632x128xf32, #tpu.memory_space<hbm>>
      tpu.wait_dma2 semaphore(%run_scoped3A : memref<!tpu.dma_semaphore, #tpu.memory_space<semaphore_mem>>) src(%dma_wait3A_15 : memref<632x128xf32, #tpu.memory_space<hbm>>) dst(%dma_wait3A_13 : memref<632x128xf32, #tpu.memory_space<vmem_shared>>)
      tpu.yield
    }) : () -> ()
    %barrier3A = arith.constant 0 : index
    tpu.barrier barrier_id(%barrier3A)
    %eq3A = arith.constant 0 : i32
    %eq3A_3 = arith.cmpi eq, %arg0, %eq3A : i32
    %convert_element_type3A = arith.extui %eq3A_3 : i1 to i32
    %cond3A = arith.constant 0 : i32
    %cond3A_4 = arith.cmpi ne, %convert_element_type3A, %cond3A : i32
    scf.if %cond3A_4 {
      %mul3A_10 = arith.constant 320 : i32
      %mul3A_11 = arith.muli %arg1, %mul3A_10 : i32
      %scan3A = arith.constant 0 : i32
      %scan3A_12 = arith.constant 0 : i32
      %scan3A_13 = arith.constant 5 : i32
      %scan3A_14 = arith.addi %scan3A_12, %scan3A_13 : i32
      %scan3A_15 = arith.constant 1 : i32
      scf.for %scan3A_22 = %scan3A_12 to %scan3A_14 step %scan3A_15  : i32 {
        %mul3A_23 = arith.constant 64 : i32
        %mul3A_24 = arith.muli %scan3A_22, %mul3A_23 : i32
        %add3A = arith.addi %mul3A_11, %mul3A_24 : i32
        "tpu.region"() ({
          %run_scoped3A = tpu.sem_alloc : memref<!tpu.dma_semaphore, #tpu.memory_space<semaphore_mem>>
          %dma_start3A = arith.constant 0 : i32
          %dma_start3A_81 = tpu.memref_slice %arg4[%add3A, %dma_start3A] : memref<5120x64xi32, #tpu.memory_space<hbm>> -> memref<64x64xi32, #tpu.memory_space<hbm>>
          %dma_start3A_82 = arith.constant 0 : i32
          %dma_start3A_83 = tpu.memref_slice %arg4[%add3A, %dma_start3A_82] : memref<5120x64xi32, #tpu.memory_space<hbm>> -> memref<64x64xi32, #tpu.memory_space<hbm>>
          tpu.enqueue_dma source(%dma_start3A_83 : memref<64x64xi32, #tpu.memory_space<hbm>>) target(%arg9 : memref<64x64xi32, #tpu.memory_space<vmem>>) target_semaphore(%run_scoped3A : memref<!tpu.dma_semaphore, #tpu.memory_space<semaphore_mem>>)
          %dma_wait3A_84 = arith.constant 0 : i32
          %dma_wait3A_85 = tpu.memref_slice %arg4[%add3A, %dma_wait3A_84] : memref<5120x64xi32, #tpu.memory_space<hbm>> -> memref<64x64xi32, #tpu.memory_space<hbm>>
          %dma_wait3A_86 = arith.constant 0 : i32
          %dma_wait3A_87 = tpu.memref_slice %arg4[%add3A, %dma_wait3A_86] : memref<5120x64xi32, #tpu.memory_space<hbm>> -> memref<64x64xi32, #tpu.memory_space<hbm>>
          tpu.wait_dma2 semaphore(%run_scoped3A : memref<!tpu.dma_semaphore, #tpu.memory_space<semaphore_mem>>) src(%dma_wait3A_87 : memref<64x64xi32, #tpu.memory_space<hbm>>) dst(%arg9 : memref<64x64xi32, #tpu.memory_space<vmem>>)
          tpu.yield
        }) : () -> ()
        %mul3A_25 = arith.constant 64 : i32
        %mul3A_26 = arith.muli %scan3A_22, %mul3A_25 : i32
        %add3A_27 = arith.addi %mul3A_11, %mul3A_26 : i32
        "tpu.region"() ({
          %run_scoped3A = tpu.sem_alloc : memref<!tpu.dma_semaphore, #tpu.memory_space<semaphore_mem>>
          %dma_start3A = arith.constant 0 : i32
          %dma_start3A_81 = tpu.memref_slice %arg5[%add3A_27, %dma_start3A] : memref<5120x64xi32, #tpu.memory_space<hbm>> -> memref<64x64xi32, #tpu.memory_space<hbm>>
          %dma_start3A_82 = arith.constant 0 : i32
          %dma_start3A_83 = tpu.memref_slice %arg5[%add3A_27, %dma_start3A_82] : memref<5120x64xi32, #tpu.memory_space<hbm>> -> memref<64x64xi32, #tpu.memory_space<hbm>>
          tpu.enqueue_dma source(%dma_start3A_83 : memref<64x64xi32, #tpu.memory_space<hbm>>) target(%arg10 : memref<64x64xi32, #tpu.memory_space<vmem>>) target_semaphore(%run_scoped3A : memref<!tpu.dma_semaphore, #tpu.memory_space<semaphore_mem>>)
          %dma_wait3A_84 = arith.constant 0 : i32
          %dma_wait3A_85 = tpu.memref_slice %arg5[%add3A_27, %dma_wait3A_84] : memref<5120x64xi32, #tpu.memory_space<hbm>> -> memref<64x64xi32, #tpu.memory_space<hbm>>
          %dma_wait3A_86 = arith.constant 0 : i32
          %dma_wait3A_87 = tpu.memref_slice %arg5[%add3A_27, %dma_wait3A_86] : memref<5120x64xi32, #tpu.memory_space<hbm>> -> memref<64x64xi32, #tpu.memory_space<hbm>>
          tpu.wait_dma2 semaphore(%run_scoped3A : memref<!tpu.dma_semaphore, #tpu.memory_space<semaphore_mem>>) src(%dma_wait3A_87 : memref<64x64xi32, #tpu.memory_space<hbm>>) dst(%arg10 : memref<64x64xi32, #tpu.memory_space<vmem>>)
          tpu.yield
        }) : () -> ()
        %scan3A_28 = arith.constant 0 : i32
        %scan3A_29 = arith.constant 0 : i32
        %scan3A_30 = arith.constant 16 : i32
        %scan3A_31 = arith.addi %scan3A_29, %scan3A_30 : i32
        %scan3A_32 = arith.constant 1 : i32
        scf.for %scan3A_81 = %scan3A_29 to %scan3A_31 step %scan3A_32  : i32 {
          %mul3A_82 = arith.constant 4 : i32
          %mul3A_83 = arith.muli %scan3A_81, %mul3A_82 : i32
          %add3A_84 = arith.constant 0 : i32
          %add3A_85 = arith.addi %mul3A_83, %add3A_84 : i32
          %gt3A = arith.constant 0 : i32
          %gt3A_86 = arith.cmpi sgt, %scan3A_81, %gt3A : i32
          %convert_element_type3A_87 = arith.extui %gt3A_86 : i1 to i32
          %cond3A_88 = arith.constant 0 : i32
          %cond3A_89 = arith.cmpi ne, %convert_element_type3A_87, %cond3A_88 : i32
          scf.if %cond3A_89 {
            %sub3A = arith.constant 4 : i32
            %sub3A_264 = arith.subi %add3A_85, %sub3A : i32
            %dma_wait3A_265 = arith.constant 0 : i32
            %dma_wait3A_266 = arith.constant 0 : i32
            %dma_wait3A_267 = arith.constant 0 : i32
            %dma_wait3A_268 = tpu.memref_slice %arg11[%dma_wait3A_265, %dma_wait3A_266, %dma_wait3A_267] : memref<4x64x128xf32, #tpu.memory_space<vmem>> -> memref<1x64x128xf32, #tpu.memory_space<vmem>>
            %dma_wait3A_269 = tpu.memref_squeeze %dma_wait3A_268 : memref<1x64x128xf32, #tpu.memory_space<vmem>> -> memref<64x128xf32, #tpu.memory_space<vmem>>
            %dma_wait3A_270 = arith.constant 0 : i32
            %dma_wait3A_271 = tpu.memref_slice %arg10[%sub3A_264, %dma_wait3A_270] : memref<64x64xi32, #tpu.memory_space<vmem>> -> memref<1x64xi32, #tpu.memory_space<vmem>>
            %dma_wait3A_272 = tpu.memref_squeeze %dma_wait3A_271 : memref<1x64xi32, #tpu.memory_space<vmem>> -> memref<64xi32, #tpu.memory_space<vmem>>
            %dma_wait3A_273 = arith.constant 0 : i32
            %dma_wait3A_274 = arith.constant 0 : i32
            %dma_wait3A_275 = tpu.memref_slice %arg12[%dma_wait3A_273, %dma_wait3A_274] : memref<10112x128xf32, #tpu.memory_space<vmem_shared>> -> memref<10112x128xf32, #tpu.memory_space<vmem_shared>>
            tpu.wait_indirect_dma semaphore(%arg17 : memref<!tpu.dma_semaphore, #tpu.memory_space<semaphore_mem>>) src(%dma_wait3A_269 : memref<64x128xf32, #tpu.memory_space<vmem>>) dst(%dma_wait3A_275 : memref<10112x128xf32, #tpu.memory_space<vmem_shared>>)
          } else {
          }
          %dma_start3A = arith.constant 0 : i32
          %dma_start3A_90 = arith.constant 0 : i32
          %dma_start3A_91 = arith.constant 0 : i32
          %dma_start3A_92 = tpu.memref_slice %arg11[%dma_start3A, %dma_start3A_90, %dma_start3A_91] : memref<4x64x128xf32, #tpu.memory_space<vmem>> -> memref<1x64x128xf32, #tpu.memory_space<vmem>>
          %dma_start3A_93 = tpu.memref_squeeze %dma_start3A_92 : memref<1x64x128xf32, #tpu.memory_space<vmem>> -> memref<64x128xf32, #tpu.memory_space<vmem>>
          %dma_start3A_94 = arith.constant 0 : i32
          %dma_start3A_95 = tpu.memref_slice %arg9[%add3A_85, %dma_start3A_94] : memref<64x64xi32, #tpu.memory_space<vmem>> -> memref<1x64xi32, #tpu.memory_space<vmem>>
          %dma_start3A_96 = tpu.memref_squeeze %dma_start3A_95 : memref<1x64xi32, #tpu.memory_space<vmem>> -> memref<64xi32, #tpu.memory_space<vmem>>
          %dma_start3A_97 = arith.constant 0 : i32
          %dma_start3A_98 = arith.constant 0 : i32
          %dma_start3A_99 = tpu.memref_slice %arg2[%dma_start3A_97, %dma_start3A_98] : memref<10000x128xf32, #tpu.memory_space<hbm>> -> memref<10000x128xf32, #tpu.memory_space<hbm>>
          tpu.enqueue_indirect_dma source(%dma_start3A_99 : memref<10000x128xf32, #tpu.memory_space<hbm>>) target(%dma_start3A_93 : memref<64x128xf32, #tpu.memory_space<vmem>>) offsets(%dma_start3A_96 : memref<64xi32, #tpu.memory_space<vmem>>) semaphore(%arg13 : memref<!tpu.dma_semaphore, #tpu.memory_space<semaphore_mem>>)
          %mul3A_100 = arith.constant 4 : i32
          %mul3A_101 = arith.muli %scan3A_81, %mul3A_100 : i32
          %add3A_102 = arith.constant 1 : i32
          %add3A_103 = arith.addi %mul3A_101, %add3A_102 : i32
          %gt3A_104 = arith.constant 0 : i32
          %gt3A_105 = arith.cmpi sgt, %scan3A_81, %gt3A_104 : i32
          %convert_element_type3A_106 = arith.extui %gt3A_105 : i1 to i32
          %cond3A_107 = arith.constant 0 : i32
          %cond3A_108 = arith.cmpi ne, %convert_element_type3A_106, %cond3A_107 : i32
          scf.if %cond3A_108 {
            %sub3A = arith.constant 4 : i32
            %sub3A_264 = arith.subi %add3A_103, %sub3A : i32
            %dma_wait3A_265 = arith.constant 1 : i32
            %dma_wait3A_266 = arith.constant 0 : i32
            %dma_wait3A_267 = arith.constant 0 : i32
            %dma_wait3A_268 = tpu.memref_slice %arg11[%dma_wait3A_265, %dma_wait3A_266, %dma_wait3A_267] : memref<4x64x128xf32, #tpu.memory_space<vmem>> -> memref<1x64x128xf32, #tpu.memory_space<vmem>>
            %dma_wait3A_269 = tpu.memref_squeeze %dma_wait3A_268 : memref<1x64x128xf32, #tpu.memory_space<vmem>> -> memref<64x128xf32, #tpu.memory_space<vmem>>
            %dma_wait3A_270 = arith.constant 0 : i32
            %dma_wait3A_271 = tpu.memref_slice %arg10[%sub3A_264, %dma_wait3A_270] : memref<64x64xi32, #tpu.memory_space<vmem>> -> memref<1x64xi32, #tpu.memory_space<vmem>>
            %dma_wait3A_272 = tpu.memref_squeeze %dma_wait3A_271 : memref<1x64xi32, #tpu.memory_space<vmem>> -> memref<64xi32, #tpu.memory_space<vmem>>
            %dma_wait3A_273 = arith.constant 0 : i32
            %dma_wait3A_274 = arith.constant 0 : i32
            %dma_wait3A_275 = tpu.memref_slice %arg12[%dma_wait3A_273, %dma_wait3A_274] : memref<10112x128xf32, #tpu.memory_space<vmem_shared>> -> memref<10112x128xf32, #tpu.memory_space<vmem_shared>>
            tpu.wait_indirect_dma semaphore(%arg18 : memref<!tpu.dma_semaphore, #tpu.memory_space<semaphore_mem>>) src(%dma_wait3A_269 : memref<64x128xf32, #tpu.memory_space<vmem>>) dst(%dma_wait3A_275 : memref<10112x128xf32, #tpu.memory_space<vmem_shared>>)
          } else {
          }
          %dma_start3A_109 = arith.constant 1 : i32
          %dma_start3A_110 = arith.constant 0 : i32
          %dma_start3A_111 = arith.constant 0 : i32
          %dma_start3A_112 = tpu.memref_slice %arg11[%dma_start3A_109, %dma_start3A_110, %dma_start3A_111] : memref<4x64x128xf32, #tpu.memory_space<vmem>> -> memref<1x64x128xf32, #tpu.memory_space<vmem>>
          %dma_start3A_113 = tpu.memref_squeeze %dma_start3A_112 : memref<1x64x128xf32, #tpu.memory_space<vmem>> -> memref<64x128xf32, #tpu.memory_space<vmem>>
          %dma_start3A_114 = arith.constant 0 : i32
          %dma_start3A_115 = tpu.memref_slice %arg9[%add3A_103, %dma_start3A_114] : memref<64x64xi32, #tpu.memory_space<vmem>> -> memref<1x64xi32, #tpu.memory_space<vmem>>
          %dma_start3A_116 = tpu.memref_squeeze %dma_start3A_115 : memref<1x64xi32, #tpu.memory_space<vmem>> -> memref<64xi32, #tpu.memory_space<vmem>>
          %dma_start3A_117 = arith.constant 0 : i32
          %dma_start3A_118 = arith.constant 0 : i32
          %dma_start3A_119 = tpu.memref_slice %arg2[%dma_start3A_117, %dma_start3A_118] : memref<10000x128xf32, #tpu.memory_space<hbm>> -> memref<10000x128xf32, #tpu.memory_space<hbm>>
          tpu.enqueue_indirect_dma source(%dma_start3A_119 : memref<10000x128xf32, #tpu.memory_space<hbm>>) target(%dma_start3A_113 : memref<64x128xf32, #tpu.memory_space<vmem>>) offsets(%dma_start3A_116 : memref<64xi32, #tpu.memory_space<vmem>>) semaphore(%arg14 : memref<!tpu.dma_semaphore, #tpu.memory_space<semaphore_mem>>)
          %mul3A_120 = arith.constant 4 : i32
          %mul3A_121 = arith.muli %scan3A_81, %mul3A_120 : i32
          %add3A_122 = arith.constant 2 : i32
          %add3A_123 = arith.addi %mul3A_121, %add3A_122 : i32
          %gt3A_124 = arith.constant 0 : i32
          %gt3A_125 = arith.cmpi sgt, %scan3A_81, %gt3A_124 : i32
          %convert_element_type3A_126 = arith.extui %gt3A_125 : i1 to i32
          %cond3A_127 = arith.constant 0 : i32
          %cond3A_128 = arith.cmpi ne, %convert_element_type3A_126, %cond3A_127 : i32
          scf.if %cond3A_128 {
            %sub3A = arith.constant 4 : i32
            %sub3A_264 = arith.subi %add3A_123, %sub3A : i32
            %dma_wait3A_265 = arith.constant 2 : i32
            %dma_wait3A_266 = arith.constant 0 : i32
            %dma_wait3A_267 = arith.constant 0 : i32
            %dma_wait3A_268 = tpu.memref_slice %arg11[%dma_wait3A_265, %dma_wait3A_266, %dma_wait3A_267] : memref<4x64x128xf32, #tpu.memory_space<vmem>> -> memref<1x64x128xf32, #tpu.memory_space<vmem>>
            %dma_wait3A_269 = tpu.memref_squeeze %dma_wait3A_268 : memref<1x64x128xf32, #tpu.memory_space<vmem>> -> memref<64x128xf32, #tpu.memory_space<vmem>>
            %dma_wait3A_270 = arith.constant 0 : i32
            %dma_wait3A_271 = tpu.memref_slice %arg10[%sub3A_264, %dma_wait3A_270] : memref<64x64xi32, #tpu.memory_space<vmem>> -> memref<1x64xi32, #tpu.memory_space<vmem>>
            %dma_wait3A_272 = tpu.memref_squeeze %dma_wait3A_271 : memref<1x64xi32, #tpu.memory_space<vmem>> -> memref<64xi32, #tpu.memory_space<vmem>>
            %dma_wait3A_273 = arith.constant 0 : i32
            %dma_wait3A_274 = arith.constant 0 : i32
            %dma_wait3A_275 = tpu.memref_slice %arg12[%dma_wait3A_273, %dma_wait3A_274] : memref<10112x128xf32, #tpu.memory_space<vmem_shared>> -> memref<10112x128xf32, #tpu.memory_space<vmem_shared>>
            tpu.wait_indirect_dma semaphore(%arg19 : memref<!tpu.dma_semaphore, #tpu.memory_space<semaphore_mem>>) src(%dma_wait3A_269 : memref<64x128xf32, #tpu.memory_space<vmem>>) dst(%dma_wait3A_275 : memref<10112x128xf32, #tpu.memory_space<vmem_shared>>)
          } else {
          }
          %dma_start3A_129 = arith.constant 2 : i32
          %dma_start3A_130 = arith.constant 0 : i32
          %dma_start3A_131 = arith.constant 0 : i32
          %dma_start3A_132 = tpu.memref_slice %arg11[%dma_start3A_129, %dma_start3A_130, %dma_start3A_131] : memref<4x64x128xf32, #tpu.memory_space<vmem>> -> memref<1x64x128xf32, #tpu.memory_space<vmem>>
          %dma_start3A_133 = tpu.memref_squeeze %dma_start3A_132 : memref<1x64x128xf32, #tpu.memory_space<vmem>> -> memref<64x128xf32, #tpu.memory_space<vmem>>
          %dma_start3A_134 = arith.constant 0 : i32
          %dma_start3A_135 = tpu.memref_slice %arg9[%add3A_123, %dma_start3A_134] : memref<64x64xi32, #tpu.memory_space<vmem>> -> memref<1x64xi32, #tpu.memory_space<vmem>>
          %dma_start3A_136 = tpu.memref_squeeze %dma_start3A_135 : memref<1x64xi32, #tpu.memory_space<vmem>> -> memref<64xi32, #tpu.memory_space<vmem>>
          %dma_start3A_137 = arith.constant 0 : i32
          %dma_start3A_138 = arith.constant 0 : i32
          %dma_start3A_139 = tpu.memref_slice %arg2[%dma_start3A_137, %dma_start3A_138] : memref<10000x128xf32, #tpu.memory_space<hbm>> -> memref<10000x128xf32, #tpu.memory_space<hbm>>
          tpu.enqueue_indirect_dma source(%dma_start3A_139 : memref<10000x128xf32, #tpu.memory_space<hbm>>) target(%dma_start3A_133 : memref<64x128xf32, #tpu.memory_space<vmem>>) offsets(%dma_start3A_136 : memref<64xi32, #tpu.memory_space<vmem>>) semaphore(%arg15 : memref<!tpu.dma_semaphore, #tpu.memory_space<semaphore_mem>>)
          %mul3A_140 = arith.constant 4 : i32
          %mul3A_141 = arith.muli %scan3A_81, %mul3A_140 : i32
          %add3A_142 = arith.constant 3 : i32
          %add3A_143 = arith.addi %mul3A_141, %add3A_142 : i32
          %gt3A_144 = arith.constant 0 : i32
          %gt3A_145 = arith.cmpi sgt, %scan3A_81, %gt3A_144 : i32
          %convert_element_type3A_146 = arith.extui %gt3A_145 : i1 to i32
          %cond3A_147 = arith.constant 0 : i32
          %cond3A_148 = arith.cmpi ne, %convert_element_type3A_146, %cond3A_147 : i32
          scf.if %cond3A_148 {
            %sub3A = arith.constant 4 : i32
            %sub3A_264 = arith.subi %add3A_143, %sub3A : i32
            %dma_wait3A_265 = arith.constant 3 : i32
            %dma_wait3A_266 = arith.constant 0 : i32
            %dma_wait3A_267 = arith.constant 0 : i32
            %dma_wait3A_268 = tpu.memref_slice %arg11[%dma_wait3A_265, %dma_wait3A_266, %dma_wait3A_267] : memref<4x64x128xf32, #tpu.memory_space<vmem>> -> memref<1x64x128xf32, #tpu.memory_space<vmem>>
            %dma_wait3A_269 = tpu.memref_squeeze %dma_wait3A_268 : memref<1x64x128xf32, #tpu.memory_space<vmem>> -> memref<64x128xf32, #tpu.memory_space<vmem>>
            %dma_wait3A_270 = arith.constant 0 : i32
            %dma_wait3A_271 = tpu.memref_slice %arg10[%sub3A_264, %dma_wait3A_270] : memref<64x64xi32, #tpu.memory_space<vmem>> -> memref<1x64xi32, #tpu.memory_space<vmem>>
            %dma_wait3A_272 = tpu.memref_squeeze %dma_wait3A_271 : memref<1x64xi32, #tpu.memory_space<vmem>> -> memref<64xi32, #tpu.memory_space<vmem>>
            %dma_wait3A_273 = arith.constant 0 : i32
            %dma_wait3A_274 = arith.constant 0 : i32
            %dma_wait3A_275 = tpu.memref_slice %arg12[%dma_wait3A_273, %dma_wait3A_274] : memref<10112x128xf32, #tpu.memory_space<vmem_shared>> -> memref<10112x128xf32, #tpu.memory_space<vmem_shared>>
            tpu.wait_indirect_dma semaphore(%arg20 : memref<!tpu.dma_semaphore, #tpu.memory_space<semaphore_mem>>) src(%dma_wait3A_269 : memref<64x128xf32, #tpu.memory_space<vmem>>) dst(%dma_wait3A_275 : memref<10112x128xf32, #tpu.memory_space<vmem_shared>>)
          } else {
          }
          %dma_start3A_149 = arith.constant 3 : i32
          %dma_start3A_150 = arith.constant 0 : i32
          %dma_start3A_151 = arith.constant 0 : i32
          %dma_start3A_152 = tpu.memref_slice %arg11[%dma_start3A_149, %dma_start3A_150, %dma_start3A_151] : memref<4x64x128xf32, #tpu.memory_space<vmem>> -> memref<1x64x128xf32, #tpu.memory_space<vmem>>
          %dma_start3A_153 = tpu.memref_squeeze %dma_start3A_152 : memref<1x64x128xf32, #tpu.memory_space<vmem>> -> memref<64x128xf32, #tpu.memory_space<vmem>>
          %dma_start3A_154 = arith.constant 0 : i32
          %dma_start3A_155 = tpu.memref_slice %arg9[%add3A_143, %dma_start3A_154] : memref<64x64xi32, #tpu.memory_space<vmem>> -> memref<1x64xi32, #tpu.memory_space<vmem>>
          %dma_start3A_156 = tpu.memref_squeeze %dma_start3A_155 : memref<1x64xi32, #tpu.memory_space<vmem>> -> memref<64xi32, #tpu.memory_space<vmem>>
          %dma_start3A_157 = arith.constant 0 : i32
          %dma_start3A_158 = arith.constant 0 : i32
          %dma_start3A_159 = tpu.memref_slice %arg2[%dma_start3A_157, %dma_start3A_158] : memref<10000x128xf32, #tpu.memory_space<hbm>> -> memref<10000x128xf32, #tpu.memory_space<hbm>>
          tpu.enqueue_indirect_dma source(%dma_start3A_159 : memref<10000x128xf32, #tpu.memory_space<hbm>>) target(%dma_start3A_153 : memref<64x128xf32, #tpu.memory_space<vmem>>) offsets(%dma_start3A_156 : memref<64xi32, #tpu.memory_space<vmem>>) semaphore(%arg16 : memref<!tpu.dma_semaphore, #tpu.memory_space<semaphore_mem>>)
          %mul3A_160 = arith.constant 4 : i32
          %mul3A_161 = arith.muli %scan3A_81, %mul3A_160 : i32
          %add3A_162 = arith.constant 0 : i32
          %add3A_163 = arith.addi %mul3A_161, %add3A_162 : i32
          %dma_wait3A_164 = arith.constant 0 : i32
          %dma_wait3A_165 = arith.constant 0 : i32
          %dma_wait3A_166 = arith.constant 0 : i32
          %dma_wait3A_167 = tpu.memref_slice %arg11[%dma_wait3A_164, %dma_wait3A_165, %dma_wait3A_166] : memref<4x64x128xf32, #tpu.memory_space<vmem>> -> memref<1x64x128xf32, #tpu.memory_space<vmem>>
          %dma_wait3A_168 = tpu.memref_squeeze %dma_wait3A_167 : memref<1x64x128xf32, #tpu.memory_space<vmem>> -> memref<64x128xf32, #tpu.memory_space<vmem>>
          %dma_wait3A_169 = arith.constant 0 : i32
          %dma_wait3A_170 = tpu.memref_slice %arg9[%add3A_163, %dma_wait3A_169] : memref<64x64xi32, #tpu.memory_space<vmem>> -> memref<1x64xi32, #tpu.memory_space<vmem>>
          %dma_wait3A_171 = tpu.memref_squeeze %dma_wait3A_170 : memref<1x64xi32, #tpu.memory_space<vmem>> -> memref<64xi32, #tpu.memory_space<vmem>>
          %dma_wait3A_172 = arith.constant 0 : i32
          %dma_wait3A_173 = arith.constant 0 : i32
          %dma_wait3A_174 = tpu.memref_slice %arg2[%dma_wait3A_172, %dma_wait3A_173] : memref<10000x128xf32, #tpu.memory_space<hbm>> -> memref<10000x128xf32, #tpu.memory_space<hbm>>
          tpu.wait_indirect_dma semaphore(%arg13 : memref<!tpu.dma_semaphore, #tpu.memory_space<semaphore_mem>>) src(%dma_wait3A_174 : memref<10000x128xf32, #tpu.memory_space<hbm>>) dst(%dma_wait3A_168 : memref<64x128xf32, #tpu.memory_space<vmem>>)
          %dma_start3A_175 = arith.constant 0 : i32
          %dma_start3A_176 = arith.constant 0 : i32
          %dma_start3A_177 = arith.constant 0 : i32
          %dma_start3A_178 = tpu.memref_slice %arg11[%dma_start3A_175, %dma_start3A_176, %dma_start3A_177] : memref<4x64x128xf32, #tpu.memory_space<vmem>> -> memref<1x64x128xf32, #tpu.memory_space<vmem>>
          %dma_start3A_179 = tpu.memref_squeeze %dma_start3A_178 : memref<1x64x128xf32, #tpu.memory_space<vmem>> -> memref<64x128xf32, #tpu.memory_space<vmem>>
          %dma_start3A_180 = arith.constant 0 : i32
          %dma_start3A_181 = tpu.memref_slice %arg10[%add3A_163, %dma_start3A_180] : memref<64x64xi32, #tpu.memory_space<vmem>> -> memref<1x64xi32, #tpu.memory_space<vmem>>
          %dma_start3A_182 = tpu.memref_squeeze %dma_start3A_181 : memref<1x64xi32, #tpu.memory_space<vmem>> -> memref<64xi32, #tpu.memory_space<vmem>>
          %dma_start3A_183 = arith.constant 0 : i32
          %dma_start3A_184 = arith.constant 0 : i32
          %dma_start3A_185 = tpu.memref_slice %arg12[%dma_start3A_183, %dma_start3A_184] : memref<10112x128xf32, #tpu.memory_space<vmem_shared>> -> memref<10112x128xf32, #tpu.memory_space<vmem_shared>>
          tpu.enqueue_indirect_dma source(%dma_start3A_179 : memref<64x128xf32, #tpu.memory_space<vmem>>) target(%dma_start3A_185 : memref<10112x128xf32, #tpu.memory_space<vmem_shared>>) offsets(%dma_start3A_182 : memref<64xi32, #tpu.memory_space<vmem>>) semaphore(%arg17 : memref<!tpu.dma_semaphore, #tpu.memory_space<semaphore_mem>>) {add = true}
          %mul3A_186 = arith.constant 4 : i32
          %mul3A_187 = arith.muli %scan3A_81, %mul3A_186 : i32
          %add3A_188 = arith.constant 1 : i32
          %add3A_189 = arith.addi %mul3A_187, %add3A_188 : i32
          %dma_wait3A_190 = arith.constant 1 : i32
          %dma_wait3A_191 = arith.constant 0 : i32
          %dma_wait3A_192 = arith.constant 0 : i32
          %dma_wait3A_193 = tpu.memref_slice %arg11[%dma_wait3A_190, %dma_wait3A_191, %dma_wait3A_192] : memref<4x64x128xf32, #tpu.memory_space<vmem>> -> memref<1x64x128xf32, #tpu.memory_space<vmem>>
          %dma_wait3A_194 = tpu.memref_squeeze %dma_wait3A_193 : memref<1x64x128xf32, #tpu.memory_space<vmem>> -> memref<64x128xf32, #tpu.memory_space<vmem>>
          %dma_wait3A_195 = arith.constant 0 : i32
          %dma_wait3A_196 = tpu.memref_slice %arg9[%add3A_189, %dma_wait3A_195] : memref<64x64xi32, #tpu.memory_space<vmem>> -> memref<1x64xi32, #tpu.memory_space<vmem>>
          %dma_wait3A_197 = tpu.memref_squeeze %dma_wait3A_196 : memref<1x64xi32, #tpu.memory_space<vmem>> -> memref<64xi32, #tpu.memory_space<vmem>>
          %dma_wait3A_198 = arith.constant 0 : i32
          %dma_wait3A_199 = arith.constant 0 : i32
          %dma_wait3A_200 = tpu.memref_slice %arg2[%dma_wait3A_198, %dma_wait3A_199] : memref<10000x128xf32, #tpu.memory_space<hbm>> -> memref<10000x128xf32, #tpu.memory_space<hbm>>
          tpu.wait_indirect_dma semaphore(%arg14 : memref<!tpu.dma_semaphore, #tpu.memory_space<semaphore_mem>>) src(%dma_wait3A_200 : memref<10000x128xf32, #tpu.memory_space<hbm>>) dst(%dma_wait3A_194 : memref<64x128xf32, #tpu.memory_space<vmem>>)
          %dma_start3A_201 = arith.constant 1 : i32
          %dma_start3A_202 = arith.constant 0 : i32
          %dma_start3A_203 = arith.constant 0 : i32
          %dma_start3A_204 = tpu.memref_slice %arg11[%dma_start3A_201, %dma_start3A_202, %dma_start3A_203] : memref<4x64x128xf32, #tpu.memory_space<vmem>> -> memref<1x64x128xf32, #tpu.memory_space<vmem>>
          %dma_start3A_205 = tpu.memref_squeeze %dma_start3A_204 : memref<1x64x128xf32, #tpu.memory_space<vmem>> -> memref<64x128xf32, #tpu.memory_space<vmem>>
          %dma_start3A_206 = arith.constant 0 : i32
          %dma_start3A_207 = tpu.memref_slice %arg10[%add3A_189, %dma_start3A_206] : memref<64x64xi32, #tpu.memory_space<vmem>> -> memref<1x64xi32, #tpu.memory_space<vmem>>
          %dma_start3A_208 = tpu.memref_squeeze %dma_start3A_207 : memref<1x64xi32, #tpu.memory_space<vmem>> -> memref<64xi32, #tpu.memory_space<vmem>>
          %dma_start3A_209 = arith.constant 0 : i32
          %dma_start3A_210 = arith.constant 0 : i32
          %dma_start3A_211 = tpu.memref_slice %arg12[%dma_start3A_209, %dma_start3A_210] : memref<10112x128xf32, #tpu.memory_space<vmem_shared>> -> memref<10112x128xf32, #tpu.memory_space<vmem_shared>>
          tpu.enqueue_indirect_dma source(%dma_start3A_205 : memref<64x128xf32, #tpu.memory_space<vmem>>) target(%dma_start3A_211 : memref<10112x128xf32, #tpu.memory_space<vmem_shared>>) offsets(%dma_start3A_208 : memref<64xi32, #tpu.memory_space<vmem>>) semaphore(%arg18 : memref<!tpu.dma_semaphore, #tpu.memory_space<semaphore_mem>>) {add = true}
          %mul3A_212 = arith.constant 4 : i32
          %mul3A_213 = arith.muli %scan3A_81, %mul3A_212 : i32
          %add3A_214 = arith.constant 2 : i32
          %add3A_215 = arith.addi %mul3A_213, %add3A_214 : i32
          %dma_wait3A_216 = arith.constant 2 : i32
          %dma_wait3A_217 = arith.constant 0 : i32
          %dma_wait3A_218 = arith.constant 0 : i32
          %dma_wait3A_219 = tpu.memref_slice %arg11[%dma_wait3A_216, %dma_wait3A_217, %dma_wait3A_218] : memref<4x64x128xf32, #tpu.memory_space<vmem>> -> memref<1x64x128xf32, #tpu.memory_space<vmem>>
          %dma_wait3A_220 = tpu.memref_squeeze %dma_wait3A_219 : memref<1x64x128xf32, #tpu.memory_space<vmem>> -> memref<64x128xf32, #tpu.memory_space<vmem>>
          %dma_wait3A_221 = arith.constant 0 : i32
          %dma_wait3A_222 = tpu.memref_slice %arg9[%add3A_215, %dma_wait3A_221] : memref<64x64xi32, #tpu.memory_space<vmem>> -> memref<1x64xi32, #tpu.memory_space<vmem>>
          %dma_wait3A_223 = tpu.memref_squeeze %dma_wait3A_222 : memref<1x64xi32, #tpu.memory_space<vmem>> -> memref<64xi32, #tpu.memory_space<vmem>>
          %dma_wait3A_224 = arith.constant 0 : i32
          %dma_wait3A_225 = arith.constant 0 : i32
          %dma_wait3A_226 = tpu.memref_slice %arg2[%dma_wait3A_224, %dma_wait3A_225] : memref<10000x128xf32, #tpu.memory_space<hbm>> -> memref<10000x128xf32, #tpu.memory_space<hbm>>
          tpu.wait_indirect_dma semaphore(%arg15 : memref<!tpu.dma_semaphore, #tpu.memory_space<semaphore_mem>>) src(%dma_wait3A_226 : memref<10000x128xf32, #tpu.memory_space<hbm>>) dst(%dma_wait3A_220 : memref<64x128xf32, #tpu.memory_space<vmem>>)
          %dma_start3A_227 = arith.constant 2 : i32
          %dma_start3A_228 = arith.constant 0 : i32
          %dma_start3A_229 = arith.constant 0 : i32
          %dma_start3A_230 = tpu.memref_slice %arg11[%dma_start3A_227, %dma_start3A_228, %dma_start3A_229] : memref<4x64x128xf32, #tpu.memory_space<vmem>> -> memref<1x64x128xf32, #tpu.memory_space<vmem>>
          %dma_start3A_231 = tpu.memref_squeeze %dma_start3A_230 : memref<1x64x128xf32, #tpu.memory_space<vmem>> -> memref<64x128xf32, #tpu.memory_space<vmem>>
          %dma_start3A_232 = arith.constant 0 : i32
          %dma_start3A_233 = tpu.memref_slice %arg10[%add3A_215, %dma_start3A_232] : memref<64x64xi32, #tpu.memory_space<vmem>> -> memref<1x64xi32, #tpu.memory_space<vmem>>
          %dma_start3A_234 = tpu.memref_squeeze %dma_start3A_233 : memref<1x64xi32, #tpu.memory_space<vmem>> -> memref<64xi32, #tpu.memory_space<vmem>>
          %dma_start3A_235 = arith.constant 0 : i32
          %dma_start3A_236 = arith.constant 0 : i32
          %dma_start3A_237 = tpu.memref_slice %arg12[%dma_start3A_235, %dma_start3A_236] : memref<10112x128xf32, #tpu.memory_space<vmem_shared>> -> memref<10112x128xf32, #tpu.memory_space<vmem_shared>>
          tpu.enqueue_indirect_dma source(%dma_start3A_231 : memref<64x128xf32, #tpu.memory_space<vmem>>) target(%dma_start3A_237 : memref<10112x128xf32, #tpu.memory_space<vmem_shared>>) offsets(%dma_start3A_234 : memref<64xi32, #tpu.memory_space<vmem>>) semaphore(%arg19 : memref<!tpu.dma_semaphore, #tpu.memory_space<semaphore_mem>>) {add = true}
          %mul3A_238 = arith.constant 4 : i32
          %mul3A_239 = arith.muli %scan3A_81, %mul3A_238 : i32
          %add3A_240 = arith.constant 3 : i32
          %add3A_241 = arith.addi %mul3A_239, %add3A_240 : i32
          %dma_wait3A_242 = arith.constant 3 : i32
          %dma_wait3A_243 = arith.constant 0 : i32
          %dma_wait3A_244 = arith.constant 0 : i32
          %dma_wait3A_245 = tpu.memref_slice %arg11[%dma_wait3A_242, %dma_wait3A_243, %dma_wait3A_244] : memref<4x64x128xf32, #tpu.memory_space<vmem>> -> memref<1x64x128xf32, #tpu.memory_space<vmem>>
          %dma_wait3A_246 = tpu.memref_squeeze %dma_wait3A_245 : memref<1x64x128xf32, #tpu.memory_space<vmem>> -> memref<64x128xf32, #tpu.memory_space<vmem>>
          %dma_wait3A_247 = arith.constant 0 : i32
          %dma_wait3A_248 = tpu.memref_slice %arg9[%add3A_241, %dma_wait3A_247] : memref<64x64xi32, #tpu.memory_space<vmem>> -> memref<1x64xi32, #tpu.memory_space<vmem>>
          %dma_wait3A_249 = tpu.memref_squeeze %dma_wait3A_248 : memref<1x64xi32, #tpu.memory_space<vmem>> -> memref<64xi32, #tpu.memory_space<vmem>>
          %dma_wait3A_250 = arith.constant 0 : i32
          %dma_wait3A_251 = arith.constant 0 : i32
          %dma_wait3A_252 = tpu.memref_slice %arg2[%dma_wait3A_250, %dma_wait3A_251] : memref<10000x128xf32, #tpu.memory_space<hbm>> -> memref<10000x128xf32, #tpu.memory_space<hbm>>
          tpu.wait_indirect_dma semaphore(%arg16 : memref<!tpu.dma_semaphore, #tpu.memory_space<semaphore_mem>>) src(%dma_wait3A_252 : memref<10000x128xf32, #tpu.memory_space<hbm>>) dst(%dma_wait3A_246 : memref<64x128xf32, #tpu.memory_space<vmem>>)
          %dma_start3A_253 = arith.constant 3 : i32
          %dma_start3A_254 = arith.constant 0 : i32
          %dma_start3A_255 = arith.constant 0 : i32
          %dma_start3A_256 = tpu.memref_slice %arg11[%dma_start3A_253, %dma_start3A_254, %dma_start3A_255] : memref<4x64x128xf32, #tpu.memory_space<vmem>> -> memref<1x64x128xf32, #tpu.memory_space<vmem>>
          %dma_start3A_257 = tpu.memref_squeeze %dma_start3A_256 : memref<1x64x128xf32, #tpu.memory_space<vmem>> -> memref<64x128xf32, #tpu.memory_space<vmem>>
          %dma_start3A_258 = arith.constant 0 : i32
          %dma_start3A_259 = tpu.memref_slice %arg10[%add3A_241, %dma_start3A_258] : memref<64x64xi32, #tpu.memory_space<vmem>> -> memref<1x64xi32, #tpu.memory_space<vmem>>
          %dma_start3A_260 = tpu.memref_squeeze %dma_start3A_259 : memref<1x64xi32, #tpu.memory_space<vmem>> -> memref<64xi32, #tpu.memory_space<vmem>>
          %dma_start3A_261 = arith.constant 0 : i32
          %dma_start3A_262 = arith.constant 0 : i32
          %dma_start3A_263 = tpu.memref_slice %arg12[%dma_start3A_261, %dma_start3A_262] : memref<10112x128xf32, #tpu.memory_space<vmem_shared>> -> memref<10112x128xf32, #tpu.memory_space<vmem_shared>>
          tpu.enqueue_indirect_dma source(%dma_start3A_257 : memref<64x128xf32, #tpu.memory_space<vmem>>) target(%dma_start3A_263 : memref<10112x128xf32, #tpu.memory_space<vmem_shared>>) offsets(%dma_start3A_260 : memref<64xi32, #tpu.memory_space<vmem>>) semaphore(%arg20 : memref<!tpu.dma_semaphore, #tpu.memory_space<semaphore_mem>>) {add = true}
        }
        %scan3A_33 = arith.constant 16 : i32
        %dma_wait3A = arith.constant 0 : i32
        %dma_wait3A_34 = arith.constant 0 : i32
        %dma_wait3A_35 = arith.constant 0 : i32
        %dma_wait3A_36 = arith.constant 0 : i32
        %dma_wait3A_37 = tpu.memref_slice %arg11[%dma_wait3A, %dma_wait3A_35, %dma_wait3A_36] : memref<4x64x128xf32, #tpu.memory_space<vmem>> -> memref<1x64x128xf32, #tpu.memory_space<vmem>>
        %dma_wait3A_38 = tpu.memref_squeeze %dma_wait3A_37 : memref<1x64x128xf32, #tpu.memory_space<vmem>> -> memref<64x128xf32, #tpu.memory_space<vmem>>
        %dma_wait3A_39 = arith.constant 0 : i32
        %dma_wait3A_40 = tpu.memref_slice %arg10[%dma_wait3A_34, %dma_wait3A_39] : memref<64x64xi32, #tpu.memory_space<vmem>> -> memref<1x64xi32, #tpu.memory_space<vmem>>
        %dma_wait3A_41 = tpu.memref_squeeze %dma_wait3A_40 : memref<1x64xi32, #tpu.memory_space<vmem>> -> memref<64xi32, #tpu.memory_space<vmem>>
        %dma_wait3A_42 = arith.constant 0 : i32
        %dma_wait3A_43 = arith.constant 0 : i32
        %dma_wait3A_44 = tpu.memref_slice %arg12[%dma_wait3A_42, %dma_wait3A_43] : memref<10112x128xf32, #tpu.memory_space<vmem_shared>> -> memref<10112x128xf32, #tpu.memory_space<vmem_shared>>
        tpu.wait_indirect_dma semaphore(%arg17 : memref<!tpu.dma_semaphore, #tpu.memory_space<semaphore_mem>>) src(%dma_wait3A_38 : memref<64x128xf32, #tpu.memory_space<vmem>>) dst(%dma_wait3A_44 : memref<10112x128xf32, #tpu.memory_space<vmem_shared>>)
        %dma_wait3A_45 = arith.constant 1 : i32
        %dma_wait3A_46 = arith.constant 1 : i32
        %dma_wait3A_47 = arith.constant 0 : i32
        %dma_wait3A_48 = arith.constant 0 : i32
        %dma_wait3A_49 = tpu.memref_slice %arg11[%dma_wait3A_45, %dma_wait3A_47, %dma_wait3A_48] : memref<4x64x128xf32, #tpu.memory_space<vmem>> -> memref<1x64x128xf32, #tpu.memory_space<vmem>>
        %dma_wait3A_50 = tpu.memref_squeeze %dma_wait3A_49 : memref<1x64x128xf32, #tpu.memory_space<vmem>> -> memref<64x128xf32, #tpu.memory_space<vmem>>
        %dma_wait3A_51 = arith.constant 0 : i32
        %dma_wait3A_52 = tpu.memref_slice %arg10[%dma_wait3A_46, %dma_wait3A_51] : memref<64x64xi32, #tpu.memory_space<vmem>> -> memref<1x64xi32, #tpu.memory_space<vmem>>
        %dma_wait3A_53 = tpu.memref_squeeze %dma_wait3A_52 : memref<1x64xi32, #tpu.memory_space<vmem>> -> memref<64xi32, #tpu.memory_space<vmem>>
        %dma_wait3A_54 = arith.constant 0 : i32
        %dma_wait3A_55 = arith.constant 0 : i32
        %dma_wait3A_56 = tpu.memref_slice %arg12[%dma_wait3A_54, %dma_wait3A_55] : memref<10112x128xf32, #tpu.memory_space<vmem_shared>> -> memref<10112x128xf32, #tpu.memory_space<vmem_shared>>
        tpu.wait_indirect_dma semaphore(%arg18 : memref<!tpu.dma_semaphore, #tpu.memory_space<semaphore_mem>>) src(%dma_wait3A_50 : memref<64x128xf32, #tpu.memory_space<vmem>>) dst(%dma_wait3A_56 : memref<10112x128xf32, #tpu.memory_space<vmem_shared>>)
        %dma_wait3A_57 = arith.constant 2 : i32
        %dma_wait3A_58 = arith.constant 2 : i32
        %dma_wait3A_59 = arith.constant 0 : i32
        %dma_wait3A_60 = arith.constant 0 : i32
        %dma_wait3A_61 = tpu.memref_slice %arg11[%dma_wait3A_57, %dma_wait3A_59, %dma_wait3A_60] : memref<4x64x128xf32, #tpu.memory_space<vmem>> -> memref<1x64x128xf32, #tpu.memory_space<vmem>>
        %dma_wait3A_62 = tpu.memref_squeeze %dma_wait3A_61 : memref<1x64x128xf32, #tpu.memory_space<vmem>> -> memref<64x128xf32, #tpu.memory_space<vmem>>
        %dma_wait3A_63 = arith.constant 0 : i32
        %dma_wait3A_64 = tpu.memref_slice %arg10[%dma_wait3A_58, %dma_wait3A_63] : memref<64x64xi32, #tpu.memory_space<vmem>> -> memref<1x64xi32, #tpu.memory_space<vmem>>
        %dma_wait3A_65 = tpu.memref_squeeze %dma_wait3A_64 : memref<1x64xi32, #tpu.memory_space<vmem>> -> memref<64xi32, #tpu.memory_space<vmem>>
        %dma_wait3A_66 = arith.constant 0 : i32
        %dma_wait3A_67 = arith.constant 0 : i32
        %dma_wait3A_68 = tpu.memref_slice %arg12[%dma_wait3A_66, %dma_wait3A_67] : memref<10112x128xf32, #tpu.memory_space<vmem_shared>> -> memref<10112x128xf32, #tpu.memory_space<vmem_shared>>
        tpu.wait_indirect_dma semaphore(%arg19 : memref<!tpu.dma_semaphore, #tpu.memory_space<semaphore_mem>>) src(%dma_wait3A_62 : memref<64x128xf32, #tpu.memory_space<vmem>>) dst(%dma_wait3A_68 : memref<10112x128xf32, #tpu.memory_space<vmem_shared>>)
        %dma_wait3A_69 = arith.constant 3 : i32
        %dma_wait3A_70 = arith.constant 3 : i32
        %dma_wait3A_71 = arith.constant 0 : i32
        %dma_wait3A_72 = arith.constant 0 : i32
        %dma_wait3A_73 = tpu.memref_slice %arg11[%dma_wait3A_69, %dma_wait3A_71, %dma_wait3A_72] : memref<4x64x128xf32, #tpu.memory_space<vmem>> -> memref<1x64x128xf32, #tpu.memory_space<vmem>>
        %dma_wait3A_74 = tpu.memref_squeeze %dma_wait3A_73 : memref<1x64x128xf32, #tpu.memory_space<vmem>> -> memref<64x128xf32, #tpu.memory_space<vmem>>
        %dma_wait3A_75 = arith.constant 0 : i32
        %dma_wait3A_76 = tpu.memref_slice %arg10[%dma_wait3A_70, %dma_wait3A_75] : memref<64x64xi32, #tpu.memory_space<vmem>> -> memref<1x64xi32, #tpu.memory_space<vmem>>
        %dma_wait3A_77 = tpu.memref_squeeze %dma_wait3A_76 : memref<1x64xi32, #tpu.memory_space<vmem>> -> memref<64xi32, #tpu.memory_space<vmem>>
        %dma_wait3A_78 = arith.constant 0 : i32
        %dma_wait3A_79 = arith.constant 0 : i32
        %dma_wait3A_80 = tpu.memref_slice %arg12[%dma_wait3A_78, %dma_wait3A_79] : memref<10112x128xf32, #tpu.memory_space<vmem_shared>> -> memref<10112x128xf32, #tpu.memory_space<vmem_shared>>
        tpu.wait_indirect_dma semaphore(%arg20 : memref<!tpu.dma_semaphore, #tpu.memory_space<semaphore_mem>>) src(%dma_wait3A_74 : memref<64x128xf32, #tpu.memory_space<vmem>>) dst(%dma_wait3A_80 : memref<10112x128xf32, #tpu.memory_space<vmem_shared>>)
      }
      %scan3A_16 = arith.constant 5 : i32
      %barrier3A_17 = arith.constant 0 : index
      tpu.barrier barrier_id(%barrier3A_17)
      %mul3A_18 = arith.constant 632 : i32
      %mul3A_19 = arith.muli %arg1, %mul3A_18 : i32
      %mul3A_20 = arith.constant 632 : i32
      %mul3A_21 = arith.muli %arg1, %mul3A_20 : i32
      "tpu.region"() ({
        %run_scoped3A = tpu.sem_alloc : memref<!tpu.dma_semaphore, #tpu.memory_space<semaphore_mem>>
        %dma_start3A = arith.constant 0 : i32
        %dma_start3A_22 = tpu.memref_slice %arg7[%mul3A_21, %dma_start3A] : memref<10112x128xf32, #tpu.memory_space<hbm>> -> memref<632x128xf32, #tpu.memory_space<hbm>>
        %dma_start3A_23 = arith.constant 0 : i32
        %dma_start3A_24 = tpu.memref_slice %arg12[%mul3A_19, %dma_start3A_23] : memref<10112x128xf32, #tpu.memory_space<vmem_shared>> -> memref<632x128xf32, #tpu.memory_space<vmem_shared>>
        tpu.enqueue_dma source(%dma_start3A_24 : memref<632x128xf32, #tpu.memory_space<vmem_shared>>) target(%dma_start3A_22 : memref<632x128xf32, #tpu.memory_space<hbm>>) target_semaphore(%run_scoped3A : memref<!tpu.dma_semaphore, #tpu.memory_space<semaphore_mem>>)
        %dma_wait3A = arith.constant 0 : i32
        %dma_wait3A_25 = tpu.memref_slice %arg7[%mul3A_21, %dma_wait3A] : memref<10112x128xf32, #tpu.memory_space<hbm>> -> memref<632x128xf32, #tpu.memory_space<hbm>>
        %dma_wait3A_26 = arith.constant 0 : i32
        %dma_wait3A_27 = tpu.memref_slice %arg12[%mul3A_19, %dma_wait3A_26] : memref<10112x128xf32, #tpu.memory_space<vmem_shared>> -> memref<632x128xf32, #tpu.memory_space<vmem_shared>>
        tpu.wait_dma2 semaphore(%run_scoped3A : memref<!tpu.dma_semaphore, #tpu.memory_space<semaphore_mem>>) src(%dma_wait3A_27 : memref<632x128xf32, #tpu.memory_space<vmem_shared>>) dst(%dma_wait3A_25 : memref<632x128xf32, #tpu.memory_space<hbm>>)
        tpu.yield
      }) : () -> ()
    } else {
    }
    %eq3A_5 = arith.constant 1 : i32
    %eq3A_6 = arith.cmpi eq, %arg0, %eq3A_5 : i32
    %convert_element_type3A_7 = arith.extui %eq3A_6 : i1 to i32
    %cond3A_8 = arith.constant 0 : i32
    %cond3A_9 = arith.cmpi ne, %convert_element_type3A_7, %cond3A_8 : i32
    scf.if %cond3A_9 {
      %mul3A_10 = arith.constant 320 : i32
      %mul3A_11 = arith.muli %arg1, %mul3A_10 : i32
      %scan3A = arith.constant 0 : i32
      %scan3A_12 = arith.constant 0 : i32
      %scan3A_13 = arith.constant 5 : i32
      %scan3A_14 = arith.addi %scan3A_12, %scan3A_13 : i32
      %scan3A_15 = arith.constant 1 : i32
      scf.for %scan3A_22 = %scan3A_12 to %scan3A_14 step %scan3A_15  : i32 {
        %mul3A_23 = arith.constant 64 : i32
        %mul3A_24 = arith.muli %scan3A_22, %mul3A_23 : i32
        %add3A = arith.addi %mul3A_11, %mul3A_24 : i32
        "tpu.region"() ({
          %run_scoped3A = tpu.sem_alloc : memref<!tpu.dma_semaphore, #tpu.memory_space<semaphore_mem>>
          %dma_start3A = arith.constant 0 : i32
          %dma_start3A_81 = tpu.memref_slice %arg4[%add3A, %dma_start3A] : memref<5120x64xi32, #tpu.memory_space<hbm>> -> memref<64x64xi32, #tpu.memory_space<hbm>>
          %dma_start3A_82 = arith.constant 0 : i32
          %dma_start3A_83 = tpu.memref_slice %arg4[%add3A, %dma_start3A_82] : memref<5120x64xi32, #tpu.memory_space<hbm>> -> memref<64x64xi32, #tpu.memory_space<hbm>>
          tpu.enqueue_dma source(%dma_start3A_83 : memref<64x64xi32, #tpu.memory_space<hbm>>) target(%arg9 : memref<64x64xi32, #tpu.memory_space<vmem>>) target_semaphore(%run_scoped3A : memref<!tpu.dma_semaphore, #tpu.memory_space<semaphore_mem>>)
          %dma_wait3A_84 = arith.constant 0 : i32
          %dma_wait3A_85 = tpu.memref_slice %arg4[%add3A, %dma_wait3A_84] : memref<5120x64xi32, #tpu.memory_space<hbm>> -> memref<64x64xi32, #tpu.memory_space<hbm>>
          %dma_wait3A_86 = arith.constant 0 : i32
          %dma_wait3A_87 = tpu.memref_slice %arg4[%add3A, %dma_wait3A_86] : memref<5120x64xi32, #tpu.memory_space<hbm>> -> memref<64x64xi32, #tpu.memory_space<hbm>>
          tpu.wait_dma2 semaphore(%run_scoped3A : memref<!tpu.dma_semaphore, #tpu.memory_space<semaphore_mem>>) src(%dma_wait3A_87 : memref<64x64xi32, #tpu.memory_space<hbm>>) dst(%arg9 : memref<64x64xi32, #tpu.memory_space<vmem>>)
          tpu.yield
        }) : () -> ()
        %mul3A_25 = arith.constant 64 : i32
        %mul3A_26 = arith.muli %scan3A_22, %mul3A_25 : i32
        %add3A_27 = arith.addi %mul3A_11, %mul3A_26 : i32
        "tpu.region"() ({
          %run_scoped3A = tpu.sem_alloc : memref<!tpu.dma_semaphore, #tpu.memory_space<semaphore_mem>>
          %dma_start3A = arith.constant 0 : i32
          %dma_start3A_81 = tpu.memref_slice %arg5[%add3A_27, %dma_start3A] : memref<5120x64xi32, #tpu.memory_space<hbm>> -> memref<64x64xi32, #tpu.memory_space<hbm>>
          %dma_start3A_82 = arith.constant 0 : i32
          %dma_start3A_83 = tpu.memref_slice %arg5[%add3A_27, %dma_start3A_82] : memref<5120x64xi32, #tpu.memory_space<hbm>> -> memref<64x64xi32, #tpu.memory_space<hbm>>
          tpu.enqueue_dma source(%dma_start3A_83 : memref<64x64xi32, #tpu.memory_space<hbm>>) target(%arg10 : memref<64x64xi32, #tpu.memory_space<vmem>>) target_semaphore(%run_scoped3A : memref<!tpu.dma_semaphore, #tpu.memory_space<semaphore_mem>>)
          %dma_wait3A_84 = arith.constant 0 : i32
          %dma_wait3A_85 = tpu.memref_slice %arg5[%add3A_27, %dma_wait3A_84] : memref<5120x64xi32, #tpu.memory_space<hbm>> -> memref<64x64xi32, #tpu.memory_space<hbm>>
          %dma_wait3A_86 = arith.constant 0 : i32
          %dma_wait3A_87 = tpu.memref_slice %arg5[%add3A_27, %dma_wait3A_86] : memref<5120x64xi32, #tpu.memory_space<hbm>> -> memref<64x64xi32, #tpu.memory_space<hbm>>
          tpu.wait_dma2 semaphore(%run_scoped3A : memref<!tpu.dma_semaphore, #tpu.memory_space<semaphore_mem>>) src(%dma_wait3A_87 : memref<64x64xi32, #tpu.memory_space<hbm>>) dst(%arg10 : memref<64x64xi32, #tpu.memory_space<vmem>>)
          tpu.yield
        }) : () -> ()
        %scan3A_28 = arith.constant 0 : i32
        %scan3A_29 = arith.constant 0 : i32
        %scan3A_30 = arith.constant 16 : i32
        %scan3A_31 = arith.addi %scan3A_29, %scan3A_30 : i32
        %scan3A_32 = arith.constant 1 : i32
        scf.for %scan3A_81 = %scan3A_29 to %scan3A_31 step %scan3A_32  : i32 {
          %mul3A_82 = arith.constant 4 : i32
          %mul3A_83 = arith.muli %scan3A_81, %mul3A_82 : i32
          %add3A_84 = arith.constant 0 : i32
          %add3A_85 = arith.addi %mul3A_83, %add3A_84 : i32
          %gt3A = arith.constant 0 : i32
          %gt3A_86 = arith.cmpi sgt, %scan3A_81, %gt3A : i32
          %convert_element_type3A_87 = arith.extui %gt3A_86 : i1 to i32
          %cond3A_88 = arith.constant 0 : i32
          %cond3A_89 = arith.cmpi ne, %convert_element_type3A_87, %cond3A_88 : i32
          scf.if %cond3A_89 {
            %sub3A = arith.constant 4 : i32
            %sub3A_264 = arith.subi %add3A_85, %sub3A : i32
            %dma_wait3A_265 = arith.constant 0 : i32
            %dma_wait3A_266 = arith.constant 0 : i32
            %dma_wait3A_267 = arith.constant 0 : i32
            %dma_wait3A_268 = tpu.memref_slice %arg11[%dma_wait3A_265, %dma_wait3A_266, %dma_wait3A_267] : memref<4x64x128xf32, #tpu.memory_space<vmem>> -> memref<1x64x128xf32, #tpu.memory_space<vmem>>
            %dma_wait3A_269 = tpu.memref_squeeze %dma_wait3A_268 : memref<1x64x128xf32, #tpu.memory_space<vmem>> -> memref<64x128xf32, #tpu.memory_space<vmem>>
            %dma_wait3A_270 = arith.constant 0 : i32
            %dma_wait3A_271 = tpu.memref_slice %arg10[%sub3A_264, %dma_wait3A_270] : memref<64x64xi32, #tpu.memory_space<vmem>> -> memref<1x64xi32, #tpu.memory_space<vmem>>
            %dma_wait3A_272 = tpu.memref_squeeze %dma_wait3A_271 : memref<1x64xi32, #tpu.memory_space<vmem>> -> memref<64xi32, #tpu.memory_space<vmem>>
            %dma_wait3A_273 = arith.constant 0 : i32
            %dma_wait3A_274 = arith.constant 0 : i32
            %dma_wait3A_275 = tpu.memref_slice %arg12[%dma_wait3A_273, %dma_wait3A_274] : memref<10112x128xf32, #tpu.memory_space<vmem_shared>> -> memref<10112x128xf32, #tpu.memory_space<vmem_shared>>
            tpu.wait_indirect_dma semaphore(%arg17 : memref<!tpu.dma_semaphore, #tpu.memory_space<semaphore_mem>>) src(%dma_wait3A_269 : memref<64x128xf32, #tpu.memory_space<vmem>>) dst(%dma_wait3A_275 : memref<10112x128xf32, #tpu.memory_space<vmem_shared>>)
          } else {
          }
          %dma_start3A = arith.constant 0 : i32
          %dma_start3A_90 = arith.constant 0 : i32
          %dma_start3A_91 = arith.constant 0 : i32
          %dma_start3A_92 = tpu.memref_slice %arg11[%dma_start3A, %dma_start3A_90, %dma_start3A_91] : memref<4x64x128xf32, #tpu.memory_space<vmem>> -> memref<1x64x128xf32, #tpu.memory_space<vmem>>
          %dma_start3A_93 = tpu.memref_squeeze %dma_start3A_92 : memref<1x64x128xf32, #tpu.memory_space<vmem>> -> memref<64x128xf32, #tpu.memory_space<vmem>>
          %dma_start3A_94 = arith.constant 0 : i32
          %dma_start3A_95 = tpu.memref_slice %arg9[%add3A_85, %dma_start3A_94] : memref<64x64xi32, #tpu.memory_space<vmem>> -> memref<1x64xi32, #tpu.memory_space<vmem>>
          %dma_start3A_96 = tpu.memref_squeeze %dma_start3A_95 : memref<1x64xi32, #tpu.memory_space<vmem>> -> memref<64xi32, #tpu.memory_space<vmem>>
          %dma_start3A_97 = arith.constant 0 : i32
          %dma_start3A_98 = arith.constant 0 : i32
          %dma_start3A_99 = tpu.memref_slice %arg3[%dma_start3A_97, %dma_start3A_98] : memref<10000x128xf32, #tpu.memory_space<hbm>> -> memref<10000x128xf32, #tpu.memory_space<hbm>>
          tpu.enqueue_indirect_dma source(%dma_start3A_99 : memref<10000x128xf32, #tpu.memory_space<hbm>>) target(%dma_start3A_93 : memref<64x128xf32, #tpu.memory_space<vmem>>) offsets(%dma_start3A_96 : memref<64xi32, #tpu.memory_space<vmem>>) semaphore(%arg13 : memref<!tpu.dma_semaphore, #tpu.memory_space<semaphore_mem>>)
          %mul3A_100 = arith.constant 4 : i32
          %mul3A_101 = arith.muli %scan3A_81, %mul3A_100 : i32
          %add3A_102 = arith.constant 1 : i32
          %add3A_103 = arith.addi %mul3A_101, %add3A_102 : i32
          %gt3A_104 = arith.constant 0 : i32
          %gt3A_105 = arith.cmpi sgt, %scan3A_81, %gt3A_104 : i32
          %convert_element_type3A_106 = arith.extui %gt3A_105 : i1 to i32
          %cond3A_107 = arith.constant 0 : i32
          %cond3A_108 = arith.cmpi ne, %convert_element_type3A_106, %cond3A_107 : i32
          scf.if %cond3A_108 {
            %sub3A = arith.constant 4 : i32
            %sub3A_264 = arith.subi %add3A_103, %sub3A : i32
            %dma_wait3A_265 = arith.constant 1 : i32
            %dma_wait3A_266 = arith.constant 0 : i32
            %dma_wait3A_267 = arith.constant 0 : i32
            %dma_wait3A_268 = tpu.memref_slice %arg11[%dma_wait3A_265, %dma_wait3A_266, %dma_wait3A_267] : memref<4x64x128xf32, #tpu.memory_space<vmem>> -> memref<1x64x128xf32, #tpu.memory_space<vmem>>
            %dma_wait3A_269 = tpu.memref_squeeze %dma_wait3A_268 : memref<1x64x128xf32, #tpu.memory_space<vmem>> -> memref<64x128xf32, #tpu.memory_space<vmem>>
            %dma_wait3A_270 = arith.constant 0 : i32
            %dma_wait3A_271 = tpu.memref_slice %arg10[%sub3A_264, %dma_wait3A_270] : memref<64x64xi32, #tpu.memory_space<vmem>> -> memref<1x64xi32, #tpu.memory_space<vmem>>
            %dma_wait3A_272 = tpu.memref_squeeze %dma_wait3A_271 : memref<1x64xi32, #tpu.memory_space<vmem>> -> memref<64xi32, #tpu.memory_space<vmem>>
            %dma_wait3A_273 = arith.constant 0 : i32
            %dma_wait3A_274 = arith.constant 0 : i32
            %dma_wait3A_275 = tpu.memref_slice %arg12[%dma_wait3A_273, %dma_wait3A_274] : memref<10112x128xf32, #tpu.memory_space<vmem_shared>> -> memref<10112x128xf32, #tpu.memory_space<vmem_shared>>
            tpu.wait_indirect_dma semaphore(%arg18 : memref<!tpu.dma_semaphore, #tpu.memory_space<semaphore_mem>>) src(%dma_wait3A_269 : memref<64x128xf32, #tpu.memory_space<vmem>>) dst(%dma_wait3A_275 : memref<10112x128xf32, #tpu.memory_space<vmem_shared>>)
          } else {
          }
          %dma_start3A_109 = arith.constant 1 : i32
          %dma_start3A_110 = arith.constant 0 : i32
          %dma_start3A_111 = arith.constant 0 : i32
          %dma_start3A_112 = tpu.memref_slice %arg11[%dma_start3A_109, %dma_start3A_110, %dma_start3A_111] : memref<4x64x128xf32, #tpu.memory_space<vmem>> -> memref<1x64x128xf32, #tpu.memory_space<vmem>>
          %dma_start3A_113 = tpu.memref_squeeze %dma_start3A_112 : memref<1x64x128xf32, #tpu.memory_space<vmem>> -> memref<64x128xf32, #tpu.memory_space<vmem>>
          %dma_start3A_114 = arith.constant 0 : i32
          %dma_start3A_115 = tpu.memref_slice %arg9[%add3A_103, %dma_start3A_114] : memref<64x64xi32, #tpu.memory_space<vmem>> -> memref<1x64xi32, #tpu.memory_space<vmem>>
          %dma_start3A_116 = tpu.memref_squeeze %dma_start3A_115 : memref<1x64xi32, #tpu.memory_space<vmem>> -> memref<64xi32, #tpu.memory_space<vmem>>
          %dma_start3A_117 = arith.constant 0 : i32
          %dma_start3A_118 = arith.constant 0 : i32
          %dma_start3A_119 = tpu.memref_slice %arg3[%dma_start3A_117, %dma_start3A_118] : memref<10000x128xf32, #tpu.memory_space<hbm>> -> memref<10000x128xf32, #tpu.memory_space<hbm>>
          tpu.enqueue_indirect_dma source(%dma_start3A_119 : memref<10000x128xf32, #tpu.memory_space<hbm>>) target(%dma_start3A_113 : memref<64x128xf32, #tpu.memory_space<vmem>>) offsets(%dma_start3A_116 : memref<64xi32, #tpu.memory_space<vmem>>) semaphore(%arg14 : memref<!tpu.dma_semaphore, #tpu.memory_space<semaphore_mem>>)
          %mul3A_120 = arith.constant 4 : i32
          %mul3A_121 = arith.muli %scan3A_81, %mul3A_120 : i32
          %add3A_122 = arith.constant 2 : i32
          %add3A_123 = arith.addi %mul3A_121, %add3A_122 : i32
          %gt3A_124 = arith.constant 0 : i32
          %gt3A_125 = arith.cmpi sgt, %scan3A_81, %gt3A_124 : i32
          %convert_element_type3A_126 = arith.extui %gt3A_125 : i1 to i32
          %cond3A_127 = arith.constant 0 : i32
          %cond3A_128 = arith.cmpi ne, %convert_element_type3A_126, %cond3A_127 : i32
          scf.if %cond3A_128 {
            %sub3A = arith.constant 4 : i32
            %sub3A_264 = arith.subi %add3A_123, %sub3A : i32
            %dma_wait3A_265 = arith.constant 2 : i32
            %dma_wait3A_266 = arith.constant 0 : i32
            %dma_wait3A_267 = arith.constant 0 : i32
            %dma_wait3A_268 = tpu.memref_slice %arg11[%dma_wait3A_265, %dma_wait3A_266, %dma_wait3A_267] : memref<4x64x128xf32, #tpu.memory_space<vmem>> -> memref<1x64x128xf32, #tpu.memory_space<vmem>>
            %dma_wait3A_269 = tpu.memref_squeeze %dma_wait3A_268 : memref<1x64x128xf32, #tpu.memory_space<vmem>> -> memref<64x128xf32, #tpu.memory_space<vmem>>
            %dma_wait3A_270 = arith.constant 0 : i32
            %dma_wait3A_271 = tpu.memref_slice %arg10[%sub3A_264, %dma_wait3A_270] : memref<64x64xi32, #tpu.memory_space<vmem>> -> memref<1x64xi32, #tpu.memory_space<vmem>>
            %dma_wait3A_272 = tpu.memref_squeeze %dma_wait3A_271 : memref<1x64xi32, #tpu.memory_space<vmem>> -> memref<64xi32, #tpu.memory_space<vmem>>
            %dma_wait3A_273 = arith.constant 0 : i32
            %dma_wait3A_274 = arith.constant 0 : i32
            %dma_wait3A_275 = tpu.memref_slice %arg12[%dma_wait3A_273, %dma_wait3A_274] : memref<10112x128xf32, #tpu.memory_space<vmem_shared>> -> memref<10112x128xf32, #tpu.memory_space<vmem_shared>>
            tpu.wait_indirect_dma semaphore(%arg19 : memref<!tpu.dma_semaphore, #tpu.memory_space<semaphore_mem>>) src(%dma_wait3A_269 : memref<64x128xf32, #tpu.memory_space<vmem>>) dst(%dma_wait3A_275 : memref<10112x128xf32, #tpu.memory_space<vmem_shared>>)
          } else {
          }
          %dma_start3A_129 = arith.constant 2 : i32
          %dma_start3A_130 = arith.constant 0 : i32
          %dma_start3A_131 = arith.constant 0 : i32
          %dma_start3A_132 = tpu.memref_slice %arg11[%dma_start3A_129, %dma_start3A_130, %dma_start3A_131] : memref<4x64x128xf32, #tpu.memory_space<vmem>> -> memref<1x64x128xf32, #tpu.memory_space<vmem>>
          %dma_start3A_133 = tpu.memref_squeeze %dma_start3A_132 : memref<1x64x128xf32, #tpu.memory_space<vmem>> -> memref<64x128xf32, #tpu.memory_space<vmem>>
          %dma_start3A_134 = arith.constant 0 : i32
          %dma_start3A_135 = tpu.memref_slice %arg9[%add3A_123, %dma_start3A_134] : memref<64x64xi32, #tpu.memory_space<vmem>> -> memref<1x64xi32, #tpu.memory_space<vmem>>
          %dma_start3A_136 = tpu.memref_squeeze %dma_start3A_135 : memref<1x64xi32, #tpu.memory_space<vmem>> -> memref<64xi32, #tpu.memory_space<vmem>>
          %dma_start3A_137 = arith.constant 0 : i32
          %dma_start3A_138 = arith.constant 0 : i32
          %dma_start3A_139 = tpu.memref_slice %arg3[%dma_start3A_137, %dma_start3A_138] : memref<10000x128xf32, #tpu.memory_space<hbm>> -> memref<10000x128xf32, #tpu.memory_space<hbm>>
          tpu.enqueue_indirect_dma source(%dma_start3A_139 : memref<10000x128xf32, #tpu.memory_space<hbm>>) target(%dma_start3A_133 : memref<64x128xf32, #tpu.memory_space<vmem>>) offsets(%dma_start3A_136 : memref<64xi32, #tpu.memory_space<vmem>>) semaphore(%arg15 : memref<!tpu.dma_semaphore, #tpu.memory_space<semaphore_mem>>)
          %mul3A_140 = arith.constant 4 : i32
          %mul3A_141 = arith.muli %scan3A_81, %mul3A_140 : i32
          %add3A_142 = arith.constant 3 : i32
          %add3A_143 = arith.addi %mul3A_141, %add3A_142 : i32
          %gt3A_144 = arith.constant 0 : i32
          %gt3A_145 = arith.cmpi sgt, %scan3A_81, %gt3A_144 : i32
          %convert_element_type3A_146 = arith.extui %gt3A_145 : i1 to i32
          %cond3A_147 = arith.constant 0 : i32
          %cond3A_148 = arith.cmpi ne, %convert_element_type3A_146, %cond3A_147 : i32
          scf.if %cond3A_148 {
            %sub3A = arith.constant 4 : i32
            %sub3A_264 = arith.subi %add3A_143, %sub3A : i32
            %dma_wait3A_265 = arith.constant 3 : i32
            %dma_wait3A_266 = arith.constant 0 : i32
            %dma_wait3A_267 = arith.constant 0 : i32
            %dma_wait3A_268 = tpu.memref_slice %arg11[%dma_wait3A_265, %dma_wait3A_266, %dma_wait3A_267] : memref<4x64x128xf32, #tpu.memory_space<vmem>> -> memref<1x64x128xf32, #tpu.memory_space<vmem>>
            %dma_wait3A_269 = tpu.memref_squeeze %dma_wait3A_268 : memref<1x64x128xf32, #tpu.memory_space<vmem>> -> memref<64x128xf32, #tpu.memory_space<vmem>>
            %dma_wait3A_270 = arith.constant 0 : i32
            %dma_wait3A_271 = tpu.memref_slice %arg10[%sub3A_264, %dma_wait3A_270] : memref<64x64xi32, #tpu.memory_space<vmem>> -> memref<1x64xi32, #tpu.memory_space<vmem>>
            %dma_wait3A_272 = tpu.memref_squeeze %dma_wait3A_271 : memref<1x64xi32, #tpu.memory_space<vmem>> -> memref<64xi32, #tpu.memory_space<vmem>>
            %dma_wait3A_273 = arith.constant 0 : i32
            %dma_wait3A_274 = arith.constant 0 : i32
            %dma_wait3A_275 = tpu.memref_slice %arg12[%dma_wait3A_273, %dma_wait3A_274] : memref<10112x128xf32, #tpu.memory_space<vmem_shared>> -> memref<10112x128xf32, #tpu.memory_space<vmem_shared>>
            tpu.wait_indirect_dma semaphore(%arg20 : memref<!tpu.dma_semaphore, #tpu.memory_space<semaphore_mem>>) src(%dma_wait3A_269 : memref<64x128xf32, #tpu.memory_space<vmem>>) dst(%dma_wait3A_275 : memref<10112x128xf32, #tpu.memory_space<vmem_shared>>)
          } else {
          }
          %dma_start3A_149 = arith.constant 3 : i32
          %dma_start3A_150 = arith.constant 0 : i32
          %dma_start3A_151 = arith.constant 0 : i32
          %dma_start3A_152 = tpu.memref_slice %arg11[%dma_start3A_149, %dma_start3A_150, %dma_start3A_151] : memref<4x64x128xf32, #tpu.memory_space<vmem>> -> memref<1x64x128xf32, #tpu.memory_space<vmem>>
          %dma_start3A_153 = tpu.memref_squeeze %dma_start3A_152 : memref<1x64x128xf32, #tpu.memory_space<vmem>> -> memref<64x128xf32, #tpu.memory_space<vmem>>
          %dma_start3A_154 = arith.constant 0 : i32
          %dma_start3A_155 = tpu.memref_slice %arg9[%add3A_143, %dma_start3A_154] : memref<64x64xi32, #tpu.memory_space<vmem>> -> memref<1x64xi32, #tpu.memory_space<vmem>>
          %dma_start3A_156 = tpu.memref_squeeze %dma_start3A_155 : memref<1x64xi32, #tpu.memory_space<vmem>> -> memref<64xi32, #tpu.memory_space<vmem>>
          %dma_start3A_157 = arith.constant 0 : i32
          %dma_start3A_158 = arith.constant 0 : i32
          %dma_start3A_159 = tpu.memref_slice %arg3[%dma_start3A_157, %dma_start3A_158] : memref<10000x128xf32, #tpu.memory_space<hbm>> -> memref<10000x128xf32, #tpu.memory_space<hbm>>
          tpu.enqueue_indirect_dma source(%dma_start3A_159 : memref<10000x128xf32, #tpu.memory_space<hbm>>) target(%dma_start3A_153 : memref<64x128xf32, #tpu.memory_space<vmem>>) offsets(%dma_start3A_156 : memref<64xi32, #tpu.memory_space<vmem>>) semaphore(%arg16 : memref<!tpu.dma_semaphore, #tpu.memory_space<semaphore_mem>>)
          %mul3A_160 = arith.constant 4 : i32
          %mul3A_161 = arith.muli %scan3A_81, %mul3A_160 : i32
          %add3A_162 = arith.constant 0 : i32
          %add3A_163 = arith.addi %mul3A_161, %add3A_162 : i32
          %dma_wait3A_164 = arith.constant 0 : i32
          %dma_wait3A_165 = arith.constant 0 : i32
          %dma_wait3A_166 = arith.constant 0 : i32
          %dma_wait3A_167 = tpu.memref_slice %arg11[%dma_wait3A_164, %dma_wait3A_165, %dma_wait3A_166] : memref<4x64x128xf32, #tpu.memory_space<vmem>> -> memref<1x64x128xf32, #tpu.memory_space<vmem>>
          %dma_wait3A_168 = tpu.memref_squeeze %dma_wait3A_167 : memref<1x64x128xf32, #tpu.memory_space<vmem>> -> memref<64x128xf32, #tpu.memory_space<vmem>>
          %dma_wait3A_169 = arith.constant 0 : i32
          %dma_wait3A_170 = tpu.memref_slice %arg9[%add3A_163, %dma_wait3A_169] : memref<64x64xi32, #tpu.memory_space<vmem>> -> memref<1x64xi32, #tpu.memory_space<vmem>>
          %dma_wait3A_171 = tpu.memref_squeeze %dma_wait3A_170 : memref<1x64xi32, #tpu.memory_space<vmem>> -> memref<64xi32, #tpu.memory_space<vmem>>
          %dma_wait3A_172 = arith.constant 0 : i32
          %dma_wait3A_173 = arith.constant 0 : i32
          %dma_wait3A_174 = tpu.memref_slice %arg3[%dma_wait3A_172, %dma_wait3A_173] : memref<10000x128xf32, #tpu.memory_space<hbm>> -> memref<10000x128xf32, #tpu.memory_space<hbm>>
          tpu.wait_indirect_dma semaphore(%arg13 : memref<!tpu.dma_semaphore, #tpu.memory_space<semaphore_mem>>) src(%dma_wait3A_174 : memref<10000x128xf32, #tpu.memory_space<hbm>>) dst(%dma_wait3A_168 : memref<64x128xf32, #tpu.memory_space<vmem>>)
          %dma_start3A_175 = arith.constant 0 : i32
          %dma_start3A_176 = arith.constant 0 : i32
          %dma_start3A_177 = arith.constant 0 : i32
          %dma_start3A_178 = tpu.memref_slice %arg11[%dma_start3A_175, %dma_start3A_176, %dma_start3A_177] : memref<4x64x128xf32, #tpu.memory_space<vmem>> -> memref<1x64x128xf32, #tpu.memory_space<vmem>>
          %dma_start3A_179 = tpu.memref_squeeze %dma_start3A_178 : memref<1x64x128xf32, #tpu.memory_space<vmem>> -> memref<64x128xf32, #tpu.memory_space<vmem>>
          %dma_start3A_180 = arith.constant 0 : i32
          %dma_start3A_181 = tpu.memref_slice %arg10[%add3A_163, %dma_start3A_180] : memref<64x64xi32, #tpu.memory_space<vmem>> -> memref<1x64xi32, #tpu.memory_space<vmem>>
          %dma_start3A_182 = tpu.memref_squeeze %dma_start3A_181 : memref<1x64xi32, #tpu.memory_space<vmem>> -> memref<64xi32, #tpu.memory_space<vmem>>
          %dma_start3A_183 = arith.constant 0 : i32
          %dma_start3A_184 = arith.constant 0 : i32
          %dma_start3A_185 = tpu.memref_slice %arg12[%dma_start3A_183, %dma_start3A_184] : memref<10112x128xf32, #tpu.memory_space<vmem_shared>> -> memref<10112x128xf32, #tpu.memory_space<vmem_shared>>
          tpu.enqueue_indirect_dma source(%dma_start3A_179 : memref<64x128xf32, #tpu.memory_space<vmem>>) target(%dma_start3A_185 : memref<10112x128xf32, #tpu.memory_space<vmem_shared>>) offsets(%dma_start3A_182 : memref<64xi32, #tpu.memory_space<vmem>>) semaphore(%arg17 : memref<!tpu.dma_semaphore, #tpu.memory_space<semaphore_mem>>) {add = true}
          %mul3A_186 = arith.constant 4 : i32
          %mul3A_187 = arith.muli %scan3A_81, %mul3A_186 : i32
          %add3A_188 = arith.constant 1 : i32
          %add3A_189 = arith.addi %mul3A_187, %add3A_188 : i32
          %dma_wait3A_190 = arith.constant 1 : i32
          %dma_wait3A_191 = arith.constant 0 : i32
          %dma_wait3A_192 = arith.constant 0 : i32
          %dma_wait3A_193 = tpu.memref_slice %arg11[%dma_wait3A_190, %dma_wait3A_191, %dma_wait3A_192] : memref<4x64x128xf32, #tpu.memory_space<vmem>> -> memref<1x64x128xf32, #tpu.memory_space<vmem>>
          %dma_wait3A_194 = tpu.memref_squeeze %dma_wait3A_193 : memref<1x64x128xf32, #tpu.memory_space<vmem>> -> memref<64x128xf32, #tpu.memory_space<vmem>>
          %dma_wait3A_195 = arith.constant 0 : i32
          %dma_wait3A_196 = tpu.memref_slice %arg9[%add3A_189, %dma_wait3A_195] : memref<64x64xi32, #tpu.memory_space<vmem>> -> memref<1x64xi32, #tpu.memory_space<vmem>>
          %dma_wait3A_197 = tpu.memref_squeeze %dma_wait3A_196 : memref<1x64xi32, #tpu.memory_space<vmem>> -> memref<64xi32, #tpu.memory_space<vmem>>
          %dma_wait3A_198 = arith.constant 0 : i32
          %dma_wait3A_199 = arith.constant 0 : i32
          %dma_wait3A_200 = tpu.memref_slice %arg3[%dma_wait3A_198, %dma_wait3A_199] : memref<10000x128xf32, #tpu.memory_space<hbm>> -> memref<10000x128xf32, #tpu.memory_space<hbm>>
          tpu.wait_indirect_dma semaphore(%arg14 : memref<!tpu.dma_semaphore, #tpu.memory_space<semaphore_mem>>) src(%dma_wait3A_200 : memref<10000x128xf32, #tpu.memory_space<hbm>>) dst(%dma_wait3A_194 : memref<64x128xf32, #tpu.memory_space<vmem>>)
          %dma_start3A_201 = arith.constant 1 : i32
          %dma_start3A_202 = arith.constant 0 : i32
          %dma_start3A_203 = arith.constant 0 : i32
          %dma_start3A_204 = tpu.memref_slice %arg11[%dma_start3A_201, %dma_start3A_202, %dma_start3A_203] : memref<4x64x128xf32, #tpu.memory_space<vmem>> -> memref<1x64x128xf32, #tpu.memory_space<vmem>>
          %dma_start3A_205 = tpu.memref_squeeze %dma_start3A_204 : memref<1x64x128xf32, #tpu.memory_space<vmem>> -> memref<64x128xf32, #tpu.memory_space<vmem>>
          %dma_start3A_206 = arith.constant 0 : i32
          %dma_start3A_207 = tpu.memref_slice %arg10[%add3A_189, %dma_start3A_206] : memref<64x64xi32, #tpu.memory_space<vmem>> -> memref<1x64xi32, #tpu.memory_space<vmem>>
          %dma_start3A_208 = tpu.memref_squeeze %dma_start3A_207 : memref<1x64xi32, #tpu.memory_space<vmem>> -> memref<64xi32, #tpu.memory_space<vmem>>
          %dma_start3A_209 = arith.constant 0 : i32
          %dma_start3A_210 = arith.constant 0 : i32
          %dma_start3A_211 = tpu.memref_slice %arg12[%dma_start3A_209, %dma_start3A_210] : memref<10112x128xf32, #tpu.memory_space<vmem_shared>> -> memref<10112x128xf32, #tpu.memory_space<vmem_shared>>
          tpu.enqueue_indirect_dma source(%dma_start3A_205 : memref<64x128xf32, #tpu.memory_space<vmem>>) target(%dma_start3A_211 : memref<10112x128xf32, #tpu.memory_space<vmem_shared>>) offsets(%dma_start3A_208 : memref<64xi32, #tpu.memory_space<vmem>>) semaphore(%arg18 : memref<!tpu.dma_semaphore, #tpu.memory_space<semaphore_mem>>) {add = true}
          %mul3A_212 = arith.constant 4 : i32
          %mul3A_213 = arith.muli %scan3A_81, %mul3A_212 : i32
          %add3A_214 = arith.constant 2 : i32
          %add3A_215 = arith.addi %mul3A_213, %add3A_214 : i32
          %dma_wait3A_216 = arith.constant 2 : i32
          %dma_wait3A_217 = arith.constant 0 : i32
          %dma_wait3A_218 = arith.constant 0 : i32
          %dma_wait3A_219 = tpu.memref_slice %arg11[%dma_wait3A_216, %dma_wait3A_217, %dma_wait3A_218] : memref<4x64x128xf32, #tpu.memory_space<vmem>> -> memref<1x64x128xf32, #tpu.memory_space<vmem>>
          %dma_wait3A_220 = tpu.memref_squeeze %dma_wait3A_219 : memref<1x64x128xf32, #tpu.memory_space<vmem>> -> memref<64x128xf32, #tpu.memory_space<vmem>>
          %dma_wait3A_221 = arith.constant 0 : i32
          %dma_wait3A_222 = tpu.memref_slice %arg9[%add3A_215, %dma_wait3A_221] : memref<64x64xi32, #tpu.memory_space<vmem>> -> memref<1x64xi32, #tpu.memory_space<vmem>>
          %dma_wait3A_223 = tpu.memref_squeeze %dma_wait3A_222 : memref<1x64xi32, #tpu.memory_space<vmem>> -> memref<64xi32, #tpu.memory_space<vmem>>
          %dma_wait3A_224 = arith.constant 0 : i32
          %dma_wait3A_225 = arith.constant 0 : i32
          %dma_wait3A_226 = tpu.memref_slice %arg3[%dma_wait3A_224, %dma_wait3A_225] : memref<10000x128xf32, #tpu.memory_space<hbm>> -> memref<10000x128xf32, #tpu.memory_space<hbm>>
          tpu.wait_indirect_dma semaphore(%arg15 : memref<!tpu.dma_semaphore, #tpu.memory_space<semaphore_mem>>) src(%dma_wait3A_226 : memref<10000x128xf32, #tpu.memory_space<hbm>>) dst(%dma_wait3A_220 : memref<64x128xf32, #tpu.memory_space<vmem>>)
          %dma_start3A_227 = arith.constant 2 : i32
          %dma_start3A_228 = arith.constant 0 : i32
          %dma_start3A_229 = arith.constant 0 : i32
          %dma_start3A_230 = tpu.memref_slice %arg11[%dma_start3A_227, %dma_start3A_228, %dma_start3A_229] : memref<4x64x128xf32, #tpu.memory_space<vmem>> -> memref<1x64x128xf32, #tpu.memory_space<vmem>>
          %dma_start3A_231 = tpu.memref_squeeze %dma_start3A_230 : memref<1x64x128xf32, #tpu.memory_space<vmem>> -> memref<64x128xf32, #tpu.memory_space<vmem>>
          %dma_start3A_232 = arith.constant 0 : i32
          %dma_start3A_233 = tpu.memref_slice %arg10[%add3A_215, %dma_start3A_232] : memref<64x64xi32, #tpu.memory_space<vmem>> -> memref<1x64xi32, #tpu.memory_space<vmem>>
          %dma_start3A_234 = tpu.memref_squeeze %dma_start3A_233 : memref<1x64xi32, #tpu.memory_space<vmem>> -> memref<64xi32, #tpu.memory_space<vmem>>
          %dma_start3A_235 = arith.constant 0 : i32
          %dma_start3A_236 = arith.constant 0 : i32
          %dma_start3A_237 = tpu.memref_slice %arg12[%dma_start3A_235, %dma_start3A_236] : memref<10112x128xf32, #tpu.memory_space<vmem_shared>> -> memref<10112x128xf32, #tpu.memory_space<vmem_shared>>
          tpu.enqueue_indirect_dma source(%dma_start3A_231 : memref<64x128xf32, #tpu.memory_space<vmem>>) target(%dma_start3A_237 : memref<10112x128xf32, #tpu.memory_space<vmem_shared>>) offsets(%dma_start3A_234 : memref<64xi32, #tpu.memory_space<vmem>>) semaphore(%arg19 : memref<!tpu.dma_semaphore, #tpu.memory_space<semaphore_mem>>) {add = true}
          %mul3A_238 = arith.constant 4 : i32
          %mul3A_239 = arith.muli %scan3A_81, %mul3A_238 : i32
          %add3A_240 = arith.constant 3 : i32
          %add3A_241 = arith.addi %mul3A_239, %add3A_240 : i32
          %dma_wait3A_242 = arith.constant 3 : i32
          %dma_wait3A_243 = arith.constant 0 : i32
          %dma_wait3A_244 = arith.constant 0 : i32
          %dma_wait3A_245 = tpu.memref_slice %arg11[%dma_wait3A_242, %dma_wait3A_243, %dma_wait3A_244] : memref<4x64x128xf32, #tpu.memory_space<vmem>> -> memref<1x64x128xf32, #tpu.memory_space<vmem>>
          %dma_wait3A_246 = tpu.memref_squeeze %dma_wait3A_245 : memref<1x64x128xf32, #tpu.memory_space<vmem>> -> memref<64x128xf32, #tpu.memory_space<vmem>>
          %dma_wait3A_247 = arith.constant 0 : i32
          %dma_wait3A_248 = tpu.memref_slice %arg9[%add3A_241, %dma_wait3A_247] : memref<64x64xi32, #tpu.memory_space<vmem>> -> memref<1x64xi32, #tpu.memory_space<vmem>>
          %dma_wait3A_249 = tpu.memref_squeeze %dma_wait3A_248 : memref<1x64xi32, #tpu.memory_space<vmem>> -> memref<64xi32, #tpu.memory_space<vmem>>
          %dma_wait3A_250 = arith.constant 0 : i32
          %dma_wait3A_251 = arith.constant 0 : i32
          %dma_wait3A_252 = tpu.memref_slice %arg3[%dma_wait3A_250, %dma_wait3A_251] : memref<10000x128xf32, #tpu.memory_space<hbm>> -> memref<10000x128xf32, #tpu.memory_space<hbm>>
          tpu.wait_indirect_dma semaphore(%arg16 : memref<!tpu.dma_semaphore, #tpu.memory_space<semaphore_mem>>) src(%dma_wait3A_252 : memref<10000x128xf32, #tpu.memory_space<hbm>>) dst(%dma_wait3A_246 : memref<64x128xf32, #tpu.memory_space<vmem>>)
          %dma_start3A_253 = arith.constant 3 : i32
          %dma_start3A_254 = arith.constant 0 : i32
          %dma_start3A_255 = arith.constant 0 : i32
          %dma_start3A_256 = tpu.memref_slice %arg11[%dma_start3A_253, %dma_start3A_254, %dma_start3A_255] : memref<4x64x128xf32, #tpu.memory_space<vmem>> -> memref<1x64x128xf32, #tpu.memory_space<vmem>>
          %dma_start3A_257 = tpu.memref_squeeze %dma_start3A_256 : memref<1x64x128xf32, #tpu.memory_space<vmem>> -> memref<64x128xf32, #tpu.memory_space<vmem>>
          %dma_start3A_258 = arith.constant 0 : i32
          %dma_start3A_259 = tpu.memref_slice %arg10[%add3A_241, %dma_start3A_258] : memref<64x64xi32, #tpu.memory_space<vmem>> -> memref<1x64xi32, #tpu.memory_space<vmem>>
          %dma_start3A_260 = tpu.memref_squeeze %dma_start3A_259 : memref<1x64xi32, #tpu.memory_space<vmem>> -> memref<64xi32, #tpu.memory_space<vmem>>
          %dma_start3A_261 = arith.constant 0 : i32
          %dma_start3A_262 = arith.constant 0 : i32
          %dma_start3A_263 = tpu.memref_slice %arg12[%dma_start3A_261, %dma_start3A_262] : memref<10112x128xf32, #tpu.memory_space<vmem_shared>> -> memref<10112x128xf32, #tpu.memory_space<vmem_shared>>
          tpu.enqueue_indirect_dma source(%dma_start3A_257 : memref<64x128xf32, #tpu.memory_space<vmem>>) target(%dma_start3A_263 : memref<10112x128xf32, #tpu.memory_space<vmem_shared>>) offsets(%dma_start3A_260 : memref<64xi32, #tpu.memory_space<vmem>>) semaphore(%arg20 : memref<!tpu.dma_semaphore, #tpu.memory_space<semaphore_mem>>) {add = true}
        }
        %scan3A_33 = arith.constant 16 : i32
        %dma_wait3A = arith.constant 0 : i32
        %dma_wait3A_34 = arith.constant 0 : i32
        %dma_wait3A_35 = arith.constant 0 : i32
        %dma_wait3A_36 = arith.constant 0 : i32
        %dma_wait3A_37 = tpu.memref_slice %arg11[%dma_wait3A, %dma_wait3A_35, %dma_wait3A_36] : memref<4x64x128xf32, #tpu.memory_space<vmem>> -> memref<1x64x128xf32, #tpu.memory_space<vmem>>
        %dma_wait3A_38 = tpu.memref_squeeze %dma_wait3A_37 : memref<1x64x128xf32, #tpu.memory_space<vmem>> -> memref<64x128xf32, #tpu.memory_space<vmem>>
        %dma_wait3A_39 = arith.constant 0 : i32
        %dma_wait3A_40 = tpu.memref_slice %arg10[%dma_wait3A_34, %dma_wait3A_39] : memref<64x64xi32, #tpu.memory_space<vmem>> -> memref<1x64xi32, #tpu.memory_space<vmem>>
        %dma_wait3A_41 = tpu.memref_squeeze %dma_wait3A_40 : memref<1x64xi32, #tpu.memory_space<vmem>> -> memref<64xi32, #tpu.memory_space<vmem>>
        %dma_wait3A_42 = arith.constant 0 : i32
        %dma_wait3A_43 = arith.constant 0 : i32
        %dma_wait3A_44 = tpu.memref_slice %arg12[%dma_wait3A_42, %dma_wait3A_43] : memref<10112x128xf32, #tpu.memory_space<vmem_shared>> -> memref<10112x128xf32, #tpu.memory_space<vmem_shared>>
        tpu.wait_indirect_dma semaphore(%arg17 : memref<!tpu.dma_semaphore, #tpu.memory_space<semaphore_mem>>) src(%dma_wait3A_38 : memref<64x128xf32, #tpu.memory_space<vmem>>) dst(%dma_wait3A_44 : memref<10112x128xf32, #tpu.memory_space<vmem_shared>>)
        %dma_wait3A_45 = arith.constant 1 : i32
        %dma_wait3A_46 = arith.constant 1 : i32
        %dma_wait3A_47 = arith.constant 0 : i32
        %dma_wait3A_48 = arith.constant 0 : i32
        %dma_wait3A_49 = tpu.memref_slice %arg11[%dma_wait3A_45, %dma_wait3A_47, %dma_wait3A_48] : memref<4x64x128xf32, #tpu.memory_space<vmem>> -> memref<1x64x128xf32, #tpu.memory_space<vmem>>
        %dma_wait3A_50 = tpu.memref_squeeze %dma_wait3A_49 : memref<1x64x128xf32, #tpu.memory_space<vmem>> -> memref<64x128xf32, #tpu.memory_space<vmem>>
        %dma_wait3A_51 = arith.constant 0 : i32
        %dma_wait3A_52 = tpu.memref_slice %arg10[%dma_wait3A_46, %dma_wait3A_51] : memref<64x64xi32, #tpu.memory_space<vmem>> -> memref<1x64xi32, #tpu.memory_space<vmem>>
        %dma_wait3A_53 = tpu.memref_squeeze %dma_wait3A_52 : memref<1x64xi32, #tpu.memory_space<vmem>> -> memref<64xi32, #tpu.memory_space<vmem>>
        %dma_wait3A_54 = arith.constant 0 : i32
        %dma_wait3A_55 = arith.constant 0 : i32
        %dma_wait3A_56 = tpu.memref_slice %arg12[%dma_wait3A_54, %dma_wait3A_55] : memref<10112x128xf32, #tpu.memory_space<vmem_shared>> -> memref<10112x128xf32, #tpu.memory_space<vmem_shared>>
        tpu.wait_indirect_dma semaphore(%arg18 : memref<!tpu.dma_semaphore, #tpu.memory_space<semaphore_mem>>) src(%dma_wait3A_50 : memref<64x128xf32, #tpu.memory_space<vmem>>) dst(%dma_wait3A_56 : memref<10112x128xf32, #tpu.memory_space<vmem_shared>>)
        %dma_wait3A_57 = arith.constant 2 : i32
        %dma_wait3A_58 = arith.constant 2 : i32
        %dma_wait3A_59 = arith.constant 0 : i32
        %dma_wait3A_60 = arith.constant 0 : i32
        %dma_wait3A_61 = tpu.memref_slice %arg11[%dma_wait3A_57, %dma_wait3A_59, %dma_wait3A_60] : memref<4x64x128xf32, #tpu.memory_space<vmem>> -> memref<1x64x128xf32, #tpu.memory_space<vmem>>
        %dma_wait3A_62 = tpu.memref_squeeze %dma_wait3A_61 : memref<1x64x128xf32, #tpu.memory_space<vmem>> -> memref<64x128xf32, #tpu.memory_space<vmem>>
        %dma_wait3A_63 = arith.constant 0 : i32
        %dma_wait3A_64 = tpu.memref_slice %arg10[%dma_wait3A_58, %dma_wait3A_63] : memref<64x64xi32, #tpu.memory_space<vmem>> -> memref<1x64xi32, #tpu.memory_space<vmem>>
        %dma_wait3A_65 = tpu.memref_squeeze %dma_wait3A_64 : memref<1x64xi32, #tpu.memory_space<vmem>> -> memref<64xi32, #tpu.memory_space<vmem>>
        %dma_wait3A_66 = arith.constant 0 : i32
        %dma_wait3A_67 = arith.constant 0 : i32
        %dma_wait3A_68 = tpu.memref_slice %arg12[%dma_wait3A_66, %dma_wait3A_67] : memref<10112x128xf32, #tpu.memory_space<vmem_shared>> -> memref<10112x128xf32, #tpu.memory_space<vmem_shared>>
        tpu.wait_indirect_dma semaphore(%arg19 : memref<!tpu.dma_semaphore, #tpu.memory_space<semaphore_mem>>) src(%dma_wait3A_62 : memref<64x128xf32, #tpu.memory_space<vmem>>) dst(%dma_wait3A_68 : memref<10112x128xf32, #tpu.memory_space<vmem_shared>>)
        %dma_wait3A_69 = arith.constant 3 : i32
        %dma_wait3A_70 = arith.constant 3 : i32
        %dma_wait3A_71 = arith.constant 0 : i32
        %dma_wait3A_72 = arith.constant 0 : i32
        %dma_wait3A_73 = tpu.memref_slice %arg11[%dma_wait3A_69, %dma_wait3A_71, %dma_wait3A_72] : memref<4x64x128xf32, #tpu.memory_space<vmem>> -> memref<1x64x128xf32, #tpu.memory_space<vmem>>
        %dma_wait3A_74 = tpu.memref_squeeze %dma_wait3A_73 : memref<1x64x128xf32, #tpu.memory_space<vmem>> -> memref<64x128xf32, #tpu.memory_space<vmem>>
        %dma_wait3A_75 = arith.constant 0 : i32
        %dma_wait3A_76 = tpu.memref_slice %arg10[%dma_wait3A_70, %dma_wait3A_75] : memref<64x64xi32, #tpu.memory_space<vmem>> -> memref<1x64xi32, #tpu.memory_space<vmem>>
        %dma_wait3A_77 = tpu.memref_squeeze %dma_wait3A_76 : memref<1x64xi32, #tpu.memory_space<vmem>> -> memref<64xi32, #tpu.memory_space<vmem>>
        %dma_wait3A_78 = arith.constant 0 : i32
        %dma_wait3A_79 = arith.constant 0 : i32
        %dma_wait3A_80 = tpu.memref_slice %arg12[%dma_wait3A_78, %dma_wait3A_79] : memref<10112x128xf32, #tpu.memory_space<vmem_shared>> -> memref<10112x128xf32, #tpu.memory_space<vmem_shared>>
        tpu.wait_indirect_dma semaphore(%arg20 : memref<!tpu.dma_semaphore, #tpu.memory_space<semaphore_mem>>) src(%dma_wait3A_74 : memref<64x128xf32, #tpu.memory_space<vmem>>) dst(%dma_wait3A_80 : memref<10112x128xf32, #tpu.memory_space<vmem_shared>>)
      }
      %scan3A_16 = arith.constant 5 : i32
      %barrier3A_17 = arith.constant 0 : index
      tpu.barrier barrier_id(%barrier3A_17)
      %mul3A_18 = arith.constant 632 : i32
      %mul3A_19 = arith.muli %arg1, %mul3A_18 : i32
      %mul3A_20 = arith.constant 632 : i32
      %mul3A_21 = arith.muli %arg1, %mul3A_20 : i32
      "tpu.region"() ({
        %run_scoped3A = tpu.sem_alloc : memref<!tpu.dma_semaphore, #tpu.memory_space<semaphore_mem>>
        %dma_start3A = arith.constant 0 : i32
        %dma_start3A_22 = tpu.memref_slice %arg8[%mul3A_21, %dma_start3A] : memref<10112x128xf32, #tpu.memory_space<hbm>> -> memref<632x128xf32, #tpu.memory_space<hbm>>
        %dma_start3A_23 = arith.constant 0 : i32
        %dma_start3A_24 = tpu.memref_slice %arg12[%mul3A_19, %dma_start3A_23] : memref<10112x128xf32, #tpu.memory_space<vmem_shared>> -> memref<632x128xf32, #tpu.memory_space<vmem_shared>>
        tpu.enqueue_dma source(%dma_start3A_24 : memref<632x128xf32, #tpu.memory_space<vmem_shared>>) target(%dma_start3A_22 : memref<632x128xf32, #tpu.memory_space<hbm>>) target_semaphore(%run_scoped3A : memref<!tpu.dma_semaphore, #tpu.memory_space<semaphore_mem>>)
        %dma_wait3A = arith.constant 0 : i32
        %dma_wait3A_25 = tpu.memref_slice %arg8[%mul3A_21, %dma_wait3A] : memref<10112x128xf32, #tpu.memory_space<hbm>> -> memref<632x128xf32, #tpu.memory_space<hbm>>
        %dma_wait3A_26 = arith.constant 0 : i32
        %dma_wait3A_27 = tpu.memref_slice %arg12[%mul3A_19, %dma_wait3A_26] : memref<10112x128xf32, #tpu.memory_space<vmem_shared>> -> memref<632x128xf32, #tpu.memory_space<vmem_shared>>
        tpu.wait_dma2 semaphore(%run_scoped3A : memref<!tpu.dma_semaphore, #tpu.memory_space<semaphore_mem>>) src(%dma_wait3A_27 : memref<632x128xf32, #tpu.memory_space<vmem_shared>>) dst(%dma_wait3A_25 : memref<632x128xf32, #tpu.memory_space<hbm>>)
        tpu.yield
      }) : () -> ()
    } else {
    }
    return
  }
}

module attributes {stable_mosaic.version = 14 : i64} {
  func.func @_xw_body(%arg0: i32, %arg1: memref<2000x128xf32, #tpu.memory_space<vmem>>, %arg2: memref<128x256xf32, #tpu.memory_space<vmem>>, %arg3: memref<2000x256xf32, #tpu.memory_space<vmem>>) attributes {dimension_semantics = [#tpu.dimension_semantics<arbitrary>], iteration_bounds = array<i64: 5>, scalar_prefetch = 0 : i64, scratch_operands = 0 : i64, tpu.core_type = #tpu.core_type<tc>, window_params = [{transform_indices = @transform_0, window_bounds = array<i64: 2000, 128>}, {pipeline_mode = #tpu.pipeline_mode<synchronous>, transform_indices = @transform_1, window_bounds = array<i64: 128, 256>}, {transform_indices = @transform_2, window_bounds = array<i64: 2000, 256>}]} {
    %get3A = arith.constant 0 : index
    %get3A_0 = arith.constant 0 : index
    %get3A_1 = vector.load %arg1[%get3A, %get3A_0] : memref<2000x128xf32, #tpu.memory_space<vmem>>, vector<2000x128xf32>
    %get3A_2 = arith.constant 0 : index
    %get3A_3 = arith.constant 0 : index
    %get3A_4 = vector.load %arg2[%get3A_2, %get3A_3] : memref<128x256xf32, #tpu.memory_space<vmem>>, vector<128x256xf32>
    %dot_general3A = arith.constant dense<0.000000e+00> : vector<2000x256xf32>
    %dot_general3A_5 = tpu.matmul %get3A_1, %get3A_4, %dot_general3A {dimension_numbers = #tpu.dot_dimension_numbers<[1], [0], [0], [1], [0, 0, 1, 1], [], []>, transpose_lhs_hint = false} : vector<2000x128xf32>, vector<128x256xf32>, vector<2000x256xf32> -> vector<2000x256xf32>
    %swap3A = arith.constant 0 : index
    %swap3A_6 = arith.constant 0 : index
    %swap3A_7 = vector.load %arg3[%swap3A, %swap3A_6] : memref<2000x256xf32, #tpu.memory_space<vmem>>, vector<2000x256xf32>
    tpu.vector_store %arg3[%swap3A, %swap3A_6], %dot_general3A_5 {strides = array<i32>} : memref<2000x256xf32, #tpu.memory_space<vmem>>, vector<2000x256xf32>,
    return
  }
  func.func @transform_0(%arg0: i32) -> (i32, i32) {
    %c0_i32 = arith.constant 0 : i32
    %c0_i32_0 = arith.constant 0 : i32
    return %arg0, %c0_i32 : i32, i32
  }
  func.func @transform_1(%arg0: i32) -> (i32, i32) {
    %c0_i32 = arith.constant 0 : i32
    %c0_i32_0 = arith.constant 0 : i32
    %c0_i32_1 = arith.constant 0 : i32
    return %c0_i32, %c0_i32_0 : i32, i32
  }
  func.func @transform_2(%arg0: i32) -> (i32, i32) {
    %c0_i32 = arith.constant 0 : i32
    %c0_i32_0 = arith.constant 0 : i32
    return %arg0, %c0_i32 : i32, i32
  }
}

module attributes {stable_mosaic.version = 14 : i64} {
  func.func @_scale_body(%arg0: i32, %arg1: memref<2000x256xf32, #tpu.memory_space<vmem>>, %arg2: memref<2x2000x128xf32, #tpu.memory_space<vmem>>, %arg3: memref<2000x128xf32, #tpu.memory_space<vmem>>, %arg4: memref<2000x128xf32, #tpu.memory_space<vmem>>, %arg5: memref<2000x1xf32, #tpu.memory_space<vmem>>) attributes {dimension_semantics = [#tpu.dimension_semantics<arbitrary>], iteration_bounds = array<i64: 5>, scalar_prefetch = 0 : i64, scratch_operands = 0 : i64, tpu.core_type = #tpu.core_type<tc>, window_params = [{transform_indices = @transform_0, window_bounds = array<i64: 2000, 256>}, {transform_indices = @transform_1, window_bounds = array<i64: 2, 2000, 128>}, {transform_indices = @transform_2, window_bounds = array<i64: 2000, 128>}, {transform_indices = @transform_3, window_bounds = array<i64: 2000, 128>}, {transform_indices = @transform_4, window_bounds = array<i64: 2000, 1>}]} {
    %get3A = arith.constant 0 : index
    %get3A_0 = arith.constant 0 : index
    %get3A_1 = arith.constant 0 : index
    %get3A_2 = vector.load %arg2[%get3A, %get3A_0, %get3A_1] : memref<2x2000x128xf32, #tpu.memory_space<vmem>>, vector<1x2000x128xf32>
    %get3A_3 = vector.shape_cast %get3A_2 : vector<1x2000x128xf32> to vector<2000x128xf32>
    %slice3A = vector.extract_strided_slice %get3A_3 {offsets = [0, 0], sizes = [2000, 1], strides = [1, 1]} : vector<2000x128xf32> to vector<2000x1xf32>
    %get3A_4 = arith.constant 1 : index
    %get3A_5 = arith.constant 0 : index
    %get3A_6 = arith.constant 0 : index
    %get3A_7 = vector.load %arg2[%get3A_4, %get3A_5, %get3A_6] : memref<2x2000x128xf32, #tpu.memory_space<vmem>>, vector<1x2000x128xf32>
    %get3A_8 = vector.shape_cast %get3A_7 : vector<1x2000x128xf32> to vector<2000x128xf32>
    %slice3A_9 = vector.extract_strided_slice %get3A_8 {offsets = [0, 0], sizes = [2000, 1], strides = [1, 1]} : vector<2000x128xf32> to vector<2000x1xf32>
    %add3A = arith.addf %slice3A, %slice3A_9 : vector<2000x1xf32>
    %add3A_10 = arith.constant 1.000000e+00 : f32
    %add3A_11 = vector.broadcast %add3A_10 : f32 to vector<2000x1xf32>
    %add3A_12 = arith.addf %add3A, %add3A_11 : vector<2000x1xf32>
    %rsqrt3A = math.rsqrt %add3A_12 : vector<2000x1xf32>
    %get3A_13 = arith.constant 0 : index
    %get3A_14 = arith.constant 0 : index
    %get3A_15 = vector.load %arg1[%get3A_13, %get3A_14] : memref<2000x256xf32, #tpu.memory_space<vmem>>, vector<2000x256xf32>
    %mul3A = vector.broadcast %rsqrt3A : vector<2000x1xf32> to vector<2000x256xf32>
    %mul3A_16 = arith.mulf %get3A_15, %mul3A : vector<2000x256xf32>
    %slice3A_17 = vector.extract_strided_slice %mul3A_16 {offsets = [0, 0], sizes = [2000, 128], strides = [1, 1]} : vector<2000x256xf32> to vector<2000x128xf32>
    %swap3A = arith.constant 0 : index
    %swap3A_18 = arith.constant 0 : index
    %swap3A_19 = vector.load %arg3[%swap3A, %swap3A_18] : memref<2000x128xf32, #tpu.memory_space<vmem>>, vector<2000x128xf32>
    tpu.vector_store %arg3[%swap3A, %swap3A_18], %slice3A_17 {strides = array<i32>} : memref<2000x128xf32, #tpu.memory_space<vmem>>, vector<2000x128xf32>,
    %slice3A_20 = vector.extract_strided_slice %mul3A_16 {offsets = [0, 128], sizes = [2000, 128], strides = [1, 1]} : vector<2000x256xf32> to vector<2000x128xf32>
    %swap3A_21 = arith.constant 0 : index
    %swap3A_22 = arith.constant 0 : index
    %swap3A_23 = vector.load %arg4[%swap3A_21, %swap3A_22] : memref<2000x128xf32, #tpu.memory_space<vmem>>, vector<2000x128xf32>
    tpu.vector_store %arg4[%swap3A_21, %swap3A_22], %slice3A_20 {strides = array<i32>} : memref<2000x128xf32, #tpu.memory_space<vmem>>, vector<2000x128xf32>,
    %swap3A_24 = arith.constant 0 : index
    %swap3A_25 = arith.constant 0 : index
    %swap3A_26 = vector.load %arg5[%swap3A_24, %swap3A_25] : memref<2000x1xf32, #tpu.memory_space<vmem>>, vector<2000x1xf32>
    tpu.vector_store %arg5[%swap3A_24, %swap3A_25], %rsqrt3A {strides = array<i32>} : memref<2000x1xf32, #tpu.memory_space<vmem>>, vector<2000x1xf32>,
    return
  }
  func.func @transform_0(%arg0: i32) -> (i32, i32) {
    %c0_i32 = arith.constant 0 : i32
    %c0_i32_0 = arith.constant 0 : i32
    return %arg0, %c0_i32 : i32, i32
  }
  func.func @transform_1(%arg0: i32) -> (i32, i32, i32) {
    %c0_i32 = arith.constant 0 : i32
    %c0_i32_0 = arith.constant 0 : i32
    %c0_i32_1 = arith.constant 0 : i32
    return %c0_i32, %arg0, %c0_i32_0 : i32, i32, i32
  }
  func.func @transform_2(%arg0: i32) -> (i32, i32) {
    %c0_i32 = arith.constant 0 : i32
    %c0_i32_0 = arith.constant 0 : i32
    return %arg0, %c0_i32 : i32, i32
  }
  func.func @transform_3(%arg0: i32) -> (i32, i32) {
    %c0_i32 = arith.constant 0 : i32
    %c0_i32_0 = arith.constant 0 : i32
    return %arg0, %c0_i32 : i32, i32
  }
  func.func @transform_4(%arg0: i32) -> (i32, i32) {
    %c0_i32 = arith.constant 0 : i32
    %c0_i32_0 = arith.constant 0 : i32
    return %arg0, %c0_i32 : i32, i32
  }
}

module attributes {stable_mosaic.version = 14 : i64} {
  func.func @_mid_body(%arg0: i32, %arg1: memref<2000x128xf32, #tpu.memory_space<vmem>>, %arg2: memref<2000x128xf32, #tpu.memory_space<vmem>>, %arg3: memref<2000x128xf32, #tpu.memory_space<vmem>>, %arg4: memref<2000x128xf32, #tpu.memory_space<vmem>>, %arg5: memref<2000x1xf32, #tpu.memory_space<vmem>>, %arg6: memref<256x256xf32, #tpu.memory_space<vmem>>, %arg7: memref<1x256xf32, #tpu.memory_space<vmem>>, %arg8: memref<2000x128xf32, #tpu.memory_space<vmem>>, %arg9: memref<2000x128xf32, #tpu.memory_space<vmem>>) attributes {dimension_semantics = [#tpu.dimension_semantics<arbitrary>], iteration_bounds = array<i64: 5>, scalar_prefetch = 0 : i64, scratch_operands = 0 : i64, tpu.core_type = #tpu.core_type<tc>, window_params = [{transform_indices = @transform_0, window_bounds = array<i64: 2000, 128>}, {transform_indices = @transform_1, window_bounds = array<i64: 2000, 128>}, {transform_indices = @transform_2, window_bounds = array<i64: 2000, 128>}, {transform_indices = @transform_3, window_bounds = array<i64: 2000, 128>}, {transform_indices = @transform_4, window_bounds = array<i64: 2000, 1>}, {pipeline_mode = #tpu.pipeline_mode<synchronous>, transform_indices = @transform_5, window_bounds = array<i64: 256, 256>}, {pipeline_mode = #tpu.pipeline_mode<synchronous>, transform_indices = @transform_6, window_bounds = array<i64: 1, 256>}, {transform_indices = @transform_7, window_bounds = array<i64: 2000, 128>}, {transform_indices = @transform_8, window_bounds = array<i64: 2000, 128>}]} {
    %get3A = arith.constant 0 : index
    %get3A_0 = arith.constant 0 : index
    %get3A_1 = vector.load %arg5[%get3A, %get3A_0] : memref<2000x1xf32, #tpu.memory_space<vmem>>, vector<2000x1xf32>
    %get3A_2 = arith.constant 0 : index
    %get3A_3 = arith.constant 0 : index
    %get3A_4 = vector.load %arg1[%get3A_2, %get3A_3] : memref<2000x128xf32, #tpu.memory_space<vmem>>, vector<2000x128xf32>
    %get3A_5 = arith.constant 0 : index
    %get3A_6 = arith.constant 0 : index
    %get3A_7 = vector.load %arg3[%get3A_5, %get3A_6] : memref<2000x128xf32, #tpu.memory_space<vmem>>, vector<2000x128xf32>
    %add3A = arith.addf %get3A_4, %get3A_7 : vector<2000x128xf32>
    %get3A_8 = arith.constant 0 : index
    %get3A_9 = arith.constant 0 : index
    %get3A_10 = vector.load %arg2[%get3A_8, %get3A_9] : memref<2000x128xf32, #tpu.memory_space<vmem>>, vector<2000x128xf32>
    %get3A_11 = arith.constant 0 : index
    %get3A_12 = arith.constant 0 : index
    %get3A_13 = vector.load %arg4[%get3A_11, %get3A_12] : memref<2000x128xf32, #tpu.memory_space<vmem>>, vector<2000x128xf32>
    %add3A_14 = arith.addf %get3A_10, %get3A_13 : vector<2000x128xf32>
    %concatenate3A = tpu.concatenate %add3A, %add3A_14 in 1 : vector<2000x128xf32>, vector<2000x128xf32> -> vector<2000x256xf32>
    %mul3A = vector.broadcast %get3A_1 : vector<2000x1xf32> to vector<2000x256xf32>
    %mul3A_15 = arith.mulf %concatenate3A, %mul3A : vector<2000x256xf32>
    %get3A_16 = arith.constant 0 : index
    %get3A_17 = arith.constant 0 : index
    %get3A_18 = vector.load %arg7[%get3A_16, %get3A_17] : memref<1x256xf32, #tpu.memory_space<vmem>>, vector<1x256xf32>
    %add3A_19 = vector.broadcast %get3A_18 : vector<1x256xf32> to vector<2000x256xf32>
    %add3A_20 = arith.addf %mul3A_15, %add3A_19 : vector<2000x256xf32>
    %max3A = arith.constant 0.000000e+00 : f32
    %max3A_21 = vector.broadcast %max3A : f32 to vector<2000x256xf32>
    %max3A_22 = arith.maximumf %add3A_20, %max3A_21 : vector<2000x256xf32>
    %get3A_23 = arith.constant 0 : index
    %get3A_24 = arith.constant 0 : index
    %get3A_25 = vector.load %arg6[%get3A_23, %get3A_24] : memref<256x256xf32, #tpu.memory_space<vmem>>, vector<256x256xf32>
    %dot_general3A = arith.constant dense<0.000000e+00> : vector<2000x256xf32>
    %dot_general3A_26 = tpu.matmul %max3A_22, %get3A_25, %dot_general3A {dimension_numbers = #tpu.dot_dimension_numbers<[1], [0], [0], [1], [0, 0, 1, 1], [], []>, transpose_lhs_hint = false} : vector<2000x256xf32>, vector<256x256xf32>, vector<2000x256xf32> -> vector<2000x256xf32>
    %mul3A_27 = vector.broadcast %get3A_1 : vector<2000x1xf32> to vector<2000x256xf32>
    %mul3A_28 = arith.mulf %dot_general3A_26, %mul3A_27 : vector<2000x256xf32>
    %slice3A = vector.extract_strided_slice %mul3A_28 {offsets = [0, 0], sizes = [2000, 128], strides = [1, 1]} : vector<2000x256xf32> to vector<2000x128xf32>
    %swap3A = arith.constant 0 : index
    %swap3A_29 = arith.constant 0 : index
    %swap3A_30 = vector.load %arg8[%swap3A, %swap3A_29] : memref<2000x128xf32, #tpu.memory_space<vmem>>, vector<2000x128xf32>
    tpu.vector_store %arg8[%swap3A, %swap3A_29], %slice3A {strides = array<i32>} : memref<2000x128xf32, #tpu.memory_space<vmem>>, vector<2000x128xf32>,
    %slice3A_31 = vector.extract_strided_slice %mul3A_28 {offsets = [0, 128], sizes = [2000, 128], strides = [1, 1]} : vector<2000x256xf32> to vector<2000x128xf32>
    %swap3A_32 = arith.constant 0 : index
    %swap3A_33 = arith.constant 0 : index
    %swap3A_34 = vector.load %arg9[%swap3A_32, %swap3A_33] : memref<2000x128xf32, #tpu.memory_space<vmem>>, vector<2000x128xf32>
    tpu.vector_store %arg9[%swap3A_32, %swap3A_33], %slice3A_31 {strides = array<i32>} : memref<2000x128xf32, #tpu.memory_space<vmem>>, vector<2000x128xf32>,
    return
  }
  func.func @transform_0(%arg0: i32) -> (i32, i32) {
    %c0_i32 = arith.constant 0 : i32
    %c0_i32_0 = arith.constant 0 : i32
    return %arg0, %c0_i32 : i32, i32
  }
  func.func @transform_1(%arg0: i32) -> (i32, i32) {
    %c0_i32 = arith.constant 0 : i32
    %c0_i32_0 = arith.constant 0 : i32
    return %arg0, %c0_i32 : i32, i32
  }
  func.func @transform_2(%arg0: i32) -> (i32, i32) {
    %c0_i32 = arith.constant 0 : i32
    %c0_i32_0 = arith.constant 0 : i32
    return %arg0, %c0_i32 : i32, i32
  }
  func.func @transform_3(%arg0: i32) -> (i32, i32) {
    %c0_i32 = arith.constant 0 : i32
    %c0_i32_0 = arith.constant 0 : i32
    return %arg0, %c0_i32 : i32, i32
  }
  func.func @transform_4(%arg0: i32) -> (i32, i32) {
    %c0_i32 = arith.constant 0 : i32
    %c0_i32_0 = arith.constant 0 : i32
    return %arg0, %c0_i32 : i32, i32
  }
  func.func @transform_5(%arg0: i32) -> (i32, i32) {
    %c0_i32 = arith.constant 0 : i32
    %c0_i32_0 = arith.constant 0 : i32
    %c0_i32_1 = arith.constant 0 : i32
    return %c0_i32, %c0_i32_0 : i32, i32
  }
  func.func @transform_6(%arg0: i32) -> (i32, i32) {
    %c0_i32 = arith.constant 0 : i32
    %c0_i32_0 = arith.constant 0 : i32
    %c0_i32_1 = arith.constant 0 : i32
    return %c0_i32, %c0_i32_0 : i32, i32
  }
  func.func @transform_7(%arg0: i32) -> (i32, i32) {
    %c0_i32 = arith.constant 0 : i32
    %c0_i32_0 = arith.constant 0 : i32
    return %arg0, %c0_i32 : i32, i32
  }
  func.func @transform_8(%arg0: i32) -> (i32, i32) {
    %c0_i32 = arith.constant 0 : i32
    %c0_i32_0 = arith.constant 0 : i32
    return %arg0, %c0_i32 : i32, i32
  }
}

module attributes {stable_mosaic.version = 14 : i64} {
  func.func @_head_body(%arg0: i32, %arg1: memref<2000x128xf32, #tpu.memory_space<vmem>>, %arg2: memref<2000x128xf32, #tpu.memory_space<vmem>>, %arg3: memref<2000x128xf32, #tpu.memory_space<vmem>>, %arg4: memref<2000x128xf32, #tpu.memory_space<vmem>>, %arg5: memref<2000x1xf32, #tpu.memory_space<vmem>>, %arg6: memref<1x256xf32, #tpu.memory_space<vmem>>, %arg7: memref<256x128xf32, #tpu.memory_space<vmem>>, %arg8: memref<1x128xf32, #tpu.memory_space<vmem>>, %arg9: memref<128x1xf32, #tpu.memory_space<vmem>>, %arg10: memref<1x1xf32, #tpu.memory_space<vmem>>, %arg11: memref<2000x1xf32, #tpu.memory_space<vmem>>) attributes {dimension_semantics = [#tpu.dimension_semantics<arbitrary>], iteration_bounds = array<i64: 5>, scalar_prefetch = 0 : i64, scratch_operands = 0 : i64, tpu.core_type = #tpu.core_type<tc>, window_params = [{transform_indices = @transform_0, window_bounds = array<i64: 2000, 128>}, {transform_indices = @transform_1, window_bounds = array<i64: 2000, 128>}, {transform_indices = @transform_2, window_bounds = array<i64: 2000, 128>}, {transform_indices = @transform_3, window_bounds = array<i64: 2000, 128>}, {transform_indices = @transform_4, window_bounds = array<i64: 2000, 1>}, {pipeline_mode = #tpu.pipeline_mode<synchronous>, transform_indices = @transform_5, window_bounds = array<i64: 1, 256>}, {pipeline_mode = #tpu.pipeline_mode<synchronous>, transform_indices = @transform_6, window_bounds = array<i64: 256, 128>}, {pipeline_mode = #tpu.pipeline_mode<synchronous>, transform_indices = @transform_7, window_bounds = array<i64: 1, 128>}, {pipeline_mode = #tpu.pipeline_mode<synchronous>, transform_indices = @transform_8, window_bounds = array<i64: 128, 1>}, {pipeline_mode = #tpu.pipeline_mode<synchronous>, transform_indices = @transform_9, window_bounds = array<i64: 1, 1>}, {transform_indices = @transform_10, window_bounds = array<i64: 2000, 1>}]} {
    %get3A = arith.constant 0 : index
    %get3A_0 = arith.constant 0 : index
    %get3A_1 = vector.load %arg5[%get3A, %get3A_0] : memref<2000x1xf32, #tpu.memory_space<vmem>>, vector<2000x1xf32>
    %get3A_2 = arith.constant 0 : index
    %get3A_3 = arith.constant 0 : index
    %get3A_4 = vector.load %arg1[%get3A_2, %get3A_3] : memref<2000x128xf32, #tpu.memory_space<vmem>>, vector<2000x128xf32>
    %get3A_5 = arith.constant 0 : index
    %get3A_6 = arith.constant 0 : index
    %get3A_7 = vector.load %arg3[%get3A_5, %get3A_6] : memref<2000x128xf32, #tpu.memory_space<vmem>>, vector<2000x128xf32>
    %add3A = arith.addf %get3A_4, %get3A_7 : vector<2000x128xf32>
    %get3A_8 = arith.constant 0 : index
    %get3A_9 = arith.constant 0 : index
    %get3A_10 = vector.load %arg2[%get3A_8, %get3A_9] : memref<2000x128xf32, #tpu.memory_space<vmem>>, vector<2000x128xf32>
    %get3A_11 = arith.constant 0 : index
    %get3A_12 = arith.constant 0 : index
    %get3A_13 = vector.load %arg4[%get3A_11, %get3A_12] : memref<2000x128xf32, #tpu.memory_space<vmem>>, vector<2000x128xf32>
    %add3A_14 = arith.addf %get3A_10, %get3A_13 : vector<2000x128xf32>
    %concatenate3A = tpu.concatenate %add3A, %add3A_14 in 1 : vector<2000x128xf32>, vector<2000x128xf32> -> vector<2000x256xf32>
    %mul3A = vector.broadcast %get3A_1 : vector<2000x1xf32> to vector<2000x256xf32>
    %mul3A_15 = arith.mulf %concatenate3A, %mul3A : vector<2000x256xf32>
    %get3A_16 = arith.constant 0 : index
    %get3A_17 = arith.constant 0 : index
    %get3A_18 = vector.load %arg6[%get3A_16, %get3A_17] : memref<1x256xf32, #tpu.memory_space<vmem>>, vector<1x256xf32>
    %add3A_19 = vector.broadcast %get3A_18 : vector<1x256xf32> to vector<2000x256xf32>
    %add3A_20 = arith.addf %mul3A_15, %add3A_19 : vector<2000x256xf32>
    %max3A = arith.constant 0.000000e+00 : f32
    %max3A_21 = vector.broadcast %max3A : f32 to vector<2000x256xf32>
    %max3A_22 = arith.maximumf %add3A_20, %max3A_21 : vector<2000x256xf32>
    %get3A_23 = arith.constant 0 : index
    %get3A_24 = arith.constant 0 : index
    %get3A_25 = vector.load %arg7[%get3A_23, %get3A_24] : memref<256x128xf32, #tpu.memory_space<vmem>>, vector<256x128xf32>
    %dot_general3A = arith.constant dense<0.000000e+00> : vector<2000x128xf32>
    %dot_general3A_26 = tpu.matmul %max3A_22, %get3A_25, %dot_general3A {dimension_numbers = #tpu.dot_dimension_numbers<[1], [0], [0], [1], [0, 0, 1, 1], [], []>, transpose_lhs_hint = false} : vector<2000x256xf32>, vector<256x128xf32>, vector<2000x128xf32> -> vector<2000x128xf32>
    %get3A_27 = arith.constant 0 : index
    %get3A_28 = arith.constant 0 : index
    %get3A_29 = vector.load %arg8[%get3A_27, %get3A_28] : memref<1x128xf32, #tpu.memory_space<vmem>>, vector<1x128xf32>
    %add3A_30 = vector.broadcast %get3A_29 : vector<1x128xf32> to vector<2000x128xf32>
    %add3A_31 = arith.addf %dot_general3A_26, %add3A_30 : vector<2000x128xf32>
    %max3A_32 = arith.constant 0.000000e+00 : f32
    %max3A_33 = vector.broadcast %max3A_32 : f32 to vector<2000x128xf32>
    %max3A_34 = arith.maximumf %add3A_31, %max3A_33 : vector<2000x128xf32>
    %get3A_35 = arith.constant 0 : index
    %get3A_36 = arith.constant 0 : index
    %get3A_37 = vector.load %arg9[%get3A_35, %get3A_36] : memref<128x1xf32, #tpu.memory_space<vmem>>, vector<128x1xf32>
    %dot_general3A_38 = arith.constant dense<0.000000e+00> : vector<2000x1xf32>
    %dot_general3A_39 = tpu.matmul %max3A_34, %get3A_37, %dot_general3A_38 {dimension_numbers = #tpu.dot_dimension_numbers<[1], [0], [0], [1], [0, 0, 1, 1], [], []>, transpose_lhs_hint = false} : vector<2000x128xf32>, vector<128x1xf32>, vector<2000x1xf32> -> vector<2000x1xf32>
    %get3A_40 = arith.constant 0 : index
    %get3A_41 = arith.constant 0 : index
    %get3A_42 = vector.load %arg10[%get3A_40, %get3A_41] : memref<1x1xf32, #tpu.memory_space<vmem>>, vector<1x1xf32>
    %add3A_43 = vector.broadcast %get3A_42 : vector<1x1xf32> to vector<2000x1xf32>
    %add3A_44 = arith.addf %dot_general3A_39, %add3A_43 : vector<2000x1xf32>
    %swap3A = arith.constant 0 : index
    %swap3A_45 = arith.constant 0 : index
    %swap3A_46 = vector.load %arg11[%swap3A, %swap3A_45] : memref<2000x1xf32, #tpu.memory_space<vmem>>, vector<2000x1xf32>
    tpu.vector_store %arg11[%swap3A, %swap3A_45], %add3A_44 {strides = array<i32>} : memref<2000x1xf32, #tpu.memory_space<vmem>>, vector<2000x1xf32>,
    return
  }
  func.func @transform_0(%arg0: i32) -> (i32, i32) {
    %c0_i32 = arith.constant 0 : i32
    %c0_i32_0 = arith.constant 0 : i32
    return %arg0, %c0_i32 : i32, i32
  }
  func.func @transform_1(%arg0: i32) -> (i32, i32) {
    %c0_i32 = arith.constant 0 : i32
    %c0_i32_0 = arith.constant 0 : i32
    return %arg0, %c0_i32 : i32, i32
  }
  func.func @transform_2(%arg0: i32) -> (i32, i32) {
    %c0_i32 = arith.constant 0 : i32
    %c0_i32_0 = arith.constant 0 : i32
    return %arg0, %c0_i32 : i32, i32
  }
  func.func @transform_3(%arg0: i32) -> (i32, i32) {
    %c0_i32 = arith.constant 0 : i32
    %c0_i32_0 = arith.constant 0 : i32
    return %arg0, %c0_i32 : i32, i32
  }
  func.func @transform_4(%arg0: i32) -> (i32, i32) {
    %c0_i32 = arith.constant 0 : i32
    %c0_i32_0 = arith.constant 0 : i32
    return %arg0, %c0_i32 : i32, i32
  }
  func.func @transform_5(%arg0: i32) -> (i32, i32) {
    %c0_i32 = arith.constant 0 : i32
    %c0_i32_0 = arith.constant 0 : i32
    %c0_i32_1 = arith.constant 0 : i32
    return %c0_i32, %c0_i32_0 : i32, i32
  }
  func.func @transform_6(%arg0: i32) -> (i32, i32) {
    %c0_i32 = arith.constant 0 : i32
    %c0_i32_0 = arith.constant 0 : i32
    %c0_i32_1 = arith.constant 0 : i32
    return %c0_i32, %c0_i32_0 : i32, i32
  }
  func.func @transform_7(%arg0: i32) -> (i32, i32) {
    %c0_i32 = arith.constant 0 : i32
    %c0_i32_0 = arith.constant 0 : i32
    %c0_i32_1 = arith.constant 0 : i32
    return %c0_i32, %c0_i32_0 : i32, i32
  }
  func.func @transform_8(%arg0: i32) -> (i32, i32) {
    %c0_i32 = arith.constant 0 : i32
    %c0_i32_0 = arith.constant 0 : i32
    %c0_i32_1 = arith.constant 0 : i32
    return %c0_i32, %c0_i32_0 : i32, i32
  }
  func.func @transform_9(%arg0: i32) -> (i32, i32) {
    %c0_i32 = arith.constant 0 : i32
    %c0_i32_0 = arith.constant 0 : i32
    %c0_i32_1 = arith.constant 0 : i32
    return %c0_i32, %c0_i32_0 : i32, i32
  }
  func.func @transform_10(%arg0: i32) -> (i32, i32) {
    %c0_i32 = arith.constant 0 : i32
    %c0_i32_0 = arith.constant 0 : i32
    return %arg0, %c0_i32 : i32, i32
  }
}

</mosaic_0001>

<sc_bundles>
// kernel: kernel.11.cloned.1.call-start
scs
__scs_entry_jumppad:
0x0: {  	(pc) =	sbr.rel $0x88, $3  }
0x1: {  	(tag) =	ssettag $0x0;
	lr =	simm.s32 $0x1  }
0x2: {  	[smem:$0x3F95] =	sst lr;
	_ =	strace $0xD0000000  }
0x3: {  	_ = 	snop  }
0x4: {  	_ = 	snop  }
0x5: {  	_ = 	snop  }
0x6: {  	_ = 	snop  }
0x7: {  	_ = 	snop  }
__scs_overlays_trampoline_lowered:
0x8: {  	[smem:$0x3FA4] =	sst s0  }
0x9: {  	[smem:$0x3FA5] =	sst s1  }
0xa: {  	[smem:$0x3FA6] =	sst s2  }
0xb: {  	[smem:$0x3FA7] =	sst s3  }
0xc: {  	[smem:$0x3FA8] =	sst s4  }
0xd: {  	[smem:$0x3FA9] =	sst s5  }
0xe: {  	[smem:$0x3FAA] =	sst s6  }
0xf: {  	[smem:$0x3FAB] =	sst s7  }
0x10: {  	[smem:$0x3FAC] =	sst s8  }
0x11: {  	[smem:$0x3FAD] =	sst s9;
	s0 =	simm.s32 @!p0 $0x0  }
0x12: {  	s1 =	sld [smem:$0x3F93];
	s0 =	simm.s32 @p0 $0x1  }
0x13: {  	[smem:$0x3FAE] =	sst s0;
	s0 =	simm.s32 @!p1 $0x0  }
0x14: {  	s2 =	sld [smem:$0x3F92];
	s0 =	simm.s32 @p1 $0x1  }
0x15: {  	[smem:$0x3FAF] =	sst s0;
	s0 =	simm.s32 @!p2 $0x0  }
0x16: {  	s3 =	sld [smem:$0x3FDB];
	s0 =	simm.s32 @p2 $0x1  }
0x17: {  	s4 =	simm.s32 $0x1BF5;
	[smem:$0x3FB1] =	sst s0  }
0x18: {  	s0 =	sld [smem:$0x3F94];
	_ =	swait.ge [sflag:s4], $0x0  }
0x19: {  	s7 =	sld [smem:$0x3F95]  }
0x1a: {  	s8 =	sadd.s32 $0xFFFFE003, lr  }
0x1b: {  	s9 =	sadd.s32 $0xFFFFFEF7, lr;
	s5 =	simm.s32 $0xFFFFFFFF;
	p2 =	slt.u32 s8, $0xFFFFF086  }
0x1c: {  	p1 =	slt.u32 s9, $0xF7A;
	s5 =	simm.s32 @!p2 $0x0  }
0x1d: {  	s5 =	simm.s32 @p1 $0x1;
	p0 =	seq.s32 s7, s2  }
0x1e: {  	s7 =	smul.u32 @!p0 $0xF7A, s2;
	p2 =	seq.s32 @!p0 s5, $0x0  }
0x1f: {  	s9 =	smul.u32 $0xF7A, s1;
	s8 =	simm.s32 @!p0 $0x1BF5;
	p2 =	por !p2, p0  }
0x20: {  	[sflag:s8] =	ssyncset.s32 @!p0 $0xFFFFF086;
	s6 =	sadd.s32 @!p0 s3, s7;
	s7 =	simm.s32 @!p0 $0x108  }
0x21: {  	s3 =	sadd.s32 s3, s9;
	s6 =	sadd.s32 @!p0 $0x88, s6;
	s7 =	simm.s32 @p2 $0x1082  }
0x22: {  	[simem:s7], [sflag:s8] =	dma.local @!p0 [hbm:s6], $0xF7A  }
0x23: {  	s9 =	sor.u32 $0xD0000000, s2;
	s6 =	simm.s32 $0x108;
	_ =	swait.ge @!p0 [sflag:s8], $0x0  }
0x24: {  	s3 =	sadd.s32 $0x88, s3;
	s6 =	simm.s32 @!p1 $0x1082;
	[sflag:s4] =	ssyncset.s32 $0xFFFFF086  }
0x25: {  	[simem:s6], [sflag:s4] =	dma.local [hbm:s3], $0xF7A  }
0x26: {  	[smem:$0x3F95] =	sst s1;
	(tag) =	ssettag s2;
	_ =	strace s9  }
0x27: {  	s1 =	sld [smem:$0x3FA5]  }
0x28: {  	s2 =	sld [smem:$0x3FA6]  }
0x29: {  	s4 =	sld [smem:$0x3FA8]  }
0x2a: {  	p0 =	seq.s32 s5, $0x0;
	s5 =	sld [smem:$0x3FA9]  }
0x2b: {  	s6 =	sld [smem:$0x3FAA]  }
0x2c: {  	s7 =	sld [smem:$0x3FAB]  }
0x2d: {  	s3 =	simm.s32 $0x108;
	s8 =	sld [smem:$0x3FAC]  }
0x2e: {  	s3 =	simm.s32 @!p0 $0x1082;
	s9 =	sld [smem:$0x3FAD]  }
0x2f: {  	lr =	sadd.s32 s0, s3;
	s0 =	sld [smem:$0x3FA4]  }
0x30: {  	s3 =	sld [smem:$0x3FA7]  }
0x31: {  	[smem:$0x3FB0] =	sst s10  }
0x32: {  	s10 =	sld [smem:$0x3FAE];
	_ =	sdelay $0x3  }
0x33: {  	p0 =	seq.s32 s10, $0x1;
	s10 =	sld [smem:$0x3FB0];
	_ =	sdelay $0x3  }
0x34: {  	[smem:$0x3FB0] =	sst s10  }
0x35: {  	s10 =	sld [smem:$0x3FAF];
	_ =	sdelay $0x3  }
0x36: {  	p1 =	seq.s32 s10, $0x1;
	s10 =	sld [smem:$0x3FB0];
	_ =	sdelay $0x3  }
0x37: {  	[smem:$0x3FB0] =	sst s10  }
0x38: {  	s10 =	sld [smem:$0x3FB1]  }
0x39: {  	_ = 	snop;
	(pc) =	sbr.ind lr, $3  }
0x3a: {  	_ = 	snop  }
0x3b: {  	_ = 	snop  }
0x3c: {  	p2 =	seq.s32 s10, $0x1;
	s10 =	sld [smem:$0x3FB0]  }
0x3d: {  	_ =	shalt  }
0x3e: {  	_ =	shalt  }
0x3f: {  	_ =	shalt  }
0x40: {  	_ =	shalt  }
0x41: {  	_ =	shalt  }
0x42: {  	_ =	shalt  }
0x43: {  	_ =	shalt  }
0x44: {  	_ =	shalt  }
0x45: {  	_ =	shalt  }
0x46: {  	_ =	shalt  }
0x47: {  	_ =	shalt  }
0x48: {  	_ =	shalt  }
0x49: {  	_ =	shalt  }
0x4a: {  	_ =	shalt  }
0x4b: {  	_ =	shalt  }
0x4c: {  	_ =	shalt  }
0x4d: {  	_ =	shalt  }
0x4e: {  	_ =	shalt  }
0x4f: {  	_ =	shalt  }
0x50: {  	_ =	shalt  }
0x51: {  	_ =	shalt  }
0x52: {  	_ =	shalt  }
0x53: {  	_ =	shalt  }
0x54: {  	_ =	shalt  }
0x55: {  	_ =	shalt  }
0x56: {  	_ =	shalt  }
0x57: {  	_ =	shalt  }
0x58: {  	_ =	shalt  }
0x59: {  	_ =	shalt  }
0x5a: {  	_ =	shalt  }
0x5b: {  	_ =	shalt  }
0x5c: {  	_ =	shalt  }
0x5d: {  	_ =	shalt  }
0x5e: {  	_ =	shalt  }
0x5f: {  	_ =	shalt  }
0x60: {  	_ =	shalt  }
0x61: {  	_ =	shalt  }
0x62: {  	_ =	shalt  }
0x63: {  	_ =	shalt  }
0x64: {  	_ =	shalt  }
0x65: {  	_ =	shalt  }
0x66: {  	_ =	shalt  }
0x67: {  	_ =	shalt  }
0x68: {  	_ =	shalt  }
0x69: {  	_ =	shalt  }
0x6a: {  	_ =	shalt  }
0x6b: {  	_ =	shalt  }
0x6c: {  	_ =	shalt  }
0x6d: {  	_ =	shalt  }
0x6e: {  	_ =	shalt  }
0x6f: {  	_ =	shalt  }
0x70: {  	_ =	shalt  }
0x71: {  	_ =	shalt  }
0x72: {  	_ =	shalt  }
0x73: {  	_ =	shalt  }
0x74: {  	_ =	shalt  }
0x75: {  	_ =	shalt  }
0x76: {  	_ =	shalt  }
0x77: {  	_ =	shalt  }
0x78: {  	_ =	shalt  }
0x79: {  	_ =	shalt  }
0x7a: {  	_ =	shalt  }
0x7b: {  	_ =	shalt  }
0x7c: {  	_ =	shalt  }
0x7d: {  	_ =	shalt  }
0x7e: {  	_ =	shalt  }
0x7f: {  	_ =	shalt  }
0x80: {  	_ =	shalt  }
0x81: {  	_ =	shalt  }
0x82: {  	_ =	shalt  }
0x83: {  	_ =	shalt  }
0x84: {  	_ =	shalt  }
0x85: {  	_ =	shalt  }
0x86: {  	_ =	shalt  }
0x87: {  	_ =	shalt  }
.Lfunc_end0:
.L_simem_size_0:
called_computation_lowered:
.L_overlay_start_0:
0x88: {  	s2 =	sld [smem:$0x3FD9]  }
0x89: {  	s3 =	sld [smem:$0x3FFE];
	_ =	sdelay $0x1  }
0x8a: {  	s1 =	srdreg.scid  }
0x8b: {  	s0 =	sand.u32 $0x1, s1  }
0x8c: {  	s17 =	sshll.u32 s0, $0xA;
	s2 =	sadd.s32 s3, s2  }
0x8d: {  	s2 =	sadd.s32 s2, s17  }
0x8e: {  	[smem:$0x3FBC] =	sst s2  }
0x8f: {  	_ = 	snop  }
0x90: {  	s2 =	sld [smem:$0x3FD0];
	(tm) =	ssettm $0x1  }
0x91: {  	s18 =	sld [smem:$0x3FFB];
	_ =	sdelay $0x3  }
0x92: {  	_ =	strace s18  }
0x93: {  	s3 =	sld [smem:$0x3FFC];
	_ =	sdelay $0x3  }
0x94: {  	_ =	strace s3  }
0x95: {  	s3 =	sld [smem:$0x3FFD];
	_ =	sdelay $0x3  }
0x96: {  	_ =	strace s3  }
0x97: {  	_ =	strace $0x8FFFFFFF  }
0x98: {  	s19 =	sld [smem:$0x3FDB];
	_ =	sdelay $0x1  }
0x99: {  	s4 =	simm.s32 $_scs_section_size  }
0x9a: {  	s5 =	simm.s32 $_size__tile_overlayer_lowered;
	s6 =	simm.s32 $_tile_overlayer_lowered  }
0x9b: {  	s22 =	simm.s32 $0x1BFF;
	s21 =	sshll.u32 s6, $0x1;
	s3 =	sadd.s32 s4, s19  }
0x9c: {  	s7 =	simm.s32 $0x0;
	s20 =	sshll.u32 s5, $0x1;
	s5 =	sadd.s32 s21, s3  }
0x9d: {  	[timem:s7], [sflag:s22] =	dma.local [hbm:s5], s20  }
0x9e: {  	_ =	swait.ge [sflag:s22], s20  }
0x9f: {  	s4 =	ssub.s32 $0x0, s20;
	[sflag:s22] =	ssyncset.done $0x0  }
0xa0: {  	[sflag:s22] =	ssyncadd.s32 s4;
	_ =	sdelay $0x1  }
0xa1: {  	s23 =	simm.s32 $0x1B8B  }
0xa2: {  	_ =	swait.ge [sflag:s23], $0x1  }
0xa3: {  	[sflag:s23] =	ssyncset.done $0x0  }
0xa4: {  	s25 =	simm.s32 $0x1B8E;
	s24 =	sld [smem:$0x3FFE];
	[sflag:s23] =	ssyncadd.s32 $0xFFFFFFFF  }
0xa5: {  	s26 =	simm.s32 $execute0_lowered;
	[smem:$0x3FD2] =	sst s25  }
0xa6: {  	s5 =	sshll.u32 s26, $0x1;
	_ =	strace $0x80000046;
	[dreg:$0x1] =	wrdreg $0xFFFFFFFF  }
0xa7: {  	s28 =	simm.s32 $_size_execute0_lowered;
	s3 =	sadd.s32 s3, s5;
	[dreg:$0x0] =	wrdreg $0x0  }
0xa8: {  	s5 =	sshll.u32 s28, $0x1;
	[dreg:$0x2] =	wrdreg s3  }
0xa9: {  	[dreg:$0x3] =	wrdreg s5  }
0xaa: {  	[dreg:$0x4] =	wrdreg $0xC0  }
0xab: {  	_ =	task [dreg:s7], $0x5FFFF  }
0xac: {  	[dreg:$0x1] =	wrdreg $0xFFFFFFFF  }
0xad: {  	[dreg:$0x0] =	wrdreg $0x60  }
0xae: {  	[dreg:$0x2] =	wrdreg s24  }
0xaf: {  	[dreg:$0x3] =	wrdreg s2  }
0xb0: {  	[dreg:$0x4] =	wrdreg $0x70000  }
0xb1: {  	[dreg:$0x5] =	wrdreg $0x9  }
0xb2: {  	_ =	task.clear_ibuf [dreg:s7], $0x6FFFF;
	_ =	strace $0x90000046  }
0xb3: {  	s29 =	simm.s32 $0x9;
	_ =	strace $0x80000048  }
0xb4: {  	_ =	swait.ge [sflag:s29], $0x1  }
0xb5: {  	[sflag:s29] =	ssyncadd.s32 $0xFFFFFFFF  }
0xb6: {  	_ =	strace $0x90000048  }
0xb7: {  	_ =	sfence  }
0xb8: {  	s30 =	sld [smem:$0x0];
	_ =	sdelay $0x2  }
0xb9: {  	s31 =	sshll.u32 s1, $0xD;
	s1 =	sshrl.u32 s1, $0x2  }
0xba: {  	s3 =	sand.u32 $0x4000, s31;
	s1 =	sadd.s32 s1, s30  }
0xbb: {  	s0 =	sor.u32 s3, s0;
	s1 =	sshll.u32 s1, $0x11  }
0xbc: {  	s0 =	sor.u32 s1, s0  }
0xbd: {  	s0 =	sadd.s32 $0x8F2B, s0  }
0xbe: {  	[sflag:s0] =	ssyncadd.remote.s32 $0x1  }
0xbf: {  	_ =	sfence.sel $0xFFFF  }
0xc0: {  	[dreg:$0x0] =	wrdreg $0xFFFFFFFF;
	(pc) =	sbr.abs _section_cstart, $3  }
0xc1: {  	[dreg:$0x1] =	wrdreg $0xFFFFFFFF  }
0xc2: {  	_ =	task.clear_ibuf [dreg:s7], $0x2FFFF;
	_ =	strace $0x9FFFFFFF  }
0xc3: {  	(tm) =	ssettm $0x7FFFFFFF  }
tec
execute0_lowered:
.L_overlay_start_1:
0x0: {  	(tag) =	ssettag $0x1  }
0x1: {  	s1 =	srdreg.scid;
	s5 =	rddreg [dreg:$0x0]  }
0x2: {  	s0 =	stileid.u32;
	s2 =	rddreg [dreg:$0x1]  }
0x3: {  	s3 =	rddreg [dreg:$0x2];
	s4 =	simm.s32 $0x0;
	s12 =	simm.s32 $0x5000  }
0x4: {  	s13 =	simm.s32 $0x40;
	s14 =	simm.s32 $0x1;
	s15 =	simm.s32 $0x0  }
0x5: {  	s6 =	sand.u32 $0x1, s1;
	s28 =	sshll.u32 s0, $0x1;
	s8 =	smul.u32 $0x2780, s0  }
0x6: {  	[smem:$0x7FF] =	sst s4;
	s10 =	smul.u32 $0x4F000, s0;
	s31 =	sshll.u32 s0, $0x6  }
0x7: {  	s1 =	sor.u32 s6, s28;
	s9 =	smul.u32 $0x27800, s6;
	s6 =	ssub.s32 $0x2, s6  }
0x8: {  	s7 =	smul.u32 $0xA00, s1;
	s1 =	rddreg [dreg:$0x3];
	_ =	strace $0x80000047  }
0x9: {  	s29 =	sshrl.u32 s6, $0x1;
	s30 =	sshrl.u32 s10, $0x2;
	s9 =	sadd.s32 s8, s9  }
0xa: {  	s8 =	sadd.s32 s8, s5;
	s11 =	ssub.s32 s6, s29;
	s10 =	sadd.s32 s30, s3  }
0xb: {  	s6 =	sor.u32 $0x1C02, s31;
	s7 =	sadd.s32 s7, s5;
	s9 =	sadd.s32 s9, s5  }
0xc: {  	s5 =	sadd.s32 $0x1BE00, s8;
	s10 =	sshrl.u32 s10, $0x3;
	s7 =	sadd.s32 $0x7E00, s7  }
0xd: {  	s8 =	sadd.s32 $0x43600, s9;
	s9 =	smax.u32 s11, $0x1;
	s11 =	simm.s32 $0x2  }
.LBB2_1:
0xe: {  	[spmem:s10], [sflag:s6] =	dma.local [hbm:s5], $0x2780  }
0xf: {  	_ =	swait.ge [sflag:s11], $0x2780  }
0x10: {  	[sflag:s11] =	ssyncset.done $0x0  }
0x11: {  	[sflag:s11] =	ssyncadd.s32 $0xFFFFD880  }
0x12: {  	[tilespmem:s12], [sflag:$0x2] =	stream.linear.gather [hbm4b:s2+s4], $0x2000, $0x38;
	[tilespmem:$0x1AC00] =	vst v63  }
0x13: {  	_ =	swait.ge [sflag:s11], $0x2000  }
0x14: {  	[sflag:s11] =	ssyncset.done $0x0  }
0x15: {  	[sflag:s11] =	ssyncadd.s32 $0xFFFFE000  }
0x16: {  	[tilespmem:s4], [sflag:$0x2] =	stream.linear.gather [hbm4b:s7+s4], $0x5000, $0x38;
	[tilespmem:$0x1AC00] =	vst v63  }
0x17: {  	_ =	swait.ge [sflag:s11], $0x5000  }
0x18: {  	[sflag:s11] =	ssyncset.done $0x0  }
0x19: {  	p0 =	por $0x1, $0x1;
	[sflag:s11] =	ssyncadd.s32 $0xFFFFB000  }
0x1a: {  	s17 =	simm.s32 @!p0 $0x1;
	[bflag:$0x0] =	sbarrier.arrive $0xFFFF  }
0x1b: {  	_ =	swait.ge @!p0 [sflag:s17], $0x2000  }
0x1c: {  	s16 =	simm.s32 $0x1;
	[sflag:s17] =	ssyncset.done @!p0 $0x0  }
0x1d: {  	s18 =	simm.s32 $0x0;
	[sflag:s17] =	ssyncadd.s32 @!p0 $0xFFFFE000;
	s17 =	simm.s32 $0x80  }
.LBB2_2:
0x1e: {  	[spmem:s3] =	stream.indirect.scatter.add.f32 [tilespmem:s12], [sflag:$0x1], $0x80, s18, s13, $0xb8;
	[tilespmem:$0x1AC00] =	vst v63  }
0x1f: {  	p0 =	slt.u32 s16, $0x8;
	s16 =	sadd.s32 $0x1, s16  }
0x20: {  	p1 =	sne.s32 s16, $0xA0  }
.Ltmp0:
0x21: {  	(pc) =	sbr.rel @p1 .LBB2_2-.Ltmp0, $4  }
0x22: {  	s18 =	smov.u32 s17;
	s19 =	simm.s32 @!p0 $0x1  }
0x23: {  	_ =	swait.ge @!p0 [sflag:s19], $0x2000  }
0x24: {  	[sflag:s19] =	ssyncset.done @!p0 $0x0  }
0x25: {  	s17 =	sadd.s32 $0x80, s17;
	[sflag:s19] =	ssyncadd.s32 @!p0 $0xFFFFE000  }
0x26: {  	[spmem:s3] =	stream.indirect.scatter.add.f32 [tilespmem:s12], [sflag:$0x1], $0x80, s18, s13, $0xb8;
	[tilespmem:$0x1AC00] =	vst v63  }
0x27: {  	_ =	swait.ge [sflag:s14], $0x2000  }
0x28: {  	[sflag:s14] =	ssyncset.done $0x0  }
0x29: {  	[sflag:s14] =	ssyncadd.s32 $0xFFFFE000  }
0x2a: {  	_ =	swait.ge [sflag:s14], $0x2000  }
0x2b: {  	[sflag:s14] =	ssyncset.done $0x0  }
0x2c: {  	[sflag:s14] =	ssyncadd.s32 $0xFFFFE000  }
0x2d: {  	_ =	swait.ge [sflag:s14], $0x2000  }
0x2e: {  	[sflag:s14] =	ssyncset.done $0x0  }
0x2f: {  	[sflag:s14] =	ssyncadd.s32 $0xFFFFE000  }
0x30: {  	_ =	swait.ge [sflag:s14], $0x2000  }
0x31: {  	[sflag:s14] =	ssyncset.done $0x0  }
0x32: {  	[sflag:s14] =	ssyncadd.s32 $0xFFFFE000  }
0x33: {  	_ =	swait.ge [sflag:s14], $0x2000  }
0x34: {  	[sflag:s14] =	ssyncset.done $0x0  }
0x35: {  	[sflag:s14] =	ssyncadd.s32 $0xFFFFE000  }
0x36: {  	_ =	swait.ge [sflag:s14], $0x2000  }
0x37: {  	[sflag:s14] =	ssyncset.done $0x0  }
0x38: {  	[sflag:s14] =	ssyncadd.s32 $0xFFFFE000  }
0x39: {  	_ =	swait.ge [sflag:s14], $0x2000  }
0x3a: {  	[sflag:s14] =	ssyncset.done $0x0  }
0x3b: {  	[sflag:s14] =	ssyncadd.s32 $0xFFFFE000  }
0x3c: {  	_ =	swait.ge [sflag:s14], $0x2000  }
0x3d: {  	s15 =	sadd.s32 $0x1, s15;
	[sflag:s14] =	ssyncset.done $0x0  }
0x3e: {  	p0 =	sne.s32 s15, s9;
	[sflag:s14] =	ssyncadd.s32 $0xFFFFE000  }
.Ltmp1:
0x3f: {  	[bflag:$0x0] =	sbarrier.arrive $0xFFFF;
	(pc) =	sbr.rel @p0 .LBB2_1-.Ltmp1, $4  }
0x40: {  	[hbm:s8], [sflag:s6] =	dma.local [spmem:s10], $0x2780  }
0x41: {  	_ =	swait.ge [sflag:s11], $0x2780  }
0x42: {  	[sflag:s11] =	ssyncset.done $0x0  }
0x43: {  	[sflag:s11] =	ssyncadd.s32 $0xFFFFD880  }
0x44: {  	_ =	sfence.sel $0x180000  }
0x45: {  	[bflag:$0x0] =	sbarrier.arrive $0xFFFF  }
0x46: {  	p0 =	sne.s32 s0, $0x0;
	_ =	strace $0x90000047  }
0x47: {  	s0 =	sadd.s32 @!p0 $0x100000, s1;
	[bflag:$0x2] =	sbarrier.arrive $0xFFFF  }
0x48: {  	[sflag:s0] =	ssyncadd.tile.s32 @!p0 $0x1;
	_ =	shalt  }
.Lfunc_end2:
_tile_overlayer_lowered:
.L_overlay_start_2:
0x49: {  	(tag) =	ssettag $0x2  }
0x4a: {  	s0 =	rddreg [dreg:$0x0];
	s2 =	stileid.u32  }
0x4b: {  	s1 =	rddreg [dreg:$0x1];
	p0 =	sne.s32 s2, $0x0  }
0x4c: {  	s3 =	rddreg [dreg:$0x2];
	[bflag:$0x3] =	sbarrier.arrive $0xFFFF;
	s2 =	simm.s32 @!p0 $0x1C02  }
0x4d: {  	[timem:s3], [sflag:s2] =	dma.local @!p0 [hbm:s0], s1  }
0x4e: {  	s0 =	simm.s32 @!p0 $0x2  }
0x4f: {  	_ =	swait.ge @!p0 [sflag:s0], s1  }
0x50: {  	s1 =	ssub.s32 @!p0 $0x0, s1;
	[sflag:s0] =	ssyncset.done @!p0 $0x0  }
0x51: {  	[sflag:s0] =	ssyncadd.s32 @!p0 s1  }
0x52: {  	[bflag:$0x3] =	sbarrier.arrive $0xFFFF  }
0x53: {  	_ =	shalt  }

// kernel: kernel.14.cloned.1.call-start
scs
__scs_entry_jumppad:
0x0: {  	(pc) =	sbr.rel $0x88, $3  }
0x1: {  	(tag) =	ssettag $0x0;
	lr =	simm.s32 $0x1  }
0x2: {  	[smem:$0x3F95] =	sst lr;
	_ =	strace $0xD0000000  }
0x3: {  	_ = 	snop  }
0x4: {  	_ = 	snop  }
0x5: {  	_ = 	snop  }
0x6: {  	_ = 	snop  }
0x7: {  	_ = 	snop  }
__scs_overlays_trampoline_lowered:
0x8: {  	[smem:$0x3FA4] =	sst s0  }
0x9: {  	[smem:$0x3FA5] =	sst s1  }
0xa: {  	[smem:$0x3FA6] =	sst s2  }
0xb: {  	[smem:$0x3FA7] =	sst s3  }
0xc: {  	[smem:$0x3FA8] =	sst s4  }
0xd: {  	[smem:$0x3FA9] =	sst s5  }
0xe: {  	[smem:$0x3FAA] =	sst s6  }
0xf: {  	[smem:$0x3FAB] =	sst s7  }
0x10: {  	[smem:$0x3FAC] =	sst s8  }
0x11: {  	[smem:$0x3FAD] =	sst s9;
	s0 =	simm.s32 @!p0 $0x0  }
0x12: {  	s1 =	sld [smem:$0x3F93];
	s0 =	simm.s32 @p0 $0x1  }
0x13: {  	[smem:$0x3FAE] =	sst s0;
	s0 =	simm.s32 @!p1 $0x0  }
0x14: {  	s2 =	sld [smem:$0x3F92];
	s0 =	simm.s32 @p1 $0x1  }
0x15: {  	[smem:$0x3FAF] =	sst s0;
	s0 =	simm.s32 @!p2 $0x0  }
0x16: {  	s3 =	sld [smem:$0x3FDB];
	s0 =	simm.s32 @p2 $0x1  }
0x17: {  	s4 =	simm.s32 $0x1BF5;
	[smem:$0x3FB1] =	sst s0  }
0x18: {  	s0 =	sld [smem:$0x3F94];
	_ =	swait.ge [sflag:s4], $0x0  }
0x19: {  	s7 =	sld [smem:$0x3F95]  }
0x1a: {  	s8 =	sadd.s32 $0xFFFFE003, lr  }
0x1b: {  	s9 =	sadd.s32 $0xFFFFFEF7, lr;
	s5 =	simm.s32 $0xFFFFFFFF;
	p2 =	slt.u32 s8, $0xFFFFF086  }
0x1c: {  	p1 =	slt.u32 s9, $0xF7A;
	s5 =	simm.s32 @!p2 $0x0  }
0x1d: {  	s5 =	simm.s32 @p1 $0x1;
	p0 =	seq.s32 s7, s2  }
0x1e: {  	s7 =	smul.u32 @!p0 $0xF7A, s2;
	p2 =	seq.s32 @!p0 s5, $0x0  }
0x1f: {  	s9 =	smul.u32 $0xF7A, s1;
	s8 =	simm.s32 @!p0 $0x1BF5;
	p2 =	por !p2, p0  }
0x20: {  	[sflag:s8] =	ssyncset.s32 @!p0 $0xFFFFF086;
	s6 =	sadd.s32 @!p0 s3, s7;
	s7 =	simm.s32 @!p0 $0x108  }
0x21: {  	s3 =	sadd.s32 s3, s9;
	s6 =	sadd.s32 @!p0 $0x88, s6;
	s7 =	simm.s32 @p2 $0x1082  }
0x22: {  	[simem:s7], [sflag:s8] =	dma.local @!p0 [hbm:s6], $0xF7A  }
0x23: {  	s9 =	sor.u32 $0xD0000000, s2;
	s6 =	simm.s32 $0x108;
	_ =	swait.ge @!p0 [sflag:s8], $0x0  }
0x24: {  	s3 =	sadd.s32 $0x88, s3;
	s6 =	simm.s32 @!p1 $0x1082;
	[sflag:s4] =	ssyncset.s32 $0xFFFFF086  }
0x25: {  	[simem:s6], [sflag:s4] =	dma.local [hbm:s3], $0xF7A  }
0x26: {  	[smem:$0x3F95] =	sst s1;
	(tag) =	ssettag s2;
	_ =	strace s9  }
0x27: {  	s1 =	sld [smem:$0x3FA5]  }
0x28: {  	s2 =	sld [smem:$0x3FA6]  }
0x29: {  	s4 =	sld [smem:$0x3FA8]  }
0x2a: {  	p0 =	seq.s32 s5, $0x0;
	s5 =	sld [smem:$0x3FA9]  }
0x2b: {  	s6 =	sld [smem:$0x3FAA]  }
0x2c: {  	s7 =	sld [smem:$0x3FAB]  }
0x2d: {  	s3 =	simm.s32 $0x108;
	s8 =	sld [smem:$0x3FAC]  }
0x2e: {  	s3 =	simm.s32 @!p0 $0x1082;
	s9 =	sld [smem:$0x3FAD]  }
0x2f: {  	lr =	sadd.s32 s0, s3;
	s0 =	sld [smem:$0x3FA4]  }
0x30: {  	s3 =	sld [smem:$0x3FA7]  }
0x31: {  	[smem:$0x3FB0] =	sst s10  }
0x32: {  	s10 =	sld [smem:$0x3FAE];
	_ =	sdelay $0x3  }
0x33: {  	p0 =	seq.s32 s10, $0x1;
	s10 =	sld [smem:$0x3FB0];
	_ =	sdelay $0x3  }
0x34: {  	[smem:$0x3FB0] =	sst s10  }
0x35: {  	s10 =	sld [smem:$0x3FAF];
	_ =	sdelay $0x3  }
0x36: {  	p1 =	seq.s32 s10, $0x1;
	s10 =	sld [smem:$0x3FB0];
	_ =	sdelay $0x3  }
0x37: {  	[smem:$0x3FB0] =	sst s10  }
0x38: {  	s10 =	sld [smem:$0x3FB1]  }
0x39: {  	_ = 	snop;
	(pc) =	sbr.ind lr, $3  }
0x3a: {  	_ = 	snop  }
0x3b: {  	_ = 	snop  }
0x3c: {  	p2 =	seq.s32 s10, $0x1;
	s10 =	sld [smem:$0x3FB0]  }
0x3d: {  	_ =	shalt  }
0x3e: {  	_ =	shalt  }
0x3f: {  	_ =	shalt  }
0x40: {  	_ =	shalt  }
0x41: {  	_ =	shalt  }
0x42: {  	_ =	shalt  }
0x43: {  	_ =	shalt  }
0x44: {  	_ =	shalt  }
0x45: {  	_ =	shalt  }
0x46: {  	_ =	shalt  }
0x47: {  	_ =	shalt  }
0x48: {  	_ =	shalt  }
0x49: {  	_ =	shalt  }
0x4a: {  	_ =	shalt  }
0x4b: {  	_ =	shalt  }
0x4c: {  	_ =	shalt  }
0x4d: {  	_ =	shalt  }
0x4e: {  	_ =	shalt  }
0x4f: {  	_ =	shalt  }
0x50: {  	_ =	shalt  }
0x51: {  	_ =	shalt  }
0x52: {  	_ =	shalt  }
0x53: {  	_ =	shalt  }
0x54: {  	_ =	shalt  }
0x55: {  	_ =	shalt  }
0x56: {  	_ =	shalt  }
0x57: {  	_ =	shalt  }
0x58: {  	_ =	shalt  }
0x59: {  	_ =	shalt  }
0x5a: {  	_ =	shalt  }
0x5b: {  	_ =	shalt  }
0x5c: {  	_ =	shalt  }
0x5d: {  	_ =	shalt  }
0x5e: {  	_ =	shalt  }
0x5f: {  	_ =	shalt  }
0x60: {  	_ =	shalt  }
0x61: {  	_ =	shalt  }
0x62: {  	_ =	shalt  }
0x63: {  	_ =	shalt  }
0x64: {  	_ =	shalt  }
0x65: {  	_ =	shalt  }
0x66: {  	_ =	shalt  }
0x67: {  	_ =	shalt  }
0x68: {  	_ =	shalt  }
0x69: {  	_ =	shalt  }
0x6a: {  	_ =	shalt  }
0x6b: {  	_ =	shalt  }
0x6c: {  	_ =	shalt  }
0x6d: {  	_ =	shalt  }
0x6e: {  	_ =	shalt  }
0x6f: {  	_ =	shalt  }
0x70: {  	_ =	shalt  }
0x71: {  	_ =	shalt  }
0x72: {  	_ =	shalt  }
0x73: {  	_ =	shalt  }
0x74: {  	_ =	shalt  }
0x75: {  	_ =	shalt  }
0x76: {  	_ =	shalt  }
0x77: {  	_ =	shalt  }
0x78: {  	_ =	shalt  }
0x79: {  	_ =	shalt  }
0x7a: {  	_ =	shalt  }
0x7b: {  	_ =	shalt  }
0x7c: {  	_ =	shalt  }
0x7d: {  	_ =	shalt  }
0x7e: {  	_ =	shalt  }
0x7f: {  	_ =	shalt  }
0x80: {  	_ =	shalt  }
0x81: {  	_ =	shalt  }
0x82: {  	_ =	shalt  }
0x83: {  	_ =	shalt  }
0x84: {  	_ =	shalt  }
0x85: {  	_ =	shalt  }
0x86: {  	_ =	shalt  }
0x87: {  	_ =	shalt  }
.Lfunc_end0:
.L_simem_size_0:
called_computation.1_lowered:
.L_overlay_start_0:
0x88: {  	s2 =	sld [smem:$0x3FD9]  }
0x89: {  	s3 =	sld [smem:$0x3FFE];
	_ =	sdelay $0x1  }
0x8a: {  	s1 =	srdreg.scid  }
0x8b: {  	s0 =	sand.u32 $0x1, s1  }
0x8c: {  	s16 =	sshll.u32 s0, $0xA;
	s2 =	sadd.s32 s3, s2  }
0x8d: {  	s2 =	sadd.s32 s2, s16  }
0x8e: {  	[smem:$0x3FBC] =	sst s2  }
0x8f: {  	_ = 	snop  }
0x90: {  	(tm) =	ssettm $0x1  }
0x91: {  	s17 =	sld [smem:$0x3FFB];
	_ =	sdelay $0x3  }
0x92: {  	_ =	strace s17  }
0x93: {  	s2 =	sld [smem:$0x3FFC];
	_ =	sdelay $0x3  }
0x94: {  	_ =	strace s2  }
0x95: {  	s2 =	sld [smem:$0x3FFD];
	_ =	sdelay $0x3  }
0x96: {  	_ =	strace s2  }
0x97: {  	_ =	strace $0x8FFFFFFF  }
0x98: {  	s18 =	sld [smem:$0x3FDB];
	_ =	sdelay $0x1  }
0x99: {  	s19 =	simm.s32 $_scs_section_size  }
0x9a: {  	s4 =	simm.s32 $_size__tile_overlayer_lowered;
	s5 =	simm.s32 $_tile_overlayer_lowered  }
0x9b: {  	s22 =	simm.s32 $0x1BFF;
	s21 =	sshll.u32 s5, $0x1;
	s2 =	sadd.s32 s19, s18  }
0x9c: {  	s6 =	simm.s32 $0x0;
	s20 =	sshll.u32 s4, $0x1;
	s4 =	sadd.s32 s21, s2  }
0x9d: {  	[timem:s6], [sflag:s22] =	dma.local [hbm:s4], s20  }
0x9e: {  	_ =	swait.ge [sflag:s22], s20  }
0x9f: {  	s3 =	ssub.s32 $0x0, s20;
	[sflag:s22] =	ssyncset.done $0x0  }
0xa0: {  	[sflag:s22] =	ssyncadd.s32 s3;
	_ =	sdelay $0x1  }
0xa1: {  	s23 =	simm.s32 $0x1B8B  }
0xa2: {  	_ =	swait.ge [sflag:s23], $0x1  }
0xa3: {  	[sflag:s23] =	ssyncset.done $0x0  }
0xa4: {  	s25 =	simm.s32 $0x1B8E;
	s24 =	sld [smem:$0x3FFE];
	[sflag:s23] =	ssyncadd.s32 $0xFFFFFFFF  }
0xa5: {  	s26 =	simm.s32 $execute0_lowered;
	[smem:$0x3FD2] =	sst s25  }
0xa6: {  	s4 =	sshll.u32 s26, $0x1;
	_ =	strace $0x80000049;
	[dreg:$0x1] =	wrdreg $0xFFFFFFFF  }
0xa7: {  	s28 =	simm.s32 $_size_execute0_lowered;
	s2 =	sadd.s32 s2, s4;
	[dreg:$0x0] =	wrdreg $0x0  }
0xa8: {  	s4 =	sshll.u32 s28, $0x1;
	[dreg:$0x2] =	wrdreg s2  }
0xa9: {  	[dreg:$0x3] =	wrdreg s4  }
0xaa: {  	[dreg:$0x4] =	wrdreg $0xC0  }
0xab: {  	_ =	task [dreg:s6], $0x5FFFF  }
0xac: {  	[dreg:$0x1] =	wrdreg $0xFFFFFFFF  }
0xad: {  	[dreg:$0x0] =	wrdreg $0x60  }
0xae: {  	[dreg:$0x2] =	wrdreg s24  }
0xaf: {  	[dreg:$0x3] =	wrdreg $0xC0000  }
0xb0: {  	[dreg:$0x4] =	wrdreg $0x9  }
0xb1: {  	_ =	task.clear_ibuf [dreg:s6], $0x5FFFF;
	_ =	strace $0x90000049  }
0xb2: {  	s29 =	simm.s32 $0x9;
	_ =	strace $0x8000004B  }
0xb3: {  	_ =	swait.ge [sflag:s29], $0x1  }
0xb4: {  	[sflag:s29] =	ssyncadd.s32 $0xFFFFFFFF  }
0xb5: {  	_ =	strace $0x9000004B  }
0xb6: {  	_ =	sfence  }
0xb7: {  	s30 =	sld [smem:$0x0];
	_ =	sdelay $0x2  }
0xb8: {  	s31 =	sshll.u32 s1, $0xD;
	s1 =	sshrl.u32 s1, $0x2  }
0xb9: {  	s3 =	sand.u32 $0x4000, s31;
	s1 =	sadd.s32 s1, s30  }
0xba: {  	s0 =	sor.u32 s3, s0;
	s1 =	sshll.u32 s1, $0x11  }
0xbb: {  	s0 =	sor.u32 s1, s0  }
0xbc: {  	s0 =	sadd.s32 $0x8F2B, s0  }
0xbd: {  	[sflag:s0] =	ssyncadd.remote.s32 $0x1  }
0xbe: {  	_ =	sfence.sel $0xFFFF  }
0xbf: {  	[dreg:$0x0] =	wrdreg $0xFFFFFFFF;
	(pc) =	sbr.abs _section_cstart, $3  }
0xc0: {  	[dreg:$0x1] =	wrdreg $0xFFFFFFFF  }
0xc1: {  	_ =	task.clear_ibuf [dreg:s6], $0x2FFFF;
	_ =	strace $0x9FFFFFFF  }
0xc2: {  	(tm) =	ssettm $0x7FFFFFFF  }
0xc3: {  	_ =	shalt  }
tec
execute0_lowered:
.L_overlay_start_1:
0x0: {  	(tag) =	ssettag $0x1  }
0x1: {  	s0 =	rddreg [dreg:$0x0]  }
0x2: {  	s1 =	rddreg [dreg:$0x1];
	s2 =	simm.s32 $0x0;
	s11 =	stileid.u32  }
0x3: {  	s3 =	srdreg.scid;
	s16 =	simm.s32 $0x9;
	s17 =	simm.s32 $0x2000  }
0x4: {  	s18 =	simm.s32 $0x40;
	s19 =	simm.s32 $0x4000;
	s20 =	simm.s32 $0x80  }
0x5: {  	s21 =	simm.s32 $0x6000;
	s22 =	simm.s32 $0x100;
	s23 =	simm.s32 $0x8000  }
0x6: {  	s28 =	simm.s32 $0x2;
	s29 =	simm.s32 $0x2080;
	s30 =	simm.s32 $0x3  }
0x7: {  	s31 =	simm.s32 $0x2100;
	[smem:$0x7FF] =	sst s2;
	s4 =	sadd.s32 $0x43600, s0  }
0x8: {  	s5 =	sadd.s32 $0x6A800, s0;
	s6 =	sadd.s32 $0x92600, s0;
	s9 =	smul.u32 $0x2780, s11  }
0x9: {  	s8 =	sadd.s32 $0x7E00, s0;
	s3 =	sand.u32 $0x1, s3;
	s7 =	smul.u32 $0x4F000, s11  }
0xa: {  	s10 =	sadd.s32 $0xCD800, s0;
	s26 =	sshll.u32 s11, $0x6;
	s13 =	smul.u32 $0xA000, s11  }
0xb: {  	s11 =	simm.s32 $0x8;
	_ =	strace $0x8000004A;
	[dreg:$0x5] =	wrdreg s10  }
0xc: {  	s24 =	ssub.s32 $0x2, s3;
	s12 =	sor.u32 $0x1C09, s26;
	p0 =	seq.s32 s3, $0x1  }
0xd: {  	s26 =	simm.s32 $0x1;
	s3 =	simm.s32 $0x2180;
	s10 =	simm.s32 $0x6  }
0xe: {  	[dreg:$0x4] =	wrdreg s9;
	s9 =	sadd.s32 s9, s0;
	s0 =	sadd.s32 $0xF5000, s0  }
0xf: {  	s25 =	sshrl.u32 s24, $0x1;
	s7 =	sshrl.u32 s7, $0x2;
	[dreg:$0x8] =	wrdreg s12  }
.Ltmp0:
0x10: {  	[dreg:$0x6] =	wrdreg s0;
	s0 =	ssub.s32 s24, s25;
	(pc) =	sbr.rel .LBB2_1-.Ltmp0, $4  }
0x11: {  	s7 =	sadd.s32 s7, s1;
	s9 =	sadd.s32 $0x1BE00, s9;
	s24 =	simm.s32 $0x180  }
0x12: {  	s25 =	simm.s32 $0xA000;
	[dreg:$0x7] =	wrdreg s9;
	s0 =	smax.u32 s0, $0x1  }
0x13: {  	s15 =	sshrl.u32 s7, $0x3;
	s9 =	simm.s32 $0x5;
	[dreg:$0x9] =	wrdreg s0  }
0x14: {  	s7 =	simm.s32 $0x7;
	s0 =	simm.s32 $0x4;
	[dreg:$0xa] =	wrdreg s15  }
.LBB2_10:
0x15: {  	s2 =	rddreg [dreg:$0x4];
	[bflag:$0x0] =	sbarrier.arrive $0xFFFF  }
0x16: {  	s2 =	sadd.s32 s12, s2;
	s12 =	rddreg [dreg:$0x8]  }
0x17: {  	s15 =	rddreg [dreg:$0xa]  }
0x18: {  	[hbm:s2], [sflag:s12] =	dma.local [spmem:s15], $0x2780  }
0x19: {  	_ =	swait.ge [sflag:s16], $0x2780  }
0x1a: {  	s14 =	sadd.s32 $0x1, s14;
	s2 =	rddreg [dreg:$0x9]  }
0x1b: {  	p1 =	sne.s32 s14, s2  }
.Ltmp1:
0x1c: {  	_ = 	snop;
	(pc) =	sbr.rel @!p1 .LBB2_11-.Ltmp1, $3  }
0x1d: {  	_ =	sdelay $0x1  }
0x1e: {  	[sflag:s16] =	ssyncset.done $0x0  }
0x1f: {  	[sflag:s16] =	ssyncadd.s32 $0xFFFFD880;
	s2 =	smov.u32 s14  }
.LBB2_1:
0x20: {  	[dreg:$0x3] =	wrdreg s2  }
0x21: {  	s14 =	rddreg [dreg:$0x7]  }
0x22: {  	[spmem:s15], [sflag:s12] =	dma.local [hbm:s14], $0x2780  }
.Ltmp2:
0x23: {  	_ =	swait.ge [sflag:s16], $0x2780;
	(pc) =	sbr.rel @!p0 .LBB2_2-.Ltmp2, $4  }
0x24: {  	[sflag:s16] =	ssyncset.done $0x0  }
0x25: {  	[sflag:s16] =	ssyncadd.s32 $0xFFFFD880  }
0x26: {  	[bflag:$0x0] =	sbarrier.arrive $0xFFFF  }
0x27: {  	s14 =	simm.s32 $0x0;
	s12 =	simm.s32 $0x0  }
.LBB2_6:
0x28: {  	s2 =	sshll.u32 s12, $0xD  }
0x29: {  	s2 =	sadd.s32 s13, s2  }
0x2a: {  	s2 =	sshrl.u32 s2, $0x3  }
0x2b: {  	s15 =	simm.s32 $0x0;
	s14 =	sadd.s32 s6, s2  }
0x2c: {  	[tilespmem:s15], [sflag:$0x9] =	stream.linear.gather [hbm4b:s14+s15], $0x2000, $0x38;
	[tilespmem:$0x1FC00] =	vst v63  }
0x2d: {  	_ =	swait.ge [sflag:s16], $0x2000  }
0x2e: {  	[sflag:s16] =	ssyncset.done $0x0  }
0x2f: {  	s2 =	sadd.s32 s8, s2;
	[sflag:s16] =	ssyncadd.s32 $0xFFFFE000  }
0x30: {  	[tilespmem:s17], [sflag:$0x9] =	stream.linear.gather [hbm4b:s2+s15], $0x2000, $0x38;
	[tilespmem:$0x1FC00] =	vst v63  }
0x31: {  	_ =	swait.ge [sflag:s16], $0x2000  }
0x32: {  	[sflag:s16] =	ssyncset.done $0x0  }
0x33: {  	[sflag:s16] =	ssyncadd.s32 $0xFFFFE000  }
0x34: {  	[tilespmem:s19], [sflag:$0x1] =	stream.indirect.gather [hbm4b:s5+s18], $0x80, s15, s18, $0xb8;
	[tilespmem:$0x1FC00] =	vst v63  }
0x35: {  	_ = 	snop  }
0x36: {  	[tilespmem:s21], [sflag:$0x2] =	stream.indirect.gather [hbm4b:s5+s18], $0x80, s20, s18, $0xb8;
	[tilespmem:$0x1FC00] =	vst v63  }
0x37: {  	_ = 	snop  }
0x38: {  	[tilespmem:s23], [sflag:$0x3] =	stream.indirect.gather [hbm4b:s5+s18], $0x80, s22, s18, $0xb8;
	[tilespmem:$0x1FC00] =	vst v63  }
0x39: {  	_ = 	snop  }
0x3a: {  	[tilespmem:s25], [sflag:$0x4] =	stream.indirect.gather [hbm4b:s5+s18], $0x80, s24, s18, $0xb8;
	[tilespmem:$0x1FC00] =	vst v63  }
0x3b: {  	_ =	swait.ge [sflag:s26], $0x2000  }
0x3c: {  	[sflag:s26] =	ssyncset.done $0x0  }
0x3d: {  	[sflag:s26] =	ssyncadd.s32 $0xFFFFE000  }
0x3e: {  	[spmem:s1] =	stream.indirect.scatter.add.f32 [tilespmem:s19], [sflag:$0x5], $0x80, s17, s18, $0xb8;
	[tilespmem:$0x1FC00] =	vst v63  }
0x3f: {  	_ =	swait.ge [sflag:s28], $0x2000  }
0x40: {  	[sflag:s28] =	ssyncset.done $0x0  }
0x41: {  	[sflag:s28] =	ssyncadd.s32 $0xFFFFE000  }
0x42: {  	[spmem:s1] =	stream.indirect.scatter.add.f32 [tilespmem:s21], [sflag:$0x6], $0x80, s29, s18, $0xb8;
	[tilespmem:$0x1FC00] =	vst v63  }
0x43: {  	_ =	swait.ge [sflag:s30], $0x2000  }
0x44: {  	[sflag:s30] =	ssyncset.done $0x0  }
0x45: {  	[sflag:s30] =	ssyncadd.s32 $0xFFFFE000  }
0x46: {  	[spmem:s1] =	stream.indirect.scatter.add.f32 [tilespmem:s23], [sflag:$0x7], $0x80, s31, s18, $0xb8;
	[tilespmem:$0x1FC00] =	vst v63  }
0x47: {  	_ =	swait.ge [sflag:s0], $0x2000  }
0x48: {  	[sflag:s0] =	ssyncset.done $0x0  }
0x49: {  	[sflag:s0] =	ssyncadd.s32 $0xFFFFE000  }
0x4a: {  	[spmem:s1] =	stream.indirect.scatter.add.f32 [tilespmem:s25], [sflag:$0x8], $0x80, s3, s18, $0xb8;
	[tilespmem:$0x1FC00] =	vst v63  }
0x4b: {  	_ =	swait.ge [sflag:s9], $0x2000  }
0x4c: {  	[sflag:s9] =	ssyncset.done $0x0  }
0x4d: {  	s15 =	simm.s32 $0x200;
	[sflag:s9] =	ssyncadd.s32 $0xFFFFE000  }
0x4e: {  	[tilespmem:s19], [sflag:$0x1] =	stream.indirect.gather [hbm4b:s5+s18], $0x80, s15, s18, $0xb8;
	[tilespmem:$0x1FC00] =	vst v63  }
0x4f: {  	_ =	swait.ge [sflag:s10], $0x2000  }
0x50: {  	[sflag:s10] =	ssyncset.done $0x0  }
0x51: {  	s14 =	simm.s32 $0x280;
	[sflag:s10] =	ssyncadd.s32 $0xFFFFE000  }
0x52: {  	[tilespmem:s21], [sflag:$0x2] =	stream.indirect.gather [hbm4b:s5+s18], $0x80, s14, s18, $0xb8;
	[tilespmem:$0x1FC00] =	vst v63  }
0x53: {  	_ =	swait.ge [sflag:s7], $0x2000  }
0x54: {  	[sflag:s7] =	ssyncset.done $0x0  }
0x55: {  	s15 =	simm.s32 $0x300;
	[sflag:s7] =	ssyncadd.s32 $0xFFFFE000  }
0x56: {  	[tilespmem:s23], [sflag:$0x3] =	stream.indirect.gather [hbm4b:s5+s18], $0x80, s15, s18, $0xb8;
	[tilespmem:$0x1FC00] =	vst v63  }
0x57: {  	_ =	swait.ge [sflag:s11], $0x2000  }
0x58: {  	[sflag:s11] =	ssyncset.done $0x0  }
0x59: {  	s14 =	simm.s32 $0x380;
	[sflag:s11] =	ssyncadd.s32 $0xFFFFE000  }
0x5a: {  	[tilespmem:s25], [sflag:$0x4] =	stream.indirect.gather [hbm4b:s5+s18], $0x80, s14, s18, $0xb8;
	[tilespmem:$0x1FC00] =	vst v63  }
0x5b: {  	_ =	swait.ge [sflag:s26], $0x2000  }
0x5c: {  	[sflag:s26] =	ssyncset.done $0x0  }
0x5d: {  	s15 =	simm.s32 $0x2200;
	[sflag:s26] =	ssyncadd.s32 $0xFFFFE000  }
0x5e: {  	[spmem:s1] =	stream.indirect.scatter.add.f32 [tilespmem:s19], [sflag:$0x5], $0x80, s15, s18, $0xb8;
	[tilespmem:$0x1FC00] =	vst v63  }
0x5f: {  	_ =	swait.ge [sflag:s28], $0x2000  }
0x60: {  	[sflag:s28] =	ssyncset.done $0x0  }
0x61: {  	s14 =	simm.s32 $0x2280;
	[sflag:s28] =	ssyncadd.s32 $0xFFFFE000  }
0x62: {  	[spmem:s1] =	stream.indirect.scatter.add.f32 [tilespmem:s21], [sflag:$0x6], $0x80, s14, s18, $0xb8;
	[tilespmem:$0x1FC00] =	vst v63  }
0x63: {  	_ =	swait.ge [sflag:s30], $0x2000  }
0x64: {  	[sflag:s30] =	ssyncset.done $0x0  }
0x65: {  	s15 =	simm.s32 $0x2300;
	[sflag:s30] =	ssyncadd.s32 $0xFFFFE000  }
0x66: {  	[spmem:s1] =	stream.indirect.scatter.add.f32 [tilespmem:s23], [sflag:$0x7], $0x80, s15, s18, $0xb8;
	[tilespmem:$0x1FC00] =	vst v63  }
0x67: {  	_ =	swait.ge [sflag:s0], $0x2000  }
0x68: {  	[sflag:s0] =	ssyncset.done $0x0  }
0x69: {  	s14 =	simm.s32 $0x800;
	s15 =	simm.s32 $0x2380;
	[sflag:s0] =	ssyncadd.s32 $0xFFFFE000  }
.LBB2_7:
0x6a: {  	[spmem:s1] =	stream.indirect.scatter.add.f32 [tilespmem:s25], [sflag:$0x8], $0x80, s15, s18, $0xb8;
	[tilespmem:$0x1FC00] =	vst v63  }
0x6b: {  	s2 =	smov.u32 s14  }
0x6c: {  	p1 =	sne.s32 s14, $0x7000;
	s14 =	sadd.s32 $0x800, s14;
	_ =	swait.ge [sflag:s9], $0x2000  }
0x6d: {  	s15 =	sshra.s32 s2, $0x2;
	[sflag:s9] =	ssyncset.done $0x0  }
0x6e: {  	s2 =	sadd.s32 $0x200, s15;
	[sflag:s9] =	ssyncadd.s32 $0xFFFFE000  }
0x6f: {  	[tilespmem:s19], [sflag:$0x1] =	stream.indirect.gather [hbm4b:s5+s18], $0x80, s2, s18, $0xb8;
	[tilespmem:$0x1FC00] =	vst v63  }
0x70: {  	_ =	swait.ge [sflag:s10], $0x2000  }
0x71: {  	[sflag:s10] =	ssyncset.done $0x0  }
0x72: {  	s2 =	sadd.s32 $0x280, s15;
	[sflag:s10] =	ssyncadd.s32 $0xFFFFE000  }
0x73: {  	[tilespmem:s21], [sflag:$0x2] =	stream.indirect.gather [hbm4b:s5+s18], $0x80, s2, s18, $0xb8;
	[tilespmem:$0x1FC00] =	vst v63  }
0x74: {  	_ =	swait.ge [sflag:s7], $0x2000  }
0x75: {  	[sflag:s7] =	ssyncset.done $0x0  }
0x76: {  	s2 =	sadd.s32 $0x300, s15;
	[sflag:s7] =	ssyncadd.s32 $0xFFFFE000  }
0x77: {  	[tilespmem:s23], [sflag:$0x3] =	stream.indirect.gather [hbm4b:s5+s18], $0x80, s2, s18, $0xb8;
	[tilespmem:$0x1FC00] =	vst v63  }
0x78: {  	_ =	swait.ge [sflag:s11], $0x2000  }
0x79: {  	[sflag:s11] =	ssyncset.done $0x0  }
0x7a: {  	s2 =	sadd.s32 $0x380, s15;
	[sflag:s11] =	ssyncadd.s32 $0xFFFFE000  }
0x7b: {  	[tilespmem:s25], [sflag:$0x4] =	stream.indirect.gather [hbm4b:s5+s18], $0x80, s2, s18, $0xb8;
	[tilespmem:$0x1FC00] =	vst v63  }
0x7c: {  	_ =	swait.ge [sflag:s26], $0x2000  }
0x7d: {  	[sflag:s26] =	ssyncset.done $0x0  }
0x7e: {  	s2 =	sadd.s32 $0x2200, s15;
	[sflag:s26] =	ssyncadd.s32 $0xFFFFE000  }
0x7f: {  	[spmem:s1] =	stream.indirect.scatter.add.f32 [tilespmem:s19], [sflag:$0x5], $0x80, s2, s18, $0xb8;
	[tilespmem:$0x1FC00] =	vst v63  }
0x80: {  	_ =	swait.ge [sflag:s28], $0x2000  }
0x81: {  	[sflag:s28] =	ssyncset.done $0x0  }
0x82: {  	s2 =	sadd.s32 $0x2280, s15;
	[sflag:s28] =	ssyncadd.s32 $0xFFFFE000  }
0x83: {  	[spmem:s1] =	stream.indirect.scatter.add.f32 [tilespmem:s21], [sflag:$0x6], $0x80, s2, s18, $0xb8;
	[tilespmem:$0x1FC00] =	vst v63  }
0x84: {  	_ =	swait.ge [sflag:s30], $0x2000  }
0x85: {  	[sflag:s30] =	ssyncset.done $0x0  }
.Ltmp3:
0x86: {  	s2 =	sadd.s32 $0x2300, s15;
	[sflag:s30] =	ssyncadd.s32 $0xFFFFE000;
	(pc) =	sbr.rel @p1 .LBB2_7-.Ltmp3, $4  }
0x87: {  	[spmem:s1] =	stream.indirect.scatter.add.f32 [tilespmem:s23], [sflag:$0x7], $0x80, s2, s18, $0xb8;
	[tilespmem:$0x1FC00] =	vst v63  }
0x88: {  	_ =	swait.ge [sflag:s0], $0x2000  }
0x89: {  	[sflag:s0] =	ssyncset.done $0x0  }
0x8a: {  	s15 =	sadd.s32 $0x2380, s15;
	[sflag:s0] =	ssyncadd.s32 $0xFFFFE000  }
0x8b: {  	[spmem:s1] =	stream.indirect.scatter.add.f32 [tilespmem:s25], [sflag:$0x8], $0x80, s15, s18, $0xb8;
	[tilespmem:$0x1FC00] =	vst v63  }
0x8c: {  	_ =	swait.ge [sflag:s9], $0x2000  }
0x8d: {  	[sflag:s9] =	ssyncset.done $0x0  }
0x8e: {  	[sflag:s9] =	ssyncadd.s32 $0xFFFFE000  }
0x8f: {  	_ =	swait.ge [sflag:s10], $0x2000  }
0x90: {  	[sflag:s10] =	ssyncset.done $0x0  }
0x91: {  	s12 =	sadd.s32 $0x1, s12;
	[sflag:s10] =	ssyncadd.s32 $0xFFFFE000  }
0x92: {  	p1 =	sne.s32 s12, $0x5;
	_ =	swait.ge [sflag:s7], $0x2000  }
.Ltmp4:
0x93: {  	[sflag:s7] =	ssyncset.done $0x0;
	(pc) =	sbr.rel @p1 .LBB2_6-.Ltmp4, $4  }
0x94: {  	[sflag:s7] =	ssyncadd.s32 $0xFFFFE000  }
0x95: {  	_ =	swait.ge [sflag:s11], $0x2000  }
0x96: {  	[sflag:s11] =	ssyncset.done $0x0  }
0x97: {  	[sflag:s11] =	ssyncadd.s32 $0xFFFFE000  }
.Ltmp5:
0x98: {  	(pc) =	sbr.rel .LBB2_10-.Ltmp5, $3  }
0x99: {  	_ =	sdelay $0x1  }
0x9a: {  	s12 =	rddreg [dreg:$0x6]  }
0x9b: {  	s14 =	rddreg [dreg:$0x3]  }
.LBB2_2:
0x9c: {  	s12 =	sshll.u32 s14, $0xD  }
0x9d: {  	s12 =	sadd.s32 s13, s12  }
0x9e: {  	s12 =	sshrl.u32 s12, $0x3  }
0x9f: {  	s2 =	simm.s32 $0x0;
	s15 =	sadd.s32 s6, s12  }
0xa0: {  	[tilespmem:s2], [sflag:$0x9] =	stream.linear.gather [hbm4b:s15+s2], $0x2000, $0x38;
	[tilespmem:$0x1FC00] =	vst v63  }
0xa1: {  	_ =	swait.ge [sflag:s16], $0x2000  }
0xa2: {  	[sflag:s16] =	ssyncset.done $0x0  }
0xa3: {  	s12 =	sadd.s32 s8, s12;
	[sflag:s16] =	ssyncadd.s32 $0xFFFFE000  }
0xa4: {  	[tilespmem:s17], [sflag:$0x9] =	stream.linear.gather [hbm4b:s12+s2], $0x2000, $0x38;
	[tilespmem:$0x1FC00] =	vst v63  }
0xa5: {  	_ =	swait.ge [sflag:s16], $0x2000  }
0xa6: {  	[sflag:s16] =	ssyncset.done $0x0  }
0xa7: {  	[sflag:s16] =	ssyncadd.s32 $0xFFFFE000  }
0xa8: {  	[tilespmem:s19], [sflag:$0x1] =	stream.indirect.gather [hbm4b:s4+s18], $0x80, s2, s18, $0xb8;
	[tilespmem:$0x1FC00] =	vst v63  }
0xa9: {  	_ = 	snop  }
0xaa: {  	[tilespmem:s21], [sflag:$0x2] =	stream.indirect.gather [hbm4b:s4+s18], $0x80, s20, s18, $0xb8;
	[tilespmem:$0x1FC00] =	vst v63  }
0xab: {  	_ = 	snop  }
0xac: {  	[tilespmem:s23], [sflag:$0x3] =	stream.indirect.gather [hbm4b:s4+s18], $0x80, s22, s18, $0xb8;
	[tilespmem:$0x1FC00] =	vst v63  }
0xad: {  	_ = 	snop  }
0xae: {  	[tilespmem:s25], [sflag:$0x4] =	stream.indirect.gather [hbm4b:s4+s18], $0x80, s24, s18, $0xb8;
	[tilespmem:$0x1FC00] =	vst v63  }
0xaf: {  	_ =	swait.ge [sflag:s26], $0x2000  }
0xb0: {  	[sflag:s26] =	ssyncset.done $0x0  }
0xb1: {  	[sflag:s26] =	ssyncadd.s32 $0xFFFFE000  }
0xb2: {  	[spmem:s1] =	stream.indirect.scatter.add.f32 [tilespmem:s19], [sflag:$0x5], $0x80, s17, s18, $0xb8;
	[tilespmem:$0x1FC00] =	vst v63  }
0xb3: {  	_ =	swait.ge [sflag:s28], $0x2000  }
0xb4: {  	[sflag:s28] =	ssyncset.done $0x0  }
0xb5: {  	[sflag:s28] =	ssyncadd.s32 $0xFFFFE000  }
0xb6: {  	[spmem:s1] =	stream.indirect.scatter.add.f32 [tilespmem:s21], [sflag:$0x6], $0x80, s29, s18, $0xb8;
	[tilespmem:$0x1FC00] =	vst v63  }
0xb7: {  	_ =	swait.ge [sflag:s30], $0x2000  }
0xb8: {  	[sflag:s30] =	ssyncset.done $0x0  }
0xb9: {  	[sflag:s30] =	ssyncadd.s32 $0xFFFFE000  }
0xba: {  	[spmem:s1] =	stream.indirect.scatter.add.f32 [tilespmem:s23], [sflag:$0x7], $0x80, s31, s18, $0xb8;
	[tilespmem:$0x1FC00] =	vst v63  }
0xbb: {  	_ =	swait.ge [sflag:s0], $0x2000  }
0xbc: {  	[sflag:s0] =	ssyncset.done $0x0  }
0xbd: {  	[sflag:s0] =	ssyncadd.s32 $0xFFFFE000  }
0xbe: {  	[spmem:s1] =	stream.indirect.scatter.add.f32 [tilespmem:s25], [sflag:$0x8], $0x80, s3, s18, $0xb8;
	[tilespmem:$0x1FC00] =	vst v63  }
0xbf: {  	_ =	swait.ge [sflag:s9], $0x2000  }
0xc0: {  	[sflag:s9] =	ssyncset.done $0x0  }
0xc1: {  	s15 =	simm.s32 $0x200;
	[sflag:s9] =	ssyncadd.s32 $0xFFFFE000  }
0xc2: {  	[tilespmem:s19], [sflag:$0x1] =	stream.indirect.gather [hbm4b:s4+s18], $0x80, s15, s18, $0xb8;
	[tilespmem:$0x1FC00] =	vst v63  }
0xc3: {  	_ =	swait.ge [sflag:s10], $0x2000  }
0xc4: {  	[sflag:s10] =	ssyncset.done $0x0  }
0xc5: {  	s12 =	simm.s32 $0x280;
	[sflag:s10] =	ssyncadd.s32 $0xFFFFE000  }
0xc6: {  	[tilespmem:s21], [sflag:$0x2] =	stream.indirect.gather [hbm4b:s4+s18], $0x80, s12, s18, $0xb8;
	[tilespmem:$0x1FC00] =	vst v63  }
0xc7: {  	_ =	swait.ge [sflag:s7], $0x2000  }
0xc8: {  	[sflag:s7] =	ssyncset.done $0x0  }
0xc9: {  	s15 =	simm.s32 $0x300;
	[sflag:s7] =	ssyncadd.s32 $0xFFFFE000  }
0xca: {  	[tilespmem:s23], [sflag:$0x3] =	stream.indirect.gather [hbm4b:s4+s18], $0x80, s15, s18, $0xb8;
	[tilespmem:$0x1FC00] =	vst v63  }
0xcb: {  	_ =	swait.ge [sflag:s11], $0x2000  }
0xcc: {  	[sflag:s11] =	ssyncset.done $0x0  }
0xcd: {  	s12 =	simm.s32 $0x380;
	[sflag:s11] =	ssyncadd.s32 $0xFFFFE000  }
0xce: {  	[tilespmem:s25], [sflag:$0x4] =	stream.indirect.gather [hbm4b:s4+s18], $0x80, s12, s18, $0xb8;
	[tilespmem:$0x1FC00] =	vst v63  }
0xcf: {  	_ =	swait.ge [sflag:s26], $0x2000  }
0xd0: {  	[sflag:s26] =	ssyncset.done $0x0  }
0xd1: {  	s15 =	simm.s32 $0x2200;
	[sflag:s26] =	ssyncadd.s32 $0xFFFFE000  }
0xd2: {  	[spmem:s1] =	stream.indirect.scatter.add.f32 [tilespmem:s19], [sflag:$0x5], $0x80, s15, s18, $0xb8;
	[tilespmem:$0x1FC00] =	vst v63  }
0xd3: {  	_ =	swait.ge [sflag:s28], $0x2000  }
0xd4: {  	[sflag:s28] =	ssyncset.done $0x0  }
0xd5: {  	s12 =	simm.s32 $0x2280;
	[sflag:s28] =	ssyncadd.s32 $0xFFFFE000  }
0xd6: {  	[spmem:s1] =	stream.indirect.scatter.add.f32 [tilespmem:s21], [sflag:$0x6], $0x80, s12, s18, $0xb8;
	[tilespmem:$0x1FC00] =	vst v63  }
0xd7: {  	_ =	swait.ge [sflag:s30], $0x2000  }
0xd8: {  	[sflag:s30] =	ssyncset.done $0x0  }
0xd9: {  	s15 =	simm.s32 $0x2300;
	[sflag:s30] =	ssyncadd.s32 $0xFFFFE000  }
0xda: {  	[spmem:s1] =	stream.indirect.scatter.add.f32 [tilespmem:s23], [sflag:$0x7], $0x80, s15, s18, $0xb8;
	[tilespmem:$0x1FC00] =	vst v63  }
0xdb: {  	_ =	swait.ge [sflag:s0], $0x2000  }
0xdc: {  	[sflag:s0] =	ssyncset.done $0x0  }
0xdd: {  	s12 =	simm.s32 $0x800;
	s15 =	simm.s32 $0x2380;
	[sflag:s0] =	ssyncadd.s32 $0xFFFFE000  }
.LBB2_3:
0xde: {  	[spmem:s1] =	stream.indirect.scatter.add.f32 [tilespmem:s25], [sflag:$0x8], $0x80, s15, s18, $0xb8;
	[tilespmem:$0x1FC00] =	vst v63  }
0xdf: {  	s2 =	smov.u32 s12  }
0xe0: {  	p1 =	sne.s32 s12, $0x7000;
	s12 =	sadd.s32 $0x800, s12;
	_ =	swait.ge [sflag:s9], $0x2000  }
0xe1: {  	s15 =	sshra.s32 s2, $0x2;
	[sflag:s9] =	ssyncset.done $0x0  }
0xe2: {  	s2 =	sadd.s32 $0x200, s15;
	[sflag:s9] =	ssyncadd.s32 $0xFFFFE000  }
0xe3: {  	[tilespmem:s19], [sflag:$0x1] =	stream.indirect.gather [hbm4b:s4+s18], $0x80, s2, s18, $0xb8;
	[tilespmem:$0x1FC00] =	vst v63  }
0xe4: {  	_ =	swait.ge [sflag:s10], $0x2000  }
0xe5: {  	[sflag:s10] =	ssyncset.done $0x0  }
0xe6: {  	s2 =	sadd.s32 $0x280, s15;
	[sflag:s10] =	ssyncadd.s32 $0xFFFFE000  }
0xe7: {  	[tilespmem:s21], [sflag:$0x2] =	stream.indirect.gather [hbm4b:s4+s18], $0x80, s2, s18, $0xb8;
	[tilespmem:$0x1FC00] =	vst v63  }
0xe8: {  	_ =	swait.ge [sflag:s7], $0x2000  }
0xe9: {  	[sflag:s7] =	ssyncset.done $0x0  }
0xea: {  	s2 =	sadd.s32 $0x300, s15;
	[sflag:s7] =	ssyncadd.s32 $0xFFFFE000  }
0xeb: {  	[tilespmem:s23], [sflag:$0x3] =	stream.indirect.gather [hbm4b:s4+s18], $0x80, s2, s18, $0xb8;
	[tilespmem:$0x1FC00] =	vst v63  }
0xec: {  	_ =	swait.ge [sflag:s11], $0x2000  }
0xed: {  	[sflag:s11] =	ssyncset.done $0x0  }
0xee: {  	s2 =	sadd.s32 $0x380, s15;
	[sflag:s11] =	ssyncadd.s32 $0xFFFFE000  }
0xef: {  	[tilespmem:s25], [sflag:$0x4] =	stream.indirect.gather [hbm4b:s4+s18], $0x80, s2, s18, $0xb8;
	[tilespmem:$0x1FC00] =	vst v63  }
0xf0: {  	_ =	swait.ge [sflag:s26], $0x2000  }
0xf1: {  	[sflag:s26] =	ssyncset.done $0x0  }
0xf2: {  	s2 =	sadd.s32 $0x2200, s15;
	[sflag:s26] =	ssyncadd.s32 $0xFFFFE000  }
0xf3: {  	[spmem:s1] =	stream.indirect.scatter.add.f32 [tilespmem:s19], [sflag:$0x5], $0x80, s2, s18, $0xb8;
	[tilespmem:$0x1FC00] =	vst v63  }
0xf4: {  	_ =	swait.ge [sflag:s28], $0x2000  }
0xf5: {  	[sflag:s28] =	ssyncset.done $0x0  }
0xf6: {  	s2 =	sadd.s32 $0x2280, s15;
	[sflag:s28] =	ssyncadd.s32 $0xFFFFE000  }
0xf7: {  	[spmem:s1] =	stream.indirect.scatter.add.f32 [tilespmem:s21], [sflag:$0x6], $0x80, s2, s18, $0xb8;
	[tilespmem:$0x1FC00] =	vst v63  }
0xf8: {  	_ =	swait.ge [sflag:s30], $0x2000  }
0xf9: {  	[sflag:s30] =	ssyncset.done $0x0  }
.Ltmp6:
0xfa: {  	s2 =	sadd.s32 $0x2300, s15;
	[sflag:s30] =	ssyncadd.s32 $0xFFFFE000;
	(pc) =	sbr.rel @p1 .LBB2_3-.Ltmp6, $4  }
0xfb: {  	[spmem:s1] =	stream.indirect.scatter.add.f32 [tilespmem:s23], [sflag:$0x7], $0x80, s2, s18, $0xb8;
	[tilespmem:$0x1FC00] =	vst v63  }
0xfc: {  	_ =	swait.ge [sflag:s0], $0x2000  }
0xfd: {  	[sflag:s0] =	ssyncset.done $0x0  }
0xfe: {  	s15 =	sadd.s32 $0x2380, s15;
	[sflag:s0] =	ssyncadd.s32 $0xFFFFE000  }
0xff: {  	[spmem:s1] =	stream.indirect.scatter.add.f32 [tilespmem:s25], [sflag:$0x8], $0x80, s15, s18, $0xb8;
	[tilespmem:$0x1FC00] =	vst v63  }
0x100: {  	_ =	swait.ge [sflag:s9], $0x2000  }
0x101: {  	[sflag:s9] =	ssyncset.done $0x0  }
0x102: {  	[sflag:s9] =	ssyncadd.s32 $0xFFFFE000  }
0x103: {  	_ =	swait.ge [sflag:s10], $0x2000  }
0x104: {  	[sflag:s10] =	ssyncset.done $0x0  }
0x105: {  	s14 =	sadd.s32 $0x1, s14;
	[sflag:s10] =	ssyncadd.s32 $0xFFFFE000  }
0x106: {  	p1 =	seq.s32 s14, $0x5;
	_ =	swait.ge [sflag:s7], $0x2000  }
.Ltmp7:
0x107: {  	[sflag:s7] =	ssyncset.done $0x0;
	(pc) =	sbr.rel @!p1 .LBB2_2-.Ltmp7, $4  }
0x108: {  	[sflag:s7] =	ssyncadd.s32 $0xFFFFE000  }
0x109: {  	_ =	swait.ge [sflag:s11], $0x2000  }
0x10a: {  	[sflag:s11] =	ssyncset.done $0x0  }
0x10b: {  	[sflag:s11] =	ssyncadd.s32 $0xFFFFE000  }
.Ltmp8:
0x10c: {  	(pc) =	sbr.rel .LBB2_10-.Ltmp8, $3  }
0x10d: {  	_ =	sdelay $0x1  }
0x10e: {  	s12 =	rddreg [dreg:$0x5]  }
0x10f: {  	s14 =	rddreg [dreg:$0x3]  }
.LBB2_11:
0x110: {  	_ =	sfence.sel $0x180000  }
0x111: {  	[bflag:$0x0] =	sbarrier.arrive $0xFFFF  }
0x112: {  	_ =	strace $0x9000004A  }
0x113: {  	s0 =	stileid.u32;
	[bflag:$0x2] =	sbarrier.arrive $0xFFFF  }
0x114: {  	p0 =	sne.s32 s0, $0x0;
	s0 =	rddreg [dreg:$0x2]  }
0x115: {  	s0 =	sadd.s32 @!p0 $0x100000, s0  }
0x116: {  	[sflag:s0] =	ssyncadd.tile.s32 @!p0 $0x1;
	_ =	shalt  }
.Lfunc_end2:
_tile_overlayer_lowered:
.L_overlay_start_2:
0x117: {  	(tag) =	ssettag $0x2  }
0x118: {  	s0 =	rddreg [dreg:$0x0];
	s2 =	stileid.u32  }
0x119: {  	s1 =	rddreg [dreg:$0x1];
	p0 =	sne.s32 s2, $0x0  }
0x11a: {  	s3 =	rddreg [dreg:$0x2];
	[bflag:$0x3] =	sbarrier.arrive $0xFFFF;
	s2 =	simm.s32 @!p0 $0x1C09  }
0x11b: {  	[timem:s3], [sflag:s2] =	dma.local @!p0 [hbm:s0], s1  }
0x11c: {  	s0 =	simm.s32 @!p0 $0x9  }
0x11d: {  	_ =	swait.ge @!p0 [sflag:s0], s1  }
0x11e: {  	s1 =	ssub.s32 @!p0 $0x0, s1;
	[sflag:s0] =	ssyncset.done @!p0 $0x0  }
0x11f: {  	[sflag:s0] =	ssyncadd.s32 @!p0 s1  }
0x120: {  	[bflag:$0x3] =	sbarrier.arrive $0xFFFF  }
0x121: {  	_ =	shalt  }

// kernel: kernel.17.cloned.1.call-start
scs
__scs_entry_jumppad:
0x0: {  	(pc) =	sbr.rel $0x88, $3  }
0x1: {  	(tag) =	ssettag $0x0;
	lr =	simm.s32 $0x1  }
0x2: {  	[smem:$0x3F95] =	sst lr;
	_ =	strace $0xD0000000  }
0x3: {  	_ = 	snop  }
0x4: {  	_ = 	snop  }
0x5: {  	_ = 	snop  }
0x6: {  	_ = 	snop  }
0x7: {  	_ = 	snop  }
__scs_overlays_trampoline_lowered:
0x8: {  	[smem:$0x3FA4] =	sst s0  }
0x9: {  	[smem:$0x3FA5] =	sst s1  }
0xa: {  	[smem:$0x3FA6] =	sst s2  }
0xb: {  	[smem:$0x3FA7] =	sst s3  }
0xc: {  	[smem:$0x3FA8] =	sst s4  }
0xd: {  	[smem:$0x3FA9] =	sst s5  }
0xe: {  	[smem:$0x3FAA] =	sst s6  }
0xf: {  	[smem:$0x3FAB] =	sst s7  }
0x10: {  	[smem:$0x3FAC] =	sst s8  }
0x11: {  	[smem:$0x3FAD] =	sst s9;
	s0 =	simm.s32 @!p0 $0x0  }
0x12: {  	s1 =	sld [smem:$0x3F93];
	s0 =	simm.s32 @p0 $0x1  }
0x13: {  	[smem:$0x3FAE] =	sst s0;
	s0 =	simm.s32 @!p1 $0x0  }
0x14: {  	s2 =	sld [smem:$0x3F92];
	s0 =	simm.s32 @p1 $0x1  }
0x15: {  	[smem:$0x3FAF] =	sst s0;
	s0 =	simm.s32 @!p2 $0x0  }
0x16: {  	s3 =	sld [smem:$0x3FDB];
	s0 =	simm.s32 @p2 $0x1  }
0x17: {  	s4 =	simm.s32 $0x1BF5;
	[smem:$0x3FB1] =	sst s0  }
0x18: {  	s0 =	sld [smem:$0x3F94];
	_ =	swait.ge [sflag:s4], $0x0  }
0x19: {  	s7 =	sld [smem:$0x3F95]  }
0x1a: {  	s8 =	sadd.s32 $0xFFFFE003, lr  }
0x1b: {  	s9 =	sadd.s32 $0xFFFFFEF7, lr;
	s5 =	simm.s32 $0xFFFFFFFF;
	p2 =	slt.u32 s8, $0xFFFFF086  }
0x1c: {  	p1 =	slt.u32 s9, $0xF7A;
	s5 =	simm.s32 @!p2 $0x0  }
0x1d: {  	s5 =	simm.s32 @p1 $0x1;
	p0 =	seq.s32 s7, s2  }
0x1e: {  	s7 =	smul.u32 @!p0 $0xF7A, s2;
	p2 =	seq.s32 @!p0 s5, $0x0  }
0x1f: {  	s9 =	smul.u32 $0xF7A, s1;
	s8 =	simm.s32 @!p0 $0x1BF5;
	p2 =	por !p2, p0  }
0x20: {  	[sflag:s8] =	ssyncset.s32 @!p0 $0xFFFFF086;
	s6 =	sadd.s32 @!p0 s3, s7;
	s7 =	simm.s32 @!p0 $0x108  }
0x21: {  	s3 =	sadd.s32 s3, s9;
	s6 =	sadd.s32 @!p0 $0x88, s6;
	s7 =	simm.s32 @p2 $0x1082  }
0x22: {  	[simem:s7], [sflag:s8] =	dma.local @!p0 [hbm:s6], $0xF7A  }
0x23: {  	s9 =	sor.u32 $0xD0000000, s2;
	s6 =	simm.s32 $0x108;
	_ =	swait.ge @!p0 [sflag:s8], $0x0  }
0x24: {  	s3 =	sadd.s32 $0x88, s3;
	s6 =	simm.s32 @!p1 $0x1082;
	[sflag:s4] =	ssyncset.s32 $0xFFFFF086  }
0x25: {  	[simem:s6], [sflag:s4] =	dma.local [hbm:s3], $0xF7A  }
0x26: {  	[smem:$0x3F95] =	sst s1;
	(tag) =	ssettag s2;
	_ =	strace s9  }
0x27: {  	s1 =	sld [smem:$0x3FA5]  }
0x28: {  	s2 =	sld [smem:$0x3FA6]  }
0x29: {  	s4 =	sld [smem:$0x3FA8]  }
0x2a: {  	p0 =	seq.s32 s5, $0x0;
	s5 =	sld [smem:$0x3FA9]  }
0x2b: {  	s6 =	sld [smem:$0x3FAA]  }
0x2c: {  	s7 =	sld [smem:$0x3FAB]  }
0x2d: {  	s3 =	simm.s32 $0x108;
	s8 =	sld [smem:$0x3FAC]  }
0x2e: {  	s3 =	simm.s32 @!p0 $0x1082;
	s9 =	sld [smem:$0x3FAD]  }
0x2f: {  	lr =	sadd.s32 s0, s3;
	s0 =	sld [smem:$0x3FA4]  }
0x30: {  	s3 =	sld [smem:$0x3FA7]  }
0x31: {  	[smem:$0x3FB0] =	sst s10  }
0x32: {  	s10 =	sld [smem:$0x3FAE];
	_ =	sdelay $0x3  }
0x33: {  	p0 =	seq.s32 s10, $0x1;
	s10 =	sld [smem:$0x3FB0];
	_ =	sdelay $0x3  }
0x34: {  	[smem:$0x3FB0] =	sst s10  }
0x35: {  	s10 =	sld [smem:$0x3FAF];
	_ =	sdelay $0x3  }
0x36: {  	p1 =	seq.s32 s10, $0x1;
	s10 =	sld [smem:$0x3FB0];
	_ =	sdelay $0x3  }
0x37: {  	[smem:$0x3FB0] =	sst s10  }
0x38: {  	s10 =	sld [smem:$0x3FB1]  }
0x39: {  	_ = 	snop;
	(pc) =	sbr.ind lr, $3  }
0x3a: {  	_ = 	snop  }
0x3b: {  	_ = 	snop  }
0x3c: {  	p2 =	seq.s32 s10, $0x1;
	s10 =	sld [smem:$0x3FB0]  }
0x3d: {  	_ =	shalt  }
0x3e: {  	_ =	shalt  }
0x3f: {  	_ =	shalt  }
0x40: {  	_ =	shalt  }
0x41: {  	_ =	shalt  }
0x42: {  	_ =	shalt  }
0x43: {  	_ =	shalt  }
0x44: {  	_ =	shalt  }
0x45: {  	_ =	shalt  }
0x46: {  	_ =	shalt  }
0x47: {  	_ =	shalt  }
0x48: {  	_ =	shalt  }
0x49: {  	_ =	shalt  }
0x4a: {  	_ =	shalt  }
0x4b: {  	_ =	shalt  }
0x4c: {  	_ =	shalt  }
0x4d: {  	_ =	shalt  }
0x4e: {  	_ =	shalt  }
0x4f: {  	_ =	shalt  }
0x50: {  	_ =	shalt  }
0x51: {  	_ =	shalt  }
0x52: {  	_ =	shalt  }
0x53: {  	_ =	shalt  }
0x54: {  	_ =	shalt  }
0x55: {  	_ =	shalt  }
0x56: {  	_ =	shalt  }
0x57: {  	_ =	shalt  }
0x58: {  	_ =	shalt  }
0x59: {  	_ =	shalt  }
0x5a: {  	_ =	shalt  }
0x5b: {  	_ =	shalt  }
0x5c: {  	_ =	shalt  }
0x5d: {  	_ =	shalt  }
0x5e: {  	_ =	shalt  }
0x5f: {  	_ =	shalt  }
0x60: {  	_ =	shalt  }
0x61: {  	_ =	shalt  }
0x62: {  	_ =	shalt  }
0x63: {  	_ =	shalt  }
0x64: {  	_ =	shalt  }
0x65: {  	_ =	shalt  }
0x66: {  	_ =	shalt  }
0x67: {  	_ =	shalt  }
0x68: {  	_ =	shalt  }
0x69: {  	_ =	shalt  }
0x6a: {  	_ =	shalt  }
0x6b: {  	_ =	shalt  }
0x6c: {  	_ =	shalt  }
0x6d: {  	_ =	shalt  }
0x6e: {  	_ =	shalt  }
0x6f: {  	_ =	shalt  }
0x70: {  	_ =	shalt  }
0x71: {  	_ =	shalt  }
0x72: {  	_ =	shalt  }
0x73: {  	_ =	shalt  }
0x74: {  	_ =	shalt  }
0x75: {  	_ =	shalt  }
0x76: {  	_ =	shalt  }
0x77: {  	_ =	shalt  }
0x78: {  	_ =	shalt  }
0x79: {  	_ =	shalt  }
0x7a: {  	_ =	shalt  }
0x7b: {  	_ =	shalt  }
0x7c: {  	_ =	shalt  }
0x7d: {  	_ =	shalt  }
0x7e: {  	_ =	shalt  }
0x7f: {  	_ =	shalt  }
0x80: {  	_ =	shalt  }
0x81: {  	_ =	shalt  }
0x82: {  	_ =	shalt  }
0x83: {  	_ =	shalt  }
0x84: {  	_ =	shalt  }
0x85: {  	_ =	shalt  }
0x86: {  	_ =	shalt  }
0x87: {  	_ =	shalt  }
.Lfunc_end0:
.L_simem_size_0:
called_computation.2_lowered:
.L_overlay_start_0:
0x88: {  	s2 =	sld [smem:$0x3FD9]  }
0x89: {  	s3 =	sld [smem:$0x3FFE];
	_ =	sdelay $0x1  }
0x8a: {  	s1 =	srdreg.scid  }
0x8b: {  	s0 =	sand.u32 $0x1, s1  }
0x8c: {  	s16 =	sshll.u32 s0, $0xA;
	s2 =	sadd.s32 s3, s2  }
0x8d: {  	s2 =	sadd.s32 s2, s16  }
0x8e: {  	[smem:$0x3FBC] =	sst s2  }
0x8f: {  	_ = 	snop  }
0x90: {  	(tm) =	ssettm $0x1  }
0x91: {  	s17 =	sld [smem:$0x3FFB];
	_ =	sdelay $0x3  }
0x92: {  	_ =	strace s17  }
0x93: {  	s2 =	sld [smem:$0x3FFC];
	_ =	sdelay $0x3  }
0x94: {  	_ =	strace s2  }
0x95: {  	s2 =	sld [smem:$0x3FFD];
	_ =	sdelay $0x3  }
0x96: {  	_ =	strace s2  }
0x97: {  	_ =	strace $0x8FFFFFFF  }
0x98: {  	s18 =	sld [smem:$0x3FDB];
	_ =	sdelay $0x1  }
0x99: {  	s19 =	simm.s32 $_scs_section_size  }
0x9a: {  	s4 =	simm.s32 $_size__tile_overlayer_lowered;
	s5 =	simm.s32 $_tile_overlayer_lowered  }
0x9b: {  	s22 =	simm.s32 $0x1BFF;
	s21 =	sshll.u32 s5, $0x1;
	s2 =	sadd.s32 s19, s18  }
0x9c: {  	s6 =	simm.s32 $0x0;
	s20 =	sshll.u32 s4, $0x1;
	s4 =	sadd.s32 s21, s2  }
0x9d: {  	[timem:s6], [sflag:s22] =	dma.local [hbm:s4], s20  }
0x9e: {  	_ =	swait.ge [sflag:s22], s20  }
0x9f: {  	s3 =	ssub.s32 $0x0, s20;
	[sflag:s22] =	ssyncset.done $0x0  }
0xa0: {  	[sflag:s22] =	ssyncadd.s32 s3;
	_ =	sdelay $0x1  }
0xa1: {  	s23 =	simm.s32 $0x1B8B  }
0xa2: {  	_ =	swait.ge [sflag:s23], $0x1  }
0xa3: {  	[sflag:s23] =	ssyncset.done $0x0  }
0xa4: {  	s25 =	simm.s32 $0x1B8E;
	s24 =	sld [smem:$0x3FFE];
	[sflag:s23] =	ssyncadd.s32 $0xFFFFFFFF  }
0xa5: {  	s26 =	simm.s32 $execute0_lowered;
	[smem:$0x3FD2] =	sst s25  }
0xa6: {  	s4 =	sshll.u32 s26, $0x1;
	_ =	strace $0x8000004C;
	[dreg:$0x1] =	wrdreg $0xFFFFFFFF  }
0xa7: {  	s28 =	simm.s32 $_size_execute0_lowered;
	s2 =	sadd.s32 s2, s4;
	[dreg:$0x0] =	wrdreg $0x0  }
0xa8: {  	s4 =	sshll.u32 s28, $0x1;
	[dreg:$0x2] =	wrdreg s2  }
0xa9: {  	[dreg:$0x3] =	wrdreg s4  }
0xaa: {  	[dreg:$0x4] =	wrdreg $0xC0  }
0xab: {  	_ =	task [dreg:s6], $0x5FFFF  }
0xac: {  	[dreg:$0x1] =	wrdreg $0xFFFFFFFF  }
0xad: {  	[dreg:$0x0] =	wrdreg $0x60  }
0xae: {  	[dreg:$0x2] =	wrdreg s24  }
0xaf: {  	[dreg:$0x3] =	wrdreg $0xC0000  }
0xb0: {  	[dreg:$0x4] =	wrdreg $0x9  }
0xb1: {  	_ =	task.clear_ibuf [dreg:s6], $0x5FFFF;
	_ =	strace $0x9000004C  }
0xb2: {  	s29 =	simm.s32 $0x9;
	_ =	strace $0x8000004E  }
0xb3: {  	_ =	swait.ge [sflag:s29], $0x1  }
0xb4: {  	[sflag:s29] =	ssyncadd.s32 $0xFFFFFFFF  }
0xb5: {  	_ =	strace $0x9000004E  }
0xb6: {  	_ =	sfence  }
0xb7: {  	s30 =	sld [smem:$0x0];
	_ =	sdelay $0x2  }
0xb8: {  	s31 =	sshll.u32 s1, $0xD;
	s1 =	sshrl.u32 s1, $0x2  }
0xb9: {  	s3 =	sand.u32 $0x4000, s31;
	s1 =	sadd.s32 s1, s30  }
0xba: {  	s0 =	sor.u32 s3, s0;
	s1 =	sshll.u32 s1, $0x11  }
0xbb: {  	s0 =	sor.u32 s1, s0  }
0xbc: {  	s0 =	sadd.s32 $0x8F2B, s0  }
0xbd: {  	[sflag:s0] =	ssyncadd.remote.s32 $0x1  }
0xbe: {  	_ =	sfence.sel $0xFFFF  }
0xbf: {  	[dreg:$0x0] =	wrdreg $0xFFFFFFFF;
	(pc) =	sbr.abs _section_cstart, $3  }
0xc0: {  	[dreg:$0x1] =	wrdreg $0xFFFFFFFF  }
0xc1: {  	_ =	task.clear_ibuf [dreg:s6], $0x2FFFF;
	_ =	strace $0x9FFFFFFF  }
0xc2: {  	(tm) =	ssettm $0x7FFFFFFF  }
0xc3: {  	_ =	shalt  }
tec
execute0_lowered:
.L_overlay_start_1:
0x0: {  	(tag) =	ssettag $0x1  }
0x1: {  	s0 =	rddreg [dreg:$0x0]  }
0x2: {  	s1 =	rddreg [dreg:$0x1];
	s2 =	simm.s32 $0x0;
	s11 =	stileid.u32  }
0x3: {  	s3 =	srdreg.scid;
	s16 =	simm.s32 $0x9;
	s17 =	simm.s32 $0x2000  }
0x4: {  	s18 =	simm.s32 $0x40;
	s19 =	simm.s32 $0x4000;
	s20 =	simm.s32 $0x80  }
0x5: {  	s21 =	simm.s32 $0x6000;
	s22 =	simm.s32 $0x100;
	s23 =	simm.s32 $0x8000  }
0x6: {  	s28 =	simm.s32 $0x2;
	s29 =	simm.s32 $0x2080;
	s30 =	simm.s32 $0x3  }
0x7: {  	s31 =	simm.s32 $0x2100;
	[smem:$0x7FF] =	sst s2;
	s4 =	sadd.s32 $0x43600, s0  }
0x8: {  	s5 =	sadd.s32 $0x6A800, s0;
	s6 =	sadd.s32 $0x92600, s0;
	s9 =	smul.u32 $0x2780, s11  }
0x9: {  	s8 =	sadd.s32 $0x7E00, s0;
	s3 =	sand.u32 $0x1, s3;
	s7 =	smul.u32 $0x4F000, s11  }
0xa: {  	s10 =	sadd.s32 $0xCD800, s0;
	s26 =	sshll.u32 s11, $0x6;
	s13 =	smul.u32 $0xA000, s11  }
0xb: {  	s11 =	simm.s32 $0x8;
	_ =	strace $0x8000004D;
	[dreg:$0x5] =	wrdreg s10  }
0xc: {  	s24 =	ssub.s32 $0x2, s3;
	s12 =	sor.u32 $0x1C09, s26;
	p0 =	seq.s32 s3, $0x1  }
0xd: {  	s26 =	simm.s32 $0x1;
	s3 =	simm.s32 $0x2180;
	s10 =	simm.s32 $0x6  }
0xe: {  	[dreg:$0x4] =	wrdreg s9;
	s9 =	sadd.s32 s9, s0;
	s0 =	sadd.s32 $0xF5000, s0  }
0xf: {  	s25 =	sshrl.u32 s24, $0x1;
	s7 =	sshrl.u32 s7, $0x2;
	[dreg:$0x8] =	wrdreg s12  }
.Ltmp0:
0x10: {  	[dreg:$0x6] =	wrdreg s0;
	s0 =	ssub.s32 s24, s25;
	(pc) =	sbr.rel .LBB2_1-.Ltmp0, $4  }
0x11: {  	s7 =	sadd.s32 s7, s1;
	s9 =	sadd.s32 $0x1BE00, s9;
	s24 =	simm.s32 $0x180  }
0x12: {  	s25 =	simm.s32 $0xA000;
	[dreg:$0x7] =	wrdreg s9;
	s0 =	smax.u32 s0, $0x1  }
0x13: {  	s15 =	sshrl.u32 s7, $0x3;
	s9 =	simm.s32 $0x5;
	[dreg:$0x9] =	wrdreg s0  }
0x14: {  	s7 =	simm.s32 $0x7;
	s0 =	simm.s32 $0x4;
	[dreg:$0xa] =	wrdreg s15  }
.LBB2_10:
0x15: {  	s2 =	rddreg [dreg:$0x4];
	[bflag:$0x0] =	sbarrier.arrive $0xFFFF  }
0x16: {  	s2 =	sadd.s32 s12, s2;
	s12 =	rddreg [dreg:$0x8]  }
0x17: {  	s15 =	rddreg [dreg:$0xa]  }
0x18: {  	[hbm:s2], [sflag:s12] =	dma.local [spmem:s15], $0x2780  }
0x19: {  	_ =	swait.ge [sflag:s16], $0x2780  }
0x1a: {  	s14 =	sadd.s32 $0x1, s14;
	s2 =	rddreg [dreg:$0x9]  }
0x1b: {  	p1 =	sne.s32 s14, s2  }
.Ltmp1:
0x1c: {  	_ = 	snop;
	(pc) =	sbr.rel @!p1 .LBB2_11-.Ltmp1, $3  }
0x1d: {  	_ =	sdelay $0x1  }
0x1e: {  	[sflag:s16] =	ssyncset.done $0x0  }
0x1f: {  	[sflag:s16] =	ssyncadd.s32 $0xFFFFD880;
	s2 =	smov.u32 s14  }
.LBB2_1:
0x20: {  	[dreg:$0x3] =	wrdreg s2  }
0x21: {  	s14 =	rddreg [dreg:$0x7]  }
0x22: {  	[spmem:s15], [sflag:s12] =	dma.local [hbm:s14], $0x2780  }
.Ltmp2:
0x23: {  	_ =	swait.ge [sflag:s16], $0x2780;
	(pc) =	sbr.rel @!p0 .LBB2_2-.Ltmp2, $4  }
0x24: {  	[sflag:s16] =	ssyncset.done $0x0  }
0x25: {  	[sflag:s16] =	ssyncadd.s32 $0xFFFFD880  }
0x26: {  	[bflag:$0x0] =	sbarrier.arrive $0xFFFF  }
0x27: {  	s14 =	simm.s32 $0x0;
	s12 =	simm.s32 $0x0  }
.LBB2_6:
0x28: {  	s2 =	sshll.u32 s12, $0xD  }
0x29: {  	s2 =	sadd.s32 s13, s2  }
0x2a: {  	s2 =	sshrl.u32 s2, $0x3  }
0x2b: {  	s15 =	simm.s32 $0x0;
	s14 =	sadd.s32 s6, s2  }
0x2c: {  	[tilespmem:s15], [sflag:$0x9] =	stream.linear.gather [hbm4b:s14+s15], $0x2000, $0x38;
	[tilespmem:$0x1FC00] =	vst v63  }
0x2d: {  	_ =	swait.ge [sflag:s16], $0x2000  }
0x2e: {  	[sflag:s16] =	ssyncset.done $0x0  }
0x2f: {  	s2 =	sadd.s32 s8, s2;
	[sflag:s16] =	ssyncadd.s32 $0xFFFFE000  }
0x30: {  	[tilespmem:s17], [sflag:$0x9] =	stream.linear.gather [hbm4b:s2+s15], $0x2000, $0x38;
	[tilespmem:$0x1FC00] =	vst v63  }
0x31: {  	_ =	swait.ge [sflag:s16], $0x2000  }
0x32: {  	[sflag:s16] =	ssyncset.done $0x0  }
0x33: {  	[sflag:s16] =	ssyncadd.s32 $0xFFFFE000  }
0x34: {  	[tilespmem:s19], [sflag:$0x1] =	stream.indirect.gather [hbm4b:s5+s18], $0x80, s15, s18, $0xb8;
	[tilespmem:$0x1FC00] =	vst v63  }
0x35: {  	_ = 	snop  }
0x36: {  	[tilespmem:s21], [sflag:$0x2] =	stream.indirect.gather [hbm4b:s5+s18], $0x80, s20, s18, $0xb8;
	[tilespmem:$0x1FC00] =	vst v63  }
0x37: {  	_ = 	snop  }
0x38: {  	[tilespmem:s23], [sflag:$0x3] =	stream.indirect.gather [hbm4b:s5+s18], $0x80, s22, s18, $0xb8;
	[tilespmem:$0x1FC00] =	vst v63  }
0x39: {  	_ = 	snop  }
0x3a: {  	[tilespmem:s25], [sflag:$0x4] =	stream.indirect.gather [hbm4b:s5+s18], $0x80, s24, s18, $0xb8;
	[tilespmem:$0x1FC00] =	vst v63  }
0x3b: {  	_ =	swait.ge [sflag:s26], $0x2000  }
0x3c: {  	[sflag:s26] =	ssyncset.done $0x0  }
0x3d: {  	[sflag:s26] =	ssyncadd.s32 $0xFFFFE000  }
0x3e: {  	[spmem:s1] =	stream.indirect.scatter.add.f32 [tilespmem:s19], [sflag:$0x5], $0x80, s17, s18, $0xb8;
	[tilespmem:$0x1FC00] =	vst v63  }
0x3f: {  	_ =	swait.ge [sflag:s28], $0x2000  }
0x40: {  	[sflag:s28] =	ssyncset.done $0x0  }
0x41: {  	[sflag:s28] =	ssyncadd.s32 $0xFFFFE000  }
0x42: {  	[spmem:s1] =	stream.indirect.scatter.add.f32 [tilespmem:s21], [sflag:$0x6], $0x80, s29, s18, $0xb8;
	[tilespmem:$0x1FC00] =	vst v63  }
0x43: {  	_ =	swait.ge [sflag:s30], $0x2000  }
0x44: {  	[sflag:s30] =	ssyncset.done $0x0  }
0x45: {  	[sflag:s30] =	ssyncadd.s32 $0xFFFFE000  }
0x46: {  	[spmem:s1] =	stream.indirect.scatter.add.f32 [tilespmem:s23], [sflag:$0x7], $0x80, s31, s18, $0xb8;
	[tilespmem:$0x1FC00] =	vst v63  }
0x47: {  	_ =	swait.ge [sflag:s0], $0x2000  }
0x48: {  	[sflag:s0] =	ssyncset.done $0x0  }
0x49: {  	[sflag:s0] =	ssyncadd.s32 $0xFFFFE000  }
0x4a: {  	[spmem:s1] =	stream.indirect.scatter.add.f32 [tilespmem:s25], [sflag:$0x8], $0x80, s3, s18, $0xb8;
	[tilespmem:$0x1FC00] =	vst v63  }
0x4b: {  	_ =	swait.ge [sflag:s9], $0x2000  }
0x4c: {  	[sflag:s9] =	ssyncset.done $0x0  }
0x4d: {  	s15 =	simm.s32 $0x200;
	[sflag:s9] =	ssyncadd.s32 $0xFFFFE000  }
0x4e: {  	[tilespmem:s19], [sflag:$0x1] =	stream.indirect.gather [hbm4b:s5+s18], $0x80, s15, s18, $0xb8;
	[tilespmem:$0x1FC00] =	vst v63  }
0x4f: {  	_ =	swait.ge [sflag:s10], $0x2000  }
0x50: {  	[sflag:s10] =	ssyncset.done $0x0  }
0x51: {  	s14 =	simm.s32 $0x280;
	[sflag:s10] =	ssyncadd.s32 $0xFFFFE000  }
0x52: {  	[tilespmem:s21], [sflag:$0x2] =	stream.indirect.gather [hbm4b:s5+s18], $0x80, s14, s18, $0xb8;
	[tilespmem:$0x1FC00] =	vst v63  }
0x53: {  	_ =	swait.ge [sflag:s7], $0x2000  }
0x54: {  	[sflag:s7] =	ssyncset.done $0x0  }
0x55: {  	s15 =	simm.s32 $0x300;
	[sflag:s7] =	ssyncadd.s32 $0xFFFFE000  }
0x56: {  	[tilespmem:s23], [sflag:$0x3] =	stream.indirect.gather [hbm4b:s5+s18], $0x80, s15, s18, $0xb8;
	[tilespmem:$0x1FC00] =	vst v63  }
0x57: {  	_ =	swait.ge [sflag:s11], $0x2000  }
0x58: {  	[sflag:s11] =	ssyncset.done $0x0  }
0x59: {  	s14 =	simm.s32 $0x380;
	[sflag:s11] =	ssyncadd.s32 $0xFFFFE000  }
0x5a: {  	[tilespmem:s25], [sflag:$0x4] =	stream.indirect.gather [hbm4b:s5+s18], $0x80, s14, s18, $0xb8;
	[tilespmem:$0x1FC00] =	vst v63  }
0x5b: {  	_ =	swait.ge [sflag:s26], $0x2000  }
0x5c: {  	[sflag:s26] =	ssyncset.done $0x0  }
0x5d: {  	s15 =	simm.s32 $0x2200;
	[sflag:s26] =	ssyncadd.s32 $0xFFFFE000  }
0x5e: {  	[spmem:s1] =	stream.indirect.scatter.add.f32 [tilespmem:s19], [sflag:$0x5], $0x80, s15, s18, $0xb8;
	[tilespmem:$0x1FC00] =	vst v63  }
0x5f: {  	_ =	swait.ge [sflag:s28], $0x2000  }
0x60: {  	[sflag:s28] =	ssyncset.done $0x0  }
0x61: {  	s14 =	simm.s32 $0x2280;
	[sflag:s28] =	ssyncadd.s32 $0xFFFFE000  }
0x62: {  	[spmem:s1] =	stream.indirect.scatter.add.f32 [tilespmem:s21], [sflag:$0x6], $0x80, s14, s18, $0xb8;
	[tilespmem:$0x1FC00] =	vst v63  }
0x63: {  	_ =	swait.ge [sflag:s30], $0x2000  }
0x64: {  	[sflag:s30] =	ssyncset.done $0x0  }
0x65: {  	s15 =	simm.s32 $0x2300;
	[sflag:s30] =	ssyncadd.s32 $0xFFFFE000  }
0x66: {  	[spmem:s1] =	stream.indirect.scatter.add.f32 [tilespmem:s23], [sflag:$0x7], $0x80, s15, s18, $0xb8;
	[tilespmem:$0x1FC00] =	vst v63  }
0x67: {  	_ =	swait.ge [sflag:s0], $0x2000  }
0x68: {  	[sflag:s0] =	ssyncset.done $0x0  }
0x69: {  	s14 =	simm.s32 $0x800;
	s15 =	simm.s32 $0x2380;
	[sflag:s0] =	ssyncadd.s32 $0xFFFFE000  }
.LBB2_7:
0x6a: {  	[spmem:s1] =	stream.indirect.scatter.add.f32 [tilespmem:s25], [sflag:$0x8], $0x80, s15, s18, $0xb8;
	[tilespmem:$0x1FC00] =	vst v63  }
0x6b: {  	s2 =	smov.u32 s14  }
0x6c: {  	p1 =	sne.s32 s14, $0x7000;
	s14 =	sadd.s32 $0x800, s14;
	_ =	swait.ge [sflag:s9], $0x2000  }
0x6d: {  	s15 =	sshra.s32 s2, $0x2;
	[sflag:s9] =	ssyncset.done $0x0  }
0x6e: {  	s2 =	sadd.s32 $0x200, s15;
	[sflag:s9] =	ssyncadd.s32 $0xFFFFE000  }
0x6f: {  	[tilespmem:s19], [sflag:$0x1] =	stream.indirect.gather [hbm4b:s5+s18], $0x80, s2, s18, $0xb8;
	[tilespmem:$0x1FC00] =	vst v63  }
0x70: {  	_ =	swait.ge [sflag:s10], $0x2000  }
0x71: {  	[sflag:s10] =	ssyncset.done $0x0  }
0x72: {  	s2 =	sadd.s32 $0x280, s15;
	[sflag:s10] =	ssyncadd.s32 $0xFFFFE000  }
0x73: {  	[tilespmem:s21], [sflag:$0x2] =	stream.indirect.gather [hbm4b:s5+s18], $0x80, s2, s18, $0xb8;
	[tilespmem:$0x1FC00] =	vst v63  }
0x74: {  	_ =	swait.ge [sflag:s7], $0x2000  }
0x75: {  	[sflag:s7] =	ssyncset.done $0x0  }
0x76: {  	s2 =	sadd.s32 $0x300, s15;
	[sflag:s7] =	ssyncadd.s32 $0xFFFFE000  }
0x77: {  	[tilespmem:s23], [sflag:$0x3] =	stream.indirect.gather [hbm4b:s5+s18], $0x80, s2, s18, $0xb8;
	[tilespmem:$0x1FC00] =	vst v63  }
0x78: {  	_ =	swait.ge [sflag:s11], $0x2000  }
0x79: {  	[sflag:s11] =	ssyncset.done $0x0  }
0x7a: {  	s2 =	sadd.s32 $0x380, s15;
	[sflag:s11] =	ssyncadd.s32 $0xFFFFE000  }
0x7b: {  	[tilespmem:s25], [sflag:$0x4] =	stream.indirect.gather [hbm4b:s5+s18], $0x80, s2, s18, $0xb8;
	[tilespmem:$0x1FC00] =	vst v63  }
0x7c: {  	_ =	swait.ge [sflag:s26], $0x2000  }
0x7d: {  	[sflag:s26] =	ssyncset.done $0x0  }
0x7e: {  	s2 =	sadd.s32 $0x2200, s15;
	[sflag:s26] =	ssyncadd.s32 $0xFFFFE000  }
0x7f: {  	[spmem:s1] =	stream.indirect.scatter.add.f32 [tilespmem:s19], [sflag:$0x5], $0x80, s2, s18, $0xb8;
	[tilespmem:$0x1FC00] =	vst v63  }
0x80: {  	_ =	swait.ge [sflag:s28], $0x2000  }
0x81: {  	[sflag:s28] =	ssyncset.done $0x0  }
0x82: {  	s2 =	sadd.s32 $0x2280, s15;
	[sflag:s28] =	ssyncadd.s32 $0xFFFFE000  }
0x83: {  	[spmem:s1] =	stream.indirect.scatter.add.f32 [tilespmem:s21], [sflag:$0x6], $0x80, s2, s18, $0xb8;
	[tilespmem:$0x1FC00] =	vst v63  }
0x84: {  	_ =	swait.ge [sflag:s30], $0x2000  }
0x85: {  	[sflag:s30] =	ssyncset.done $0x0  }
.Ltmp3:
0x86: {  	s2 =	sadd.s32 $0x2300, s15;
	[sflag:s30] =	ssyncadd.s32 $0xFFFFE000;
	(pc) =	sbr.rel @p1 .LBB2_7-.Ltmp3, $4  }
0x87: {  	[spmem:s1] =	stream.indirect.scatter.add.f32 [tilespmem:s23], [sflag:$0x7], $0x80, s2, s18, $0xb8;
	[tilespmem:$0x1FC00] =	vst v63  }
0x88: {  	_ =	swait.ge [sflag:s0], $0x2000  }
0x89: {  	[sflag:s0] =	ssyncset.done $0x0  }
0x8a: {  	s15 =	sadd.s32 $0x2380, s15;
	[sflag:s0] =	ssyncadd.s32 $0xFFFFE000  }
0x8b: {  	[spmem:s1] =	stream.indirect.scatter.add.f32 [tilespmem:s25], [sflag:$0x8], $0x80, s15, s18, $0xb8;
	[tilespmem:$0x1FC00] =	vst v63  }
0x8c: {  	_ =	swait.ge [sflag:s9], $0x2000  }
0x8d: {  	[sflag:s9] =	ssyncset.done $0x0  }
0x8e: {  	[sflag:s9] =	ssyncadd.s32 $0xFFFFE000  }
0x8f: {  	_ =	swait.ge [sflag:s10], $0x2000  }
0x90: {  	[sflag:s10] =	ssyncset.done $0x0  }
0x91: {  	s12 =	sadd.s32 $0x1, s12;
	[sflag:s10] =	ssyncadd.s32 $0xFFFFE000  }
0x92: {  	p1 =	sne.s32 s12, $0x5;
	_ =	swait.ge [sflag:s7], $0x2000  }
.Ltmp4:
0x93: {  	[sflag:s7] =	ssyncset.done $0x0;
	(pc) =	sbr.rel @p1 .LBB2_6-.Ltmp4, $4  }
0x94: {  	[sflag:s7] =	ssyncadd.s32 $0xFFFFE000  }
0x95: {  	_ =	swait.ge [sflag:s11], $0x2000  }
0x96: {  	[sflag:s11] =	ssyncset.done $0x0  }
0x97: {  	[sflag:s11] =	ssyncadd.s32 $0xFFFFE000  }
.Ltmp5:
0x98: {  	(pc) =	sbr.rel .LBB2_10-.Ltmp5, $3  }
0x99: {  	_ =	sdelay $0x1  }
0x9a: {  	s12 =	rddreg [dreg:$0x6]  }
0x9b: {  	s14 =	rddreg [dreg:$0x3]  }
.LBB2_2:
0x9c: {  	s12 =	sshll.u32 s14, $0xD  }
0x9d: {  	s12 =	sadd.s32 s13, s12  }
0x9e: {  	s12 =	sshrl.u32 s12, $0x3  }
0x9f: {  	s2 =	simm.s32 $0x0;
	s15 =	sadd.s32 s6, s12  }
0xa0: {  	[tilespmem:s2], [sflag:$0x9] =	stream.linear.gather [hbm4b:s15+s2], $0x2000, $0x38;
	[tilespmem:$0x1FC00] =	vst v63  }
0xa1: {  	_ =	swait.ge [sflag:s16], $0x2000  }
0xa2: {  	[sflag:s16] =	ssyncset.done $0x0  }
0xa3: {  	s12 =	sadd.s32 s8, s12;
	[sflag:s16] =	ssyncadd.s32 $0xFFFFE000  }
0xa4: {  	[tilespmem:s17], [sflag:$0x9] =	stream.linear.gather [hbm4b:s12+s2], $0x2000, $0x38;
	[tilespmem:$0x1FC00] =	vst v63  }
0xa5: {  	_ =	swait.ge [sflag:s16], $0x2000  }
0xa6: {  	[sflag:s16] =	ssyncset.done $0x0  }
0xa7: {  	[sflag:s16] =	ssyncadd.s32 $0xFFFFE000  }
0xa8: {  	[tilespmem:s19], [sflag:$0x1] =	stream.indirect.gather [hbm4b:s4+s18], $0x80, s2, s18, $0xb8;
	[tilespmem:$0x1FC00] =	vst v63  }
0xa9: {  	_ = 	snop  }
0xaa: {  	[tilespmem:s21], [sflag:$0x2] =	stream.indirect.gather [hbm4b:s4+s18], $0x80, s20, s18, $0xb8;
	[tilespmem:$0x1FC00] =	vst v63  }
0xab: {  	_ = 	snop  }
0xac: {  	[tilespmem:s23], [sflag:$0x3] =	stream.indirect.gather [hbm4b:s4+s18], $0x80, s22, s18, $0xb8;
	[tilespmem:$0x1FC00] =	vst v63  }
0xad: {  	_ = 	snop  }
0xae: {  	[tilespmem:s25], [sflag:$0x4] =	stream.indirect.gather [hbm4b:s4+s18], $0x80, s24, s18, $0xb8;
	[tilespmem:$0x1FC00] =	vst v63  }
0xaf: {  	_ =	swait.ge [sflag:s26], $0x2000  }
0xb0: {  	[sflag:s26] =	ssyncset.done $0x0  }
0xb1: {  	[sflag:s26] =	ssyncadd.s32 $0xFFFFE000  }
0xb2: {  	[spmem:s1] =	stream.indirect.scatter.add.f32 [tilespmem:s19], [sflag:$0x5], $0x80, s17, s18, $0xb8;
	[tilespmem:$0x1FC00] =	vst v63  }
0xb3: {  	_ =	swait.ge [sflag:s28], $0x2000  }
0xb4: {  	[sflag:s28] =	ssyncset.done $0x0  }
0xb5: {  	[sflag:s28] =	ssyncadd.s32 $0xFFFFE000  }
0xb6: {  	[spmem:s1] =	stream.indirect.scatter.add.f32 [tilespmem:s21], [sflag:$0x6], $0x80, s29, s18, $0xb8;
	[tilespmem:$0x1FC00] =	vst v63  }
0xb7: {  	_ =	swait.ge [sflag:s30], $0x2000  }
0xb8: {  	[sflag:s30] =	ssyncset.done $0x0  }
0xb9: {  	[sflag:s30] =	ssyncadd.s32 $0xFFFFE000  }
0xba: {  	[spmem:s1] =	stream.indirect.scatter.add.f32 [tilespmem:s23], [sflag:$0x7], $0x80, s31, s18, $0xb8;
	[tilespmem:$0x1FC00] =	vst v63  }
0xbb: {  	_ =	swait.ge [sflag:s0], $0x2000  }
0xbc: {  	[sflag:s0] =	ssyncset.done $0x0  }
0xbd: {  	[sflag:s0] =	ssyncadd.s32 $0xFFFFE000  }
0xbe: {  	[spmem:s1] =	stream.indirect.scatter.add.f32 [tilespmem:s25], [sflag:$0x8], $0x80, s3, s18, $0xb8;
	[tilespmem:$0x1FC00] =	vst v63  }
0xbf: {  	_ =	swait.ge [sflag:s9], $0x2000  }
0xc0: {  	[sflag:s9] =	ssyncset.done $0x0  }
0xc1: {  	s15 =	simm.s32 $0x200;
	[sflag:s9] =	ssyncadd.s32 $0xFFFFE000  }
0xc2: {  	[tilespmem:s19], [sflag:$0x1] =	stream.indirect.gather [hbm4b:s4+s18], $0x80, s15, s18, $0xb8;
	[tilespmem:$0x1FC00] =	vst v63  }
0xc3: {  	_ =	swait.ge [sflag:s10], $0x2000  }
0xc4: {  	[sflag:s10] =	ssyncset.done $0x0  }
0xc5: {  	s12 =	simm.s32 $0x280;
	[sflag:s10] =	ssyncadd.s32 $0xFFFFE000  }
0xc6: {  	[tilespmem:s21], [sflag:$0x2] =	stream.indirect.gather [hbm4b:s4+s18], $0x80, s12, s18, $0xb8;
	[tilespmem:$0x1FC00] =	vst v63  }
0xc7: {  	_ =	swait.ge [sflag:s7], $0x2000  }
0xc8: {  	[sflag:s7] =	ssyncset.done $0x0  }
0xc9: {  	s15 =	simm.s32 $0x300;
	[sflag:s7] =	ssyncadd.s32 $0xFFFFE000  }
0xca: {  	[tilespmem:s23], [sflag:$0x3] =	stream.indirect.gather [hbm4b:s4+s18], $0x80, s15, s18, $0xb8;
	[tilespmem:$0x1FC00] =	vst v63  }
0xcb: {  	_ =	swait.ge [sflag:s11], $0x2000  }
0xcc: {  	[sflag:s11] =	ssyncset.done $0x0  }
0xcd: {  	s12 =	simm.s32 $0x380;
	[sflag:s11] =	ssyncadd.s32 $0xFFFFE000  }
0xce: {  	[tilespmem:s25], [sflag:$0x4] =	stream.indirect.gather [hbm4b:s4+s18], $0x80, s12, s18, $0xb8;
	[tilespmem:$0x1FC00] =	vst v63  }
0xcf: {  	_ =	swait.ge [sflag:s26], $0x2000  }
0xd0: {  	[sflag:s26] =	ssyncset.done $0x0  }
0xd1: {  	s15 =	simm.s32 $0x2200;
	[sflag:s26] =	ssyncadd.s32 $0xFFFFE000  }
0xd2: {  	[spmem:s1] =	stream.indirect.scatter.add.f32 [tilespmem:s19], [sflag:$0x5], $0x80, s15, s18, $0xb8;
	[tilespmem:$0x1FC00] =	vst v63  }
0xd3: {  	_ =	swait.ge [sflag:s28], $0x2000  }
0xd4: {  	[sflag:s28] =	ssyncset.done $0x0  }
0xd5: {  	s12 =	simm.s32 $0x2280;
	[sflag:s28] =	ssyncadd.s32 $0xFFFFE000  }
0xd6: {  	[spmem:s1] =	stream.indirect.scatter.add.f32 [tilespmem:s21], [sflag:$0x6], $0x80, s12, s18, $0xb8;
	[tilespmem:$0x1FC00] =	vst v63  }
0xd7: {  	_ =	swait.ge [sflag:s30], $0x2000  }
0xd8: {  	[sflag:s30] =	ssyncset.done $0x0  }
0xd9: {  	s15 =	simm.s32 $0x2300;
	[sflag:s30] =	ssyncadd.s32 $0xFFFFE000  }
0xda: {  	[spmem:s1] =	stream.indirect.scatter.add.f32 [tilespmem:s23], [sflag:$0x7], $0x80, s15, s18, $0xb8;
	[tilespmem:$0x1FC00] =	vst v63  }
0xdb: {  	_ =	swait.ge [sflag:s0], $0x2000  }
0xdc: {  	[sflag:s0] =	ssyncset.done $0x0  }
0xdd: {  	s12 =	simm.s32 $0x800;
	s15 =	simm.s32 $0x2380;
	[sflag:s0] =	ssyncadd.s32 $0xFFFFE000  }
.LBB2_3:
0xde: {  	[spmem:s1] =	stream.indirect.scatter.add.f32 [tilespmem:s25], [sflag:$0x8], $0x80, s15, s18, $0xb8;
	[tilespmem:$0x1FC00] =	vst v63  }
0xdf: {  	s2 =	smov.u32 s12  }
0xe0: {  	p1 =	sne.s32 s12, $0x7000;
	s12 =	sadd.s32 $0x800, s12;
	_ =	swait.ge [sflag:s9], $0x2000  }
0xe1: {  	s15 =	sshra.s32 s2, $0x2;
	[sflag:s9] =	ssyncset.done $0x0  }
0xe2: {  	s2 =	sadd.s32 $0x200, s15;
	[sflag:s9] =	ssyncadd.s32 $0xFFFFE000  }
0xe3: {  	[tilespmem:s19], [sflag:$0x1] =	stream.indirect.gather [hbm4b:s4+s18], $0x80, s2, s18, $0xb8;
	[tilespmem:$0x1FC00] =	vst v63  }
0xe4: {  	_ =	swait.ge [sflag:s10], $0x2000  }
0xe5: {  	[sflag:s10] =	ssyncset.done $0x0  }
0xe6: {  	s2 =	sadd.s32 $0x280, s15;
	[sflag:s10] =	ssyncadd.s32 $0xFFFFE000  }
0xe7: {  	[tilespmem:s21], [sflag:$0x2] =	stream.indirect.gather [hbm4b:s4+s18], $0x80, s2, s18, $0xb8;
	[tilespmem:$0x1FC00] =	vst v63  }
0xe8: {  	_ =	swait.ge [sflag:s7], $0x2000  }
0xe9: {  	[sflag:s7] =	ssyncset.done $0x0  }
0xea: {  	s2 =	sadd.s32 $0x300, s15;
	[sflag:s7] =	ssyncadd.s32 $0xFFFFE000  }
0xeb: {  	[tilespmem:s23], [sflag:$0x3] =	stream.indirect.gather [hbm4b:s4+s18], $0x80, s2, s18, $0xb8;
	[tilespmem:$0x1FC00] =	vst v63  }
0xec: {  	_ =	swait.ge [sflag:s11], $0x2000  }
0xed: {  	[sflag:s11] =	ssyncset.done $0x0  }
0xee: {  	s2 =	sadd.s32 $0x380, s15;
	[sflag:s11] =	ssyncadd.s32 $0xFFFFE000  }
0xef: {  	[tilespmem:s25], [sflag:$0x4] =	stream.indirect.gather [hbm4b:s4+s18], $0x80, s2, s18, $0xb8;
	[tilespmem:$0x1FC00] =	vst v63  }
0xf0: {  	_ =	swait.ge [sflag:s26], $0x2000  }
0xf1: {  	[sflag:s26] =	ssyncset.done $0x0  }
0xf2: {  	s2 =	sadd.s32 $0x2200, s15;
	[sflag:s26] =	ssyncadd.s32 $0xFFFFE000  }
0xf3: {  	[spmem:s1] =	stream.indirect.scatter.add.f32 [tilespmem:s19], [sflag:$0x5], $0x80, s2, s18, $0xb8;
	[tilespmem:$0x1FC00] =	vst v63  }
0xf4: {  	_ =	swait.ge [sflag:s28], $0x2000  }
0xf5: {  	[sflag:s28] =	ssyncset.done $0x0  }
0xf6: {  	s2 =	sadd.s32 $0x2280, s15;
	[sflag:s28] =	ssyncadd.s32 $0xFFFFE000  }
0xf7: {  	[spmem:s1] =	stream.indirect.scatter.add.f32 [tilespmem:s21], [sflag:$0x6], $0x80, s2, s18, $0xb8;
	[tilespmem:$0x1FC00] =	vst v63  }
0xf8: {  	_ =	swait.ge [sflag:s30], $0x2000  }
0xf9: {  	[sflag:s30] =	ssyncset.done $0x0  }
.Ltmp6:
0xfa: {  	s2 =	sadd.s32 $0x2300, s15;
	[sflag:s30] =	ssyncadd.s32 $0xFFFFE000;
	(pc) =	sbr.rel @p1 .LBB2_3-.Ltmp6, $4  }
0xfb: {  	[spmem:s1] =	stream.indirect.scatter.add.f32 [tilespmem:s23], [sflag:$0x7], $0x80, s2, s18, $0xb8;
	[tilespmem:$0x1FC00] =	vst v63  }
0xfc: {  	_ =	swait.ge [sflag:s0], $0x2000  }
0xfd: {  	[sflag:s0] =	ssyncset.done $0x0  }
0xfe: {  	s15 =	sadd.s32 $0x2380, s15;
	[sflag:s0] =	ssyncadd.s32 $0xFFFFE000  }
0xff: {  	[spmem:s1] =	stream.indirect.scatter.add.f32 [tilespmem:s25], [sflag:$0x8], $0x80, s15, s18, $0xb8;
	[tilespmem:$0x1FC00] =	vst v63  }
0x100: {  	_ =	swait.ge [sflag:s9], $0x2000  }
0x101: {  	[sflag:s9] =	ssyncset.done $0x0  }
0x102: {  	[sflag:s9] =	ssyncadd.s32 $0xFFFFE000  }
0x103: {  	_ =	swait.ge [sflag:s10], $0x2000  }
0x104: {  	[sflag:s10] =	ssyncset.done $0x0  }
0x105: {  	s14 =	sadd.s32 $0x1, s14;
	[sflag:s10] =	ssyncadd.s32 $0xFFFFE000  }
0x106: {  	p1 =	seq.s32 s14, $0x5;
	_ =	swait.ge [sflag:s7], $0x2000  }
.Ltmp7:
0x107: {  	[sflag:s7] =	ssyncset.done $0x0;
	(pc) =	sbr.rel @!p1 .LBB2_2-.Ltmp7, $4  }
0x108: {  	[sflag:s7] =	ssyncadd.s32 $0xFFFFE000  }
0x109: {  	_ =	swait.ge [sflag:s11], $0x2000  }
0x10a: {  	[sflag:s11] =	ssyncset.done $0x0  }
0x10b: {  	[sflag:s11] =	ssyncadd.s32 $0xFFFFE000  }
.Ltmp8:
0x10c: {  	(pc) =	sbr.rel .LBB2_10-.Ltmp8, $3  }
0x10d: {  	_ =	sdelay $0x1  }
0x10e: {  	s12 =	rddreg [dreg:$0x5]  }
0x10f: {  	s14 =	rddreg [dreg:$0x3]  }
.LBB2_11:
0x110: {  	_ =	sfence.sel $0x180000  }
0x111: {  	[bflag:$0x0] =	sbarrier.arrive $0xFFFF  }
0x112: {  	_ =	strace $0x9000004D  }
0x113: {  	s0 =	stileid.u32;
	[bflag:$0x2] =	sbarrier.arrive $0xFFFF  }
0x114: {  	p0 =	sne.s32 s0, $0x0;
	s0 =	rddreg [dreg:$0x2]  }
0x115: {  	s0 =	sadd.s32 @!p0 $0x100000, s0  }
0x116: {  	[sflag:s0] =	ssyncadd.tile.s32 @!p0 $0x1;
	_ =	shalt  }
.Lfunc_end2:
_tile_overlayer_lowered:
.L_overlay_start_2:
0x117: {  	(tag) =	ssettag $0x2  }
0x118: {  	s0 =	rddreg [dreg:$0x0];
	s2 =	stileid.u32  }
0x119: {  	s1 =	rddreg [dreg:$0x1];
	p0 =	sne.s32 s2, $0x0  }
0x11a: {  	s3 =	rddreg [dreg:$0x2];
	[bflag:$0x3] =	sbarrier.arrive $0xFFFF;
	s2 =	simm.s32 @!p0 $0x1C09  }
0x11b: {  	[timem:s3], [sflag:s2] =	dma.local @!p0 [hbm:s0], s1  }
0x11c: {  	s0 =	simm.s32 @!p0 $0x9  }
0x11d: {  	_ =	swait.ge @!p0 [sflag:s0], s1  }
0x11e: {  	s1 =	ssub.s32 @!p0 $0x0, s1;
	[sflag:s0] =	ssyncset.done @!p0 $0x0  }
0x11f: {  	[sflag:s0] =	ssyncadd.s32 @!p0 s1  }
0x120: {  	[bflag:$0x3] =	sbarrier.arrive $0xFFFF  }
0x121: {  	_ =	shalt  }

// kernel: kernel.20.cloned.1.call-start
scs
__scs_entry_jumppad:
0x0: {  	(pc) =	sbr.rel $0x88, $3  }
0x1: {  	(tag) =	ssettag $0x0;
	lr =	simm.s32 $0x1  }
0x2: {  	[smem:$0x3F95] =	sst lr;
	_ =	strace $0xD0000000  }
0x3: {  	_ = 	snop  }
0x4: {  	_ = 	snop  }
0x5: {  	_ = 	snop  }
0x6: {  	_ = 	snop  }
0x7: {  	_ = 	snop  }
__scs_overlays_trampoline_lowered:
0x8: {  	[smem:$0x3FA4] =	sst s0  }
0x9: {  	[smem:$0x3FA5] =	sst s1  }
0xa: {  	[smem:$0x3FA6] =	sst s2  }
0xb: {  	[smem:$0x3FA7] =	sst s3  }
0xc: {  	[smem:$0x3FA8] =	sst s4  }
0xd: {  	[smem:$0x3FA9] =	sst s5  }
0xe: {  	[smem:$0x3FAA] =	sst s6  }
0xf: {  	[smem:$0x3FAB] =	sst s7  }
0x10: {  	[smem:$0x3FAC] =	sst s8  }
0x11: {  	[smem:$0x3FAD] =	sst s9;
	s0 =	simm.s32 @!p0 $0x0  }
0x12: {  	s1 =	sld [smem:$0x3F93];
	s0 =	simm.s32 @p0 $0x1  }
0x13: {  	[smem:$0x3FAE] =	sst s0;
	s0 =	simm.s32 @!p1 $0x0  }
0x14: {  	s2 =	sld [smem:$0x3F92];
	s0 =	simm.s32 @p1 $0x1  }
0x15: {  	[smem:$0x3FAF] =	sst s0;
	s0 =	simm.s32 @!p2 $0x0  }
0x16: {  	s3 =	sld [smem:$0x3FDB];
	s0 =	simm.s32 @p2 $0x1  }
0x17: {  	s4 =	simm.s32 $0x1BF5;
	[smem:$0x3FB1] =	sst s0  }
0x18: {  	s0 =	sld [smem:$0x3F94];
	_ =	swait.ge [sflag:s4], $0x0  }
0x19: {  	s7 =	sld [smem:$0x3F95]  }
0x1a: {  	s8 =	sadd.s32 $0xFFFFE003, lr  }
0x1b: {  	s9 =	sadd.s32 $0xFFFFFEF7, lr;
	s5 =	simm.s32 $0xFFFFFFFF;
	p2 =	slt.u32 s8, $0xFFFFF086  }
0x1c: {  	p1 =	slt.u32 s9, $0xF7A;
	s5 =	simm.s32 @!p2 $0x0  }
0x1d: {  	s5 =	simm.s32 @p1 $0x1;
	p0 =	seq.s32 s7, s2  }
0x1e: {  	s7 =	smul.u32 @!p0 $0xF7A, s2;
	p2 =	seq.s32 @!p0 s5, $0x0  }
0x1f: {  	s9 =	smul.u32 $0xF7A, s1;
	s8 =	simm.s32 @!p0 $0x1BF5;
	p2 =	por !p2, p0  }
0x20: {  	[sflag:s8] =	ssyncset.s32 @!p0 $0xFFFFF086;
	s6 =	sadd.s32 @!p0 s3, s7;
	s7 =	simm.s32 @!p0 $0x108  }
0x21: {  	s3 =	sadd.s32 s3, s9;
	s6 =	sadd.s32 @!p0 $0x88, s6;
	s7 =	simm.s32 @p2 $0x1082  }
0x22: {  	[simem:s7], [sflag:s8] =	dma.local @!p0 [hbm:s6], $0xF7A  }
0x23: {  	s9 =	sor.u32 $0xD0000000, s2;
	s6 =	simm.s32 $0x108;
	_ =	swait.ge @!p0 [sflag:s8], $0x0  }
0x24: {  	s3 =	sadd.s32 $0x88, s3;
	s6 =	simm.s32 @!p1 $0x1082;
	[sflag:s4] =	ssyncset.s32 $0xFFFFF086  }
0x25: {  	[simem:s6], [sflag:s4] =	dma.local [hbm:s3], $0xF7A  }
0x26: {  	[smem:$0x3F95] =	sst s1;
	(tag) =	ssettag s2;
	_ =	strace s9  }
0x27: {  	s1 =	sld [smem:$0x3FA5]  }
0x28: {  	s2 =	sld [smem:$0x3FA6]  }
0x29: {  	s4 =	sld [smem:$0x3FA8]  }
0x2a: {  	p0 =	seq.s32 s5, $0x0;
	s5 =	sld [smem:$0x3FA9]  }
0x2b: {  	s6 =	sld [smem:$0x3FAA]  }
0x2c: {  	s7 =	sld [smem:$0x3FAB]  }
0x2d: {  	s3 =	simm.s32 $0x108;
	s8 =	sld [smem:$0x3FAC]  }
0x2e: {  	s3 =	simm.s32 @!p0 $0x1082;
	s9 =	sld [smem:$0x3FAD]  }
0x2f: {  	lr =	sadd.s32 s0, s3;
	s0 =	sld [smem:$0x3FA4]  }
0x30: {  	s3 =	sld [smem:$0x3FA7]  }
0x31: {  	[smem:$0x3FB0] =	sst s10  }
0x32: {  	s10 =	sld [smem:$0x3FAE];
	_ =	sdelay $0x3  }
0x33: {  	p0 =	seq.s32 s10, $0x1;
	s10 =	sld [smem:$0x3FB0];
	_ =	sdelay $0x3  }
0x34: {  	[smem:$0x3FB0] =	sst s10  }
0x35: {  	s10 =	sld [smem:$0x3FAF];
	_ =	sdelay $0x3  }
0x36: {  	p1 =	seq.s32 s10, $0x1;
	s10 =	sld [smem:$0x3FB0];
	_ =	sdelay $0x3  }
0x37: {  	[smem:$0x3FB0] =	sst s10  }
0x38: {  	s10 =	sld [smem:$0x3FB1]  }
0x39: {  	_ = 	snop;
	(pc) =	sbr.ind lr, $3  }
0x3a: {  	_ = 	snop  }
0x3b: {  	_ = 	snop  }
0x3c: {  	p2 =	seq.s32 s10, $0x1;
	s10 =	sld [smem:$0x3FB0]  }
0x3d: {  	_ =	shalt  }
0x3e: {  	_ =	shalt  }
0x3f: {  	_ =	shalt  }
0x40: {  	_ =	shalt  }
0x41: {  	_ =	shalt  }
0x42: {  	_ =	shalt  }
0x43: {  	_ =	shalt  }
0x44: {  	_ =	shalt  }
0x45: {  	_ =	shalt  }
0x46: {  	_ =	shalt  }
0x47: {  	_ =	shalt  }
0x48: {  	_ =	shalt  }
0x49: {  	_ =	shalt  }
0x4a: {  	_ =	shalt  }
0x4b: {  	_ =	shalt  }
0x4c: {  	_ =	shalt  }
0x4d: {  	_ =	shalt  }
0x4e: {  	_ =	shalt  }
0x4f: {  	_ =	shalt  }
0x50: {  	_ =	shalt  }
0x51: {  	_ =	shalt  }
0x52: {  	_ =	shalt  }
0x53: {  	_ =	shalt  }
0x54: {  	_ =	shalt  }
0x55: {  	_ =	shalt  }
0x56: {  	_ =	shalt  }
0x57: {  	_ =	shalt  }
0x58: {  	_ =	shalt  }
0x59: {  	_ =	shalt  }
0x5a: {  	_ =	shalt  }
0x5b: {  	_ =	shalt  }
0x5c: {  	_ =	shalt  }
0x5d: {  	_ =	shalt  }
0x5e: {  	_ =	shalt  }
0x5f: {  	_ =	shalt  }
0x60: {  	_ =	shalt  }
0x61: {  	_ =	shalt  }
0x62: {  	_ =	shalt  }
0x63: {  	_ =	shalt  }
0x64: {  	_ =	shalt  }
0x65: {  	_ =	shalt  }
0x66: {  	_ =	shalt  }
0x67: {  	_ =	shalt  }
0x68: {  	_ =	shalt  }
0x69: {  	_ =	shalt  }
0x6a: {  	_ =	shalt  }
0x6b: {  	_ =	shalt  }
0x6c: {  	_ =	shalt  }
0x6d: {  	_ =	shalt  }
0x6e: {  	_ =	shalt  }
0x6f: {  	_ =	shalt  }
0x70: {  	_ =	shalt  }
0x71: {  	_ =	shalt  }
0x72: {  	_ =	shalt  }
0x73: {  	_ =	shalt  }
0x74: {  	_ =	shalt  }
0x75: {  	_ =	shalt  }
0x76: {  	_ =	shalt  }
0x77: {  	_ =	shalt  }
0x78: {  	_ =	shalt  }
0x79: {  	_ =	shalt  }
0x7a: {  	_ =	shalt  }
0x7b: {  	_ =	shalt  }
0x7c: {  	_ =	shalt  }
0x7d: {  	_ =	shalt  }
0x7e: {  	_ =	shalt  }
0x7f: {  	_ =	shalt  }
0x80: {  	_ =	shalt  }
0x81: {  	_ =	shalt  }
0x82: {  	_ =	shalt  }
0x83: {  	_ =	shalt  }
0x84: {  	_ =	shalt  }
0x85: {  	_ =	shalt  }
0x86: {  	_ =	shalt  }
0x87: {  	_ =	shalt  }
.Lfunc_end0:
.L_simem_size_0:
called_computation.3_lowered:
.L_overlay_start_0:
0x88: {  	s2 =	sld [smem:$0x3FD9]  }
0x89: {  	s3 =	sld [smem:$0x3FFE];
	_ =	sdelay $0x1  }
0x8a: {  	s1 =	srdreg.scid  }
0x8b: {  	s0 =	sand.u32 $0x1, s1  }
0x8c: {  	s16 =	sshll.u32 s0, $0xA;
	s2 =	sadd.s32 s3, s2  }
0x8d: {  	s2 =	sadd.s32 s2, s16  }
0x8e: {  	[smem:$0x3FBC] =	sst s2  }
0x8f: {  	_ = 	snop  }
0x90: {  	(tm) =	ssettm $0x1  }
0x91: {  	s17 =	sld [smem:$0x3FFB];
	_ =	sdelay $0x3  }
0x92: {  	_ =	strace s17  }
0x93: {  	s2 =	sld [smem:$0x3FFC];
	_ =	sdelay $0x3  }
0x94: {  	_ =	strace s2  }
0x95: {  	s2 =	sld [smem:$0x3FFD];
	_ =	sdelay $0x3  }
0x96: {  	_ =	strace s2  }
0x97: {  	_ =	strace $0x8FFFFFFF  }
0x98: {  	s18 =	sld [smem:$0x3FDB];
	_ =	sdelay $0x1  }
0x99: {  	s19 =	simm.s32 $_scs_section_size  }
0x9a: {  	s4 =	simm.s32 $_size__tile_overlayer_lowered;
	s5 =	simm.s32 $_tile_overlayer_lowered  }
0x9b: {  	s22 =	simm.s32 $0x1BFF;
	s21 =	sshll.u32 s5, $0x1;
	s2 =	sadd.s32 s19, s18  }
0x9c: {  	s6 =	simm.s32 $0x0;
	s20 =	sshll.u32 s4, $0x1;
	s4 =	sadd.s32 s21, s2  }
0x9d: {  	[timem:s6], [sflag:s22] =	dma.local [hbm:s4], s20  }
0x9e: {  	_ =	swait.ge [sflag:s22], s20  }
0x9f: {  	s3 =	ssub.s32 $0x0, s20;
	[sflag:s22] =	ssyncset.done $0x0  }
0xa0: {  	[sflag:s22] =	ssyncadd.s32 s3;
	_ =	sdelay $0x1  }
0xa1: {  	s23 =	simm.s32 $0x1B8B  }
0xa2: {  	_ =	swait.ge [sflag:s23], $0x1  }
0xa3: {  	[sflag:s23] =	ssyncset.done $0x0  }
0xa4: {  	s25 =	simm.s32 $0x1B8E;
	s24 =	sld [smem:$0x3FFE];
	[sflag:s23] =	ssyncadd.s32 $0xFFFFFFFF  }
0xa5: {  	s26 =	simm.s32 $execute0_lowered;
	[smem:$0x3FD2] =	sst s25  }
0xa6: {  	s4 =	sshll.u32 s26, $0x1;
	_ =	strace $0x8000004F;
	[dreg:$0x1] =	wrdreg $0xFFFFFFFF  }
0xa7: {  	s28 =	simm.s32 $_size_execute0_lowered;
	s2 =	sadd.s32 s2, s4;
	[dreg:$0x0] =	wrdreg $0x0  }
0xa8: {  	s4 =	sshll.u32 s28, $0x1;
	[dreg:$0x2] =	wrdreg s2  }
0xa9: {  	[dreg:$0x3] =	wrdreg s4  }
0xaa: {  	[dreg:$0x4] =	wrdreg $0xC0  }
0xab: {  	_ =	task [dreg:s6], $0x5FFFF  }
0xac: {  	[dreg:$0x1] =	wrdreg $0xFFFFFFFF  }
0xad: {  	[dreg:$0x0] =	wrdreg $0x60  }
0xae: {  	[dreg:$0x2] =	wrdreg s24  }
0xaf: {  	[dreg:$0x3] =	wrdreg $0xC0000  }
0xb0: {  	[dreg:$0x4] =	wrdreg $0x9  }
0xb1: {  	_ =	task.clear_ibuf [dreg:s6], $0x5FFFF;
	_ =	strace $0x9000004F  }
0xb2: {  	s29 =	simm.s32 $0x9;
	_ =	strace $0x80000051  }
0xb3: {  	_ =	swait.ge [sflag:s29], $0x1  }
0xb4: {  	[sflag:s29] =	ssyncadd.s32 $0xFFFFFFFF  }
0xb5: {  	_ =	strace $0x90000051  }
0xb6: {  	_ =	sfence  }
0xb7: {  	s30 =	sld [smem:$0x0];
	_ =	sdelay $0x2  }
0xb8: {  	s31 =	sshll.u32 s1, $0xD;
	s1 =	sshrl.u32 s1, $0x2  }
0xb9: {  	s3 =	sand.u32 $0x4000, s31;
	s1 =	sadd.s32 s1, s30  }
0xba: {  	s0 =	sor.u32 s3, s0;
	s1 =	sshll.u32 s1, $0x11  }
0xbb: {  	s0 =	sor.u32 s1, s0  }
0xbc: {  	s0 =	sadd.s32 $0x8F2B, s0  }
0xbd: {  	[sflag:s0] =	ssyncadd.remote.s32 $0x1  }
0xbe: {  	_ =	sfence.sel $0xFFFF  }
0xbf: {  	[dreg:$0x0] =	wrdreg $0xFFFFFFFF;
	(pc) =	sbr.abs _section_cstart, $3  }
0xc0: {  	[dreg:$0x1] =	wrdreg $0xFFFFFFFF  }
0xc1: {  	_ =	task.clear_ibuf [dreg:s6], $0x2FFFF;
	_ =	strace $0x9FFFFFFF  }
0xc2: {  	(tm) =	ssettm $0x7FFFFFFF  }
0xc3: {  	_ =	shalt  }
tec
execute0_lowered:
.L_overlay_start_1:
0x0: {  	(tag) =	ssettag $0x1  }
0x1: {  	s0 =	rddreg [dreg:$0x0]  }
0x2: {  	s1 =	rddreg [dreg:$0x1];
	s2 =	simm.s32 $0x0;
	s11 =	stileid.u32  }
0x3: {  	s3 =	srdreg.scid;
	s16 =	simm.s32 $0x9;
	s17 =	simm.s32 $0x2000  }
0x4: {  	s18 =	simm.s32 $0x40;
	s19 =	simm.s32 $0x4000;
	s20 =	simm.s32 $0x80  }
0x5: {  	s21 =	simm.s32 $0x6000;
	s22 =	simm.s32 $0x100;
	s23 =	simm.s32 $0x8000  }
0x6: {  	s28 =	simm.s32 $0x2;
	s29 =	simm.s32 $0x2080;
	s30 =	simm.s32 $0x3  }
0x7: {  	s31 =	simm.s32 $0x2100;
	[smem:$0x7FF] =	sst s2;
	s4 =	sadd.s32 $0x43600, s0  }
0x8: {  	s5 =	sadd.s32 $0x6A800, s0;
	s6 =	sadd.s32 $0x92600, s0;
	s9 =	smul.u32 $0x2780, s11  }
0x9: {  	s8 =	sadd.s32 $0x7E00, s0;
	s3 =	sand.u32 $0x1, s3;
	s7 =	smul.u32 $0x4F000, s11  }
0xa: {  	s10 =	sadd.s32 $0xCD800, s0;
	s26 =	sshll.u32 s11, $0x6;
	s13 =	smul.u32 $0xA000, s11  }
0xb: {  	s11 =	simm.s32 $0x8;
	_ =	strace $0x80000050;
	[dreg:$0x5] =	wrdreg s10  }
0xc: {  	s24 =	ssub.s32 $0x2, s3;
	s12 =	sor.u32 $0x1C09, s26;
	p0 =	seq.s32 s3, $0x1  }
0xd: {  	s26 =	simm.s32 $0x1;
	s3 =	simm.s32 $0x2180;
	s10 =	simm.s32 $0x6  }
0xe: {  	[dreg:$0x4] =	wrdreg s9;
	s9 =	sadd.s32 s9, s0;
	s0 =	sadd.s32 $0xF5000, s0  }
0xf: {  	s25 =	sshrl.u32 s24, $0x1;
	s7 =	sshrl.u32 s7, $0x2;
	[dreg:$0x8] =	wrdreg s12  }
.Ltmp0:
0x10: {  	[dreg:$0x6] =	wrdreg s0;
	s0 =	ssub.s32 s24, s25;
	(pc) =	sbr.rel .LBB2_1-.Ltmp0, $4  }
0x11: {  	s7 =	sadd.s32 s7, s1;
	s9 =	sadd.s32 $0x1BE00, s9;
	s24 =	simm.s32 $0x180  }
0x12: {  	s25 =	simm.s32 $0xA000;
	[dreg:$0x7] =	wrdreg s9;
	s0 =	smax.u32 s0, $0x1  }
0x13: {  	s15 =	sshrl.u32 s7, $0x3;
	s9 =	simm.s32 $0x5;
	[dreg:$0x9] =	wrdreg s0  }
0x14: {  	s7 =	simm.s32 $0x7;
	s0 =	simm.s32 $0x4;
	[dreg:$0xa] =	wrdreg s15  }
.LBB2_10:
0x15: {  	s2 =	rddreg [dreg:$0x4];
	[bflag:$0x0] =	sbarrier.arrive $0xFFFF  }
0x16: {  	s2 =	sadd.s32 s12, s2;
	s12 =	rddreg [dreg:$0x8]  }
0x17: {  	s15 =	rddreg [dreg:$0xa]  }
0x18: {  	[hbm:s2], [sflag:s12] =	dma.local [spmem:s15], $0x2780  }
0x19: {  	_ =	swait.ge [sflag:s16], $0x2780  }
0x1a: {  	s14 =	sadd.s32 $0x1, s14;
	s2 =	rddreg [dreg:$0x9]  }
0x1b: {  	p1 =	sne.s32 s14, s2  }
.Ltmp1:
0x1c: {  	_ = 	snop;
	(pc) =	sbr.rel @!p1 .LBB2_11-.Ltmp1, $3  }
0x1d: {  	_ =	sdelay $0x1  }
0x1e: {  	[sflag:s16] =	ssyncset.done $0x0  }
0x1f: {  	[sflag:s16] =	ssyncadd.s32 $0xFFFFD880;
	s2 =	smov.u32 s14  }
.LBB2_1:
0x20: {  	[dreg:$0x3] =	wrdreg s2  }
0x21: {  	s14 =	rddreg [dreg:$0x7]  }
0x22: {  	[spmem:s15], [sflag:s12] =	dma.local [hbm:s14], $0x2780  }
.Ltmp2:
0x23: {  	_ =	swait.ge [sflag:s16], $0x2780;
	(pc) =	sbr.rel @!p0 .LBB2_2-.Ltmp2, $4  }
0x24: {  	[sflag:s16] =	ssyncset.done $0x0  }
0x25: {  	[sflag:s16] =	ssyncadd.s32 $0xFFFFD880  }
0x26: {  	[bflag:$0x0] =	sbarrier.arrive $0xFFFF  }
0x27: {  	s14 =	simm.s32 $0x0;
	s12 =	simm.s32 $0x0  }
.LBB2_6:
0x28: {  	s2 =	sshll.u32 s12, $0xD  }
0x29: {  	s2 =	sadd.s32 s13, s2  }
0x2a: {  	s2 =	sshrl.u32 s2, $0x3  }
0x2b: {  	s15 =	simm.s32 $0x0;
	s14 =	sadd.s32 s6, s2  }
0x2c: {  	[tilespmem:s15], [sflag:$0x9] =	stream.linear.gather [hbm4b:s14+s15], $0x2000, $0x38;
	[tilespmem:$0x1FC00] =	vst v63  }
0x2d: {  	_ =	swait.ge [sflag:s16], $0x2000  }
0x2e: {  	[sflag:s16] =	ssyncset.done $0x0  }
0x2f: {  	s2 =	sadd.s32 s8, s2;
	[sflag:s16] =	ssyncadd.s32 $0xFFFFE000  }
0x30: {  	[tilespmem:s17], [sflag:$0x9] =	stream.linear.gather [hbm4b:s2+s15], $0x2000, $0x38;
	[tilespmem:$0x1FC00] =	vst v63  }
0x31: {  	_ =	swait.ge [sflag:s16], $0x2000  }
0x32: {  	[sflag:s16] =	ssyncset.done $0x0  }
0x33: {  	[sflag:s16] =	ssyncadd.s32 $0xFFFFE000  }
0x34: {  	[tilespmem:s19], [sflag:$0x1] =	stream.indirect.gather [hbm4b:s5+s18], $0x80, s15, s18, $0xb8;
	[tilespmem:$0x1FC00] =	vst v63  }
0x35: {  	_ = 	snop  }
0x36: {  	[tilespmem:s21], [sflag:$0x2] =	stream.indirect.gather [hbm4b:s5+s18], $0x80, s20, s18, $0xb8;
	[tilespmem:$0x1FC00] =	vst v63  }
0x37: {  	_ = 	snop  }
0x38: {  	[tilespmem:s23], [sflag:$0x3] =	stream.indirect.gather [hbm4b:s5+s18], $0x80, s22, s18, $0xb8;
	[tilespmem:$0x1FC00] =	vst v63  }
0x39: {  	_ = 	snop  }
0x3a: {  	[tilespmem:s25], [sflag:$0x4] =	stream.indirect.gather [hbm4b:s5+s18], $0x80, s24, s18, $0xb8;
	[tilespmem:$0x1FC00] =	vst v63  }
0x3b: {  	_ =	swait.ge [sflag:s26], $0x2000  }
0x3c: {  	[sflag:s26] =	ssyncset.done $0x0  }
0x3d: {  	[sflag:s26] =	ssyncadd.s32 $0xFFFFE000  }
0x3e: {  	[spmem:s1] =	stream.indirect.scatter.add.f32 [tilespmem:s19], [sflag:$0x5], $0x80, s17, s18, $0xb8;
	[tilespmem:$0x1FC00] =	vst v63  }
0x3f: {  	_ =	swait.ge [sflag:s28], $0x2000  }
0x40: {  	[sflag:s28] =	ssyncset.done $0x0  }
0x41: {  	[sflag:s28] =	ssyncadd.s32 $0xFFFFE000  }
0x42: {  	[spmem:s1] =	stream.indirect.scatter.add.f32 [tilespmem:s21], [sflag:$0x6], $0x80, s29, s18, $0xb8;
	[tilespmem:$0x1FC00] =	vst v63  }
0x43: {  	_ =	swait.ge [sflag:s30], $0x2000  }
0x44: {  	[sflag:s30] =	ssyncset.done $0x0  }
0x45: {  	[sflag:s30] =	ssyncadd.s32 $0xFFFFE000  }
0x46: {  	[spmem:s1] =	stream.indirect.scatter.add.f32 [tilespmem:s23], [sflag:$0x7], $0x80, s31, s18, $0xb8;
	[tilespmem:$0x1FC00] =	vst v63  }
0x47: {  	_ =	swait.ge [sflag:s0], $0x2000  }
0x48: {  	[sflag:s0] =	ssyncset.done $0x0  }
0x49: {  	[sflag:s0] =	ssyncadd.s32 $0xFFFFE000  }
0x4a: {  	[spmem:s1] =	stream.indirect.scatter.add.f32 [tilespmem:s25], [sflag:$0x8], $0x80, s3, s18, $0xb8;
	[tilespmem:$0x1FC00] =	vst v63  }
0x4b: {  	_ =	swait.ge [sflag:s9], $0x2000  }
0x4c: {  	[sflag:s9] =	ssyncset.done $0x0  }
0x4d: {  	s15 =	simm.s32 $0x200;
	[sflag:s9] =	ssyncadd.s32 $0xFFFFE000  }
0x4e: {  	[tilespmem:s19], [sflag:$0x1] =	stream.indirect.gather [hbm4b:s5+s18], $0x80, s15, s18, $0xb8;
	[tilespmem:$0x1FC00] =	vst v63  }
0x4f: {  	_ =	swait.ge [sflag:s10], $0x2000  }
0x50: {  	[sflag:s10] =	ssyncset.done $0x0  }
0x51: {  	s14 =	simm.s32 $0x280;
	[sflag:s10] =	ssyncadd.s32 $0xFFFFE000  }
0x52: {  	[tilespmem:s21], [sflag:$0x2] =	stream.indirect.gather [hbm4b:s5+s18], $0x80, s14, s18, $0xb8;
	[tilespmem:$0x1FC00] =	vst v63  }
0x53: {  	_ =	swait.ge [sflag:s7], $0x2000  }
0x54: {  	[sflag:s7] =	ssyncset.done $0x0  }
0x55: {  	s15 =	simm.s32 $0x300;
	[sflag:s7] =	ssyncadd.s32 $0xFFFFE000  }
0x56: {  	[tilespmem:s23], [sflag:$0x3] =	stream.indirect.gather [hbm4b:s5+s18], $0x80, s15, s18, $0xb8;
	[tilespmem:$0x1FC00] =	vst v63  }
0x57: {  	_ =	swait.ge [sflag:s11], $0x2000  }
0x58: {  	[sflag:s11] =	ssyncset.done $0x0  }
0x59: {  	s14 =	simm.s32 $0x380;
	[sflag:s11] =	ssyncadd.s32 $0xFFFFE000  }
0x5a: {  	[tilespmem:s25], [sflag:$0x4] =	stream.indirect.gather [hbm4b:s5+s18], $0x80, s14, s18, $0xb8;
	[tilespmem:$0x1FC00] =	vst v63  }
0x5b: {  	_ =	swait.ge [sflag:s26], $0x2000  }
0x5c: {  	[sflag:s26] =	ssyncset.done $0x0  }
0x5d: {  	s15 =	simm.s32 $0x2200;
	[sflag:s26] =	ssyncadd.s32 $0xFFFFE000  }
0x5e: {  	[spmem:s1] =	stream.indirect.scatter.add.f32 [tilespmem:s19], [sflag:$0x5], $0x80, s15, s18, $0xb8;
	[tilespmem:$0x1FC00] =	vst v63  }
0x5f: {  	_ =	swait.ge [sflag:s28], $0x2000  }
0x60: {  	[sflag:s28] =	ssyncset.done $0x0  }
0x61: {  	s14 =	simm.s32 $0x2280;
	[sflag:s28] =	ssyncadd.s32 $0xFFFFE000  }
0x62: {  	[spmem:s1] =	stream.indirect.scatter.add.f32 [tilespmem:s21], [sflag:$0x6], $0x80, s14, s18, $0xb8;
	[tilespmem:$0x1FC00] =	vst v63  }
0x63: {  	_ =	swait.ge [sflag:s30], $0x2000  }
0x64: {  	[sflag:s30] =	ssyncset.done $0x0  }
0x65: {  	s15 =	simm.s32 $0x2300;
	[sflag:s30] =	ssyncadd.s32 $0xFFFFE000  }
0x66: {  	[spmem:s1] =	stream.indirect.scatter.add.f32 [tilespmem:s23], [sflag:$0x7], $0x80, s15, s18, $0xb8;
	[tilespmem:$0x1FC00] =	vst v63  }
0x67: {  	_ =	swait.ge [sflag:s0], $0x2000  }
0x68: {  	[sflag:s0] =	ssyncset.done $0x0  }
0x69: {  	s14 =	simm.s32 $0x800;
	s15 =	simm.s32 $0x2380;
	[sflag:s0] =	ssyncadd.s32 $0xFFFFE000  }
.LBB2_7:
0x6a: {  	[spmem:s1] =	stream.indirect.scatter.add.f32 [tilespmem:s25], [sflag:$0x8], $0x80, s15, s18, $0xb8;
	[tilespmem:$0x1FC00] =	vst v63  }
0x6b: {  	s2 =	smov.u32 s14  }
0x6c: {  	p1 =	sne.s32 s14, $0x7000;
	s14 =	sadd.s32 $0x800, s14;
	_ =	swait.ge [sflag:s9], $0x2000  }
0x6d: {  	s15 =	sshra.s32 s2, $0x2;
	[sflag:s9] =	ssyncset.done $0x0  }
0x6e: {  	s2 =	sadd.s32 $0x200, s15;
	[sflag:s9] =	ssyncadd.s32 $0xFFFFE000  }
0x6f: {  	[tilespmem:s19], [sflag:$0x1] =	stream.indirect.gather [hbm4b:s5+s18], $0x80, s2, s18, $0xb8;
	[tilespmem:$0x1FC00] =	vst v63  }
0x70: {  	_ =	swait.ge [sflag:s10], $0x2000  }
0x71: {  	[sflag:s10] =	ssyncset.done $0x0  }
0x72: {  	s2 =	sadd.s32 $0x280, s15;
	[sflag:s10] =	ssyncadd.s32 $0xFFFFE000  }
0x73: {  	[tilespmem:s21], [sflag:$0x2] =	stream.indirect.gather [hbm4b:s5+s18], $0x80, s2, s18, $0xb8;
	[tilespmem:$0x1FC00] =	vst v63  }
0x74: {  	_ =	swait.ge [sflag:s7], $0x2000  }
0x75: {  	[sflag:s7] =	ssyncset.done $0x0  }
0x76: {  	s2 =	sadd.s32 $0x300, s15;
	[sflag:s7] =	ssyncadd.s32 $0xFFFFE000  }
0x77: {  	[tilespmem:s23], [sflag:$0x3] =	stream.indirect.gather [hbm4b:s5+s18], $0x80, s2, s18, $0xb8;
	[tilespmem:$0x1FC00] =	vst v63  }
0x78: {  	_ =	swait.ge [sflag:s11], $0x2000  }
0x79: {  	[sflag:s11] =	ssyncset.done $0x0  }
0x7a: {  	s2 =	sadd.s32 $0x380, s15;
	[sflag:s11] =	ssyncadd.s32 $0xFFFFE000  }
0x7b: {  	[tilespmem:s25], [sflag:$0x4] =	stream.indirect.gather [hbm4b:s5+s18], $0x80, s2, s18, $0xb8;
	[tilespmem:$0x1FC00] =	vst v63  }
0x7c: {  	_ =	swait.ge [sflag:s26], $0x2000  }
0x7d: {  	[sflag:s26] =	ssyncset.done $0x0  }
0x7e: {  	s2 =	sadd.s32 $0x2200, s15;
	[sflag:s26] =	ssyncadd.s32 $0xFFFFE000  }
0x7f: {  	[spmem:s1] =	stream.indirect.scatter.add.f32 [tilespmem:s19], [sflag:$0x5], $0x80, s2, s18, $0xb8;
	[tilespmem:$0x1FC00] =	vst v63  }
0x80: {  	_ =	swait.ge [sflag:s28], $0x2000  }
0x81: {  	[sflag:s28] =	ssyncset.done $0x0  }
0x82: {  	s2 =	sadd.s32 $0x2280, s15;
	[sflag:s28] =	ssyncadd.s32 $0xFFFFE000  }
0x83: {  	[spmem:s1] =	stream.indirect.scatter.add.f32 [tilespmem:s21], [sflag:$0x6], $0x80, s2, s18, $0xb8;
	[tilespmem:$0x1FC00] =	vst v63  }
0x84: {  	_ =	swait.ge [sflag:s30], $0x2000  }
0x85: {  	[sflag:s30] =	ssyncset.done $0x0  }
.Ltmp3:
0x86: {  	s2 =	sadd.s32 $0x2300, s15;
	[sflag:s30] =	ssyncadd.s32 $0xFFFFE000;
	(pc) =	sbr.rel @p1 .LBB2_7-.Ltmp3, $4  }
0x87: {  	[spmem:s1] =	stream.indirect.scatter.add.f32 [tilespmem:s23], [sflag:$0x7], $0x80, s2, s18, $0xb8;
	[tilespmem:$0x1FC00] =	vst v63  }
0x88: {  	_ =	swait.ge [sflag:s0], $0x2000  }
0x89: {  	[sflag:s0] =	ssyncset.done $0x0  }
0x8a: {  	s15 =	sadd.s32 $0x2380, s15;
	[sflag:s0] =	ssyncadd.s32 $0xFFFFE000  }
0x8b: {  	[spmem:s1] =	stream.indirect.scatter.add.f32 [tilespmem:s25], [sflag:$0x8], $0x80, s15, s18, $0xb8;
	[tilespmem:$0x1FC00] =	vst v63  }
0x8c: {  	_ =	swait.ge [sflag:s9], $0x2000  }
0x8d: {  	[sflag:s9] =	ssyncset.done $0x0  }
0x8e: {  	[sflag:s9] =	ssyncadd.s32 $0xFFFFE000  }
0x8f: {  	_ =	swait.ge [sflag:s10], $0x2000  }
0x90: {  	[sflag:s10] =	ssyncset.done $0x0  }
0x91: {  	s12 =	sadd.s32 $0x1, s12;
	[sflag:s10] =	ssyncadd.s32 $0xFFFFE000  }
0x92: {  	p1 =	sne.s32 s12, $0x5;
	_ =	swait.ge [sflag:s7], $0x2000  }
.Ltmp4:
0x93: {  	[sflag:s7] =	ssyncset.done $0x0;
	(pc) =	sbr.rel @p1 .LBB2_6-.Ltmp4, $4  }
0x94: {  	[sflag:s7] =	ssyncadd.s32 $0xFFFFE000  }
0x95: {  	_ =	swait.ge [sflag:s11], $0x2000  }
0x96: {  	[sflag:s11] =	ssyncset.done $0x0  }
0x97: {  	[sflag:s11] =	ssyncadd.s32 $0xFFFFE000  }
.Ltmp5:
0x98: {  	(pc) =	sbr.rel .LBB2_10-.Ltmp5, $3  }
0x99: {  	_ =	sdelay $0x1  }
0x9a: {  	s12 =	rddreg [dreg:$0x6]  }
0x9b: {  	s14 =	rddreg [dreg:$0x3]  }
.LBB2_2:
0x9c: {  	s12 =	sshll.u32 s14, $0xD  }
0x9d: {  	s12 =	sadd.s32 s13, s12  }
0x9e: {  	s12 =	sshrl.u32 s12, $0x3  }
0x9f: {  	s2 =	simm.s32 $0x0;
	s15 =	sadd.s32 s6, s12  }
0xa0: {  	[tilespmem:s2], [sflag:$0x9] =	stream.linear.gather [hbm4b:s15+s2], $0x2000, $0x38;
	[tilespmem:$0x1FC00] =	vst v63  }
0xa1: {  	_ =	swait.ge [sflag:s16], $0x2000  }
0xa2: {  	[sflag:s16] =	ssyncset.done $0x0  }
0xa3: {  	s12 =	sadd.s32 s8, s12;
	[sflag:s16] =	ssyncadd.s32 $0xFFFFE000  }
0xa4: {  	[tilespmem:s17], [sflag:$0x9] =	stream.linear.gather [hbm4b:s12+s2], $0x2000, $0x38;
	[tilespmem:$0x1FC00] =	vst v63  }
0xa5: {  	_ =	swait.ge [sflag:s16], $0x2000  }
0xa6: {  	[sflag:s16] =	ssyncset.done $0x0  }
0xa7: {  	[sflag:s16] =	ssyncadd.s32 $0xFFFFE000  }
0xa8: {  	[tilespmem:s19], [sflag:$0x1] =	stream.indirect.gather [hbm4b:s4+s18], $0x80, s2, s18, $0xb8;
	[tilespmem:$0x1FC00] =	vst v63  }
0xa9: {  	_ = 	snop  }
0xaa: {  	[tilespmem:s21], [sflag:$0x2] =	stream.indirect.gather [hbm4b:s4+s18], $0x80, s20, s18, $0xb8;
	[tilespmem:$0x1FC00] =	vst v63  }
0xab: {  	_ = 	snop  }
0xac: {  	[tilespmem:s23], [sflag:$0x3] =	stream.indirect.gather [hbm4b:s4+s18], $0x80, s22, s18, $0xb8;
	[tilespmem:$0x1FC00] =	vst v63  }
0xad: {  	_ = 	snop  }
0xae: {  	[tilespmem:s25], [sflag:$0x4] =	stream.indirect.gather [hbm4b:s4+s18], $0x80, s24, s18, $0xb8;
	[tilespmem:$0x1FC00] =	vst v63  }
0xaf: {  	_ =	swait.ge [sflag:s26], $0x2000  }
0xb0: {  	[sflag:s26] =	ssyncset.done $0x0  }
0xb1: {  	[sflag:s26] =	ssyncadd.s32 $0xFFFFE000  }
0xb2: {  	[spmem:s1] =	stream.indirect.scatter.add.f32 [tilespmem:s19], [sflag:$0x5], $0x80, s17, s18, $0xb8;
	[tilespmem:$0x1FC00] =	vst v63  }
0xb3: {  	_ =	swait.ge [sflag:s28], $0x2000  }
0xb4: {  	[sflag:s28] =	ssyncset.done $0x0  }
0xb5: {  	[sflag:s28] =	ssyncadd.s32 $0xFFFFE000  }
0xb6: {  	[spmem:s1] =	stream.indirect.scatter.add.f32 [tilespmem:s21], [sflag:$0x6], $0x80, s29, s18, $0xb8;
	[tilespmem:$0x1FC00] =	vst v63  }
0xb7: {  	_ =	swait.ge [sflag:s30], $0x2000  }
0xb8: {  	[sflag:s30] =	ssyncset.done $0x0  }
0xb9: {  	[sflag:s30] =	ssyncadd.s32 $0xFFFFE000  }
0xba: {  	[spmem:s1] =	stream.indirect.scatter.add.f32 [tilespmem:s23], [sflag:$0x7], $0x80, s31, s18, $0xb8;
	[tilespmem:$0x1FC00] =	vst v63  }
0xbb: {  	_ =	swait.ge [sflag:s0], $0x2000  }
0xbc: {  	[sflag:s0] =	ssyncset.done $0x0  }
0xbd: {  	[sflag:s0] =	ssyncadd.s32 $0xFFFFE000  }
0xbe: {  	[spmem:s1] =	stream.indirect.scatter.add.f32 [tilespmem:s25], [sflag:$0x8], $0x80, s3, s18, $0xb8;
	[tilespmem:$0x1FC00] =	vst v63  }
0xbf: {  	_ =	swait.ge [sflag:s9], $0x2000  }
0xc0: {  	[sflag:s9] =	ssyncset.done $0x0  }
0xc1: {  	s15 =	simm.s32 $0x200;
	[sflag:s9] =	ssyncadd.s32 $0xFFFFE000  }
0xc2: {  	[tilespmem:s19], [sflag:$0x1] =	stream.indirect.gather [hbm4b:s4+s18], $0x80, s15, s18, $0xb8;
	[tilespmem:$0x1FC00] =	vst v63  }
0xc3: {  	_ =	swait.ge [sflag:s10], $0x2000  }
0xc4: {  	[sflag:s10] =	ssyncset.done $0x0  }
0xc5: {  	s12 =	simm.s32 $0x280;
	[sflag:s10] =	ssyncadd.s32 $0xFFFFE000  }
0xc6: {  	[tilespmem:s21], [sflag:$0x2] =	stream.indirect.gather [hbm4b:s4+s18], $0x80, s12, s18, $0xb8;
	[tilespmem:$0x1FC00] =	vst v63  }
0xc7: {  	_ =	swait.ge [sflag:s7], $0x2000  }
0xc8: {  	[sflag:s7] =	ssyncset.done $0x0  }
0xc9: {  	s15 =	simm.s32 $0x300;
	[sflag:s7] =	ssyncadd.s32 $0xFFFFE000  }
0xca: {  	[tilespmem:s23], [sflag:$0x3] =	stream.indirect.gather [hbm4b:s4+s18], $0x80, s15, s18, $0xb8;
	[tilespmem:$0x1FC00] =	vst v63  }
0xcb: {  	_ =	swait.ge [sflag:s11], $0x2000  }
0xcc: {  	[sflag:s11] =	ssyncset.done $0x0  }
0xcd: {  	s12 =	simm.s32 $0x380;
	[sflag:s11] =	ssyncadd.s32 $0xFFFFE000  }
0xce: {  	[tilespmem:s25], [sflag:$0x4] =	stream.indirect.gather [hbm4b:s4+s18], $0x80, s12, s18, $0xb8;
	[tilespmem:$0x1FC00] =	vst v63  }
0xcf: {  	_ =	swait.ge [sflag:s26], $0x2000  }
0xd0: {  	[sflag:s26] =	ssyncset.done $0x0  }
0xd1: {  	s15 =	simm.s32 $0x2200;
	[sflag:s26] =	ssyncadd.s32 $0xFFFFE000  }
0xd2: {  	[spmem:s1] =	stream.indirect.scatter.add.f32 [tilespmem:s19], [sflag:$0x5], $0x80, s15, s18, $0xb8;
	[tilespmem:$0x1FC00] =	vst v63  }
0xd3: {  	_ =	swait.ge [sflag:s28], $0x2000  }
0xd4: {  	[sflag:s28] =	ssyncset.done $0x0  }
0xd5: {  	s12 =	simm.s32 $0x2280;
	[sflag:s28] =	ssyncadd.s32 $0xFFFFE000  }
0xd6: {  	[spmem:s1] =	stream.indirect.scatter.add.f32 [tilespmem:s21], [sflag:$0x6], $0x80, s12, s18, $0xb8;
	[tilespmem:$0x1FC00] =	vst v63  }
0xd7: {  	_ =	swait.ge [sflag:s30], $0x2000  }
0xd8: {  	[sflag:s30] =	ssyncset.done $0x0  }
0xd9: {  	s15 =	simm.s32 $0x2300;
	[sflag:s30] =	ssyncadd.s32 $0xFFFFE000  }
0xda: {  	[spmem:s1] =	stream.indirect.scatter.add.f32 [tilespmem:s23], [sflag:$0x7], $0x80, s15, s18, $0xb8;
	[tilespmem:$0x1FC00] =	vst v63  }
0xdb: {  	_ =	swait.ge [sflag:s0], $0x2000  }
0xdc: {  	[sflag:s0] =	ssyncset.done $0x0  }
0xdd: {  	s12 =	simm.s32 $0x800;
	s15 =	simm.s32 $0x2380;
	[sflag:s0] =	ssyncadd.s32 $0xFFFFE000  }
.LBB2_3:
0xde: {  	[spmem:s1] =	stream.indirect.scatter.add.f32 [tilespmem:s25], [sflag:$0x8], $0x80, s15, s18, $0xb8;
	[tilespmem:$0x1FC00] =	vst v63  }
0xdf: {  	s2 =	smov.u32 s12  }
0xe0: {  	p1 =	sne.s32 s12, $0x7000;
	s12 =	sadd.s32 $0x800, s12;
	_ =	swait.ge [sflag:s9], $0x2000  }
0xe1: {  	s15 =	sshra.s32 s2, $0x2;
	[sflag:s9] =	ssyncset.done $0x0  }
0xe2: {  	s2 =	sadd.s32 $0x200, s15;
	[sflag:s9] =	ssyncadd.s32 $0xFFFFE000  }
0xe3: {  	[tilespmem:s19], [sflag:$0x1] =	stream.indirect.gather [hbm4b:s4+s18], $0x80, s2, s18, $0xb8;
	[tilespmem:$0x1FC00] =	vst v63  }
0xe4: {  	_ =	swait.ge [sflag:s10], $0x2000  }
0xe5: {  	[sflag:s10] =	ssyncset.done $0x0  }
0xe6: {  	s2 =	sadd.s32 $0x280, s15;
	[sflag:s10] =	ssyncadd.s32 $0xFFFFE000  }
0xe7: {  	[tilespmem:s21], [sflag:$0x2] =	stream.indirect.gather [hbm4b:s4+s18], $0x80, s2, s18, $0xb8;
	[tilespmem:$0x1FC00] =	vst v63  }
0xe8: {  	_ =	swait.ge [sflag:s7], $0x2000  }
0xe9: {  	[sflag:s7] =	ssyncset.done $0x0  }
0xea: {  	s2 =	sadd.s32 $0x300, s15;
	[sflag:s7] =	ssyncadd.s32 $0xFFFFE000  }
0xeb: {  	[tilespmem:s23], [sflag:$0x3] =	stream.indirect.gather [hbm4b:s4+s18], $0x80, s2, s18, $0xb8;
	[tilespmem:$0x1FC00] =	vst v63  }
0xec: {  	_ =	swait.ge [sflag:s11], $0x2000  }
0xed: {  	[sflag:s11] =	ssyncset.done $0x0  }
0xee: {  	s2 =	sadd.s32 $0x380, s15;
	[sflag:s11] =	ssyncadd.s32 $0xFFFFE000  }
0xef: {  	[tilespmem:s25], [sflag:$0x4] =	stream.indirect.gather [hbm4b:s4+s18], $0x80, s2, s18, $0xb8;
	[tilespmem:$0x1FC00] =	vst v63  }
0xf0: {  	_ =	swait.ge [sflag:s26], $0x2000  }
0xf1: {  	[sflag:s26] =	ssyncset.done $0x0  }
0xf2: {  	s2 =	sadd.s32 $0x2200, s15;
	[sflag:s26] =	ssyncadd.s32 $0xFFFFE000  }
0xf3: {  	[spmem:s1] =	stream.indirect.scatter.add.f32 [tilespmem:s19], [sflag:$0x5], $0x80, s2, s18, $0xb8;
	[tilespmem:$0x1FC00] =	vst v63  }
0xf4: {  	_ =	swait.ge [sflag:s28], $0x2000  }
0xf5: {  	[sflag:s28] =	ssyncset.done $0x0  }
0xf6: {  	s2 =	sadd.s32 $0x2280, s15;
	[sflag:s28] =	ssyncadd.s32 $0xFFFFE000  }
0xf7: {  	[spmem:s1] =	stream.indirect.scatter.add.f32 [tilespmem:s21], [sflag:$0x6], $0x80, s2, s18, $0xb8;
	[tilespmem:$0x1FC00] =	vst v63  }
0xf8: {  	_ =	swait.ge [sflag:s30], $0x2000  }
0xf9: {  	[sflag:s30] =	ssyncset.done $0x0  }
.Ltmp6:
0xfa: {  	s2 =	sadd.s32 $0x2300, s15;
	[sflag:s30] =	ssyncadd.s32 $0xFFFFE000;
	(pc) =	sbr.rel @p1 .LBB2_3-.Ltmp6, $4  }
0xfb: {  	[spmem:s1] =	stream.indirect.scatter.add.f32 [tilespmem:s23], [sflag:$0x7], $0x80, s2, s18, $0xb8;
	[tilespmem:$0x1FC00] =	vst v63  }
0xfc: {  	_ =	swait.ge [sflag:s0], $0x2000  }
0xfd: {  	[sflag:s0] =	ssyncset.done $0x0  }
0xfe: {  	s15 =	sadd.s32 $0x2380, s15;
	[sflag:s0] =	ssyncadd.s32 $0xFFFFE000  }
0xff: {  	[spmem:s1] =	stream.indirect.scatter.add.f32 [tilespmem:s25], [sflag:$0x8], $0x80, s15, s18, $0xb8;
	[tilespmem:$0x1FC00] =	vst v63  }
0x100: {  	_ =	swait.ge [sflag:s9], $0x2000  }
0x101: {  	[sflag:s9] =	ssyncset.done $0x0  }
0x102: {  	[sflag:s9] =	ssyncadd.s32 $0xFFFFE000  }
0x103: {  	_ =	swait.ge [sflag:s10], $0x2000  }
0x104: {  	[sflag:s10] =	ssyncset.done $0x0  }
0x105: {  	s14 =	sadd.s32 $0x1, s14;
	[sflag:s10] =	ssyncadd.s32 $0xFFFFE000  }
0x106: {  	p1 =	seq.s32 s14, $0x5;
	_ =	swait.ge [sflag:s7], $0x2000  }
.Ltmp7:
0x107: {  	[sflag:s7] =	ssyncset.done $0x0;
	(pc) =	sbr.rel @!p1 .LBB2_2-.Ltmp7, $4  }
0x108: {  	[sflag:s7] =	ssyncadd.s32 $0xFFFFE000  }
0x109: {  	_ =	swait.ge [sflag:s11], $0x2000  }
0x10a: {  	[sflag:s11] =	ssyncset.done $0x0  }
0x10b: {  	[sflag:s11] =	ssyncadd.s32 $0xFFFFE000  }
.Ltmp8:
0x10c: {  	(pc) =	sbr.rel .LBB2_10-.Ltmp8, $3  }
0x10d: {  	_ =	sdelay $0x1  }
0x10e: {  	s12 =	rddreg [dreg:$0x5]  }
0x10f: {  	s14 =	rddreg [dreg:$0x3]  }
.LBB2_11:
0x110: {  	_ =	sfence.sel $0x180000  }
0x111: {  	[bflag:$0x0] =	sbarrier.arrive $0xFFFF  }
0x112: {  	_ =	strace $0x90000050  }
0x113: {  	s0 =	stileid.u32;
	[bflag:$0x2] =	sbarrier.arrive $0xFFFF  }
0x114: {  	p0 =	sne.s32 s0, $0x0;
	s0 =	rddreg [dreg:$0x2]  }
0x115: {  	s0 =	sadd.s32 @!p0 $0x100000, s0  }
0x116: {  	[sflag:s0] =	ssyncadd.tile.s32 @!p0 $0x1;
	_ =	shalt  }
.Lfunc_end2:
_tile_overlayer_lowered:
.L_overlay_start_2:
0x117: {  	(tag) =	ssettag $0x2  }
0x118: {  	s0 =	rddreg [dreg:$0x0];
	s2 =	stileid.u32  }
0x119: {  	s1 =	rddreg [dreg:$0x1];
	p0 =	sne.s32 s2, $0x0  }
0x11a: {  	s3 =	rddreg [dreg:$0x2];
	[bflag:$0x3] =	sbarrier.arrive $0xFFFF;
	s2 =	simm.s32 @!p0 $0x1C09  }
0x11b: {  	[timem:s3], [sflag:s2] =	dma.local @!p0 [hbm:s0], s1  }
0x11c: {  	s0 =	simm.s32 @!p0 $0x9  }
0x11d: {  	_ =	swait.ge @!p0 [sflag:s0], s1  }
0x11e: {  	s1 =	ssub.s32 @!p0 $0x0, s1;
	[sflag:s0] =	ssyncset.done @!p0 $0x0  }
0x11f: {  	[sflag:s0] =	ssyncadd.s32 @!p0 s1  }
0x120: {  	[bflag:$0x3] =	sbarrier.arrive $0xFFFF  }
0x121: {  	_ =	shalt  }

</sc_bundles>
